<compile_context>
chip_gen: v7x
topology: tpu7x:2x2x1
jax: 0.10.2.dev20260603
libtpu: 0.0.44.dev20260713+nightly
codegen_flags: <defaults>
</compile_context>

<pallas_src>
import jax
import jax.numpy as jnp
from jax import lax
from jax.experimental import pallas as pl
from jax.experimental.pallas import tpu as pltpu
from jax.experimental.pallas import tpu_sc as plsc

_B, _H, _W = 4, 512, 512
_GD, _GH, _GW = 8, 16, 16
_C12 = 12

_H_SC = 192
_H_TC = _H - _H_SC

_ROWS = 16


def _strip_j0(s):
    return jnp.clip((s - 1) // 2, 0, _GH - 2)


def _tc_kernel(g0_ref, g1_ref, guide_ref, img_ref, out_ref):
    s = pl.program_id(1)
    f32 = jnp.float32

    i_idx = jax.lax.broadcasted_iota(jnp.int32, (_GW, _W), 0).astype(f32)
    x_idx = jax.lax.broadcasted_iota(jnp.int32, (_GW, _W), 1).astype(f32)
    gx = jnp.clip((x_idx + 0.5) * (_GW / _W), 0.5, _GW - 0.5)
    xwt = jnp.maximum(1.0 - jnp.abs(i_idx + 0.5 - gx), 0.0)
    dn = (((1,), (0,)), ((), ()))
    u0 = jax.lax.dot_general(g0_ref[0, 0], xwt, dn,
                             precision=jax.lax.Precision.HIGHEST,
                             preferred_element_type=f32)
    u1 = jax.lax.dot_general(g1_ref[0, 0], xwt, dn,
                             precision=jax.lax.Precision.HIGHEST,
                             preferred_element_type=f32)

    r = jax.lax.broadcasted_iota(jnp.int32, (_ROWS, 1), 0).astype(f32)
    y = s.astype(f32) * _ROWS + r
    gy = jnp.clip((y + 0.5) * (_GH / _H), 0.5, _GH - 0.5)
    fy = jnp.clip(jnp.floor(gy - 0.5), 0.0, _GH - 2.0)
    wy1 = gy - 0.5 - fy
    wy0 = 1.0 - wy1

    gz = jnp.clip(guide_ref[0] * _GD, 0.5, _GD - 0.5)

    a0s, a1s = [], []
    for z in range(_GD):
        zw = jnp.maximum(1.0 - jnp.abs(z + 0.5 - gz), 0.0)
        a0 = zw * wy0
        a0s.append(a0)
        a1s.append(zw - a0)

    img = img_ref[0]
    for o in range(3):
        res = None
        for ci in range(4):
            c = 4 * o + ci
            acc = None
            for z in range(_GD):
                row = z * _C12 + c
                t = a0s[z] * u0[row] + a1s[z] * u1[row]
                acc = t if acc is None else acc + t
            term = acc if ci == 3 else acc * img[ci]
            res = term if res is None else res + term
        out_ref[0, o] = res


def _tc_part(g3, guide, image):
    return pl.pallas_call(
        _tc_kernel,
        grid=(_B, _H_TC // _ROWS),
        in_specs=[
            pl.BlockSpec((1, 1, _GD * _C12, _GW),
                         lambda b, s: (b, _strip_j0(s), 0, 0)),
            pl.BlockSpec((1, 1, _GD * _C12, _GW),
                         lambda b, s: (b, _strip_j0(s) + 1, 0, 0)),
            pl.BlockSpec((1, _ROWS, _W), lambda b, s: (b, s, 0)),
            pl.BlockSpec((1, 3, _ROWS, _W), lambda b, s: (b, 0, s, 0)),
        ],
        out_specs=pl.BlockSpec((1, 3, _ROWS, _W), lambda b, s: (b, 0, s, 0)),
        out_shape=jax.ShapeDtypeStruct((_B, 3, _H, _W), jnp.float32),
        compiler_params=pltpu.CompilerParams(
            dimension_semantics=("parallel", "parallel")),
    )(g3, g3, guide, image)


_ZIC = _GD * _GW * _C12
_NW = 32
_RPW = (_B * _H_SC) // _NW
_CHUNK = 8
_CW = _CHUNK * _W
_NV = _W // 16


def _sc_body(grid_hbm, guide_hbm, image_hbm, out_hbm,
             g_v, gy_v, gd_v, im_v, ob_v):
    f32, i32 = jnp.float32, jnp.int32
    wid = lax.axis_index("s") * 2 + lax.axis_index("c")
    row0 = wid * _RPW
    b = row0 // _H_SC

    pltpu.sync_copy(grid_hbm.at[pl.ds(b * _GH * _ZIC, _GH * _ZIC)], g_v)

    def chunk_body(k, _):
        ysc = row0 % _H_SC + k * _CHUNK
        y0 = _H_TC + ysc
        pltpu.sync_copy(guide_hbm.at[pl.ds(b * _H + y0, _CHUNK), :], gd_v)
        for ci in range(3):
            pltpu.sync_copy(
                image_hbm.at[pl.ds((b * 3 + ci) * _H + y0, _CHUNK), :],
                im_v.at[ci])

        def row_body(r, _):
            y = y0 + r
            j0 = jnp.clip((y // 16 - 1) // 2, 0, _GH - 2)
            gy = jnp.clip((y.astype(f32) + 0.5) * (_GH / _H), 0.5, _GH - 0.5)
            wy1 = gy - 0.5 - j0.astype(f32)
            wy1v = jnp.full((16,), wy1, f32)
            wy0v = 1.0 - wy1v
            goff = j0 * _ZIC

            def prep_body(k2, _):
                o = k2 * 16
                gy_v[pl.ds(o, 16)] = (
                    wy0v * g_v[pl.ds(goff + o, 16)]
                    + wy1v * g_v[pl.ds(goff + _ZIC + o, 16)])
                return ()
            lax.fori_loop(0, _ZIC // 16, prep_body, (), unroll=8)

            lane = lax.iota(i32, 16)
            roff = r * _W

            def vec_body(v, _):
                px = pl.ds(roff + v * 16, 16)
                i0 = jnp.clip((v - 1) // 2, 0, _GW - 2)
                x = (v * 16 + lane).astype(f32)
                gx = jnp.clip((x + 0.5) * (_GW / _W), 0.5, _GW - 0.5)
                wx1 = gx - 0.5 - i0.astype(f32)
                wx0 = 1.0 - wx1

                tr = r
                tcl = v * 16
                g = gd_v[tr, pl.ds(tcl, 16)]
                gz = jnp.clip(g * _GD, 0.5, _GD - 0.5)
                u = gz - 0.5
                fz = jnp.minimum(u.astype(i32), _GD - 2)
                t = u - fz.astype(f32)
                s = 1.0 - t

                base = fz + i0 * (_C12 * _GD)
                co = []
                for c in range(12):
                    g00 = plsc.load_gather(gy_v, [base + c * _GD])
                    g01 = plsc.load_gather(gy_v, [base + (c * _GD + 1)])
                    g10 = plsc.load_gather(gy_v, [base + (c * _GD + _C12 * _GD)])
                    g11 = plsc.load_gather(gy_v, [base + (c * _GD + _C12 * _GD + 1)])
                    v0 = s * g00 + t * g01
                    v1 = s * g10 + t * g11
                    co.append(wx0 * v0 + wx1 * v1)

                p0 = im_v[0, tr, pl.ds(tcl, 16)]
                p1 = im_v[1, tr, pl.ds(tcl, 16)]
                p2 = im_v[2, tr, pl.ds(tcl, 16)]
                for o in range(3):
                    res = (co[4 * o] * p0 + co[4 * o + 1] * p1
                           + co[4 * o + 2] * p2 + co[4 * o + 3])
                    ob_v[o, tr, pl.ds(tcl, 16)] = res
                return ()
            lax.fori_loop(0, _NV, vec_body, (), unroll=4)
            return ()
        lax.fori_loop(0, _CHUNK, row_body, ())

        for o in range(3):
            pltpu.sync_copy(
                ob_v.at[o],
                out_hbm.at[pl.ds((b * 3 + o) * _H_SC + ysc, _CHUNK), :])
        return ()
    lax.fori_loop(0, _RPW // _CHUNK, chunk_body, ())


def _sc_part(g_sc, guide_f, image_f):
    mesh = plsc.VectorSubcoreMesh(core_axis_name="c", subcore_axis_name="s")
    run = pl.kernel(
        _sc_body,
        out_type=jax.ShapeDtypeStruct((_B * 3 * _H_SC, _W), jnp.float32),
        mesh=mesh,
        compiler_params=pltpu.CompilerParams(needs_layout_passes=False),
        scratch_types=[
            pltpu.VMEM((_GH * _ZIC,), jnp.float32),
            pltpu.VMEM((_ZIC,), jnp.float32),
            pltpu.VMEM((_CHUNK, _W), jnp.float32),
            pltpu.VMEM((3, _CHUNK, _W), jnp.float32),
            pltpu.VMEM((3, _CHUNK, _W), jnp.float32),
        ],
    )
    return run(g_sc, guide_f, image_f)


@jax.jit
def kernel(grid, guide, image):
    B, C12, gd, gh, gw = grid.shape
    g3 = jnp.transpose(grid, (0, 3, 2, 1, 4)).reshape(B, gh, gd * C12, gw)
    g_sc = jnp.transpose(grid, (0, 3, 4, 1, 2)).reshape(B * gh * gd * gw * C12)
    guide_f = guide.reshape(B * _H, _W)
    image_f = image.reshape(B * 3 * _H, _W)

    tc_out = _tc_part(g3, guide, image)
    sc_out = _sc_part(g_sc, guide_f, image_f).reshape(B, 3, _H_SC, _W)
    return lax.dynamic_update_slice(tc_out, sc_out, (0, 0, _H_TC, 0))

# --- scband reference (transcript-rebuilt; emitter-appended) ---
"""Pipeline reference for scband-bilateral-slice-apply-81982335746351 (READ-ONLY COPY).

The authoritative reference and input builder live on the scoring server;
editing this copy changes nothing except your own understanding.
"""

import jax, jax.numpy as jnp
import numpy as np


def setup_inputs(seed: int = 0):
    key = jax.random.key(seed)
    k1, k2, k3 = jax.random.split(key, 3)
    B, H, W = 4, 512, 512
    gd, gh, gw = 8, 16, 16
    grid = jax.random.normal(k1, (B, 12, gd, gh, gw), dtype=jnp.float32)
    guide = jax.random.uniform(k2, (B, H, W), dtype=jnp.float32)
    image = jax.random.uniform(k3, (B, 3, H, W), dtype=jnp.float32)
    return {"grid": grid, "guide": guide, "image": image}


def _slice_apply(grid, guide, image):
    # HDRNet bilateral slice + apply.
    # grid:  [B, 12, gd, gh, gw] (12 = 3 out chans x (3 in chans + 1 bias))
    # guide: [B, H, W] in [0, 1]
    # image: [B, 3, H, W]
    B, C12, gd, gh, gw = grid.shape
    _, Ci, H, W = image.shape
    n_out = C12 // (Ci + 1)
    gx = jnp.broadcast_to(((jnp.arange(W, dtype=jnp.float32) + 0.5) * gw / W)[None, None, :], (B, H, W))
    gy = jnp.broadcast_to(((jnp.arange(H, dtype=jnp.float32) + 0.5) * gh / H)[None, :, None], (B, H, W))
    gz = guide * gd
    fx = jnp.floor(gx - 0.5)
    fy = jnp.floor(gy - 0.5)
    fz = jnp.floor(gz - 0.5)
    grid_t = jnp.transpose(grid, (0, 2, 3, 4, 1))  # [B, gd, gh, gw, 12]
    b_idx = jnp.arange(B)[:, None, None]
    coeffs = jnp.zeros((B, H, W, C12), dtype=grid.dtype)
    # trilinear tent-weighted interpolation over the 2x2x2 neighborhood
    for dz in range(2):
        for dy in range(2):
            for dx in range(2):
                xx = fx + dx
                yy = fy + dy
                zz = fz + dz
                wx = jnp.maximum(1.0 - jnp.abs(xx + 0.5 - gx), 0.0)
                wy = jnp.maximum(1.0 - jnp.abs(yy + 0.5 - gy), 0.0)
                wz = jnp.maximum(1.0 - jnp.abs(zz + 0.5 - gz), 0.0)
                w = (wx * wy * wz)[..., None]
                xi = jnp.clip(xx.astype(jnp.int32), 0, gw - 1)
                yi = jnp.clip(yy.astype(jnp.int32), 0, gh - 1)
                zi = jnp.clip(zz.astype(jnp.int32), 0, gd - 1)
                g = grid_t[b_idx, zi, yi, xi]  # gather -> [B, H, W, 12]
                coeffs = coeffs + w * g
    coeffs = coeffs.reshape(B, H, W, n_out, Ci + 1)
    img_t = jnp.transpose(image, (0, 2, 3, 1))  # [B, H, W, Ci]
    out = jnp.einsum('bhwci,bhwi->bhwc', coeffs[..., :Ci], img_t) + coeffs[..., Ci]
    return jnp.transpose(out, (0, 3, 1, 2))


def reference(grid, guide, image):
    return _slice_apply(grid, guide, image)

if __name__ == "__main__":
    import jax
    _d = setup_inputs()
    print(jax.jit(kernel)(*tuple(_d.values())))

</pallas_src>

<mosaic_0001>
#map = affine_map<(d0, d1) -> (0)>
#map1 = affine_map<(d0, d1) -> (0, 0)>
module attributes {stable_mosaic.version = 14 : i64} {
  func.func @_sc_body(%arg0: i32, %arg1: i32, %arg2: memref<98304xf32, #tpu.memory_space<hbm>>, %arg3: memref<2048x512xf32, #tpu.memory_space<hbm>>, %arg4: memref<6144x512xf32, #tpu.memory_space<hbm>>, %arg5: memref<2304x512xf32, #tpu.memory_space<hbm>>, %arg6: memref<24576xf32, #tpu.memory_space<vmem>>, %arg7: memref<1536xf32, #tpu.memory_space<vmem>>, %arg8: memref<8x512xf32, #tpu.memory_space<vmem>>, %arg9: memref<3x8x512xf32, #tpu.memory_space<vmem>>, %arg10: memref<3x8x512xf32, #tpu.memory_space<vmem>>) attributes {dimension_semantics = [#tpu.dimension_semantics<core_parallel>, #tpu.dimension_semantics<subcore_parallel>], iteration_bounds = array<i64: 2, 16>, scalar_prefetch = 0 : i64, scratch_operands = 5 : i64, tpu.core_type = #tpu.core_type<sc_vector_subcore>, window_params = [{transform_indices = #map}, {transform_indices = #map1}, {transform_indices = #map1}, {transform_indices = #map1}]} {
    %mul3A = arith.constant 2 : i32
    %mul3A_0 = arith.muli %arg1, %mul3A : i32
    %add3A = arith.addi %mul3A_0, %arg0 : i32
    %mul3A_1 = arith.constant 24 : i32
    %mul3A_2 = arith.muli %add3A, %mul3A_1 : i32
    %jit3A = arith.constant 192 : i32
    %div3A = arith.divsi %mul3A_2, %jit3A : i32
    %sign3A = arith.constant 0 : i32
    %sign3A_3 = arith.cmpi sgt, %mul3A_2, %sign3A : i32
    %sign3A_4 = arith.extui %sign3A_3 : i1 to i32
    %sign3A_5 = arith.constant 0 : i32
    %sign3A_6 = arith.cmpi slt, %mul3A_2, %sign3A_5 : i32
    %sign3A_7 = arith.extui %sign3A_6 : i1 to i32
    %sign3A_8 = arith.subi %sign3A_4, %sign3A_7 : i32
    %sign3A_9 = arith.constant 0 : i32
    %sign3A_10 = arith.cmpi sgt, %jit3A, %sign3A_9 : i32
    %sign3A_11 = arith.extui %sign3A_10 : i1 to i32
    %sign3A_12 = arith.constant 0 : i32
    %sign3A_13 = arith.cmpi slt, %jit3A, %sign3A_12 : i32
    %sign3A_14 = arith.extui %sign3A_13 : i1 to i32
    %sign3A_15 = arith.subi %sign3A_11, %sign3A_14 : i32
    %ne3A = arith.cmpi ne, %sign3A_8, %sign3A_15 : i32
    %rem3A = arith.remsi %mul3A_2, %jit3A : i32
    %ne3A_16 = arith.constant 0 : i32
    %ne3A_17 = arith.cmpi ne, %rem3A, %ne3A_16 : i32
    %and3A = arith.andi %ne3A, %ne3A_17 : i1
    %sub3A = arith.constant 1 : i32
    %sub3A_18 = arith.subi %div3A, %sub3A : i32
    %select_n3A = arith.select %and3A, %sub3A_18, %div3A : i32
    %mul3A_19 = arith.constant 16 : i32
    %mul3A_20 = arith.muli %select_n3A, %mul3A_19 : i32
    %mul3A_21 = arith.constant 1536 : i32
    %mul3A_22 = arith.muli %mul3A_20, %mul3A_21 : i32
    "tpu.region"() ({
      %run_scoped3A = tpu.sem_alloc : memref<!tpu.dma_semaphore, #tpu.memory_space<semaphore_mem>>
      %dma_start3A = tpu.memref_slice %arg2[%mul3A_22] : memref<98304xf32, #tpu.memory_space<hbm>> -> memref<24576xf32, #tpu.memory_space<hbm>>
      %dma_start3A_27 = tpu.memref_slice %arg2[%mul3A_22] : memref<98304xf32, #tpu.memory_space<hbm>> -> memref<24576xf32, #tpu.memory_space<hbm>>
      tpu.enqueue_dma source(%dma_start3A_27 : memref<24576xf32, #tpu.memory_space<hbm>>) target(%arg6 : memref<24576xf32, #tpu.memory_space<vmem>>) target_semaphore(%run_scoped3A : memref<!tpu.dma_semaphore, #tpu.memory_space<semaphore_mem>>)
      %dma_wait3A = tpu.memref_slice %arg2[%mul3A_22] : memref<98304xf32, #tpu.memory_space<hbm>> -> memref<24576xf32, #tpu.memory_space<hbm>>
      %dma_wait3A_28 = tpu.memref_slice %arg2[%mul3A_22] : memref<98304xf32, #tpu.memory_space<hbm>> -> memref<24576xf32, #tpu.memory_space<hbm>>
      tpu.wait_dma2 semaphore(%run_scoped3A : memref<!tpu.dma_semaphore, #tpu.memory_space<semaphore_mem>>) src(%dma_wait3A_28 : memref<24576xf32, #tpu.memory_space<hbm>>) dst(%arg6 : memref<24576xf32, #tpu.memory_space<vmem>>)
      tpu.yield
    }) : () -> ()
    %scan3A = arith.constant 0 : i32
    %scan3A_23 = arith.constant 3 : i32
    %scan3A_24 = arith.addi %scan3A, %scan3A_23 : i32
    %scan3A_25 = arith.constant 1 : i32
    scf.for %scan3A_27 = %scan3A to %scan3A_24 step %scan3A_25  : i32 {
      %jit3A_28 = arith.constant 192 : i32
      %eq3A = arith.constant 0 : i32
      %eq3A_29 = arith.cmpi eq, %jit3A_28, %eq3A : i32
      %jit3A_30 = arith.constant 1 : i32
      %select_n3A_31 = arith.select %eq3A_29, %jit3A_30, %jit3A_28 : i32
      %rem3A_32 = arith.remsi %mul3A_2, %select_n3A_31 : i32
      %ne3A_33 = arith.constant 0 : i32
      %ne3A_34 = arith.cmpi ne, %rem3A_32, %ne3A_33 : i32
      %lt3A = arith.constant 0 : i32
      %lt3A_35 = arith.cmpi slt, %rem3A_32, %lt3A : i32
      %lt3A_36 = arith.constant 0 : i32
      %lt3A_37 = arith.cmpi slt, %select_n3A_31, %lt3A_36 : i32
      %ne3A_38 = arith.xori %lt3A_35, %lt3A_37 : i1
      %and3A_39 = arith.andi %ne3A_38, %ne3A_34 : i1
      %add3A_40 = arith.addi %rem3A_32, %select_n3A_31 : i32
      %select_n3A_41 = arith.select %and3A_39, %add3A_40, %rem3A_32 : i32
      %mul3A_42 = arith.constant 8 : i32
      %mul3A_43 = arith.muli %scan3A_27, %mul3A_42 : i32
      %add3A_44 = arith.addi %select_n3A_41, %mul3A_43 : i32
      %add3A_45 = arith.constant 320 : i32
      %add3A_46 = arith.addi %add3A_45, %add3A_44 : i32
      %mul3A_47 = arith.constant 512 : i32
      %mul3A_48 = arith.muli %select_n3A, %mul3A_47 : i32
      %add3A_49 = arith.addi %mul3A_48, %add3A_46 : i32
      "tpu.region"() ({
        %run_scoped3A_102 = tpu.sem_alloc : memref<!tpu.dma_semaphore, #tpu.memory_space<semaphore_mem>>
        %dma_start3A = arith.constant 0 : i32
        %dma_start3A_103 = tpu.memref_slice %arg3[%add3A_49, %dma_start3A] : memref<2048x512xf32, #tpu.memory_space<hbm>> -> memref<8x512xf32, #tpu.memory_space<hbm>>
        %dma_start3A_104 = arith.constant 0 : i32
        %dma_start3A_105 = tpu.memref_slice %arg3[%add3A_49, %dma_start3A_104] : memref<2048x512xf32, #tpu.memory_space<hbm>> -> memref<8x512xf32, #tpu.memory_space<hbm>>
        tpu.enqueue_dma source(%dma_start3A_105 : memref<8x512xf32, #tpu.memory_space<hbm>>) target(%arg8 : memref<8x512xf32, #tpu.memory_space<vmem>>) target_semaphore(%run_scoped3A_102 : memref<!tpu.dma_semaphore, #tpu.memory_space<semaphore_mem>>)
        %dma_wait3A = arith.constant 0 : i32
        %dma_wait3A_106 = tpu.memref_slice %arg3[%add3A_49, %dma_wait3A] : memref<2048x512xf32, #tpu.memory_space<hbm>> -> memref<8x512xf32, #tpu.memory_space<hbm>>
        %dma_wait3A_107 = arith.constant 0 : i32
        %dma_wait3A_108 = tpu.memref_slice %arg3[%add3A_49, %dma_wait3A_107] : memref<2048x512xf32, #tpu.memory_space<hbm>> -> memref<8x512xf32, #tpu.memory_space<hbm>>
        tpu.wait_dma2 semaphore(%run_scoped3A_102 : memref<!tpu.dma_semaphore, #tpu.memory_space<semaphore_mem>>) src(%dma_wait3A_108 : memref<8x512xf32, #tpu.memory_space<hbm>>) dst(%arg8 : memref<8x512xf32, #tpu.memory_space<vmem>>)
        tpu.yield
      }) : () -> ()
      %mul3A_50 = arith.constant 3 : i32
      %mul3A_51 = arith.muli %select_n3A, %mul3A_50 : i32
      %add3A_52 = arith.constant 0 : i32
      %add3A_53 = arith.addi %mul3A_51, %add3A_52 : i32
      %mul3A_54 = arith.constant 512 : i32
      %mul3A_55 = arith.muli %add3A_53, %mul3A_54 : i32
      %add3A_56 = arith.addi %mul3A_55, %add3A_46 : i32
      %run_scoped3A = arith.constant 0 : i32
      "tpu.region"() ({
        %run_scoped3A_102 = tpu.sem_alloc : memref<!tpu.dma_semaphore, #tpu.memory_space<semaphore_mem>>
        %dma_start3A = arith.constant 0 : i32
        %dma_start3A_103 = arith.constant 0 : i32
        %dma_start3A_104 = tpu.memref_slice %arg9[%run_scoped3A, %dma_start3A, %dma_start3A_103] : memref<3x8x512xf32, #tpu.memory_space<vmem>> -> memref<1x8x512xf32, #tpu.memory_space<vmem>>
        %dma_start3A_105 = tpu.memref_squeeze %dma_start3A_104 : memref<1x8x512xf32, #tpu.memory_space<vmem>> -> memref<8x512xf32, #tpu.memory_space<vmem>>
        %dma_start3A_106 = arith.constant 0 : i32
        %dma_start3A_107 = tpu.memref_slice %arg4[%add3A_56, %dma_start3A_106] : memref<6144x512xf32, #tpu.memory_space<hbm>> -> memref<8x512xf32, #tpu.memory_space<hbm>>
        %dma_start3A_108 = arith.constant 0 : i32
        %dma_start3A_109 = arith.constant 0 : i32
        %dma_start3A_110 = tpu.memref_slice %arg9[%run_scoped3A, %dma_start3A_108, %dma_start3A_109] : memref<3x8x512xf32, #tpu.memory_space<vmem>> -> memref<1x8x512xf32, #tpu.memory_space<vmem>>
        %dma_start3A_111 = tpu.memref_squeeze %dma_start3A_110 : memref<1x8x512xf32, #tpu.memory_space<vmem>> -> memref<8x512xf32, #tpu.memory_space<vmem>>
        %dma_start3A_112 = arith.constant 0 : i32
        %dma_start3A_113 = tpu.memref_slice %arg4[%add3A_56, %dma_start3A_112] : memref<6144x512xf32, #tpu.memory_space<hbm>> -> memref<8x512xf32, #tpu.memory_space<hbm>>
        tpu.enqueue_dma source(%dma_start3A_113 : memref<8x512xf32, #tpu.memory_space<hbm>>) target(%dma_start3A_111 : memref<8x512xf32, #tpu.memory_space<vmem>>) target_semaphore(%run_scoped3A_102 : memref<!tpu.dma_semaphore, #tpu.memory_space<semaphore_mem>>)
        %dma_wait3A = arith.constant 0 : i32
        %dma_wait3A_114 = arith.constant 0 : i32
        %dma_wait3A_115 = tpu.memref_slice %arg9[%run_scoped3A, %dma_wait3A, %dma_wait3A_114] : memref<3x8x512xf32, #tpu.memory_space<vmem>> -> memref<1x8x512xf32, #tpu.memory_space<vmem>>
        %dma_wait3A_116 = tpu.memref_squeeze %dma_wait3A_115 : memref<1x8x512xf32, #tpu.memory_space<vmem>> -> memref<8x512xf32, #tpu.memory_space<vmem>>
        %dma_wait3A_117 = arith.constant 0 : i32
        %dma_wait3A_118 = tpu.memref_slice %arg4[%add3A_56, %dma_wait3A_117] : memref<6144x512xf32, #tpu.memory_space<hbm>> -> memref<8x512xf32, #tpu.memory_space<hbm>>
        %dma_wait3A_119 = arith.constant 0 : i32
        %dma_wait3A_120 = arith.constant 0 : i32
        %dma_wait3A_121 = tpu.memref_slice %arg9[%run_scoped3A, %dma_wait3A_119, %dma_wait3A_120] : memref<3x8x512xf32, #tpu.memory_space<vmem>> -> memref<1x8x512xf32, #tpu.memory_space<vmem>>
        %dma_wait3A_122 = tpu.memref_squeeze %dma_wait3A_121 : memref<1x8x512xf32, #tpu.memory_space<vmem>> -> memref<8x512xf32, #tpu.memory_space<vmem>>
        %dma_wait3A_123 = arith.constant 0 : i32
        %dma_wait3A_124 = tpu.memref_slice %arg4[%add3A_56, %dma_wait3A_123] : memref<6144x512xf32, #tpu.memory_space<hbm>> -> memref<8x512xf32, #tpu.memory_space<hbm>>
        tpu.wait_dma2 semaphore(%run_scoped3A_102 : memref<!tpu.dma_semaphore, #tpu.memory_space<semaphore_mem>>) src(%dma_wait3A_124 : memref<8x512xf32, #tpu.memory_space<hbm>>) dst(%dma_wait3A_122 : memref<8x512xf32, #tpu.memory_space<vmem>>)
        tpu.yield
      }) : () -> ()
      %mul3A_57 = arith.constant 3 : i32
      %mul3A_58 = arith.muli %select_n3A, %mul3A_57 : i32
      %add3A_59 = arith.constant 1 : i32
      %add3A_60 = arith.addi %mul3A_58, %add3A_59 : i32
      %mul3A_61 = arith.constant 512 : i32
      %mul3A_62 = arith.muli %add3A_60, %mul3A_61 : i32
      %add3A_63 = arith.addi %mul3A_62, %add3A_46 : i32
      %run_scoped3A_64 = arith.constant 1 : i32
      "tpu.region"() ({
        %run_scoped3A_102 = tpu.sem_alloc : memref<!tpu.dma_semaphore, #tpu.memory_space<semaphore_mem>>
        %dma_start3A = arith.constant 0 : i32
        %dma_start3A_103 = arith.constant 0 : i32
        %dma_start3A_104 = tpu.memref_slice %arg9[%run_scoped3A_64, %dma_start3A, %dma_start3A_103] : memref<3x8x512xf32, #tpu.memory_space<vmem>> -> memref<1x8x512xf32, #tpu.memory_space<vmem>>
        %dma_start3A_105 = tpu.memref_squeeze %dma_start3A_104 : memref<1x8x512xf32, #tpu.memory_space<vmem>> -> memref<8x512xf32, #tpu.memory_space<vmem>>
        %dma_start3A_106 = arith.constant 0 : i32
        %dma_start3A_107 = tpu.memref_slice %arg4[%add3A_63, %dma_start3A_106] : memref<6144x512xf32, #tpu.memory_space<hbm>> -> memref<8x512xf32, #tpu.memory_space<hbm>>
        %dma_start3A_108 = arith.constant 0 : i32
        %dma_start3A_109 = arith.constant 0 : i32
        %dma_start3A_110 = tpu.memref_slice %arg9[%run_scoped3A_64, %dma_start3A_108, %dma_start3A_109] : memref<3x8x512xf32, #tpu.memory_space<vmem>> -> memref<1x8x512xf32, #tpu.memory_space<vmem>>
        %dma_start3A_111 = tpu.memref_squeeze %dma_start3A_110 : memref<1x8x512xf32, #tpu.memory_space<vmem>> -> memref<8x512xf32, #tpu.memory_space<vmem>>
        %dma_start3A_112 = arith.constant 0 : i32
        %dma_start3A_113 = tpu.memref_slice %arg4[%add3A_63, %dma_start3A_112] : memref<6144x512xf32, #tpu.memory_space<hbm>> -> memref<8x512xf32, #tpu.memory_space<hbm>>
        tpu.enqueue_dma source(%dma_start3A_113 : memref<8x512xf32, #tpu.memory_space<hbm>>) target(%dma_start3A_111 : memref<8x512xf32, #tpu.memory_space<vmem>>) target_semaphore(%run_scoped3A_102 : memref<!tpu.dma_semaphore, #tpu.memory_space<semaphore_mem>>)
        %dma_wait3A = arith.constant 0 : i32
        %dma_wait3A_114 = arith.constant 0 : i32
        %dma_wait3A_115 = tpu.memref_slice %arg9[%run_scoped3A_64, %dma_wait3A, %dma_wait3A_114] : memref<3x8x512xf32, #tpu.memory_space<vmem>> -> memref<1x8x512xf32, #tpu.memory_space<vmem>>
        %dma_wait3A_116 = tpu.memref_squeeze %dma_wait3A_115 : memref<1x8x512xf32, #tpu.memory_space<vmem>> -> memref<8x512xf32, #tpu.memory_space<vmem>>
        %dma_wait3A_117 = arith.constant 0 : i32
        %dma_wait3A_118 = tpu.memref_slice %arg4[%add3A_63, %dma_wait3A_117] : memref<6144x512xf32, #tpu.memory_space<hbm>> -> memref<8x512xf32, #tpu.memory_space<hbm>>
        %dma_wait3A_119 = arith.constant 0 : i32
        %dma_wait3A_120 = arith.constant 0 : i32
        %dma_wait3A_121 = tpu.memref_slice %arg9[%run_scoped3A_64, %dma_wait3A_119, %dma_wait3A_120] : memref<3x8x512xf32, #tpu.memory_space<vmem>> -> memref<1x8x512xf32, #tpu.memory_space<vmem>>
        %dma_wait3A_122 = tpu.memref_squeeze %dma_wait3A_121 : memref<1x8x512xf32, #tpu.memory_space<vmem>> -> memref<8x512xf32, #tpu.memory_space<vmem>>
        %dma_wait3A_123 = arith.constant 0 : i32
        %dma_wait3A_124 = tpu.memref_slice %arg4[%add3A_63, %dma_wait3A_123] : memref<6144x512xf32, #tpu.memory_space<hbm>> -> memref<8x512xf32, #tpu.memory_space<hbm>>
        tpu.wait_dma2 semaphore(%run_scoped3A_102 : memref<!tpu.dma_semaphore, #tpu.memory_space<semaphore_mem>>) src(%dma_wait3A_124 : memref<8x512xf32, #tpu.memory_space<hbm>>) dst(%dma_wait3A_122 : memref<8x512xf32, #tpu.memory_space<vmem>>)
        tpu.yield
      }) : () -> ()
      %mul3A_65 = arith.constant 3 : i32
      %mul3A_66 = arith.muli %select_n3A, %mul3A_65 : i32
      %add3A_67 = arith.constant 2 : i32
      %add3A_68 = arith.addi %mul3A_66, %add3A_67 : i32
      %mul3A_69 = arith.constant 512 : i32
      %mul3A_70 = arith.muli %add3A_68, %mul3A_69 : i32
      %add3A_71 = arith.addi %mul3A_70, %add3A_46 : i32
      %run_scoped3A_72 = arith.constant 2 : i32
      "tpu.region"() ({
        %run_scoped3A_102 = tpu.sem_alloc : memref<!tpu.dma_semaphore, #tpu.memory_space<semaphore_mem>>
        %dma_start3A = arith.constant 0 : i32
        %dma_start3A_103 = arith.constant 0 : i32
        %dma_start3A_104 = tpu.memref_slice %arg9[%run_scoped3A_72, %dma_start3A, %dma_start3A_103] : memref<3x8x512xf32, #tpu.memory_space<vmem>> -> memref<1x8x512xf32, #tpu.memory_space<vmem>>
        %dma_start3A_105 = tpu.memref_squeeze %dma_start3A_104 : memref<1x8x512xf32, #tpu.memory_space<vmem>> -> memref<8x512xf32, #tpu.memory_space<vmem>>
        %dma_start3A_106 = arith.constant 0 : i32
        %dma_start3A_107 = tpu.memref_slice %arg4[%add3A_71, %dma_start3A_106] : memref<6144x512xf32, #tpu.memory_space<hbm>> -> memref<8x512xf32, #tpu.memory_space<hbm>>
        %dma_start3A_108 = arith.constant 0 : i32
        %dma_start3A_109 = arith.constant 0 : i32
        %dma_start3A_110 = tpu.memref_slice %arg9[%run_scoped3A_72, %dma_start3A_108, %dma_start3A_109] : memref<3x8x512xf32, #tpu.memory_space<vmem>> -> memref<1x8x512xf32, #tpu.memory_space<vmem>>
        %dma_start3A_111 = tpu.memref_squeeze %dma_start3A_110 : memref<1x8x512xf32, #tpu.memory_space<vmem>> -> memref<8x512xf32, #tpu.memory_space<vmem>>
        %dma_start3A_112 = arith.constant 0 : i32
        %dma_start3A_113 = tpu.memref_slice %arg4[%add3A_71, %dma_start3A_112] : memref<6144x512xf32, #tpu.memory_space<hbm>> -> memref<8x512xf32, #tpu.memory_space<hbm>>
        tpu.enqueue_dma source(%dma_start3A_113 : memref<8x512xf32, #tpu.memory_space<hbm>>) target(%dma_start3A_111 : memref<8x512xf32, #tpu.memory_space<vmem>>) target_semaphore(%run_scoped3A_102 : memref<!tpu.dma_semaphore, #tpu.memory_space<semaphore_mem>>)
        %dma_wait3A = arith.constant 0 : i32
        %dma_wait3A_114 = arith.constant 0 : i32
        %dma_wait3A_115 = tpu.memref_slice %arg9[%run_scoped3A_72, %dma_wait3A, %dma_wait3A_114] : memref<3x8x512xf32, #tpu.memory_space<vmem>> -> memref<1x8x512xf32, #tpu.memory_space<vmem>>
        %dma_wait3A_116 = tpu.memref_squeeze %dma_wait3A_115 : memref<1x8x512xf32, #tpu.memory_space<vmem>> -> memref<8x512xf32, #tpu.memory_space<vmem>>
        %dma_wait3A_117 = arith.constant 0 : i32
        %dma_wait3A_118 = tpu.memref_slice %arg4[%add3A_71, %dma_wait3A_117] : memref<6144x512xf32, #tpu.memory_space<hbm>> -> memref<8x512xf32, #tpu.memory_space<hbm>>
        %dma_wait3A_119 = arith.constant 0 : i32
        %dma_wait3A_120 = arith.constant 0 : i32
        %dma_wait3A_121 = tpu.memref_slice %arg9[%run_scoped3A_72, %dma_wait3A_119, %dma_wait3A_120] : memref<3x8x512xf32, #tpu.memory_space<vmem>> -> memref<1x8x512xf32, #tpu.memory_space<vmem>>
        %dma_wait3A_122 = tpu.memref_squeeze %dma_wait3A_121 : memref<1x8x512xf32, #tpu.memory_space<vmem>> -> memref<8x512xf32, #tpu.memory_space<vmem>>
        %dma_wait3A_123 = arith.constant 0 : i32
        %dma_wait3A_124 = tpu.memref_slice %arg4[%add3A_71, %dma_wait3A_123] : memref<6144x512xf32, #tpu.memory_space<hbm>> -> memref<8x512xf32, #tpu.memory_space<hbm>>
        tpu.wait_dma2 semaphore(%run_scoped3A_102 : memref<!tpu.dma_semaphore, #tpu.memory_space<semaphore_mem>>) src(%dma_wait3A_124 : memref<8x512xf32, #tpu.memory_space<hbm>>) dst(%dma_wait3A_122 : memref<8x512xf32, #tpu.memory_space<vmem>>)
        tpu.yield
      }) : () -> ()
      %scan3A_73 = arith.constant 0 : i32
      %scan3A_74 = arith.constant 8 : i32
      %scan3A_75 = arith.addi %scan3A_73, %scan3A_74 : i32
      %scan3A_76 = arith.constant 1 : i32
      scf.for %scan3A_102 = %scan3A_73 to %scan3A_75 step %scan3A_76  : i32 {
        %add3A_103 = arith.addi %add3A_46, %scan3A_102 : i32
        %jit3A_104 = arith.constant 16 : i32
        %div3A_105 = arith.divsi %add3A_103, %jit3A_104 : i32
        %sign3A_106 = arith.constant 0 : i32
        %sign3A_107 = arith.cmpi sgt, %add3A_103, %sign3A_106 : i32
        %sign3A_108 = arith.extui %sign3A_107 : i1 to i32
        %sign3A_109 = arith.constant 0 : i32
        %sign3A_110 = arith.cmpi slt, %add3A_103, %sign3A_109 : i32
        %sign3A_111 = arith.extui %sign3A_110 : i1 to i32
        %sign3A_112 = arith.subi %sign3A_108, %sign3A_111 : i32
        %sign3A_113 = arith.constant 0 : i32
        %sign3A_114 = arith.cmpi sgt, %jit3A_104, %sign3A_113 : i32
        %sign3A_115 = arith.extui %sign3A_114 : i1 to i32
        %sign3A_116 = arith.constant 0 : i32
        %sign3A_117 = arith.cmpi slt, %jit3A_104, %sign3A_116 : i32
        %sign3A_118 = arith.extui %sign3A_117 : i1 to i32
        %sign3A_119 = arith.subi %sign3A_115, %sign3A_118 : i32
        %ne3A_120 = arith.cmpi ne, %sign3A_112, %sign3A_119 : i32
        %rem3A_121 = arith.remsi %add3A_103, %jit3A_104 : i32
        %ne3A_122 = arith.constant 0 : i32
        %ne3A_123 = arith.cmpi ne, %rem3A_121, %ne3A_122 : i32
        %and3A_124 = arith.andi %ne3A_120, %ne3A_123 : i1
        %sub3A_125 = arith.constant 1 : i32
        %sub3A_126 = arith.subi %div3A_105, %sub3A_125 : i32
        %select_n3A_127 = arith.select %and3A_124, %sub3A_126, %div3A_105 : i32
        %sub3A_128 = arith.constant 1 : i32
        %sub3A_129 = arith.subi %select_n3A_127, %sub3A_128 : i32
        %jit3A_130 = arith.constant 2 : i32
        %div3A_131 = arith.divsi %sub3A_129, %jit3A_130 : i32
        %sign3A_132 = arith.constant 0 : i32
        %sign3A_133 = arith.cmpi sgt, %sub3A_129, %sign3A_132 : i32
        %sign3A_134 = arith.extui %sign3A_133 : i1 to i32
        %sign3A_135 = arith.constant 0 : i32
        %sign3A_136 = arith.cmpi slt, %sub3A_129, %sign3A_135 : i32
        %sign3A_137 = arith.extui %sign3A_136 : i1 to i32
        %sign3A_138 = arith.subi %sign3A_134, %sign3A_137 : i32
        %sign3A_139 = arith.constant 0 : i32
        %sign3A_140 = arith.cmpi sgt, %jit3A_130, %sign3A_139 : i32
        %sign3A_141 = arith.extui %sign3A_140 : i1 to i32
        %sign3A_142 = arith.constant 0 : i32
        %sign3A_143 = arith.cmpi slt, %jit3A_130, %sign3A_142 : i32
        %sign3A_144 = arith.extui %sign3A_143 : i1 to i32
        %sign3A_145 = arith.subi %sign3A_141, %sign3A_144 : i32
        %ne3A_146 = arith.cmpi ne, %sign3A_138, %sign3A_145 : i32
        %rem3A_147 = arith.remsi %sub3A_129, %jit3A_130 : i32
        %ne3A_148 = arith.constant 0 : i32
        %ne3A_149 = arith.cmpi ne, %rem3A_147, %ne3A_148 : i32
        %and3A_150 = arith.andi %ne3A_146, %ne3A_149 : i1
        %sub3A_151 = arith.constant 1 : i32
        %sub3A_152 = arith.subi %div3A_131, %sub3A_151 : i32
        %select_n3A_153 = arith.select %and3A_150, %sub3A_152, %div3A_131 : i32
        %jit3A_154 = arith.constant 0 : i32
        %jit3A_155 = arith.constant 14 : i32
        %max3A = arith.maxsi %jit3A_154, %select_n3A_153 : i32
        %min3A = arith.minsi %jit3A_155, %max3A : i32
        %convert_element_type3A = arith.sitofp %add3A_103 : i32 to f32
        %add3A_156 = arith.constant 5.000000e-01 : f32
        %add3A_157 = arith.addf %convert_element_type3A, %add3A_156 : f32
        %mul3A_158 = arith.constant 3.125000e-02 : f32
        %mul3A_159 = arith.mulf %add3A_157, %mul3A_158 : f32
        %jit3A_160 = arith.constant 5.000000e-01 : f32
        %jit3A_161 = arith.constant 1.550000e+01 : f32
        %max3A_162 = arith.maximumf %jit3A_160, %mul3A_159 : f32
        %min3A_163 = arith.minimumf %jit3A_161, %max3A_162 : f32
        %sub3A_164 = arith.constant 5.000000e-01 : f32
        %sub3A_165 = arith.subf %min3A_163, %sub3A_164 : f32
        %convert_element_type3A_166 = arith.sitofp %min3A : i32 to f32
        %sub3A_167 = arith.subf %sub3A_165, %convert_element_type3A_166 : f32
        %broadcast_in_dim3A = vector.broadcast %sub3A_167 : f32 to vector<16xf32>
        %sub3A_168 = arith.constant 1.000000e+00 : f32
        %sub3A_169 = vector.broadcast %sub3A_168 : f32 to vector<16xf32>
        %sub3A_170 = arith.subf %sub3A_169, %broadcast_in_dim3A : vector<16xf32>
        %mul3A_171 = arith.constant 1536 : i32
        %mul3A_172 = arith.muli %min3A, %mul3A_171 : i32
        %scan3A_173 = arith.constant 0 : i32
        %scan3A_174 = arith.constant 96 : i32
        %scan3A_175 = arith.addi %scan3A_173, %scan3A_174 : i32
        %scan3A_176 = arith.constant 8 : i32
        scf.for %scan3A_185 = %scan3A_173 to %scan3A_175 step %scan3A_176  : i32 {
          %mul3A_186 = arith.constant 16 : i32
          %mul3A_187 = arith.muli %scan3A_185, %mul3A_186 : i32
          %add3A_188 = arith.addi %mul3A_172, %mul3A_187 : i32
          %get3A = arith.index_cast %add3A_188 : i32 to index
          %get3A_189 = tpu.vector_load %arg6[%get3A] {strides = array<i32>} : memref<24576xf32, #tpu.memory_space<vmem>>, vector<16xf32>,
          %mul3A_190 = arith.mulf %sub3A_170, %get3A_189 : vector<16xf32>
          %add3A_191 = arith.constant 1536 : i32
          %add3A_192 = arith.addi %mul3A_172, %add3A_191 : i32
          %add3A_193 = arith.addi %add3A_192, %mul3A_187 : i32
          %get3A_194 = arith.index_cast %add3A_193 : i32 to index
          %get3A_195 = tpu.vector_load %arg6[%get3A_194] {strides = array<i32>} : memref<24576xf32, #tpu.memory_space<vmem>>, vector<16xf32>,
          %mul3A_196 = arith.mulf %broadcast_in_dim3A, %get3A_195 : vector<16xf32>
          %add3A_197 = arith.addf %mul3A_190, %mul3A_196 : vector<16xf32>
          %swap3A = arith.index_cast %mul3A_187 : i32 to index
          %swap3A_198 = tpu.vector_load %arg7[%swap3A] {strides = array<i32>} : memref<1536xf32, #tpu.memory_space<vmem>>, vector<16xf32>,
          tpu.vector_store %arg7[%swap3A], %add3A_197 {strides = array<i32>} : memref<1536xf32, #tpu.memory_space<vmem>>, vector<16xf32>,
          %scan3A_199 = arith.constant 1 : i32
          %scan3A_200 = arith.addi %scan3A_185, %scan3A_199 : i32
          %mul3A_201 = arith.constant 16 : i32
          %mul3A_202 = arith.muli %scan3A_200, %mul3A_201 : i32
          %add3A_203 = arith.addi %mul3A_172, %mul3A_202 : i32
          %get3A_204 = arith.index_cast %add3A_203 : i32 to index
          %get3A_205 = tpu.vector_load %arg6[%get3A_204] {strides = array<i32>} : memref<24576xf32, #tpu.memory_space<vmem>>, vector<16xf32>,
          %mul3A_206 = arith.mulf %sub3A_170, %get3A_205 : vector<16xf32>
          %add3A_207 = arith.constant 1536 : i32
          %add3A_208 = arith.addi %mul3A_172, %add3A_207 : i32
          %add3A_209 = arith.addi %add3A_208, %mul3A_202 : i32
          %get3A_210 = arith.index_cast %add3A_209 : i32 to index
          %get3A_211 = tpu.vector_load %arg6[%get3A_210] {strides = array<i32>} : memref<24576xf32, #tpu.memory_space<vmem>>, vector<16xf32>,
          %mul3A_212 = arith.mulf %broadcast_in_dim3A, %get3A_211 : vector<16xf32>
          %add3A_213 = arith.addf %mul3A_206, %mul3A_212 : vector<16xf32>
          %swap3A_214 = arith.index_cast %mul3A_202 : i32 to index
          %swap3A_215 = tpu.vector_load %arg7[%swap3A_214] {strides = array<i32>} : memref<1536xf32, #tpu.memory_space<vmem>>, vector<16xf32>,
          tpu.vector_store %arg7[%swap3A_214], %add3A_213 {strides = array<i32>} : memref<1536xf32, #tpu.memory_space<vmem>>, vector<16xf32>,
          %scan3A_216 = arith.constant 2 : i32
          %scan3A_217 = arith.addi %scan3A_185, %scan3A_216 : i32
          %mul3A_218 = arith.constant 16 : i32
          %mul3A_219 = arith.muli %scan3A_217, %mul3A_218 : i32
          %add3A_220 = arith.addi %mul3A_172, %mul3A_219 : i32
          %get3A_221 = arith.index_cast %add3A_220 : i32 to index
          %get3A_222 = tpu.vector_load %arg6[%get3A_221] {strides = array<i32>} : memref<24576xf32, #tpu.memory_space<vmem>>, vector<16xf32>,
          %mul3A_223 = arith.mulf %sub3A_170, %get3A_222 : vector<16xf32>
          %add3A_224 = arith.constant 1536 : i32
          %add3A_225 = arith.addi %mul3A_172, %add3A_224 : i32
          %add3A_226 = arith.addi %add3A_225, %mul3A_219 : i32
          %get3A_227 = arith.index_cast %add3A_226 : i32 to index
          %get3A_228 = tpu.vector_load %arg6[%get3A_227] {strides = array<i32>} : memref<24576xf32, #tpu.memory_space<vmem>>, vector<16xf32>,
          %mul3A_229 = arith.mulf %broadcast_in_dim3A, %get3A_228 : vector<16xf32>
          %add3A_230 = arith.addf %mul3A_223, %mul3A_229 : vector<16xf32>
          %swap3A_231 = arith.index_cast %mul3A_219 : i32 to index
          %swap3A_232 = tpu.vector_load %arg7[%swap3A_231] {strides = array<i32>} : memref<1536xf32, #tpu.memory_space<vmem>>, vector<16xf32>,
          tpu.vector_store %arg7[%swap3A_231], %add3A_230 {strides = array<i32>} : memref<1536xf32, #tpu.memory_space<vmem>>, vector<16xf32>,
          %scan3A_233 = arith.constant 3 : i32
          %scan3A_234 = arith.addi %scan3A_185, %scan3A_233 : i32
          %mul3A_235 = arith.constant 16 : i32
          %mul3A_236 = arith.muli %scan3A_234, %mul3A_235 : i32
          %add3A_237 = arith.addi %mul3A_172, %mul3A_236 : i32
          %get3A_238 = arith.index_cast %add3A_237 : i32 to index
          %get3A_239 = tpu.vector_load %arg6[%get3A_238] {strides = array<i32>} : memref<24576xf32, #tpu.memory_space<vmem>>, vector<16xf32>,
          %mul3A_240 = arith.mulf %sub3A_170, %get3A_239 : vector<16xf32>
          %add3A_241 = arith.constant 1536 : i32
          %add3A_242 = arith.addi %mul3A_172, %add3A_241 : i32
          %add3A_243 = arith.addi %add3A_242, %mul3A_236 : i32
          %get3A_244 = arith.index_cast %add3A_243 : i32 to index
          %get3A_245 = tpu.vector_load %arg6[%get3A_244] {strides = array<i32>} : memref<24576xf32, #tpu.memory_space<vmem>>, vector<16xf32>,
          %mul3A_246 = arith.mulf %broadcast_in_dim3A, %get3A_245 : vector<16xf32>
          %add3A_247 = arith.addf %mul3A_240, %mul3A_246 : vector<16xf32>
          %swap3A_248 = arith.index_cast %mul3A_236 : i32 to index
          %swap3A_249 = tpu.vector_load %arg7[%swap3A_248] {strides = array<i32>} : memref<1536xf32, #tpu.memory_space<vmem>>, vector<16xf32>,
          tpu.vector_store %arg7[%swap3A_248], %add3A_247 {strides = array<i32>} : memref<1536xf32, #tpu.memory_space<vmem>>, vector<16xf32>,
          %scan3A_250 = arith.constant 4 : i32
          %scan3A_251 = arith.addi %scan3A_185, %scan3A_250 : i32
          %mul3A_252 = arith.constant 16 : i32
          %mul3A_253 = arith.muli %scan3A_251, %mul3A_252 : i32
          %add3A_254 = arith.addi %mul3A_172, %mul3A_253 : i32
          %get3A_255 = arith.index_cast %add3A_254 : i32 to index
          %get3A_256 = tpu.vector_load %arg6[%get3A_255] {strides = array<i32>} : memref<24576xf32, #tpu.memory_space<vmem>>, vector<16xf32>,
          %mul3A_257 = arith.mulf %sub3A_170, %get3A_256 : vector<16xf32>
          %add3A_258 = arith.constant 1536 : i32
          %add3A_259 = arith.addi %mul3A_172, %add3A_258 : i32
          %add3A_260 = arith.addi %add3A_259, %mul3A_253 : i32
          %get3A_261 = arith.index_cast %add3A_260 : i32 to index
          %get3A_262 = tpu.vector_load %arg6[%get3A_261] {strides = array<i32>} : memref<24576xf32, #tpu.memory_space<vmem>>, vector<16xf32>,
          %mul3A_263 = arith.mulf %broadcast_in_dim3A, %get3A_262 : vector<16xf32>
          %add3A_264 = arith.addf %mul3A_257, %mul3A_263 : vector<16xf32>
          %swap3A_265 = arith.index_cast %mul3A_253 : i32 to index
          %swap3A_266 = tpu.vector_load %arg7[%swap3A_265] {strides = array<i32>} : memref<1536xf32, #tpu.memory_space<vmem>>, vector<16xf32>,
          tpu.vector_store %arg7[%swap3A_265], %add3A_264 {strides = array<i32>} : memref<1536xf32, #tpu.memory_space<vmem>>, vector<16xf32>,
          %scan3A_267 = arith.constant 5 : i32
          %scan3A_268 = arith.addi %scan3A_185, %scan3A_267 : i32
          %mul3A_269 = arith.constant 16 : i32
          %mul3A_270 = arith.muli %scan3A_268, %mul3A_269 : i32
          %add3A_271 = arith.addi %mul3A_172, %mul3A_270 : i32
          %get3A_272 = arith.index_cast %add3A_271 : i32 to index
          %get3A_273 = tpu.vector_load %arg6[%get3A_272] {strides = array<i32>} : memref<24576xf32, #tpu.memory_space<vmem>>, vector<16xf32>,
          %mul3A_274 = arith.mulf %sub3A_170, %get3A_273 : vector<16xf32>
          %add3A_275 = arith.constant 1536 : i32
          %add3A_276 = arith.addi %mul3A_172, %add3A_275 : i32
          %add3A_277 = arith.addi %add3A_276, %mul3A_270 : i32
          %get3A_278 = arith.index_cast %add3A_277 : i32 to index
          %get3A_279 = tpu.vector_load %arg6[%get3A_278] {strides = array<i32>} : memref<24576xf32, #tpu.memory_space<vmem>>, vector<16xf32>,
          %mul3A_280 = arith.mulf %broadcast_in_dim3A, %get3A_279 : vector<16xf32>
          %add3A_281 = arith.addf %mul3A_274, %mul3A_280 : vector<16xf32>
          %swap3A_282 = arith.index_cast %mul3A_270 : i32 to index
          %swap3A_283 = tpu.vector_load %arg7[%swap3A_282] {strides = array<i32>} : memref<1536xf32, #tpu.memory_space<vmem>>, vector<16xf32>,
          tpu.vector_store %arg7[%swap3A_282], %add3A_281 {strides = array<i32>} : memref<1536xf32, #tpu.memory_space<vmem>>, vector<16xf32>,
          %scan3A_284 = arith.constant 6 : i32
          %scan3A_285 = arith.addi %scan3A_185, %scan3A_284 : i32
          %mul3A_286 = arith.constant 16 : i32
          %mul3A_287 = arith.muli %scan3A_285, %mul3A_286 : i32
          %add3A_288 = arith.addi %mul3A_172, %mul3A_287 : i32
          %get3A_289 = arith.index_cast %add3A_288 : i32 to index
          %get3A_290 = tpu.vector_load %arg6[%get3A_289] {strides = array<i32>} : memref<24576xf32, #tpu.memory_space<vmem>>, vector<16xf32>,
          %mul3A_291 = arith.mulf %sub3A_170, %get3A_290 : vector<16xf32>
          %add3A_292 = arith.constant 1536 : i32
          %add3A_293 = arith.addi %mul3A_172, %add3A_292 : i32
          %add3A_294 = arith.addi %add3A_293, %mul3A_287 : i32
          %get3A_295 = arith.index_cast %add3A_294 : i32 to index
          %get3A_296 = tpu.vector_load %arg6[%get3A_295] {strides = array<i32>} : memref<24576xf32, #tpu.memory_space<vmem>>, vector<16xf32>,
          %mul3A_297 = arith.mulf %broadcast_in_dim3A, %get3A_296 : vector<16xf32>
          %add3A_298 = arith.addf %mul3A_291, %mul3A_297 : vector<16xf32>
          %swap3A_299 = arith.index_cast %mul3A_287 : i32 to index
          %swap3A_300 = tpu.vector_load %arg7[%swap3A_299] {strides = array<i32>} : memref<1536xf32, #tpu.memory_space<vmem>>, vector<16xf32>,
          tpu.vector_store %arg7[%swap3A_299], %add3A_298 {strides = array<i32>} : memref<1536xf32, #tpu.memory_space<vmem>>, vector<16xf32>,
          %scan3A_301 = arith.constant 7 : i32
          %scan3A_302 = arith.addi %scan3A_185, %scan3A_301 : i32
          %mul3A_303 = arith.constant 16 : i32
          %mul3A_304 = arith.muli %scan3A_302, %mul3A_303 : i32
          %add3A_305 = arith.addi %mul3A_172, %mul3A_304 : i32
          %get3A_306 = arith.index_cast %add3A_305 : i32 to index
          %get3A_307 = tpu.vector_load %arg6[%get3A_306] {strides = array<i32>} : memref<24576xf32, #tpu.memory_space<vmem>>, vector<16xf32>,
          %mul3A_308 = arith.mulf %sub3A_170, %get3A_307 : vector<16xf32>
          %add3A_309 = arith.constant 1536 : i32
          %add3A_310 = arith.addi %mul3A_172, %add3A_309 : i32
          %add3A_311 = arith.addi %add3A_310, %mul3A_304 : i32
          %get3A_312 = arith.index_cast %add3A_311 : i32 to index
          %get3A_313 = tpu.vector_load %arg6[%get3A_312] {strides = array<i32>} : memref<24576xf32, #tpu.memory_space<vmem>>, vector<16xf32>,
          %mul3A_314 = arith.mulf %broadcast_in_dim3A, %get3A_313 : vector<16xf32>
          %add3A_315 = arith.addf %mul3A_308, %mul3A_314 : vector<16xf32>
          %swap3A_316 = arith.index_cast %mul3A_304 : i32 to index
          %swap3A_317 = tpu.vector_load %arg7[%swap3A_316] {strides = array<i32>} : memref<1536xf32, #tpu.memory_space<vmem>>, vector<16xf32>,
          tpu.vector_store %arg7[%swap3A_316], %add3A_315 {strides = array<i32>} : memref<1536xf32, #tpu.memory_space<vmem>>, vector<16xf32>,
        }
        %scan3A_177 = arith.constant 96 : i32
        %iota3A = tpu.iota {dimensions = array<i32: 0>} : vector<16xi32>
        %mul3A_178 = arith.constant 512 : i32
        %mul3A_179 = arith.muli %scan3A_102, %mul3A_178 : i32
        %scan3A_180 = arith.constant 0 : i32
        %scan3A_181 = arith.constant 32 : i32
        %scan3A_182 = arith.addi %scan3A_180, %scan3A_181 : i32
        %scan3A_183 = arith.constant 4 : i32
        scf.for %scan3A_185 = %scan3A_180 to %scan3A_182 step %scan3A_183  : i32 {
          %mul3A_186 = arith.constant 16 : i32
          %mul3A_187 = arith.muli %scan3A_185, %mul3A_186 : i32
          %add3A_188 = arith.addi %mul3A_179, %mul3A_187 : i32
          %sub3A_189 = arith.constant 1 : i32
          %sub3A_190 = arith.subi %scan3A_185, %sub3A_189 : i32
          %jit3A_191 = arith.constant 2 : i32
          %div3A_192 = arith.divsi %sub3A_190, %jit3A_191 : i32
          %sign3A_193 = arith.constant 0 : i32
          %sign3A_194 = arith.cmpi sgt, %sub3A_190, %sign3A_193 : i32
          %sign3A_195 = arith.extui %sign3A_194 : i1 to i32
          %sign3A_196 = arith.constant 0 : i32
          %sign3A_197 = arith.cmpi slt, %sub3A_190, %sign3A_196 : i32
          %sign3A_198 = arith.extui %sign3A_197 : i1 to i32
          %sign3A_199 = arith.subi %sign3A_195, %sign3A_198 : i32
          %sign3A_200 = arith.constant 0 : i32
          %sign3A_201 = arith.cmpi sgt, %jit3A_191, %sign3A_200 : i32
          %sign3A_202 = arith.extui %sign3A_201 : i1 to i32
          %sign3A_203 = arith.constant 0 : i32
          %sign3A_204 = arith.cmpi slt, %jit3A_191, %sign3A_203 : i32
          %sign3A_205 = arith.extui %sign3A_204 : i1 to i32
          %sign3A_206 = arith.subi %sign3A_202, %sign3A_205 : i32
          %ne3A_207 = arith.cmpi ne, %sign3A_199, %sign3A_206 : i32
          %rem3A_208 = arith.remsi %sub3A_190, %jit3A_191 : i32
          %ne3A_209 = arith.constant 0 : i32
          %ne3A_210 = arith.cmpi ne, %rem3A_208, %ne3A_209 : i32
          %and3A_211 = arith.andi %ne3A_207, %ne3A_210 : i1
          %sub3A_212 = arith.constant 1 : i32
          %sub3A_213 = arith.subi %div3A_192, %sub3A_212 : i32
          %select_n3A_214 = arith.select %and3A_211, %sub3A_213, %div3A_192 : i32
          %jit3A_215 = arith.constant 0 : i32
          %jit3A_216 = arith.constant 14 : i32
          %max3A_217 = arith.maxsi %jit3A_215, %select_n3A_214 : i32
          %min3A_218 = arith.minsi %jit3A_216, %max3A_217 : i32
          %mul3A_219 = arith.constant 16 : i32
          %mul3A_220 = arith.muli %scan3A_185, %mul3A_219 : i32
          %add3A_221 = vector.broadcast %mul3A_220 : i32 to vector<16xi32>
          %add3A_222 = arith.addi %add3A_221, %iota3A : vector<16xi32>
          %convert_element_type3A_223 = arith.sitofp %add3A_222 : vector<16xi32> to vector<16xf32>
          %add3A_224 = arith.constant 5.000000e-01 : f32
          %add3A_225 = vector.broadcast %add3A_224 : f32 to vector<16xf32>
          %add3A_226 = arith.addf %convert_element_type3A_223, %add3A_225 : vector<16xf32>
          %mul3A_227 = arith.constant 3.125000e-02 : f32
          %mul3A_228 = vector.broadcast %mul3A_227 : f32 to vector<16xf32>
          %mul3A_229 = arith.mulf %add3A_226, %mul3A_228 : vector<16xf32>
          %jit3A_230 = arith.constant 5.000000e-01 : f32
          %jit3A_231 = arith.constant 1.550000e+01 : f32
          %max3A_232 = vector.broadcast %jit3A_230 : f32 to vector<16xf32>
          %max3A_233 = arith.maximumf %max3A_232, %mul3A_229 : vector<16xf32>
          %min3A_234 = vector.broadcast %jit3A_231 : f32 to vector<16xf32>
          %min3A_235 = arith.minimumf %min3A_234, %max3A_233 : vector<16xf32>
          %sub3A_236 = arith.constant 5.000000e-01 : f32
          %sub3A_237 = vector.broadcast %sub3A_236 : f32 to vector<16xf32>
          %sub3A_238 = arith.subf %min3A_235, %sub3A_237 : vector<16xf32>
          %convert_element_type3A_239 = arith.sitofp %min3A_218 : i32 to f32
          %sub3A_240 = vector.broadcast %convert_element_type3A_239 : f32 to vector<16xf32>
          %sub3A_241 = arith.subf %sub3A_238, %sub3A_240 : vector<16xf32>
          %sub3A_242 = arith.constant 1.000000e+00 : f32
          %sub3A_243 = vector.broadcast %sub3A_242 : f32 to vector<16xf32>
          %sub3A_244 = arith.subf %sub3A_243, %sub3A_241 : vector<16xf32>
          %mul3A_245 = arith.constant 16 : i32
          %mul3A_246 = arith.muli %scan3A_185, %mul3A_245 : i32
          %get3A = arith.index_cast %scan3A_102 : i32 to index
          %get3A_247 = arith.index_cast %mul3A_246 : i32 to index
          %get3A_248 = tpu.vector_load %arg8[%get3A, %get3A_247] {strides = array<i32>} : memref<8x512xf32, #tpu.memory_space<vmem>>, vector<16xf32>,
          %mul3A_249 = arith.constant 8.000000e+00 : f32
          %mul3A_250 = vector.broadcast %mul3A_249 : f32 to vector<16xf32>
          %mul3A_251 = arith.mulf %get3A_248, %mul3A_250 : vector<16xf32>
          %jit3A_252 = arith.constant 5.000000e-01 : f32
          %jit3A_253 = arith.constant 7.500000e+00 : f32
          %max3A_254 = vector.broadcast %jit3A_252 : f32 to vector<16xf32>
          %max3A_255 = arith.maximumf %max3A_254, %mul3A_251 : vector<16xf32>
          %min3A_256 = vector.broadcast %jit3A_253 : f32 to vector<16xf32>
          %min3A_257 = arith.minimumf %min3A_256, %max3A_255 : vector<16xf32>
          %sub3A_258 = arith.constant 5.000000e-01 : f32
          %sub3A_259 = vector.broadcast %sub3A_258 : f32 to vector<16xf32>
          %sub3A_260 = arith.subf %min3A_257, %sub3A_259 : vector<16xf32>
          %convert_element_type3A_261 = arith.fptosi %sub3A_260 : vector<16xf32> to vector<16xi32>
          %min3A_262 = arith.constant 6 : i32
          %min3A_263 = vector.broadcast %min3A_262 : i32 to vector<16xi32>
          %min3A_264 = arith.minsi %convert_element_type3A_261, %min3A_263 : vector<16xi32>
          %convert_element_type3A_265 = arith.sitofp %min3A_264 : vector<16xi32> to vector<16xf32>
          %sub3A_266 = arith.subf %sub3A_260, %convert_element_type3A_265 : vector<16xf32>
          %sub3A_267 = arith.constant 1.000000e+00 : f32
          %sub3A_268 = vector.broadcast %sub3A_267 : f32 to vector<16xf32>
          %sub3A_269 = arith.subf %sub3A_268, %sub3A_266 : vector<16xf32>
          %mul3A_270 = arith.constant 96 : i32
          %mul3A_271 = arith.muli %min3A_218, %mul3A_270 : i32
          %add3A_272 = vector.broadcast %mul3A_271 : i32 to vector<16xi32>
          %add3A_273 = arith.addi %min3A_264, %add3A_272 : vector<16xi32>
          %add3A_274 = arith.constant 0 : i32
          %add3A_275 = vector.broadcast %add3A_274 : i32 to vector<16xi32>
          %add3A_276 = arith.addi %add3A_273, %add3A_275 : vector<16xi32>
          %gather3A = tpu.vector_load_idx %arg7[%add3A_276] : memref<1536xf32, #tpu.memory_space<vmem>>[vector<16xi32>], vector<16xf32>,
          %add3A_277 = arith.constant 1 : i32
          %add3A_278 = vector.broadcast %add3A_277 : i32 to vector<16xi32>
          %add3A_279 = arith.addi %add3A_273, %add3A_278 : vector<16xi32>
          %gather3A_280 = tpu.vector_load_idx %arg7[%add3A_279] : memref<1536xf32, #tpu.memory_space<vmem>>[vector<16xi32>], vector<16xf32>,
          %add3A_281 = arith.constant 96 : i32
          %add3A_282 = vector.broadcast %add3A_281 : i32 to vector<16xi32>
          %add3A_283 = arith.addi %add3A_273, %add3A_282 : vector<16xi32>
          %gather3A_284 = tpu.vector_load_idx %arg7[%add3A_283] : memref<1536xf32, #tpu.memory_space<vmem>>[vector<16xi32>], vector<16xf32>,
          %add3A_285 = arith.constant 97 : i32
          %add3A_286 = vector.broadcast %add3A_285 : i32 to vector<16xi32>
          %add3A_287 = arith.addi %add3A_273, %add3A_286 : vector<16xi32>
          %gather3A_288 = tpu.vector_load_idx %arg7[%add3A_287] : memref<1536xf32, #tpu.memory_space<vmem>>[vector<16xi32>], vector<16xf32>,
          %mul3A_289 = arith.mulf %sub3A_269, %gather3A : vector<16xf32>
          %mul3A_290 = arith.mulf %sub3A_266, %gather3A_280 : vector<16xf32>
          %add3A_291 = arith.addf %mul3A_289, %mul3A_290 : vector<16xf32>
          %mul3A_292 = arith.mulf %sub3A_269, %gather3A_284 : vector<16xf32>
          %mul3A_293 = arith.mulf %sub3A_266, %gather3A_288 : vector<16xf32>
          %add3A_294 = arith.addf %mul3A_292, %mul3A_293 : vector<16xf32>
          %mul3A_295 = arith.mulf %sub3A_244, %add3A_291 : vector<16xf32>
          %mul3A_296 = arith.mulf %sub3A_241, %add3A_294 : vector<16xf32>
          %add3A_297 = arith.addf %mul3A_295, %mul3A_296 : vector<16xf32>
          %add3A_298 = arith.constant 8 : i32
          %add3A_299 = vector.broadcast %add3A_298 : i32 to vector<16xi32>
          %add3A_300 = arith.addi %add3A_273, %add3A_299 : vector<16xi32>
          %gather3A_301 = tpu.vector_load_idx %arg7[%add3A_300] : memref<1536xf32, #tpu.memory_space<vmem>>[vector<16xi32>], vector<16xf32>,
          %add3A_302 = arith.constant 9 : i32
          %add3A_303 = vector.broadcast %add3A_302 : i32 to vector<16xi32>
          %add3A_304 = arith.addi %add3A_273, %add3A_303 : vector<16xi32>
          %gather3A_305 = tpu.vector_load_idx %arg7[%add3A_304] : memref<1536xf32, #tpu.memory_space<vmem>>[vector<16xi32>], vector<16xf32>,
          %add3A_306 = arith.constant 104 : i32
          %add3A_307 = vector.broadcast %add3A_306 : i32 to vector<16xi32>
          %add3A_308 = arith.addi %add3A_273, %add3A_307 : vector<16xi32>
          %gather3A_309 = tpu.vector_load_idx %arg7[%add3A_308] : memref<1536xf32, #tpu.memory_space<vmem>>[vector<16xi32>], vector<16xf32>,
          %add3A_310 = arith.constant 105 : i32
          %add3A_311 = vector.broadcast %add3A_310 : i32 to vector<16xi32>
          %add3A_312 = arith.addi %add3A_273, %add3A_311 : vector<16xi32>
          %gather3A_313 = tpu.vector_load_idx %arg7[%add3A_312] : memref<1536xf32, #tpu.memory_space<vmem>>[vector<16xi32>], vector<16xf32>,
          %mul3A_314 = arith.mulf %sub3A_269, %gather3A_301 : vector<16xf32>
          %mul3A_315 = arith.mulf %sub3A_266, %gather3A_305 : vector<16xf32>
          %add3A_316 = arith.addf %mul3A_314, %mul3A_315 : vector<16xf32>
          %mul3A_317 = arith.mulf %sub3A_269, %gather3A_309 : vector<16xf32>
          %mul3A_318 = arith.mulf %sub3A_266, %gather3A_313 : vector<16xf32>
          %add3A_319 = arith.addf %mul3A_317, %mul3A_318 : vector<16xf32>
          %mul3A_320 = arith.mulf %sub3A_244, %add3A_316 : vector<16xf32>
          %mul3A_321 = arith.mulf %sub3A_241, %add3A_319 : vector<16xf32>
          %add3A_322 = arith.addf %mul3A_320, %mul3A_321 : vector<16xf32>
          %add3A_323 = arith.constant 16 : i32
          %add3A_324 = vector.broadcast %add3A_323 : i32 to vector<16xi32>
          %add3A_325 = arith.addi %add3A_273, %add3A_324 : vector<16xi32>
          %gather3A_326 = tpu.vector_load_idx %arg7[%add3A_325] : memref<1536xf32, #tpu.memory_space<vmem>>[vector<16xi32>], vector<16xf32>,
          %add3A_327 = arith.constant 17 : i32
          %add3A_328 = vector.broadcast %add3A_327 : i32 to vector<16xi32>
          %add3A_329 = arith.addi %add3A_273, %add3A_328 : vector<16xi32>
          %gather3A_330 = tpu.vector_load_idx %arg7[%add3A_329] : memref<1536xf32, #tpu.memory_space<vmem>>[vector<16xi32>], vector<16xf32>,
          %add3A_331 = arith.constant 112 : i32
          %add3A_332 = vector.broadcast %add3A_331 : i32 to vector<16xi32>
          %add3A_333 = arith.addi %add3A_273, %add3A_332 : vector<16xi32>
          %gather3A_334 = tpu.vector_load_idx %arg7[%add3A_333] : memref<1536xf32, #tpu.memory_space<vmem>>[vector<16xi32>], vector<16xf32>,
          %add3A_335 = arith.constant 113 : i32
          %add3A_336 = vector.broadcast %add3A_335 : i32 to vector<16xi32>
          %add3A_337 = arith.addi %add3A_273, %add3A_336 : vector<16xi32>
          %gather3A_338 = tpu.vector_load_idx %arg7[%add3A_337] : memref<1536xf32, #tpu.memory_space<vmem>>[vector<16xi32>], vector<16xf32>,
          %mul3A_339 = arith.mulf %sub3A_269, %gather3A_326 : vector<16xf32>
          %mul3A_340 = arith.mulf %sub3A_266, %gather3A_330 : vector<16xf32>
          %add3A_341 = arith.addf %mul3A_339, %mul3A_340 : vector<16xf32>
          %mul3A_342 = arith.mulf %sub3A_269, %gather3A_334 : vector<16xf32>
          %mul3A_343 = arith.mulf %sub3A_266, %gather3A_338 : vector<16xf32>
          %add3A_344 = arith.addf %mul3A_342, %mul3A_343 : vector<16xf32>
          %mul3A_345 = arith.mulf %sub3A_244, %add3A_341 : vector<16xf32>
          %mul3A_346 = arith.mulf %sub3A_241, %add3A_344 : vector<16xf32>
          %add3A_347 = arith.addf %mul3A_345, %mul3A_346 : vector<16xf32>
          %add3A_348 = arith.constant 24 : i32
          %add3A_349 = vector.broadcast %add3A_348 : i32 to vector<16xi32>
          %add3A_350 = arith.addi %add3A_273, %add3A_349 : vector<16xi32>
          %gather3A_351 = tpu.vector_load_idx %arg7[%add3A_350] : memref<1536xf32, #tpu.memory_space<vmem>>[vector<16xi32>], vector<16xf32>,
          %add3A_352 = arith.constant 25 : i32
          %add3A_353 = vector.broadcast %add3A_352 : i32 to vector<16xi32>
          %add3A_354 = arith.addi %add3A_273, %add3A_353 : vector<16xi32>
          %gather3A_355 = tpu.vector_load_idx %arg7[%add3A_354] : memref<1536xf32, #tpu.memory_space<vmem>>[vector<16xi32>], vector<16xf32>,
          %add3A_356 = arith.constant 120 : i32
          %add3A_357 = vector.broadcast %add3A_356 : i32 to vector<16xi32>
          %add3A_358 = arith.addi %add3A_273, %add3A_357 : vector<16xi32>
          %gather3A_359 = tpu.vector_load_idx %arg7[%add3A_358] : memref<1536xf32, #tpu.memory_space<vmem>>[vector<16xi32>], vector<16xf32>,
          %add3A_360 = arith.constant 121 : i32
          %add3A_361 = vector.broadcast %add3A_360 : i32 to vector<16xi32>
          %add3A_362 = arith.addi %add3A_273, %add3A_361 : vector<16xi32>
          %gather3A_363 = tpu.vector_load_idx %arg7[%add3A_362] : memref<1536xf32, #tpu.memory_space<vmem>>[vector<16xi32>], vector<16xf32>,
          %mul3A_364 = arith.mulf %sub3A_269, %gather3A_351 : vector<16xf32>
          %mul3A_365 = arith.mulf %sub3A_266, %gather3A_355 : vector<16xf32>
          %add3A_366 = arith.addf %mul3A_364, %mul3A_365 : vector<16xf32>
          %mul3A_367 = arith.mulf %sub3A_269, %gather3A_359 : vector<16xf32>
          %mul3A_368 = arith.mulf %sub3A_266, %gather3A_363 : vector<16xf32>
          %add3A_369 = arith.addf %mul3A_367, %mul3A_368 : vector<16xf32>
          %mul3A_370 = arith.mulf %sub3A_244, %add3A_366 : vector<16xf32>
          %mul3A_371 = arith.mulf %sub3A_241, %add3A_369 : vector<16xf32>
          %add3A_372 = arith.addf %mul3A_370, %mul3A_371 : vector<16xf32>
          %add3A_373 = arith.constant 32 : i32
          %add3A_374 = vector.broadcast %add3A_373 : i32 to vector<16xi32>
          %add3A_375 = arith.addi %add3A_273, %add3A_374 : vector<16xi32>
          %gather3A_376 = tpu.vector_load_idx %arg7[%add3A_375] : memref<1536xf32, #tpu.memory_space<vmem>>[vector<16xi32>], vector<16xf32>,
          %add3A_377 = arith.constant 33 : i32
          %add3A_378 = vector.broadcast %add3A_377 : i32 to vector<16xi32>
          %add3A_379 = arith.addi %add3A_273, %add3A_378 : vector<16xi32>
          %gather3A_380 = tpu.vector_load_idx %arg7[%add3A_379] : memref<1536xf32, #tpu.memory_space<vmem>>[vector<16xi32>], vector<16xf32>,
          %add3A_381 = arith.constant 128 : i32
          %add3A_382 = vector.broadcast %add3A_381 : i32 to vector<16xi32>
          %add3A_383 = arith.addi %add3A_273, %add3A_382 : vector<16xi32>
          %gather3A_384 = tpu.vector_load_idx %arg7[%add3A_383] : memref<1536xf32, #tpu.memory_space<vmem>>[vector<16xi32>], vector<16xf32>,
          %add3A_385 = arith.constant 129 : i32
          %add3A_386 = vector.broadcast %add3A_385 : i32 to vector<16xi32>
          %add3A_387 = arith.addi %add3A_273, %add3A_386 : vector<16xi32>
          %gather3A_388 = tpu.vector_load_idx %arg7[%add3A_387] : memref<1536xf32, #tpu.memory_space<vmem>>[vector<16xi32>], vector<16xf32>,
          %mul3A_389 = arith.mulf %sub3A_269, %gather3A_376 : vector<16xf32>
          %mul3A_390 = arith.mulf %sub3A_266, %gather3A_380 : vector<16xf32>
          %add3A_391 = arith.addf %mul3A_389, %mul3A_390 : vector<16xf32>
          %mul3A_392 = arith.mulf %sub3A_269, %gather3A_384 : vector<16xf32>
          %mul3A_393 = arith.mulf %sub3A_266, %gather3A_388 : vector<16xf32>
          %add3A_394 = arith.addf %mul3A_392, %mul3A_393 : vector<16xf32>
          %mul3A_395 = arith.mulf %sub3A_244, %add3A_391 : vector<16xf32>
          %mul3A_396 = arith.mulf %sub3A_241, %add3A_394 : vector<16xf32>
          %add3A_397 = arith.addf %mul3A_395, %mul3A_396 : vector<16xf32>
          %add3A_398 = arith.constant 40 : i32
          %add3A_399 = vector.broadcast %add3A_398 : i32 to vector<16xi32>
          %add3A_400 = arith.addi %add3A_273, %add3A_399 : vector<16xi32>
          %gather3A_401 = tpu.vector_load_idx %arg7[%add3A_400] : memref<1536xf32, #tpu.memory_space<vmem>>[vector<16xi32>], vector<16xf32>,
          %add3A_402 = arith.constant 41 : i32
          %add3A_403 = vector.broadcast %add3A_402 : i32 to vector<16xi32>
          %add3A_404 = arith.addi %add3A_273, %add3A_403 : vector<16xi32>
          %gather3A_405 = tpu.vector_load_idx %arg7[%add3A_404] : memref<1536xf32, #tpu.memory_space<vmem>>[vector<16xi32>], vector<16xf32>,
          %add3A_406 = arith.constant 136 : i32
          %add3A_407 = vector.broadcast %add3A_406 : i32 to vector<16xi32>
          %add3A_408 = arith.addi %add3A_273, %add3A_407 : vector<16xi32>
          %gather3A_409 = tpu.vector_load_idx %arg7[%add3A_408] : memref<1536xf32, #tpu.memory_space<vmem>>[vector<16xi32>], vector<16xf32>,
          %add3A_410 = arith.constant 137 : i32
          %add3A_411 = vector.broadcast %add3A_410 : i32 to vector<16xi32>
          %add3A_412 = arith.addi %add3A_273, %add3A_411 : vector<16xi32>
          %gather3A_413 = tpu.vector_load_idx %arg7[%add3A_412] : memref<1536xf32, #tpu.memory_space<vmem>>[vector<16xi32>], vector<16xf32>,
          %mul3A_414 = arith.mulf %sub3A_269, %gather3A_401 : vector<16xf32>
          %mul3A_415 = arith.mulf %sub3A_266, %gather3A_405 : vector<16xf32>
          %add3A_416 = arith.addf %mul3A_414, %mul3A_415 : vector<16xf32>
          %mul3A_417 = arith.mulf %sub3A_269, %gather3A_409 : vector<16xf32>
          %mul3A_418 = arith.mulf %sub3A_266, %gather3A_413 : vector<16xf32>
          %add3A_419 = arith.addf %mul3A_417, %mul3A_418 : vector<16xf32>
          %mul3A_420 = arith.mulf %sub3A_244, %add3A_416 : vector<16xf32>
          %mul3A_421 = arith.mulf %sub3A_241, %add3A_419 : vector<16xf32>
          %add3A_422 = arith.addf %mul3A_420, %mul3A_421 : vector<16xf32>
          %add3A_423 = arith.constant 48 : i32
          %add3A_424 = vector.broadcast %add3A_423 : i32 to vector<16xi32>
          %add3A_425 = arith.addi %add3A_273, %add3A_424 : vector<16xi32>
          %gather3A_426 = tpu.vector_load_idx %arg7[%add3A_425] : memref<1536xf32, #tpu.memory_space<vmem>>[vector<16xi32>], vector<16xf32>,
          %add3A_427 = arith.constant 49 : i32
          %add3A_428 = vector.broadcast %add3A_427 : i32 to vector<16xi32>
          %add3A_429 = arith.addi %add3A_273, %add3A_428 : vector<16xi32>
          %gather3A_430 = tpu.vector_load_idx %arg7[%add3A_429] : memref<1536xf32, #tpu.memory_space<vmem>>[vector<16xi32>], vector<16xf32>,
          %add3A_431 = arith.constant 144 : i32
          %add3A_432 = vector.broadcast %add3A_431 : i32 to vector<16xi32>
          %add3A_433 = arith.addi %add3A_273, %add3A_432 : vector<16xi32>
          %gather3A_434 = tpu.vector_load_idx %arg7[%add3A_433] : memref<1536xf32, #tpu.memory_space<vmem>>[vector<16xi32>], vector<16xf32>,
          %add3A_435 = arith.constant 145 : i32
          %add3A_436 = vector.broadcast %add3A_435 : i32 to vector<16xi32>
          %add3A_437 = arith.addi %add3A_273, %add3A_436 : vector<16xi32>
          %gather3A_438 = tpu.vector_load_idx %arg7[%add3A_437] : memref<1536xf32, #tpu.memory_space<vmem>>[vector<16xi32>], vector<16xf32>,
          %mul3A_439 = arith.mulf %sub3A_269, %gather3A_426 : vector<16xf32>
          %mul3A_440 = arith.mulf %sub3A_266, %gather3A_430 : vector<16xf32>
          %add3A_441 = arith.addf %mul3A_439, %mul3A_440 : vector<16xf32>
          %mul3A_442 = arith.mulf %sub3A_269, %gather3A_434 : vector<16xf32>
          %mul3A_443 = arith.mulf %sub3A_266, %gather3A_438 : vector<16xf32>
          %add3A_444 = arith.addf %mul3A_442, %mul3A_443 : vector<16xf32>
          %mul3A_445 = arith.mulf %sub3A_244, %add3A_441 : vector<16xf32>
          %mul3A_446 = arith.mulf %sub3A_241, %add3A_444 : vector<16xf32>
          %add3A_447 = arith.addf %mul3A_445, %mul3A_446 : vector<16xf32>
          %add3A_448 = arith.constant 56 : i32
          %add3A_449 = vector.broadcast %add3A_448 : i32 to vector<16xi32>
          %add3A_450 = arith.addi %add3A_273, %add3A_449 : vector<16xi32>
          %gather3A_451 = tpu.vector_load_idx %arg7[%add3A_450] : memref<1536xf32, #tpu.memory_space<vmem>>[vector<16xi32>], vector<16xf32>,
          %add3A_452 = arith.constant 57 : i32
          %add3A_453 = vector.broadcast %add3A_452 : i32 to vector<16xi32>
          %add3A_454 = arith.addi %add3A_273, %add3A_453 : vector<16xi32>
          %gather3A_455 = tpu.vector_load_idx %arg7[%add3A_454] : memref<1536xf32, #tpu.memory_space<vmem>>[vector<16xi32>], vector<16xf32>,
          %add3A_456 = arith.constant 152 : i32
          %add3A_457 = vector.broadcast %add3A_456 : i32 to vector<16xi32>
          %add3A_458 = arith.addi %add3A_273, %add3A_457 : vector<16xi32>
          %gather3A_459 = tpu.vector_load_idx %arg7[%add3A_458] : memref<1536xf32, #tpu.memory_space<vmem>>[vector<16xi32>], vector<16xf32>,
          %add3A_460 = arith.constant 153 : i32
          %add3A_461 = vector.broadcast %add3A_460 : i32 to vector<16xi32>
          %add3A_462 = arith.addi %add3A_273, %add3A_461 : vector<16xi32>
          %gather3A_463 = tpu.vector_load_idx %arg7[%add3A_462] : memref<1536xf32, #tpu.memory_space<vmem>>[vector<16xi32>], vector<16xf32>,
          %mul3A_464 = arith.mulf %sub3A_269, %gather3A_451 : vector<16xf32>
          %mul3A_465 = arith.mulf %sub3A_266, %gather3A_455 : vector<16xf32>
          %add3A_466 = arith.addf %mul3A_464, %mul3A_465 : vector<16xf32>
          %mul3A_467 = arith.mulf %sub3A_269, %gather3A_459 : vector<16xf32>
          %mul3A_468 = arith.mulf %sub3A_266, %gather3A_463 : vector<16xf32>
          %add3A_469 = arith.addf %mul3A_467, %mul3A_468 : vector<16xf32>
          %mul3A_470 = arith.mulf %sub3A_244, %add3A_466 : vector<16xf32>
          %mul3A_471 = arith.mulf %sub3A_241, %add3A_469 : vector<16xf32>
          %add3A_472 = arith.addf %mul3A_470, %mul3A_471 : vector<16xf32>
          %add3A_473 = arith.constant 64 : i32
          %add3A_474 = vector.broadcast %add3A_473 : i32 to vector<16xi32>
          %add3A_475 = arith.addi %add3A_273, %add3A_474 : vector<16xi32>
          %gather3A_476 = tpu.vector_load_idx %arg7[%add3A_475] : memref<1536xf32, #tpu.memory_space<vmem>>[vector<16xi32>], vector<16xf32>,
          %add3A_477 = arith.constant 65 : i32
          %add3A_478 = vector.broadcast %add3A_477 : i32 to vector<16xi32>
          %add3A_479 = arith.addi %add3A_273, %add3A_478 : vector<16xi32>
          %gather3A_480 = tpu.vector_load_idx %arg7[%add3A_479] : memref<1536xf32, #tpu.memory_space<vmem>>[vector<16xi32>], vector<16xf32>,
          %add3A_481 = arith.constant 160 : i32
          %add3A_482 = vector.broadcast %add3A_481 : i32 to vector<16xi32>
          %add3A_483 = arith.addi %add3A_273, %add3A_482 : vector<16xi32>
          %gather3A_484 = tpu.vector_load_idx %arg7[%add3A_483] : memref<1536xf32, #tpu.memory_space<vmem>>[vector<16xi32>], vector<16xf32>,
          %add3A_485 = arith.constant 161 : i32
          %add3A_486 = vector.broadcast %add3A_485 : i32 to vector<16xi32>
          %add3A_487 = arith.addi %add3A_273, %add3A_486 : vector<16xi32>
          %gather3A_488 = tpu.vector_load_idx %arg7[%add3A_487] : memref<1536xf32, #tpu.memory_space<vmem>>[vector<16xi32>], vector<16xf32>,
          %mul3A_489 = arith.mulf %sub3A_269, %gather3A_476 : vector<16xf32>
          %mul3A_490 = arith.mulf %sub3A_266, %gather3A_480 : vector<16xf32>
          %add3A_491 = arith.addf %mul3A_489, %mul3A_490 : vector<16xf32>
          %mul3A_492 = arith.mulf %sub3A_269, %gather3A_484 : vector<16xf32>
          %mul3A_493 = arith.mulf %sub3A_266, %gather3A_488 : vector<16xf32>
          %add3A_494 = arith.addf %mul3A_492, %mul3A_493 : vector<16xf32>
          %mul3A_495 = arith.mulf %sub3A_244, %add3A_491 : vector<16xf32>
          %mul3A_496 = arith.mulf %sub3A_241, %add3A_494 : vector<16xf32>
          %add3A_497 = arith.addf %mul3A_495, %mul3A_496 : vector<16xf32>
          %add3A_498 = arith.constant 72 : i32
          %add3A_499 = vector.broadcast %add3A_498 : i32 to vector<16xi32>
          %add3A_500 = arith.addi %add3A_273, %add3A_499 : vector<16xi32>
          %gather3A_501 = tpu.vector_load_idx %arg7[%add3A_500] : memref<1536xf32, #tpu.memory_space<vmem>>[vector<16xi32>], vector<16xf32>,
          %add3A_502 = arith.constant 73 : i32
          %add3A_503 = vector.broadcast %add3A_502 : i32 to vector<16xi32>
          %add3A_504 = arith.addi %add3A_273, %add3A_503 : vector<16xi32>
          %gather3A_505 = tpu.vector_load_idx %arg7[%add3A_504] : memref<1536xf32, #tpu.memory_space<vmem>>[vector<16xi32>], vector<16xf32>,
          %add3A_506 = arith.constant 168 : i32
          %add3A_507 = vector.broadcast %add3A_506 : i32 to vector<16xi32>
          %add3A_508 = arith.addi %add3A_273, %add3A_507 : vector<16xi32>
          %gather3A_509 = tpu.vector_load_idx %arg7[%add3A_508] : memref<1536xf32, #tpu.memory_space<vmem>>[vector<16xi32>], vector<16xf32>,
          %add3A_510 = arith.constant 169 : i32
          %add3A_511 = vector.broadcast %add3A_510 : i32 to vector<16xi32>
          %add3A_512 = arith.addi %add3A_273, %add3A_511 : vector<16xi32>
          %gather3A_513 = tpu.vector_load_idx %arg7[%add3A_512] : memref<1536xf32, #tpu.memory_space<vmem>>[vector<16xi32>], vector<16xf32>,
          %mul3A_514 = arith.mulf %sub3A_269, %gather3A_501 : vector<16xf32>
          %mul3A_515 = arith.mulf %sub3A_266, %gather3A_505 : vector<16xf32>
          %add3A_516 = arith.addf %mul3A_514, %mul3A_515 : vector<16xf32>
          %mul3A_517 = arith.mulf %sub3A_269, %gather3A_509 : vector<16xf32>
          %mul3A_518 = arith.mulf %sub3A_266, %gather3A_513 : vector<16xf32>
          %add3A_519 = arith.addf %mul3A_517, %mul3A_518 : vector<16xf32>
          %mul3A_520 = arith.mulf %sub3A_244, %add3A_516 : vector<16xf32>
          %mul3A_521 = arith.mulf %sub3A_241, %add3A_519 : vector<16xf32>
          %add3A_522 = arith.addf %mul3A_520, %mul3A_521 : vector<16xf32>
          %add3A_523 = arith.constant 80 : i32
          %add3A_524 = vector.broadcast %add3A_523 : i32 to vector<16xi32>
          %add3A_525 = arith.addi %add3A_273, %add3A_524 : vector<16xi32>
          %gather3A_526 = tpu.vector_load_idx %arg7[%add3A_525] : memref<1536xf32, #tpu.memory_space<vmem>>[vector<16xi32>], vector<16xf32>,
          %add3A_527 = arith.constant 81 : i32
          %add3A_528 = vector.broadcast %add3A_527 : i32 to vector<16xi32>
          %add3A_529 = arith.addi %add3A_273, %add3A_528 : vector<16xi32>
          %gather3A_530 = tpu.vector_load_idx %arg7[%add3A_529] : memref<1536xf32, #tpu.memory_space<vmem>>[vector<16xi32>], vector<16xf32>,
          %add3A_531 = arith.constant 176 : i32
          %add3A_532 = vector.broadcast %add3A_531 : i32 to vector<16xi32>
          %add3A_533 = arith.addi %add3A_273, %add3A_532 : vector<16xi32>
          %gather3A_534 = tpu.vector_load_idx %arg7[%add3A_533] : memref<1536xf32, #tpu.memory_space<vmem>>[vector<16xi32>], vector<16xf32>,
          %add3A_535 = arith.constant 177 : i32
          %add3A_536 = vector.broadcast %add3A_535 : i32 to vector<16xi32>
          %add3A_537 = arith.addi %add3A_273, %add3A_536 : vector<16xi32>
          %gather3A_538 = tpu.vector_load_idx %arg7[%add3A_537] : memref<1536xf32, #tpu.memory_space<vmem>>[vector<16xi32>], vector<16xf32>,
          %mul3A_539 = arith.mulf %sub3A_269, %gather3A_526 : vector<16xf32>
          %mul3A_540 = arith.mulf %sub3A_266, %gather3A_530 : vector<16xf32>
          %add3A_541 = arith.addf %mul3A_539, %mul3A_540 : vector<16xf32>
          %mul3A_542 = arith.mulf %sub3A_269, %gather3A_534 : vector<16xf32>
          %mul3A_543 = arith.mulf %sub3A_266, %gather3A_538 : vector<16xf32>
          %add3A_544 = arith.addf %mul3A_542, %mul3A_543 : vector<16xf32>
          %mul3A_545 = arith.mulf %sub3A_244, %add3A_541 : vector<16xf32>
          %mul3A_546 = arith.mulf %sub3A_241, %add3A_544 : vector<16xf32>
          %add3A_547 = arith.addf %mul3A_545, %mul3A_546 : vector<16xf32>
          %add3A_548 = arith.constant 88 : i32
          %add3A_549 = vector.broadcast %add3A_548 : i32 to vector<16xi32>
          %add3A_550 = arith.addi %add3A_273, %add3A_549 : vector<16xi32>
          %gather3A_551 = tpu.vector_load_idx %arg7[%add3A_550] : memref<1536xf32, #tpu.memory_space<vmem>>[vector<16xi32>], vector<16xf32>,
          %add3A_552 = arith.constant 89 : i32
          %add3A_553 = vector.broadcast %add3A_552 : i32 to vector<16xi32>
          %add3A_554 = arith.addi %add3A_273, %add3A_553 : vector<16xi32>
          %gather3A_555 = tpu.vector_load_idx %arg7[%add3A_554] : memref<1536xf32, #tpu.memory_space<vmem>>[vector<16xi32>], vector<16xf32>,
          %add3A_556 = arith.constant 184 : i32
          %add3A_557 = vector.broadcast %add3A_556 : i32 to vector<16xi32>
          %add3A_558 = arith.addi %add3A_273, %add3A_557 : vector<16xi32>
          %gather3A_559 = tpu.vector_load_idx %arg7[%add3A_558] : memref<1536xf32, #tpu.memory_space<vmem>>[vector<16xi32>], vector<16xf32>,
          %add3A_560 = arith.constant 185 : i32
          %add3A_561 = vector.broadcast %add3A_560 : i32 to vector<16xi32>
          %add3A_562 = arith.addi %add3A_273, %add3A_561 : vector<16xi32>
          %gather3A_563 = tpu.vector_load_idx %arg7[%add3A_562] : memref<1536xf32, #tpu.memory_space<vmem>>[vector<16xi32>], vector<16xf32>,
          %mul3A_564 = arith.mulf %sub3A_269, %gather3A_551 : vector<16xf32>
          %mul3A_565 = arith.mulf %sub3A_266, %gather3A_555 : vector<16xf32>
          %add3A_566 = arith.addf %mul3A_564, %mul3A_565 : vector<16xf32>
          %mul3A_567 = arith.mulf %sub3A_269, %gather3A_559 : vector<16xf32>
          %mul3A_568 = arith.mulf %sub3A_266, %gather3A_563 : vector<16xf32>
          %add3A_569 = arith.addf %mul3A_567, %mul3A_568 : vector<16xf32>
          %mul3A_570 = arith.mulf %sub3A_244, %add3A_566 : vector<16xf32>
          %mul3A_571 = arith.mulf %sub3A_241, %add3A_569 : vector<16xf32>
          %add3A_572 = arith.addf %mul3A_570, %mul3A_571 : vector<16xf32>
          %get3A_573 = arith.constant 0 : i32
          %get3A_574 = arith.index_cast %get3A_573 : i32 to index
          %get3A_575 = arith.index_cast %scan3A_102 : i32 to index
          %get3A_576 = arith.index_cast %mul3A_246 : i32 to index
          %get3A_577 = tpu.vector_load %arg9[%get3A_574, %get3A_575, %get3A_576] {strides = array<i32>} : memref<3x8x512xf32, #tpu.memory_space<vmem>>, vector<16xf32>,
          %get3A_578 = arith.constant 1 : i32
          %get3A_579 = arith.index_cast %get3A_578 : i32 to index
          %get3A_580 = arith.index_cast %scan3A_102 : i32 to index
          %get3A_581 = arith.index_cast %mul3A_246 : i32 to index
          %get3A_582 = tpu.vector_load %arg9[%get3A_579, %get3A_580, %get3A_581] {strides = array<i32>} : memref<3x8x512xf32, #tpu.memory_space<vmem>>, vector<16xf32>,
          %get3A_583 = arith.constant 2 : i32
          %get3A_584 = arith.index_cast %get3A_583 : i32 to index
          %get3A_585 = arith.index_cast %scan3A_102 : i32 to index
          %get3A_586 = arith.index_cast %mul3A_246 : i32 to index
          %get3A_587 = tpu.vector_load %arg9[%get3A_584, %get3A_585, %get3A_586] {strides = array<i32>} : memref<3x8x512xf32, #tpu.memory_space<vmem>>, vector<16xf32>,
          %mul3A_588 = arith.mulf %add3A_297, %get3A_577 : vector<16xf32>
          %mul3A_589 = arith.mulf %add3A_322, %get3A_582 : vector<16xf32>
          %add3A_590 = arith.addf %mul3A_588, %mul3A_589 : vector<16xf32>
          %mul3A_591 = arith.mulf %add3A_347, %get3A_587 : vector<16xf32>
          %add3A_592 = arith.addf %add3A_590, %mul3A_591 : vector<16xf32>
          %add3A_593 = arith.addf %add3A_592, %add3A_372 : vector<16xf32>
          %swap3A = arith.constant 0 : i32
          %swap3A_594 = arith.index_cast %swap3A : i32 to index
          %swap3A_595 = arith.index_cast %scan3A_102 : i32 to index
          %swap3A_596 = arith.index_cast %mul3A_246 : i32 to index
          %swap3A_597 = tpu.vector_load %arg10[%swap3A_594, %swap3A_595, %swap3A_596] {strides = array<i32>} : memref<3x8x512xf32, #tpu.memory_space<vmem>>, vector<16xf32>,
          tpu.vector_store %arg10[%swap3A_594, %swap3A_595, %swap3A_596], %add3A_593 {strides = array<i32>} : memref<3x8x512xf32, #tpu.memory_space<vmem>>, vector<16xf32>,
          %mul3A_598 = arith.mulf %add3A_397, %get3A_577 : vector<16xf32>
          %mul3A_599 = arith.mulf %add3A_422, %get3A_582 : vector<16xf32>
          %add3A_600 = arith.addf %mul3A_598, %mul3A_599 : vector<16xf32>
          %mul3A_601 = arith.mulf %add3A_447, %get3A_587 : vector<16xf32>
          %add3A_602 = arith.addf %add3A_600, %mul3A_601 : vector<16xf32>
          %add3A_603 = arith.addf %add3A_602, %add3A_472 : vector<16xf32>
          %swap3A_604 = arith.constant 1 : i32
          %swap3A_605 = arith.index_cast %swap3A_604 : i32 to index
          %swap3A_606 = arith.index_cast %scan3A_102 : i32 to index
          %swap3A_607 = arith.index_cast %mul3A_246 : i32 to index
          %swap3A_608 = tpu.vector_load %arg10[%swap3A_605, %swap3A_606, %swap3A_607] {strides = array<i32>} : memref<3x8x512xf32, #tpu.memory_space<vmem>>, vector<16xf32>,
          tpu.vector_store %arg10[%swap3A_605, %swap3A_606, %swap3A_607], %add3A_603 {strides = array<i32>} : memref<3x8x512xf32, #tpu.memory_space<vmem>>, vector<16xf32>,
          %mul3A_609 = arith.mulf %add3A_497, %get3A_577 : vector<16xf32>
          %mul3A_610 = arith.mulf %add3A_522, %get3A_582 : vector<16xf32>
          %add3A_611 = arith.addf %mul3A_609, %mul3A_610 : vector<16xf32>
          %mul3A_612 = arith.mulf %add3A_547, %get3A_587 : vector<16xf32>
          %add3A_613 = arith.addf %add3A_611, %mul3A_612 : vector<16xf32>
          %add3A_614 = arith.addf %add3A_613, %add3A_572 : vector<16xf32>
          %swap3A_615 = arith.constant 2 : i32
          %swap3A_616 = arith.index_cast %swap3A_615 : i32 to index
          %swap3A_617 = arith.index_cast %scan3A_102 : i32 to index
          %swap3A_618 = arith.index_cast %mul3A_246 : i32 to index
          %swap3A_619 = tpu.vector_load %arg10[%swap3A_616, %swap3A_617, %swap3A_618] {strides = array<i32>} : memref<3x8x512xf32, #tpu.memory_space<vmem>>, vector<16xf32>,
          tpu.vector_store %arg10[%swap3A_616, %swap3A_617, %swap3A_618], %add3A_614 {strides = array<i32>} : memref<3x8x512xf32, #tpu.memory_space<vmem>>, vector<16xf32>,
          %scan3A_620 = arith.constant 1 : i32
          %scan3A_621 = arith.addi %scan3A_185, %scan3A_620 : i32
          %mul3A_622 = arith.constant 16 : i32
          %mul3A_623 = arith.muli %scan3A_621, %mul3A_622 : i32
          %add3A_624 = arith.addi %mul3A_179, %mul3A_623 : i32
          %sub3A_625 = arith.constant 1 : i32
          %sub3A_626 = arith.subi %scan3A_621, %sub3A_625 : i32
          %jit3A_627 = arith.constant 2 : i32
          %div3A_628 = arith.divsi %sub3A_626, %jit3A_627 : i32
          %sign3A_629 = arith.constant 0 : i32
          %sign3A_630 = arith.cmpi sgt, %sub3A_626, %sign3A_629 : i32
          %sign3A_631 = arith.extui %sign3A_630 : i1 to i32
          %sign3A_632 = arith.constant 0 : i32
          %sign3A_633 = arith.cmpi slt, %sub3A_626, %sign3A_632 : i32
          %sign3A_634 = arith.extui %sign3A_633 : i1 to i32
          %sign3A_635 = arith.subi %sign3A_631, %sign3A_634 : i32
          %sign3A_636 = arith.constant 0 : i32
          %sign3A_637 = arith.cmpi sgt, %jit3A_627, %sign3A_636 : i32
          %sign3A_638 = arith.extui %sign3A_637 : i1 to i32
          %sign3A_639 = arith.constant 0 : i32
          %sign3A_640 = arith.cmpi slt, %jit3A_627, %sign3A_639 : i32
          %sign3A_641 = arith.extui %sign3A_640 : i1 to i32
          %sign3A_642 = arith.subi %sign3A_638, %sign3A_641 : i32
          %ne3A_643 = arith.cmpi ne, %sign3A_635, %sign3A_642 : i32
          %rem3A_644 = arith.remsi %sub3A_626, %jit3A_627 : i32
          %ne3A_645 = arith.constant 0 : i32
          %ne3A_646 = arith.cmpi ne, %rem3A_644, %ne3A_645 : i32
          %and3A_647 = arith.andi %ne3A_643, %ne3A_646 : i1
          %sub3A_648 = arith.constant 1 : i32
          %sub3A_649 = arith.subi %div3A_628, %sub3A_648 : i32
          %select_n3A_650 = arith.select %and3A_647, %sub3A_649, %div3A_628 : i32
          %jit3A_651 = arith.constant 0 : i32
          %jit3A_652 = arith.constant 14 : i32
          %max3A_653 = arith.maxsi %jit3A_651, %select_n3A_650 : i32
          %min3A_654 = arith.minsi %jit3A_652, %max3A_653 : i32
          %mul3A_655 = arith.constant 16 : i32
          %mul3A_656 = arith.muli %scan3A_621, %mul3A_655 : i32
          %add3A_657 = vector.broadcast %mul3A_656 : i32 to vector<16xi32>
          %add3A_658 = arith.addi %add3A_657, %iota3A : vector<16xi32>
          %convert_element_type3A_659 = arith.sitofp %add3A_658 : vector<16xi32> to vector<16xf32>
          %add3A_660 = arith.constant 5.000000e-01 : f32
          %add3A_661 = vector.broadcast %add3A_660 : f32 to vector<16xf32>
          %add3A_662 = arith.addf %convert_element_type3A_659, %add3A_661 : vector<16xf32>
          %mul3A_663 = arith.constant 3.125000e-02 : f32
          %mul3A_664 = vector.broadcast %mul3A_663 : f32 to vector<16xf32>
          %mul3A_665 = arith.mulf %add3A_662, %mul3A_664 : vector<16xf32>
          %jit3A_666 = arith.constant 5.000000e-01 : f32
          %jit3A_667 = arith.constant 1.550000e+01 : f32
          %max3A_668 = vector.broadcast %jit3A_666 : f32 to vector<16xf32>
          %max3A_669 = arith.maximumf %max3A_668, %mul3A_665 : vector<16xf32>
          %min3A_670 = vector.broadcast %jit3A_667 : f32 to vector<16xf32>
          %min3A_671 = arith.minimumf %min3A_670, %max3A_669 : vector<16xf32>
          %sub3A_672 = arith.constant 5.000000e-01 : f32
          %sub3A_673 = vector.broadcast %sub3A_672 : f32 to vector<16xf32>
          %sub3A_674 = arith.subf %min3A_671, %sub3A_673 : vector<16xf32>
          %convert_element_type3A_675 = arith.sitofp %min3A_654 : i32 to f32
          %sub3A_676 = vector.broadcast %convert_element_type3A_675 : f32 to vector<16xf32>
          %sub3A_677 = arith.subf %sub3A_674, %sub3A_676 : vector<16xf32>
          %sub3A_678 = arith.constant 1.000000e+00 : f32
          %sub3A_679 = vector.broadcast %sub3A_678 : f32 to vector<16xf32>
          %sub3A_680 = arith.subf %sub3A_679, %sub3A_677 : vector<16xf32>
          %mul3A_681 = arith.constant 16 : i32
          %mul3A_682 = arith.muli %scan3A_621, %mul3A_681 : i32
          %get3A_683 = arith.index_cast %scan3A_102 : i32 to index
          %get3A_684 = arith.index_cast %mul3A_682 : i32 to index
          %get3A_685 = tpu.vector_load %arg8[%get3A_683, %get3A_684] {strides = array<i32>} : memref<8x512xf32, #tpu.memory_space<vmem>>, vector<16xf32>,
          %mul3A_686 = arith.constant 8.000000e+00 : f32
          %mul3A_687 = vector.broadcast %mul3A_686 : f32 to vector<16xf32>
          %mul3A_688 = arith.mulf %get3A_685, %mul3A_687 : vector<16xf32>
          %jit3A_689 = arith.constant 5.000000e-01 : f32
          %jit3A_690 = arith.constant 7.500000e+00 : f32
          %max3A_691 = vector.broadcast %jit3A_689 : f32 to vector<16xf32>
          %max3A_692 = arith.maximumf %max3A_691, %mul3A_688 : vector<16xf32>
          %min3A_693 = vector.broadcast %jit3A_690 : f32 to vector<16xf32>
          %min3A_694 = arith.minimumf %min3A_693, %max3A_692 : vector<16xf32>
          %sub3A_695 = arith.constant 5.000000e-01 : f32
          %sub3A_696 = vector.broadcast %sub3A_695 : f32 to vector<16xf32>
          %sub3A_697 = arith.subf %min3A_694, %sub3A_696 : vector<16xf32>
          %convert_element_type3A_698 = arith.fptosi %sub3A_697 : vector<16xf32> to vector<16xi32>
          %min3A_699 = arith.constant 6 : i32
          %min3A_700 = vector.broadcast %min3A_699 : i32 to vector<16xi32>
          %min3A_701 = arith.minsi %convert_element_type3A_698, %min3A_700 : vector<16xi32>
          %convert_element_type3A_702 = arith.sitofp %min3A_701 : vector<16xi32> to vector<16xf32>
          %sub3A_703 = arith.subf %sub3A_697, %convert_element_type3A_702 : vector<16xf32>
          %sub3A_704 = arith.constant 1.000000e+00 : f32
          %sub3A_705 = vector.broadcast %sub3A_704 : f32 to vector<16xf32>
          %sub3A_706 = arith.subf %sub3A_705, %sub3A_703 : vector<16xf32>
          %mul3A_707 = arith.constant 96 : i32
          %mul3A_708 = arith.muli %min3A_654, %mul3A_707 : i32
          %add3A_709 = vector.broadcast %mul3A_708 : i32 to vector<16xi32>
          %add3A_710 = arith.addi %min3A_701, %add3A_709 : vector<16xi32>
          %add3A_711 = arith.constant 0 : i32
          %add3A_712 = vector.broadcast %add3A_711 : i32 to vector<16xi32>
          %add3A_713 = arith.addi %add3A_710, %add3A_712 : vector<16xi32>
          %gather3A_714 = tpu.vector_load_idx %arg7[%add3A_713] : memref<1536xf32, #tpu.memory_space<vmem>>[vector<16xi32>], vector<16xf32>,
          %add3A_715 = arith.constant 1 : i32
          %add3A_716 = vector.broadcast %add3A_715 : i32 to vector<16xi32>
          %add3A_717 = arith.addi %add3A_710, %add3A_716 : vector<16xi32>
          %gather3A_718 = tpu.vector_load_idx %arg7[%add3A_717] : memref<1536xf32, #tpu.memory_space<vmem>>[vector<16xi32>], vector<16xf32>,
          %add3A_719 = arith.constant 96 : i32
          %add3A_720 = vector.broadcast %add3A_719 : i32 to vector<16xi32>
          %add3A_721 = arith.addi %add3A_710, %add3A_720 : vector<16xi32>
          %gather3A_722 = tpu.vector_load_idx %arg7[%add3A_721] : memref<1536xf32, #tpu.memory_space<vmem>>[vector<16xi32>], vector<16xf32>,
          %add3A_723 = arith.constant 97 : i32
          %add3A_724 = vector.broadcast %add3A_723 : i32 to vector<16xi32>
          %add3A_725 = arith.addi %add3A_710, %add3A_724 : vector<16xi32>
          %gather3A_726 = tpu.vector_load_idx %arg7[%add3A_725] : memref<1536xf32, #tpu.memory_space<vmem>>[vector<16xi32>], vector<16xf32>,
          %mul3A_727 = arith.mulf %sub3A_706, %gather3A_714 : vector<16xf32>
          %mul3A_728 = arith.mulf %sub3A_703, %gather3A_718 : vector<16xf32>
          %add3A_729 = arith.addf %mul3A_727, %mul3A_728 : vector<16xf32>
          %mul3A_730 = arith.mulf %sub3A_706, %gather3A_722 : vector<16xf32>
          %mul3A_731 = arith.mulf %sub3A_703, %gather3A_726 : vector<16xf32>
          %add3A_732 = arith.addf %mul3A_730, %mul3A_731 : vector<16xf32>
          %mul3A_733 = arith.mulf %sub3A_680, %add3A_729 : vector<16xf32>
          %mul3A_734 = arith.mulf %sub3A_677, %add3A_732 : vector<16xf32>
          %add3A_735 = arith.addf %mul3A_733, %mul3A_734 : vector<16xf32>
          %add3A_736 = arith.constant 8 : i32
          %add3A_737 = vector.broadcast %add3A_736 : i32 to vector<16xi32>
          %add3A_738 = arith.addi %add3A_710, %add3A_737 : vector<16xi32>
          %gather3A_739 = tpu.vector_load_idx %arg7[%add3A_738] : memref<1536xf32, #tpu.memory_space<vmem>>[vector<16xi32>], vector<16xf32>,
          %add3A_740 = arith.constant 9 : i32
          %add3A_741 = vector.broadcast %add3A_740 : i32 to vector<16xi32>
          %add3A_742 = arith.addi %add3A_710, %add3A_741 : vector<16xi32>
          %gather3A_743 = tpu.vector_load_idx %arg7[%add3A_742] : memref<1536xf32, #tpu.memory_space<vmem>>[vector<16xi32>], vector<16xf32>,
          %add3A_744 = arith.constant 104 : i32
          %add3A_745 = vector.broadcast %add3A_744 : i32 to vector<16xi32>
          %add3A_746 = arith.addi %add3A_710, %add3A_745 : vector<16xi32>
          %gather3A_747 = tpu.vector_load_idx %arg7[%add3A_746] : memref<1536xf32, #tpu.memory_space<vmem>>[vector<16xi32>], vector<16xf32>,
          %add3A_748 = arith.constant 105 : i32
          %add3A_749 = vector.broadcast %add3A_748 : i32 to vector<16xi32>
          %add3A_750 = arith.addi %add3A_710, %add3A_749 : vector<16xi32>
          %gather3A_751 = tpu.vector_load_idx %arg7[%add3A_750] : memref<1536xf32, #tpu.memory_space<vmem>>[vector<16xi32>], vector<16xf32>,
          %mul3A_752 = arith.mulf %sub3A_706, %gather3A_739 : vector<16xf32>
          %mul3A_753 = arith.mulf %sub3A_703, %gather3A_743 : vector<16xf32>
          %add3A_754 = arith.addf %mul3A_752, %mul3A_753 : vector<16xf32>
          %mul3A_755 = arith.mulf %sub3A_706, %gather3A_747 : vector<16xf32>
          %mul3A_756 = arith.mulf %sub3A_703, %gather3A_751 : vector<16xf32>
          %add3A_757 = arith.addf %mul3A_755, %mul3A_756 : vector<16xf32>
          %mul3A_758 = arith.mulf %sub3A_680, %add3A_754 : vector<16xf32>
          %mul3A_759 = arith.mulf %sub3A_677, %add3A_757 : vector<16xf32>
          %add3A_760 = arith.addf %mul3A_758, %mul3A_759 : vector<16xf32>
          %add3A_761 = arith.constant 16 : i32
          %add3A_762 = vector.broadcast %add3A_761 : i32 to vector<16xi32>
          %add3A_763 = arith.addi %add3A_710, %add3A_762 : vector<16xi32>
          %gather3A_764 = tpu.vector_load_idx %arg7[%add3A_763] : memref<1536xf32, #tpu.memory_space<vmem>>[vector<16xi32>], vector<16xf32>,
          %add3A_765 = arith.constant 17 : i32
          %add3A_766 = vector.broadcast %add3A_765 : i32 to vector<16xi32>
          %add3A_767 = arith.addi %add3A_710, %add3A_766 : vector<16xi32>
          %gather3A_768 = tpu.vector_load_idx %arg7[%add3A_767] : memref<1536xf32, #tpu.memory_space<vmem>>[vector<16xi32>], vector<16xf32>,
          %add3A_769 = arith.constant 112 : i32
          %add3A_770 = vector.broadcast %add3A_769 : i32 to vector<16xi32>
          %add3A_771 = arith.addi %add3A_710, %add3A_770 : vector<16xi32>
          %gather3A_772 = tpu.vector_load_idx %arg7[%add3A_771] : memref<1536xf32, #tpu.memory_space<vmem>>[vector<16xi32>], vector<16xf32>,
          %add3A_773 = arith.constant 113 : i32
          %add3A_774 = vector.broadcast %add3A_773 : i32 to vector<16xi32>
          %add3A_775 = arith.addi %add3A_710, %add3A_774 : vector<16xi32>
          %gather3A_776 = tpu.vector_load_idx %arg7[%add3A_775] : memref<1536xf32, #tpu.memory_space<vmem>>[vector<16xi32>], vector<16xf32>,
          %mul3A_777 = arith.mulf %sub3A_706, %gather3A_764 : vector<16xf32>
          %mul3A_778 = arith.mulf %sub3A_703, %gather3A_768 : vector<16xf32>
          %add3A_779 = arith.addf %mul3A_777, %mul3A_778 : vector<16xf32>
          %mul3A_780 = arith.mulf %sub3A_706, %gather3A_772 : vector<16xf32>
          %mul3A_781 = arith.mulf %sub3A_703, %gather3A_776 : vector<16xf32>
          %add3A_782 = arith.addf %mul3A_780, %mul3A_781 : vector<16xf32>
          %mul3A_783 = arith.mulf %sub3A_680, %add3A_779 : vector<16xf32>
          %mul3A_784 = arith.mulf %sub3A_677, %add3A_782 : vector<16xf32>
          %add3A_785 = arith.addf %mul3A_783, %mul3A_784 : vector<16xf32>
          %add3A_786 = arith.constant 24 : i32
          %add3A_787 = vector.broadcast %add3A_786 : i32 to vector<16xi32>
          %add3A_788 = arith.addi %add3A_710, %add3A_787 : vector<16xi32>
          %gather3A_789 = tpu.vector_load_idx %arg7[%add3A_788] : memref<1536xf32, #tpu.memory_space<vmem>>[vector<16xi32>], vector<16xf32>,
          %add3A_790 = arith.constant 25 : i32
          %add3A_791 = vector.broadcast %add3A_790 : i32 to vector<16xi32>
          %add3A_792 = arith.addi %add3A_710, %add3A_791 : vector<16xi32>
          %gather3A_793 = tpu.vector_load_idx %arg7[%add3A_792] : memref<1536xf32, #tpu.memory_space<vmem>>[vector<16xi32>], vector<16xf32>,
          %add3A_794 = arith.constant 120 : i32
          %add3A_795 = vector.broadcast %add3A_794 : i32 to vector<16xi32>
          %add3A_796 = arith.addi %add3A_710, %add3A_795 : vector<16xi32>
          %gather3A_797 = tpu.vector_load_idx %arg7[%add3A_796] : memref<1536xf32, #tpu.memory_space<vmem>>[vector<16xi32>], vector<16xf32>,
          %add3A_798 = arith.constant 121 : i32
          %add3A_799 = vector.broadcast %add3A_798 : i32 to vector<16xi32>
          %add3A_800 = arith.addi %add3A_710, %add3A_799 : vector<16xi32>
          %gather3A_801 = tpu.vector_load_idx %arg7[%add3A_800] : memref<1536xf32, #tpu.memory_space<vmem>>[vector<16xi32>], vector<16xf32>,
          %mul3A_802 = arith.mulf %sub3A_706, %gather3A_789 : vector<16xf32>
          %mul3A_803 = arith.mulf %sub3A_703, %gather3A_793 : vector<16xf32>
          %add3A_804 = arith.addf %mul3A_802, %mul3A_803 : vector<16xf32>
          %mul3A_805 = arith.mulf %sub3A_706, %gather3A_797 : vector<16xf32>
          %mul3A_806 = arith.mulf %sub3A_703, %gather3A_801 : vector<16xf32>
          %add3A_807 = arith.addf %mul3A_805, %mul3A_806 : vector<16xf32>
          %mul3A_808 = arith.mulf %sub3A_680, %add3A_804 : vector<16xf32>
          %mul3A_809 = arith.mulf %sub3A_677, %add3A_807 : vector<16xf32>
          %add3A_810 = arith.addf %mul3A_808, %mul3A_809 : vector<16xf32>
          %add3A_811 = arith.constant 32 : i32
          %add3A_812 = vector.broadcast %add3A_811 : i32 to vector<16xi32>
          %add3A_813 = arith.addi %add3A_710, %add3A_812 : vector<16xi32>
          %gather3A_814 = tpu.vector_load_idx %arg7[%add3A_813] : memref<1536xf32, #tpu.memory_space<vmem>>[vector<16xi32>], vector<16xf32>,
          %add3A_815 = arith.constant 33 : i32
          %add3A_816 = vector.broadcast %add3A_815 : i32 to vector<16xi32>
          %add3A_817 = arith.addi %add3A_710, %add3A_816 : vector<16xi32>
          %gather3A_818 = tpu.vector_load_idx %arg7[%add3A_817] : memref<1536xf32, #tpu.memory_space<vmem>>[vector<16xi32>], vector<16xf32>,
          %add3A_819 = arith.constant 128 : i32
          %add3A_820 = vector.broadcast %add3A_819 : i32 to vector<16xi32>
          %add3A_821 = arith.addi %add3A_710, %add3A_820 : vector<16xi32>
          %gather3A_822 = tpu.vector_load_idx %arg7[%add3A_821] : memref<1536xf32, #tpu.memory_space<vmem>>[vector<16xi32>], vector<16xf32>,
          %add3A_823 = arith.constant 129 : i32
          %add3A_824 = vector.broadcast %add3A_823 : i32 to vector<16xi32>
          %add3A_825 = arith.addi %add3A_710, %add3A_824 : vector<16xi32>
          %gather3A_826 = tpu.vector_load_idx %arg7[%add3A_825] : memref<1536xf32, #tpu.memory_space<vmem>>[vector<16xi32>], vector<16xf32>,
          %mul3A_827 = arith.mulf %sub3A_706, %gather3A_814 : vector<16xf32>
          %mul3A_828 = arith.mulf %sub3A_703, %gather3A_818 : vector<16xf32>
          %add3A_829 = arith.addf %mul3A_827, %mul3A_828 : vector<16xf32>
          %mul3A_830 = arith.mulf %sub3A_706, %gather3A_822 : vector<16xf32>
          %mul3A_831 = arith.mulf %sub3A_703, %gather3A_826 : vector<16xf32>
          %add3A_832 = arith.addf %mul3A_830, %mul3A_831 : vector<16xf32>
          %mul3A_833 = arith.mulf %sub3A_680, %add3A_829 : vector<16xf32>
          %mul3A_834 = arith.mulf %sub3A_677, %add3A_832 : vector<16xf32>
          %add3A_835 = arith.addf %mul3A_833, %mul3A_834 : vector<16xf32>
          %add3A_836 = arith.constant 40 : i32
          %add3A_837 = vector.broadcast %add3A_836 : i32 to vector<16xi32>
          %add3A_838 = arith.addi %add3A_710, %add3A_837 : vector<16xi32>
          %gather3A_839 = tpu.vector_load_idx %arg7[%add3A_838] : memref<1536xf32, #tpu.memory_space<vmem>>[vector<16xi32>], vector<16xf32>,
          %add3A_840 = arith.constant 41 : i32
          %add3A_841 = vector.broadcast %add3A_840 : i32 to vector<16xi32>
          %add3A_842 = arith.addi %add3A_710, %add3A_841 : vector<16xi32>
          %gather3A_843 = tpu.vector_load_idx %arg7[%add3A_842] : memref<1536xf32, #tpu.memory_space<vmem>>[vector<16xi32>], vector<16xf32>,
          %add3A_844 = arith.constant 136 : i32
          %add3A_845 = vector.broadcast %add3A_844 : i32 to vector<16xi32>
          %add3A_846 = arith.addi %add3A_710, %add3A_845 : vector<16xi32>
          %gather3A_847 = tpu.vector_load_idx %arg7[%add3A_846] : memref<1536xf32, #tpu.memory_space<vmem>>[vector<16xi32>], vector<16xf32>,
          %add3A_848 = arith.constant 137 : i32
          %add3A_849 = vector.broadcast %add3A_848 : i32 to vector<16xi32>
          %add3A_850 = arith.addi %add3A_710, %add3A_849 : vector<16xi32>
          %gather3A_851 = tpu.vector_load_idx %arg7[%add3A_850] : memref<1536xf32, #tpu.memory_space<vmem>>[vector<16xi32>], vector<16xf32>,
          %mul3A_852 = arith.mulf %sub3A_706, %gather3A_839 : vector<16xf32>
          %mul3A_853 = arith.mulf %sub3A_703, %gather3A_843 : vector<16xf32>
          %add3A_854 = arith.addf %mul3A_852, %mul3A_853 : vector<16xf32>
          %mul3A_855 = arith.mulf %sub3A_706, %gather3A_847 : vector<16xf32>
          %mul3A_856 = arith.mulf %sub3A_703, %gather3A_851 : vector<16xf32>
          %add3A_857 = arith.addf %mul3A_855, %mul3A_856 : vector<16xf32>
          %mul3A_858 = arith.mulf %sub3A_680, %add3A_854 : vector<16xf32>
          %mul3A_859 = arith.mulf %sub3A_677, %add3A_857 : vector<16xf32>
          %add3A_860 = arith.addf %mul3A_858, %mul3A_859 : vector<16xf32>
          %add3A_861 = arith.constant 48 : i32
          %add3A_862 = vector.broadcast %add3A_861 : i32 to vector<16xi32>
          %add3A_863 = arith.addi %add3A_710, %add3A_862 : vector<16xi32>
          %gather3A_864 = tpu.vector_load_idx %arg7[%add3A_863] : memref<1536xf32, #tpu.memory_space<vmem>>[vector<16xi32>], vector<16xf32>,
          %add3A_865 = arith.constant 49 : i32
          %add3A_866 = vector.broadcast %add3A_865 : i32 to vector<16xi32>
          %add3A_867 = arith.addi %add3A_710, %add3A_866 : vector<16xi32>
          %gather3A_868 = tpu.vector_load_idx %arg7[%add3A_867] : memref<1536xf32, #tpu.memory_space<vmem>>[vector<16xi32>], vector<16xf32>,
          %add3A_869 = arith.constant 144 : i32
          %add3A_870 = vector.broadcast %add3A_869 : i32 to vector<16xi32>
          %add3A_871 = arith.addi %add3A_710, %add3A_870 : vector<16xi32>
          %gather3A_872 = tpu.vector_load_idx %arg7[%add3A_871] : memref<1536xf32, #tpu.memory_space<vmem>>[vector<16xi32>], vector<16xf32>,
          %add3A_873 = arith.constant 145 : i32
          %add3A_874 = vector.broadcast %add3A_873 : i32 to vector<16xi32>
          %add3A_875 = arith.addi %add3A_710, %add3A_874 : vector<16xi32>
          %gather3A_876 = tpu.vector_load_idx %arg7[%add3A_875] : memref<1536xf32, #tpu.memory_space<vmem>>[vector<16xi32>], vector<16xf32>,
          %mul3A_877 = arith.mulf %sub3A_706, %gather3A_864 : vector<16xf32>
          %mul3A_878 = arith.mulf %sub3A_703, %gather3A_868 : vector<16xf32>
          %add3A_879 = arith.addf %mul3A_877, %mul3A_878 : vector<16xf32>
          %mul3A_880 = arith.mulf %sub3A_706, %gather3A_872 : vector<16xf32>
          %mul3A_881 = arith.mulf %sub3A_703, %gather3A_876 : vector<16xf32>
          %add3A_882 = arith.addf %mul3A_880, %mul3A_881 : vector<16xf32>
          %mul3A_883 = arith.mulf %sub3A_680, %add3A_879 : vector<16xf32>
          %mul3A_884 = arith.mulf %sub3A_677, %add3A_882 : vector<16xf32>
          %add3A_885 = arith.addf %mul3A_883, %mul3A_884 : vector<16xf32>
          %add3A_886 = arith.constant 56 : i32
          %add3A_887 = vector.broadcast %add3A_886 : i32 to vector<16xi32>
          %add3A_888 = arith.addi %add3A_710, %add3A_887 : vector<16xi32>
          %gather3A_889 = tpu.vector_load_idx %arg7[%add3A_888] : memref<1536xf32, #tpu.memory_space<vmem>>[vector<16xi32>], vector<16xf32>,
          %add3A_890 = arith.constant 57 : i32
          %add3A_891 = vector.broadcast %add3A_890 : i32 to vector<16xi32>
          %add3A_892 = arith.addi %add3A_710, %add3A_891 : vector<16xi32>
          %gather3A_893 = tpu.vector_load_idx %arg7[%add3A_892] : memref<1536xf32, #tpu.memory_space<vmem>>[vector<16xi32>], vector<16xf32>,
          %add3A_894 = arith.constant 152 : i32
          %add3A_895 = vector.broadcast %add3A_894 : i32 to vector<16xi32>
          %add3A_896 = arith.addi %add3A_710, %add3A_895 : vector<16xi32>
          %gather3A_897 = tpu.vector_load_idx %arg7[%add3A_896] : memref<1536xf32, #tpu.memory_space<vmem>>[vector<16xi32>], vector<16xf32>,
          %add3A_898 = arith.constant 153 : i32
          %add3A_899 = vector.broadcast %add3A_898 : i32 to vector<16xi32>
          %add3A_900 = arith.addi %add3A_710, %add3A_899 : vector<16xi32>
          %gather3A_901 = tpu.vector_load_idx %arg7[%add3A_900] : memref<1536xf32, #tpu.memory_space<vmem>>[vector<16xi32>], vector<16xf32>,
          %mul3A_902 = arith.mulf %sub3A_706, %gather3A_889 : vector<16xf32>
          %mul3A_903 = arith.mulf %sub3A_703, %gather3A_893 : vector<16xf32>
          %add3A_904 = arith.addf %mul3A_902, %mul3A_903 : vector<16xf32>
          %mul3A_905 = arith.mulf %sub3A_706, %gather3A_897 : vector<16xf32>
          %mul3A_906 = arith.mulf %sub3A_703, %gather3A_901 : vector<16xf32>
          %add3A_907 = arith.addf %mul3A_905, %mul3A_906 : vector<16xf32>
          %mul3A_908 = arith.mulf %sub3A_680, %add3A_904 : vector<16xf32>
          %mul3A_909 = arith.mulf %sub3A_677, %add3A_907 : vector<16xf32>
          %add3A_910 = arith.addf %mul3A_908, %mul3A_909 : vector<16xf32>
          %add3A_911 = arith.constant 64 : i32
          %add3A_912 = vector.broadcast %add3A_911 : i32 to vector<16xi32>
          %add3A_913 = arith.addi %add3A_710, %add3A_912 : vector<16xi32>
          %gather3A_914 = tpu.vector_load_idx %arg7[%add3A_913] : memref<1536xf32, #tpu.memory_space<vmem>>[vector<16xi32>], vector<16xf32>,
          %add3A_915 = arith.constant 65 : i32
          %add3A_916 = vector.broadcast %add3A_915 : i32 to vector<16xi32>
          %add3A_917 = arith.addi %add3A_710, %add3A_916 : vector<16xi32>
          %gather3A_918 = tpu.vector_load_idx %arg7[%add3A_917] : memref<1536xf32, #tpu.memory_space<vmem>>[vector<16xi32>], vector<16xf32>,
          %add3A_919 = arith.constant 160 : i32
          %add3A_920 = vector.broadcast %add3A_919 : i32 to vector<16xi32>
          %add3A_921 = arith.addi %add3A_710, %add3A_920 : vector<16xi32>
          %gather3A_922 = tpu.vector_load_idx %arg7[%add3A_921] : memref<1536xf32, #tpu.memory_space<vmem>>[vector<16xi32>], vector<16xf32>,
          %add3A_923 = arith.constant 161 : i32
          %add3A_924 = vector.broadcast %add3A_923 : i32 to vector<16xi32>
          %add3A_925 = arith.addi %add3A_710, %add3A_924 : vector<16xi32>
          %gather3A_926 = tpu.vector_load_idx %arg7[%add3A_925] : memref<1536xf32, #tpu.memory_space<vmem>>[vector<16xi32>], vector<16xf32>,
          %mul3A_927 = arith.mulf %sub3A_706, %gather3A_914 : vector<16xf32>
          %mul3A_928 = arith.mulf %sub3A_703, %gather3A_918 : vector<16xf32>
          %add3A_929 = arith.addf %mul3A_927, %mul3A_928 : vector<16xf32>
          %mul3A_930 = arith.mulf %sub3A_706, %gather3A_922 : vector<16xf32>
          %mul3A_931 = arith.mulf %sub3A_703, %gather3A_926 : vector<16xf32>
          %add3A_932 = arith.addf %mul3A_930, %mul3A_931 : vector<16xf32>
          %mul3A_933 = arith.mulf %sub3A_680, %add3A_929 : vector<16xf32>
          %mul3A_934 = arith.mulf %sub3A_677, %add3A_932 : vector<16xf32>
          %add3A_935 = arith.addf %mul3A_933, %mul3A_934 : vector<16xf32>
          %add3A_936 = arith.constant 72 : i32
          %add3A_937 = vector.broadcast %add3A_936 : i32 to vector<16xi32>
          %add3A_938 = arith.addi %add3A_710, %add3A_937 : vector<16xi32>
          %gather3A_939 = tpu.vector_load_idx %arg7[%add3A_938] : memref<1536xf32, #tpu.memory_space<vmem>>[vector<16xi32>], vector<16xf32>,
          %add3A_940 = arith.constant 73 : i32
          %add3A_941 = vector.broadcast %add3A_940 : i32 to vector<16xi32>
          %add3A_942 = arith.addi %add3A_710, %add3A_941 : vector<16xi32>
          %gather3A_943 = tpu.vector_load_idx %arg7[%add3A_942] : memref<1536xf32, #tpu.memory_space<vmem>>[vector<16xi32>], vector<16xf32>,
          %add3A_944 = arith.constant 168 : i32
          %add3A_945 = vector.broadcast %add3A_944 : i32 to vector<16xi32>
          %add3A_946 = arith.addi %add3A_710, %add3A_945 : vector<16xi32>
          %gather3A_947 = tpu.vector_load_idx %arg7[%add3A_946] : memref<1536xf32, #tpu.memory_space<vmem>>[vector<16xi32>], vector<16xf32>,
          %add3A_948 = arith.constant 169 : i32
          %add3A_949 = vector.broadcast %add3A_948 : i32 to vector<16xi32>
          %add3A_950 = arith.addi %add3A_710, %add3A_949 : vector<16xi32>
          %gather3A_951 = tpu.vector_load_idx %arg7[%add3A_950] : memref<1536xf32, #tpu.memory_space<vmem>>[vector<16xi32>], vector<16xf32>,
          %mul3A_952 = arith.mulf %sub3A_706, %gather3A_939 : vector<16xf32>
          %mul3A_953 = arith.mulf %sub3A_703, %gather3A_943 : vector<16xf32>
          %add3A_954 = arith.addf %mul3A_952, %mul3A_953 : vector<16xf32>
          %mul3A_955 = arith.mulf %sub3A_706, %gather3A_947 : vector<16xf32>
          %mul3A_956 = arith.mulf %sub3A_703, %gather3A_951 : vector<16xf32>
          %add3A_957 = arith.addf %mul3A_955, %mul3A_956 : vector<16xf32>
          %mul3A_958 = arith.mulf %sub3A_680, %add3A_954 : vector<16xf32>
          %mul3A_959 = arith.mulf %sub3A_677, %add3A_957 : vector<16xf32>
          %add3A_960 = arith.addf %mul3A_958, %mul3A_959 : vector<16xf32>
          %add3A_961 = arith.constant 80 : i32
          %add3A_962 = vector.broadcast %add3A_961 : i32 to vector<16xi32>
          %add3A_963 = arith.addi %add3A_710, %add3A_962 : vector<16xi32>
          %gather3A_964 = tpu.vector_load_idx %arg7[%add3A_963] : memref<1536xf32, #tpu.memory_space<vmem>>[vector<16xi32>], vector<16xf32>,
          %add3A_965 = arith.constant 81 : i32
          %add3A_966 = vector.broadcast %add3A_965 : i32 to vector<16xi32>
          %add3A_967 = arith.addi %add3A_710, %add3A_966 : vector<16xi32>
          %gather3A_968 = tpu.vector_load_idx %arg7[%add3A_967] : memref<1536xf32, #tpu.memory_space<vmem>>[vector<16xi32>], vector<16xf32>,
          %add3A_969 = arith.constant 176 : i32
          %add3A_970 = vector.broadcast %add3A_969 : i32 to vector<16xi32>
          %add3A_971 = arith.addi %add3A_710, %add3A_970 : vector<16xi32>
          %gather3A_972 = tpu.vector_load_idx %arg7[%add3A_971] : memref<1536xf32, #tpu.memory_space<vmem>>[vector<16xi32>], vector<16xf32>,
          %add3A_973 = arith.constant 177 : i32
          %add3A_974 = vector.broadcast %add3A_973 : i32 to vector<16xi32>
          %add3A_975 = arith.addi %add3A_710, %add3A_974 : vector<16xi32>
          %gather3A_976 = tpu.vector_load_idx %arg7[%add3A_975] : memref<1536xf32, #tpu.memory_space<vmem>>[vector<16xi32>], vector<16xf32>,
          %mul3A_977 = arith.mulf %sub3A_706, %gather3A_964 : vector<16xf32>
          %mul3A_978 = arith.mulf %sub3A_703, %gather3A_968 : vector<16xf32>
          %add3A_979 = arith.addf %mul3A_977, %mul3A_978 : vector<16xf32>
          %mul3A_980 = arith.mulf %sub3A_706, %gather3A_972 : vector<16xf32>
          %mul3A_981 = arith.mulf %sub3A_703, %gather3A_976 : vector<16xf32>
          %add3A_982 = arith.addf %mul3A_980, %mul3A_981 : vector<16xf32>
          %mul3A_983 = arith.mulf %sub3A_680, %add3A_979 : vector<16xf32>
          %mul3A_984 = arith.mulf %sub3A_677, %add3A_982 : vector<16xf32>
          %add3A_985 = arith.addf %mul3A_983, %mul3A_984 : vector<16xf32>
          %add3A_986 = arith.constant 88 : i32
          %add3A_987 = vector.broadcast %add3A_986 : i32 to vector<16xi32>
          %add3A_988 = arith.addi %add3A_710, %add3A_987 : vector<16xi32>
          %gather3A_989 = tpu.vector_load_idx %arg7[%add3A_988] : memref<1536xf32, #tpu.memory_space<vmem>>[vector<16xi32>], vector<16xf32>,
          %add3A_990 = arith.constant 89 : i32
          %add3A_991 = vector.broadcast %add3A_990 : i32 to vector<16xi32>
          %add3A_992 = arith.addi %add3A_710, %add3A_991 : vector<16xi32>
          %gather3A_993 = tpu.vector_load_idx %arg7[%add3A_992] : memref<1536xf32, #tpu.memory_space<vmem>>[vector<16xi32>], vector<16xf32>,
          %add3A_994 = arith.constant 184 : i32
          %add3A_995 = vector.broadcast %add3A_994 : i32 to vector<16xi32>
          %add3A_996 = arith.addi %add3A_710, %add3A_995 : vector<16xi32>
          %gather3A_997 = tpu.vector_load_idx %arg7[%add3A_996] : memref<1536xf32, #tpu.memory_space<vmem>>[vector<16xi32>], vector<16xf32>,
          %add3A_998 = arith.constant 185 : i32
          %add3A_999 = vector.broadcast %add3A_998 : i32 to vector<16xi32>
          %add3A_1000 = arith.addi %add3A_710, %add3A_999 : vector<16xi32>
          %gather3A_1001 = tpu.vector_load_idx %arg7[%add3A_1000] : memref<1536xf32, #tpu.memory_space<vmem>>[vector<16xi32>], vector<16xf32>,
          %mul3A_1002 = arith.mulf %sub3A_706, %gather3A_989 : vector<16xf32>
          %mul3A_1003 = arith.mulf %sub3A_703, %gather3A_993 : vector<16xf32>
          %add3A_1004 = arith.addf %mul3A_1002, %mul3A_1003 : vector<16xf32>
          %mul3A_1005 = arith.mulf %sub3A_706, %gather3A_997 : vector<16xf32>
          %mul3A_1006 = arith.mulf %sub3A_703, %gather3A_1001 : vector<16xf32>
          %add3A_1007 = arith.addf %mul3A_1005, %mul3A_1006 : vector<16xf32>
          %mul3A_1008 = arith.mulf %sub3A_680, %add3A_1004 : vector<16xf32>
          %mul3A_1009 = arith.mulf %sub3A_677, %add3A_1007 : vector<16xf32>
          %add3A_1010 = arith.addf %mul3A_1008, %mul3A_1009 : vector<16xf32>
          %get3A_1011 = arith.constant 0 : i32
          %get3A_1012 = arith.index_cast %get3A_1011 : i32 to index
          %get3A_1013 = arith.index_cast %scan3A_102 : i32 to index
          %get3A_1014 = arith.index_cast %mul3A_682 : i32 to index
          %get3A_1015 = tpu.vector_load %arg9[%get3A_1012, %get3A_1013, %get3A_1014] {strides = array<i32>} : memref<3x8x512xf32, #tpu.memory_space<vmem>>, vector<16xf32>,
          %get3A_1016 = arith.constant 1 : i32
          %get3A_1017 = arith.index_cast %get3A_1016 : i32 to index
          %get3A_1018 = arith.index_cast %scan3A_102 : i32 to index
          %get3A_1019 = arith.index_cast %mul3A_682 : i32 to index
          %get3A_1020 = tpu.vector_load %arg9[%get3A_1017, %get3A_1018, %get3A_1019] {strides = array<i32>} : memref<3x8x512xf32, #tpu.memory_space<vmem>>, vector<16xf32>,
          %get3A_1021 = arith.constant 2 : i32
          %get3A_1022 = arith.index_cast %get3A_1021 : i32 to index
          %get3A_1023 = arith.index_cast %scan3A_102 : i32 to index
          %get3A_1024 = arith.index_cast %mul3A_682 : i32 to index
          %get3A_1025 = tpu.vector_load %arg9[%get3A_1022, %get3A_1023, %get3A_1024] {strides = array<i32>} : memref<3x8x512xf32, #tpu.memory_space<vmem>>, vector<16xf32>,
          %mul3A_1026 = arith.mulf %add3A_735, %get3A_1015 : vector<16xf32>
          %mul3A_1027 = arith.mulf %add3A_760, %get3A_1020 : vector<16xf32>
          %add3A_1028 = arith.addf %mul3A_1026, %mul3A_1027 : vector<16xf32>
          %mul3A_1029 = arith.mulf %add3A_785, %get3A_1025 : vector<16xf32>
          %add3A_1030 = arith.addf %add3A_1028, %mul3A_1029 : vector<16xf32>
          %add3A_1031 = arith.addf %add3A_1030, %add3A_810 : vector<16xf32>
          %swap3A_1032 = arith.constant 0 : i32
          %swap3A_1033 = arith.index_cast %swap3A_1032 : i32 to index
          %swap3A_1034 = arith.index_cast %scan3A_102 : i32 to index
          %swap3A_1035 = arith.index_cast %mul3A_682 : i32 to index
          %swap3A_1036 = tpu.vector_load %arg10[%swap3A_1033, %swap3A_1034, %swap3A_1035] {strides = array<i32>} : memref<3x8x512xf32, #tpu.memory_space<vmem>>, vector<16xf32>,
          tpu.vector_store %arg10[%swap3A_1033, %swap3A_1034, %swap3A_1035], %add3A_1031 {strides = array<i32>} : memref<3x8x512xf32, #tpu.memory_space<vmem>>, vector<16xf32>,
          %mul3A_1037 = arith.mulf %add3A_835, %get3A_1015 : vector<16xf32>
          %mul3A_1038 = arith.mulf %add3A_860, %get3A_1020 : vector<16xf32>
          %add3A_1039 = arith.addf %mul3A_1037, %mul3A_1038 : vector<16xf32>
          %mul3A_1040 = arith.mulf %add3A_885, %get3A_1025 : vector<16xf32>
          %add3A_1041 = arith.addf %add3A_1039, %mul3A_1040 : vector<16xf32>
          %add3A_1042 = arith.addf %add3A_1041, %add3A_910 : vector<16xf32>
          %swap3A_1043 = arith.constant 1 : i32
          %swap3A_1044 = arith.index_cast %swap3A_1043 : i32 to index
          %swap3A_1045 = arith.index_cast %scan3A_102 : i32 to index
          %swap3A_1046 = arith.index_cast %mul3A_682 : i32 to index
          %swap3A_1047 = tpu.vector_load %arg10[%swap3A_1044, %swap3A_1045, %swap3A_1046] {strides = array<i32>} : memref<3x8x512xf32, #tpu.memory_space<vmem>>, vector<16xf32>,
          tpu.vector_store %arg10[%swap3A_1044, %swap3A_1045, %swap3A_1046], %add3A_1042 {strides = array<i32>} : memref<3x8x512xf32, #tpu.memory_space<vmem>>, vector<16xf32>,
          %mul3A_1048 = arith.mulf %add3A_935, %get3A_1015 : vector<16xf32>
          %mul3A_1049 = arith.mulf %add3A_960, %get3A_1020 : vector<16xf32>
          %add3A_1050 = arith.addf %mul3A_1048, %mul3A_1049 : vector<16xf32>
          %mul3A_1051 = arith.mulf %add3A_985, %get3A_1025 : vector<16xf32>
          %add3A_1052 = arith.addf %add3A_1050, %mul3A_1051 : vector<16xf32>
          %add3A_1053 = arith.addf %add3A_1052, %add3A_1010 : vector<16xf32>
          %swap3A_1054 = arith.constant 2 : i32
          %swap3A_1055 = arith.index_cast %swap3A_1054 : i32 to index
          %swap3A_1056 = arith.index_cast %scan3A_102 : i32 to index
          %swap3A_1057 = arith.index_cast %mul3A_682 : i32 to index
          %swap3A_1058 = tpu.vector_load %arg10[%swap3A_1055, %swap3A_1056, %swap3A_1057] {strides = array<i32>} : memref<3x8x512xf32, #tpu.memory_space<vmem>>, vector<16xf32>,
          tpu.vector_store %arg10[%swap3A_1055, %swap3A_1056, %swap3A_1057], %add3A_1053 {strides = array<i32>} : memref<3x8x512xf32, #tpu.memory_space<vmem>>, vector<16xf32>,
          %scan3A_1059 = arith.constant 2 : i32
          %scan3A_1060 = arith.addi %scan3A_185, %scan3A_1059 : i32
          %mul3A_1061 = arith.constant 16 : i32
          %mul3A_1062 = arith.muli %scan3A_1060, %mul3A_1061 : i32
          %add3A_1063 = arith.addi %mul3A_179, %mul3A_1062 : i32
          %sub3A_1064 = arith.constant 1 : i32
          %sub3A_1065 = arith.subi %scan3A_1060, %sub3A_1064 : i32
          %jit3A_1066 = arith.constant 2 : i32
          %div3A_1067 = arith.divsi %sub3A_1065, %jit3A_1066 : i32
          %sign3A_1068 = arith.constant 0 : i32
          %sign3A_1069 = arith.cmpi sgt, %sub3A_1065, %sign3A_1068 : i32
          %sign3A_1070 = arith.extui %sign3A_1069 : i1 to i32
          %sign3A_1071 = arith.constant 0 : i32
          %sign3A_1072 = arith.cmpi slt, %sub3A_1065, %sign3A_1071 : i32
          %sign3A_1073 = arith.extui %sign3A_1072 : i1 to i32
          %sign3A_1074 = arith.subi %sign3A_1070, %sign3A_1073 : i32
          %sign3A_1075 = arith.constant 0 : i32
          %sign3A_1076 = arith.cmpi sgt, %jit3A_1066, %sign3A_1075 : i32
          %sign3A_1077 = arith.extui %sign3A_1076 : i1 to i32
          %sign3A_1078 = arith.constant 0 : i32
          %sign3A_1079 = arith.cmpi slt, %jit3A_1066, %sign3A_1078 : i32
          %sign3A_1080 = arith.extui %sign3A_1079 : i1 to i32
          %sign3A_1081 = arith.subi %sign3A_1077, %sign3A_1080 : i32
          %ne3A_1082 = arith.cmpi ne, %sign3A_1074, %sign3A_1081 : i32
          %rem3A_1083 = arith.remsi %sub3A_1065, %jit3A_1066 : i32
          %ne3A_1084 = arith.constant 0 : i32
          %ne3A_1085 = arith.cmpi ne, %rem3A_1083, %ne3A_1084 : i32
          %and3A_1086 = arith.andi %ne3A_1082, %ne3A_1085 : i1
          %sub3A_1087 = arith.constant 1 : i32
          %sub3A_1088 = arith.subi %div3A_1067, %sub3A_1087 : i32
          %select_n3A_1089 = arith.select %and3A_1086, %sub3A_1088, %div3A_1067 : i32
          %jit3A_1090 = arith.constant 0 : i32
          %jit3A_1091 = arith.constant 14 : i32
          %max3A_1092 = arith.maxsi %jit3A_1090, %select_n3A_1089 : i32
          %min3A_1093 = arith.minsi %jit3A_1091, %max3A_1092 : i32
          %mul3A_1094 = arith.constant 16 : i32
          %mul3A_1095 = arith.muli %scan3A_1060, %mul3A_1094 : i32
          %add3A_1096 = vector.broadcast %mul3A_1095 : i32 to vector<16xi32>
          %add3A_1097 = arith.addi %add3A_1096, %iota3A : vector<16xi32>
          %convert_element_type3A_1098 = arith.sitofp %add3A_1097 : vector<16xi32> to vector<16xf32>
          %add3A_1099 = arith.constant 5.000000e-01 : f32
          %add3A_1100 = vector.broadcast %add3A_1099 : f32 to vector<16xf32>
          %add3A_1101 = arith.addf %convert_element_type3A_1098, %add3A_1100 : vector<16xf32>
          %mul3A_1102 = arith.constant 3.125000e-02 : f32
          %mul3A_1103 = vector.broadcast %mul3A_1102 : f32 to vector<16xf32>
          %mul3A_1104 = arith.mulf %add3A_1101, %mul3A_1103 : vector<16xf32>
          %jit3A_1105 = arith.constant 5.000000e-01 : f32
          %jit3A_1106 = arith.constant 1.550000e+01 : f32
          %max3A_1107 = vector.broadcast %jit3A_1105 : f32 to vector<16xf32>
          %max3A_1108 = arith.maximumf %max3A_1107, %mul3A_1104 : vector<16xf32>
          %min3A_1109 = vector.broadcast %jit3A_1106 : f32 to vector<16xf32>
          %min3A_1110 = arith.minimumf %min3A_1109, %max3A_1108 : vector<16xf32>
          %sub3A_1111 = arith.constant 5.000000e-01 : f32
          %sub3A_1112 = vector.broadcast %sub3A_1111 : f32 to vector<16xf32>
          %sub3A_1113 = arith.subf %min3A_1110, %sub3A_1112 : vector<16xf32>
          %convert_element_type3A_1114 = arith.sitofp %min3A_1093 : i32 to f32
          %sub3A_1115 = vector.broadcast %convert_element_type3A_1114 : f32 to vector<16xf32>
          %sub3A_1116 = arith.subf %sub3A_1113, %sub3A_1115 : vector<16xf32>
          %sub3A_1117 = arith.constant 1.000000e+00 : f32
          %sub3A_1118 = vector.broadcast %sub3A_1117 : f32 to vector<16xf32>
          %sub3A_1119 = arith.subf %sub3A_1118, %sub3A_1116 : vector<16xf32>
          %mul3A_1120 = arith.constant 16 : i32
          %mul3A_1121 = arith.muli %scan3A_1060, %mul3A_1120 : i32
          %get3A_1122 = arith.index_cast %scan3A_102 : i32 to index
          %get3A_1123 = arith.index_cast %mul3A_1121 : i32 to index
          %get3A_1124 = tpu.vector_load %arg8[%get3A_1122, %get3A_1123] {strides = array<i32>} : memref<8x512xf32, #tpu.memory_space<vmem>>, vector<16xf32>,
          %mul3A_1125 = arith.constant 8.000000e+00 : f32
          %mul3A_1126 = vector.broadcast %mul3A_1125 : f32 to vector<16xf32>
          %mul3A_1127 = arith.mulf %get3A_1124, %mul3A_1126 : vector<16xf32>
          %jit3A_1128 = arith.constant 5.000000e-01 : f32
          %jit3A_1129 = arith.constant 7.500000e+00 : f32
          %max3A_1130 = vector.broadcast %jit3A_1128 : f32 to vector<16xf32>
          %max3A_1131 = arith.maximumf %max3A_1130, %mul3A_1127 : vector<16xf32>
          %min3A_1132 = vector.broadcast %jit3A_1129 : f32 to vector<16xf32>
          %min3A_1133 = arith.minimumf %min3A_1132, %max3A_1131 : vector<16xf32>
          %sub3A_1134 = arith.constant 5.000000e-01 : f32
          %sub3A_1135 = vector.broadcast %sub3A_1134 : f32 to vector<16xf32>
          %sub3A_1136 = arith.subf %min3A_1133, %sub3A_1135 : vector<16xf32>
          %convert_element_type3A_1137 = arith.fptosi %sub3A_1136 : vector<16xf32> to vector<16xi32>
          %min3A_1138 = arith.constant 6 : i32
          %min3A_1139 = vector.broadcast %min3A_1138 : i32 to vector<16xi32>
          %min3A_1140 = arith.minsi %convert_element_type3A_1137, %min3A_1139 : vector<16xi32>
          %convert_element_type3A_1141 = arith.sitofp %min3A_1140 : vector<16xi32> to vector<16xf32>
          %sub3A_1142 = arith.subf %sub3A_1136, %convert_element_type3A_1141 : vector<16xf32>
          %sub3A_1143 = arith.constant 1.000000e+00 : f32
          %sub3A_1144 = vector.broadcast %sub3A_1143 : f32 to vector<16xf32>
          %sub3A_1145 = arith.subf %sub3A_1144, %sub3A_1142 : vector<16xf32>
          %mul3A_1146 = arith.constant 96 : i32
          %mul3A_1147 = arith.muli %min3A_1093, %mul3A_1146 : i32
          %add3A_1148 = vector.broadcast %mul3A_1147 : i32 to vector<16xi32>
          %add3A_1149 = arith.addi %min3A_1140, %add3A_1148 : vector<16xi32>
          %add3A_1150 = arith.constant 0 : i32
          %add3A_1151 = vector.broadcast %add3A_1150 : i32 to vector<16xi32>
          %add3A_1152 = arith.addi %add3A_1149, %add3A_1151 : vector<16xi32>
          %gather3A_1153 = tpu.vector_load_idx %arg7[%add3A_1152] : memref<1536xf32, #tpu.memory_space<vmem>>[vector<16xi32>], vector<16xf32>,
          %add3A_1154 = arith.constant 1 : i32
          %add3A_1155 = vector.broadcast %add3A_1154 : i32 to vector<16xi32>
          %add3A_1156 = arith.addi %add3A_1149, %add3A_1155 : vector<16xi32>
          %gather3A_1157 = tpu.vector_load_idx %arg7[%add3A_1156] : memref<1536xf32, #tpu.memory_space<vmem>>[vector<16xi32>], vector<16xf32>,
          %add3A_1158 = arith.constant 96 : i32
          %add3A_1159 = vector.broadcast %add3A_1158 : i32 to vector<16xi32>
          %add3A_1160 = arith.addi %add3A_1149, %add3A_1159 : vector<16xi32>
          %gather3A_1161 = tpu.vector_load_idx %arg7[%add3A_1160] : memref<1536xf32, #tpu.memory_space<vmem>>[vector<16xi32>], vector<16xf32>,
          %add3A_1162 = arith.constant 97 : i32
          %add3A_1163 = vector.broadcast %add3A_1162 : i32 to vector<16xi32>
          %add3A_1164 = arith.addi %add3A_1149, %add3A_1163 : vector<16xi32>
          %gather3A_1165 = tpu.vector_load_idx %arg7[%add3A_1164] : memref<1536xf32, #tpu.memory_space<vmem>>[vector<16xi32>], vector<16xf32>,
          %mul3A_1166 = arith.mulf %sub3A_1145, %gather3A_1153 : vector<16xf32>
          %mul3A_1167 = arith.mulf %sub3A_1142, %gather3A_1157 : vector<16xf32>
          %add3A_1168 = arith.addf %mul3A_1166, %mul3A_1167 : vector<16xf32>
          %mul3A_1169 = arith.mulf %sub3A_1145, %gather3A_1161 : vector<16xf32>
          %mul3A_1170 = arith.mulf %sub3A_1142, %gather3A_1165 : vector<16xf32>
          %add3A_1171 = arith.addf %mul3A_1169, %mul3A_1170 : vector<16xf32>
          %mul3A_1172 = arith.mulf %sub3A_1119, %add3A_1168 : vector<16xf32>
          %mul3A_1173 = arith.mulf %sub3A_1116, %add3A_1171 : vector<16xf32>
          %add3A_1174 = arith.addf %mul3A_1172, %mul3A_1173 : vector<16xf32>
          %add3A_1175 = arith.constant 8 : i32
          %add3A_1176 = vector.broadcast %add3A_1175 : i32 to vector<16xi32>
          %add3A_1177 = arith.addi %add3A_1149, %add3A_1176 : vector<16xi32>
          %gather3A_1178 = tpu.vector_load_idx %arg7[%add3A_1177] : memref<1536xf32, #tpu.memory_space<vmem>>[vector<16xi32>], vector<16xf32>,
          %add3A_1179 = arith.constant 9 : i32
          %add3A_1180 = vector.broadcast %add3A_1179 : i32 to vector<16xi32>
          %add3A_1181 = arith.addi %add3A_1149, %add3A_1180 : vector<16xi32>
          %gather3A_1182 = tpu.vector_load_idx %arg7[%add3A_1181] : memref<1536xf32, #tpu.memory_space<vmem>>[vector<16xi32>], vector<16xf32>,
          %add3A_1183 = arith.constant 104 : i32
          %add3A_1184 = vector.broadcast %add3A_1183 : i32 to vector<16xi32>
          %add3A_1185 = arith.addi %add3A_1149, %add3A_1184 : vector<16xi32>
          %gather3A_1186 = tpu.vector_load_idx %arg7[%add3A_1185] : memref<1536xf32, #tpu.memory_space<vmem>>[vector<16xi32>], vector<16xf32>,
          %add3A_1187 = arith.constant 105 : i32
          %add3A_1188 = vector.broadcast %add3A_1187 : i32 to vector<16xi32>
          %add3A_1189 = arith.addi %add3A_1149, %add3A_1188 : vector<16xi32>
          %gather3A_1190 = tpu.vector_load_idx %arg7[%add3A_1189] : memref<1536xf32, #tpu.memory_space<vmem>>[vector<16xi32>], vector<16xf32>,
          %mul3A_1191 = arith.mulf %sub3A_1145, %gather3A_1178 : vector<16xf32>
          %mul3A_1192 = arith.mulf %sub3A_1142, %gather3A_1182 : vector<16xf32>
          %add3A_1193 = arith.addf %mul3A_1191, %mul3A_1192 : vector<16xf32>
          %mul3A_1194 = arith.mulf %sub3A_1145, %gather3A_1186 : vector<16xf32>
          %mul3A_1195 = arith.mulf %sub3A_1142, %gather3A_1190 : vector<16xf32>
          %add3A_1196 = arith.addf %mul3A_1194, %mul3A_1195 : vector<16xf32>
          %mul3A_1197 = arith.mulf %sub3A_1119, %add3A_1193 : vector<16xf32>
          %mul3A_1198 = arith.mulf %sub3A_1116, %add3A_1196 : vector<16xf32>
          %add3A_1199 = arith.addf %mul3A_1197, %mul3A_1198 : vector<16xf32>
          %add3A_1200 = arith.constant 16 : i32
          %add3A_1201 = vector.broadcast %add3A_1200 : i32 to vector<16xi32>
          %add3A_1202 = arith.addi %add3A_1149, %add3A_1201 : vector<16xi32>
          %gather3A_1203 = tpu.vector_load_idx %arg7[%add3A_1202] : memref<1536xf32, #tpu.memory_space<vmem>>[vector<16xi32>], vector<16xf32>,
          %add3A_1204 = arith.constant 17 : i32
          %add3A_1205 = vector.broadcast %add3A_1204 : i32 to vector<16xi32>
          %add3A_1206 = arith.addi %add3A_1149, %add3A_1205 : vector<16xi32>
          %gather3A_1207 = tpu.vector_load_idx %arg7[%add3A_1206] : memref<1536xf32, #tpu.memory_space<vmem>>[vector<16xi32>], vector<16xf32>,
          %add3A_1208 = arith.constant 112 : i32
          %add3A_1209 = vector.broadcast %add3A_1208 : i32 to vector<16xi32>
          %add3A_1210 = arith.addi %add3A_1149, %add3A_1209 : vector<16xi32>
          %gather3A_1211 = tpu.vector_load_idx %arg7[%add3A_1210] : memref<1536xf32, #tpu.memory_space<vmem>>[vector<16xi32>], vector<16xf32>,
          %add3A_1212 = arith.constant 113 : i32
          %add3A_1213 = vector.broadcast %add3A_1212 : i32 to vector<16xi32>
          %add3A_1214 = arith.addi %add3A_1149, %add3A_1213 : vector<16xi32>
          %gather3A_1215 = tpu.vector_load_idx %arg7[%add3A_1214] : memref<1536xf32, #tpu.memory_space<vmem>>[vector<16xi32>], vector<16xf32>,
          %mul3A_1216 = arith.mulf %sub3A_1145, %gather3A_1203 : vector<16xf32>
          %mul3A_1217 = arith.mulf %sub3A_1142, %gather3A_1207 : vector<16xf32>
          %add3A_1218 = arith.addf %mul3A_1216, %mul3A_1217 : vector<16xf32>
          %mul3A_1219 = arith.mulf %sub3A_1145, %gather3A_1211 : vector<16xf32>
          %mul3A_1220 = arith.mulf %sub3A_1142, %gather3A_1215 : vector<16xf32>
          %add3A_1221 = arith.addf %mul3A_1219, %mul3A_1220 : vector<16xf32>
          %mul3A_1222 = arith.mulf %sub3A_1119, %add3A_1218 : vector<16xf32>
          %mul3A_1223 = arith.mulf %sub3A_1116, %add3A_1221 : vector<16xf32>
          %add3A_1224 = arith.addf %mul3A_1222, %mul3A_1223 : vector<16xf32>
          %add3A_1225 = arith.constant 24 : i32
          %add3A_1226 = vector.broadcast %add3A_1225 : i32 to vector<16xi32>
          %add3A_1227 = arith.addi %add3A_1149, %add3A_1226 : vector<16xi32>
          %gather3A_1228 = tpu.vector_load_idx %arg7[%add3A_1227] : memref<1536xf32, #tpu.memory_space<vmem>>[vector<16xi32>], vector<16xf32>,
          %add3A_1229 = arith.constant 25 : i32
          %add3A_1230 = vector.broadcast %add3A_1229 : i32 to vector<16xi32>
          %add3A_1231 = arith.addi %add3A_1149, %add3A_1230 : vector<16xi32>
          %gather3A_1232 = tpu.vector_load_idx %arg7[%add3A_1231] : memref<1536xf32, #tpu.memory_space<vmem>>[vector<16xi32>], vector<16xf32>,
          %add3A_1233 = arith.constant 120 : i32
          %add3A_1234 = vector.broadcast %add3A_1233 : i32 to vector<16xi32>
          %add3A_1235 = arith.addi %add3A_1149, %add3A_1234 : vector<16xi32>
          %gather3A_1236 = tpu.vector_load_idx %arg7[%add3A_1235] : memref<1536xf32, #tpu.memory_space<vmem>>[vector<16xi32>], vector<16xf32>,
          %add3A_1237 = arith.constant 121 : i32
          %add3A_1238 = vector.broadcast %add3A_1237 : i32 to vector<16xi32>
          %add3A_1239 = arith.addi %add3A_1149, %add3A_1238 : vector<16xi32>
          %gather3A_1240 = tpu.vector_load_idx %arg7[%add3A_1239] : memref<1536xf32, #tpu.memory_space<vmem>>[vector<16xi32>], vector<16xf32>,
          %mul3A_1241 = arith.mulf %sub3A_1145, %gather3A_1228 : vector<16xf32>
          %mul3A_1242 = arith.mulf %sub3A_1142, %gather3A_1232 : vector<16xf32>
          %add3A_1243 = arith.addf %mul3A_1241, %mul3A_1242 : vector<16xf32>
          %mul3A_1244 = arith.mulf %sub3A_1145, %gather3A_1236 : vector<16xf32>
          %mul3A_1245 = arith.mulf %sub3A_1142, %gather3A_1240 : vector<16xf32>
          %add3A_1246 = arith.addf %mul3A_1244, %mul3A_1245 : vector<16xf32>
          %mul3A_1247 = arith.mulf %sub3A_1119, %add3A_1243 : vector<16xf32>
          %mul3A_1248 = arith.mulf %sub3A_1116, %add3A_1246 : vector<16xf32>
          %add3A_1249 = arith.addf %mul3A_1247, %mul3A_1248 : vector<16xf32>
          %add3A_1250 = arith.constant 32 : i32
          %add3A_1251 = vector.broadcast %add3A_1250 : i32 to vector<16xi32>
          %add3A_1252 = arith.addi %add3A_1149, %add3A_1251 : vector<16xi32>
          %gather3A_1253 = tpu.vector_load_idx %arg7[%add3A_1252] : memref<1536xf32, #tpu.memory_space<vmem>>[vector<16xi32>], vector<16xf32>,
          %add3A_1254 = arith.constant 33 : i32
          %add3A_1255 = vector.broadcast %add3A_1254 : i32 to vector<16xi32>
          %add3A_1256 = arith.addi %add3A_1149, %add3A_1255 : vector<16xi32>
          %gather3A_1257 = tpu.vector_load_idx %arg7[%add3A_1256] : memref<1536xf32, #tpu.memory_space<vmem>>[vector<16xi32>], vector<16xf32>,
          %add3A_1258 = arith.constant 128 : i32
          %add3A_1259 = vector.broadcast %add3A_1258 : i32 to vector<16xi32>
          %add3A_1260 = arith.addi %add3A_1149, %add3A_1259 : vector<16xi32>
          %gather3A_1261 = tpu.vector_load_idx %arg7[%add3A_1260] : memref<1536xf32, #tpu.memory_space<vmem>>[vector<16xi32>], vector<16xf32>,
          %add3A_1262 = arith.constant 129 : i32
          %add3A_1263 = vector.broadcast %add3A_1262 : i32 to vector<16xi32>
          %add3A_1264 = arith.addi %add3A_1149, %add3A_1263 : vector<16xi32>
          %gather3A_1265 = tpu.vector_load_idx %arg7[%add3A_1264] : memref<1536xf32, #tpu.memory_space<vmem>>[vector<16xi32>], vector<16xf32>,
          %mul3A_1266 = arith.mulf %sub3A_1145, %gather3A_1253 : vector<16xf32>
          %mul3A_1267 = arith.mulf %sub3A_1142, %gather3A_1257 : vector<16xf32>
          %add3A_1268 = arith.addf %mul3A_1266, %mul3A_1267 : vector<16xf32>
          %mul3A_1269 = arith.mulf %sub3A_1145, %gather3A_1261 : vector<16xf32>
          %mul3A_1270 = arith.mulf %sub3A_1142, %gather3A_1265 : vector<16xf32>
          %add3A_1271 = arith.addf %mul3A_1269, %mul3A_1270 : vector<16xf32>
          %mul3A_1272 = arith.mulf %sub3A_1119, %add3A_1268 : vector<16xf32>
          %mul3A_1273 = arith.mulf %sub3A_1116, %add3A_1271 : vector<16xf32>
          %add3A_1274 = arith.addf %mul3A_1272, %mul3A_1273 : vector<16xf32>
          %add3A_1275 = arith.constant 40 : i32
          %add3A_1276 = vector.broadcast %add3A_1275 : i32 to vector<16xi32>
          %add3A_1277 = arith.addi %add3A_1149, %add3A_1276 : vector<16xi32>
          %gather3A_1278 = tpu.vector_load_idx %arg7[%add3A_1277] : memref<1536xf32, #tpu.memory_space<vmem>>[vector<16xi32>], vector<16xf32>,
          %add3A_1279 = arith.constant 41 : i32
          %add3A_1280 = vector.broadcast %add3A_1279 : i32 to vector<16xi32>
          %add3A_1281 = arith.addi %add3A_1149, %add3A_1280 : vector<16xi32>
          %gather3A_1282 = tpu.vector_load_idx %arg7[%add3A_1281] : memref<1536xf32, #tpu.memory_space<vmem>>[vector<16xi32>], vector<16xf32>,
          %add3A_1283 = arith.constant 136 : i32
          %add3A_1284 = vector.broadcast %add3A_1283 : i32 to vector<16xi32>
          %add3A_1285 = arith.addi %add3A_1149, %add3A_1284 : vector<16xi32>
          %gather3A_1286 = tpu.vector_load_idx %arg7[%add3A_1285] : memref<1536xf32, #tpu.memory_space<vmem>>[vector<16xi32>], vector<16xf32>,
          %add3A_1287 = arith.constant 137 : i32
          %add3A_1288 = vector.broadcast %add3A_1287 : i32 to vector<16xi32>
          %add3A_1289 = arith.addi %add3A_1149, %add3A_1288 : vector<16xi32>
          %gather3A_1290 = tpu.vector_load_idx %arg7[%add3A_1289] : memref<1536xf32, #tpu.memory_space<vmem>>[vector<16xi32>], vector<16xf32>,
          %mul3A_1291 = arith.mulf %sub3A_1145, %gather3A_1278 : vector<16xf32>
          %mul3A_1292 = arith.mulf %sub3A_1142, %gather3A_1282 : vector<16xf32>
          %add3A_1293 = arith.addf %mul3A_1291, %mul3A_1292 : vector<16xf32>
          %mul3A_1294 = arith.mulf %sub3A_1145, %gather3A_1286 : vector<16xf32>
          %mul3A_1295 = arith.mulf %sub3A_1142, %gather3A_1290 : vector<16xf32>
          %add3A_1296 = arith.addf %mul3A_1294, %mul3A_1295 : vector<16xf32>
          %mul3A_1297 = arith.mulf %sub3A_1119, %add3A_1293 : vector<16xf32>
          %mul3A_1298 = arith.mulf %sub3A_1116, %add3A_1296 : vector<16xf32>
          %add3A_1299 = arith.addf %mul3A_1297, %mul3A_1298 : vector<16xf32>
          %add3A_1300 = arith.constant 48 : i32
          %add3A_1301 = vector.broadcast %add3A_1300 : i32 to vector<16xi32>
          %add3A_1302 = arith.addi %add3A_1149, %add3A_1301 : vector<16xi32>
          %gather3A_1303 = tpu.vector_load_idx %arg7[%add3A_1302] : memref<1536xf32, #tpu.memory_space<vmem>>[vector<16xi32>], vector<16xf32>,
          %add3A_1304 = arith.constant 49 : i32
          %add3A_1305 = vector.broadcast %add3A_1304 : i32 to vector<16xi32>
          %add3A_1306 = arith.addi %add3A_1149, %add3A_1305 : vector<16xi32>
          %gather3A_1307 = tpu.vector_load_idx %arg7[%add3A_1306] : memref<1536xf32, #tpu.memory_space<vmem>>[vector<16xi32>], vector<16xf32>,
          %add3A_1308 = arith.constant 144 : i32
          %add3A_1309 = vector.broadcast %add3A_1308 : i32 to vector<16xi32>
          %add3A_1310 = arith.addi %add3A_1149, %add3A_1309 : vector<16xi32>
          %gather3A_1311 = tpu.vector_load_idx %arg7[%add3A_1310] : memref<1536xf32, #tpu.memory_space<vmem>>[vector<16xi32>], vector<16xf32>,
          %add3A_1312 = arith.constant 145 : i32
          %add3A_1313 = vector.broadcast %add3A_1312 : i32 to vector<16xi32>
          %add3A_1314 = arith.addi %add3A_1149, %add3A_1313 : vector<16xi32>
          %gather3A_1315 = tpu.vector_load_idx %arg7[%add3A_1314] : memref<1536xf32, #tpu.memory_space<vmem>>[vector<16xi32>], vector<16xf32>,
          %mul3A_1316 = arith.mulf %sub3A_1145, %gather3A_1303 : vector<16xf32>
          %mul3A_1317 = arith.mulf %sub3A_1142, %gather3A_1307 : vector<16xf32>
          %add3A_1318 = arith.addf %mul3A_1316, %mul3A_1317 : vector<16xf32>
          %mul3A_1319 = arith.mulf %sub3A_1145, %gather3A_1311 : vector<16xf32>
          %mul3A_1320 = arith.mulf %sub3A_1142, %gather3A_1315 : vector<16xf32>
          %add3A_1321 = arith.addf %mul3A_1319, %mul3A_1320 : vector<16xf32>
          %mul3A_1322 = arith.mulf %sub3A_1119, %add3A_1318 : vector<16xf32>
          %mul3A_1323 = arith.mulf %sub3A_1116, %add3A_1321 : vector<16xf32>
          %add3A_1324 = arith.addf %mul3A_1322, %mul3A_1323 : vector<16xf32>
          %add3A_1325 = arith.constant 56 : i32
          %add3A_1326 = vector.broadcast %add3A_1325 : i32 to vector<16xi32>
          %add3A_1327 = arith.addi %add3A_1149, %add3A_1326 : vector<16xi32>
          %gather3A_1328 = tpu.vector_load_idx %arg7[%add3A_1327] : memref<1536xf32, #tpu.memory_space<vmem>>[vector<16xi32>], vector<16xf32>,
          %add3A_1329 = arith.constant 57 : i32
          %add3A_1330 = vector.broadcast %add3A_1329 : i32 to vector<16xi32>
          %add3A_1331 = arith.addi %add3A_1149, %add3A_1330 : vector<16xi32>
          %gather3A_1332 = tpu.vector_load_idx %arg7[%add3A_1331] : memref<1536xf32, #tpu.memory_space<vmem>>[vector<16xi32>], vector<16xf32>,
          %add3A_1333 = arith.constant 152 : i32
          %add3A_1334 = vector.broadcast %add3A_1333 : i32 to vector<16xi32>
          %add3A_1335 = arith.addi %add3A_1149, %add3A_1334 : vector<16xi32>
          %gather3A_1336 = tpu.vector_load_idx %arg7[%add3A_1335] : memref<1536xf32, #tpu.memory_space<vmem>>[vector<16xi32>], vector<16xf32>,
          %add3A_1337 = arith.constant 153 : i32
          %add3A_1338 = vector.broadcast %add3A_1337 : i32 to vector<16xi32>
          %add3A_1339 = arith.addi %add3A_1149, %add3A_1338 : vector<16xi32>
          %gather3A_1340 = tpu.vector_load_idx %arg7[%add3A_1339] : memref<1536xf32, #tpu.memory_space<vmem>>[vector<16xi32>], vector<16xf32>,
          %mul3A_1341 = arith.mulf %sub3A_1145, %gather3A_1328 : vector<16xf32>
          %mul3A_1342 = arith.mulf %sub3A_1142, %gather3A_1332 : vector<16xf32>
          %add3A_1343 = arith.addf %mul3A_1341, %mul3A_1342 : vector<16xf32>
          %mul3A_1344 = arith.mulf %sub3A_1145, %gather3A_1336 : vector<16xf32>
          %mul3A_1345 = arith.mulf %sub3A_1142, %gather3A_1340 : vector<16xf32>
          %add3A_1346 = arith.addf %mul3A_1344, %mul3A_1345 : vector<16xf32>
          %mul3A_1347 = arith.mulf %sub3A_1119, %add3A_1343 : vector<16xf32>
          %mul3A_1348 = arith.mulf %sub3A_1116, %add3A_1346 : vector<16xf32>
          %add3A_1349 = arith.addf %mul3A_1347, %mul3A_1348 : vector<16xf32>
          %add3A_1350 = arith.constant 64 : i32
          %add3A_1351 = vector.broadcast %add3A_1350 : i32 to vector<16xi32>
          %add3A_1352 = arith.addi %add3A_1149, %add3A_1351 : vector<16xi32>
          %gather3A_1353 = tpu.vector_load_idx %arg7[%add3A_1352] : memref<1536xf32, #tpu.memory_space<vmem>>[vector<16xi32>], vector<16xf32>,
          %add3A_1354 = arith.constant 65 : i32
          %add3A_1355 = vector.broadcast %add3A_1354 : i32 to vector<16xi32>
          %add3A_1356 = arith.addi %add3A_1149, %add3A_1355 : vector<16xi32>
          %gather3A_1357 = tpu.vector_load_idx %arg7[%add3A_1356] : memref<1536xf32, #tpu.memory_space<vmem>>[vector<16xi32>], vector<16xf32>,
          %add3A_1358 = arith.constant 160 : i32
          %add3A_1359 = vector.broadcast %add3A_1358 : i32 to vector<16xi32>
          %add3A_1360 = arith.addi %add3A_1149, %add3A_1359 : vector<16xi32>
          %gather3A_1361 = tpu.vector_load_idx %arg7[%add3A_1360] : memref<1536xf32, #tpu.memory_space<vmem>>[vector<16xi32>], vector<16xf32>,
          %add3A_1362 = arith.constant 161 : i32
          %add3A_1363 = vector.broadcast %add3A_1362 : i32 to vector<16xi32>
          %add3A_1364 = arith.addi %add3A_1149, %add3A_1363 : vector<16xi32>
          %gather3A_1365 = tpu.vector_load_idx %arg7[%add3A_1364] : memref<1536xf32, #tpu.memory_space<vmem>>[vector<16xi32>], vector<16xf32>,
          %mul3A_1366 = arith.mulf %sub3A_1145, %gather3A_1353 : vector<16xf32>
          %mul3A_1367 = arith.mulf %sub3A_1142, %gather3A_1357 : vector<16xf32>
          %add3A_1368 = arith.addf %mul3A_1366, %mul3A_1367 : vector<16xf32>
          %mul3A_1369 = arith.mulf %sub3A_1145, %gather3A_1361 : vector<16xf32>
          %mul3A_1370 = arith.mulf %sub3A_1142, %gather3A_1365 : vector<16xf32>
          %add3A_1371 = arith.addf %mul3A_1369, %mul3A_1370 : vector<16xf32>
          %mul3A_1372 = arith.mulf %sub3A_1119, %add3A_1368 : vector<16xf32>
          %mul3A_1373 = arith.mulf %sub3A_1116, %add3A_1371 : vector<16xf32>
          %add3A_1374 = arith.addf %mul3A_1372, %mul3A_1373 : vector<16xf32>
          %add3A_1375 = arith.constant 72 : i32
          %add3A_1376 = vector.broadcast %add3A_1375 : i32 to vector<16xi32>
          %add3A_1377 = arith.addi %add3A_1149, %add3A_1376 : vector<16xi32>
          %gather3A_1378 = tpu.vector_load_idx %arg7[%add3A_1377] : memref<1536xf32, #tpu.memory_space<vmem>>[vector<16xi32>], vector<16xf32>,
          %add3A_1379 = arith.constant 73 : i32
          %add3A_1380 = vector.broadcast %add3A_1379 : i32 to vector<16xi32>
          %add3A_1381 = arith.addi %add3A_1149, %add3A_1380 : vector<16xi32>
          %gather3A_1382 = tpu.vector_load_idx %arg7[%add3A_1381] : memref<1536xf32, #tpu.memory_space<vmem>>[vector<16xi32>], vector<16xf32>,
          %add3A_1383 = arith.constant 168 : i32
          %add3A_1384 = vector.broadcast %add3A_1383 : i32 to vector<16xi32>
          %add3A_1385 = arith.addi %add3A_1149, %add3A_1384 : vector<16xi32>
          %gather3A_1386 = tpu.vector_load_idx %arg7[%add3A_1385] : memref<1536xf32, #tpu.memory_space<vmem>>[vector<16xi32>], vector<16xf32>,
          %add3A_1387 = arith.constant 169 : i32
          %add3A_1388 = vector.broadcast %add3A_1387 : i32 to vector<16xi32>
          %add3A_1389 = arith.addi %add3A_1149, %add3A_1388 : vector<16xi32>
          %gather3A_1390 = tpu.vector_load_idx %arg7[%add3A_1389] : memref<1536xf32, #tpu.memory_space<vmem>>[vector<16xi32>], vector<16xf32>,
          %mul3A_1391 = arith.mulf %sub3A_1145, %gather3A_1378 : vector<16xf32>
          %mul3A_1392 = arith.mulf %sub3A_1142, %gather3A_1382 : vector<16xf32>
          %add3A_1393 = arith.addf %mul3A_1391, %mul3A_1392 : vector<16xf32>
          %mul3A_1394 = arith.mulf %sub3A_1145, %gather3A_1386 : vector<16xf32>
          %mul3A_1395 = arith.mulf %sub3A_1142, %gather3A_1390 : vector<16xf32>
          %add3A_1396 = arith.addf %mul3A_1394, %mul3A_1395 : vector<16xf32>
          %mul3A_1397 = arith.mulf %sub3A_1119, %add3A_1393 : vector<16xf32>
          %mul3A_1398 = arith.mulf %sub3A_1116, %add3A_1396 : vector<16xf32>
          %add3A_1399 = arith.addf %mul3A_1397, %mul3A_1398 : vector<16xf32>
          %add3A_1400 = arith.constant 80 : i32
          %add3A_1401 = vector.broadcast %add3A_1400 : i32 to vector<16xi32>
          %add3A_1402 = arith.addi %add3A_1149, %add3A_1401 : vector<16xi32>
          %gather3A_1403 = tpu.vector_load_idx %arg7[%add3A_1402] : memref<1536xf32, #tpu.memory_space<vmem>>[vector<16xi32>], vector<16xf32>,
          %add3A_1404 = arith.constant 81 : i32
          %add3A_1405 = vector.broadcast %add3A_1404 : i32 to vector<16xi32>
          %add3A_1406 = arith.addi %add3A_1149, %add3A_1405 : vector<16xi32>
          %gather3A_1407 = tpu.vector_load_idx %arg7[%add3A_1406] : memref<1536xf32, #tpu.memory_space<vmem>>[vector<16xi32>], vector<16xf32>,
          %add3A_1408 = arith.constant 176 : i32
          %add3A_1409 = vector.broadcast %add3A_1408 : i32 to vector<16xi32>
          %add3A_1410 = arith.addi %add3A_1149, %add3A_1409 : vector<16xi32>
          %gather3A_1411 = tpu.vector_load_idx %arg7[%add3A_1410] : memref<1536xf32, #tpu.memory_space<vmem>>[vector<16xi32>], vector<16xf32>,
          %add3A_1412 = arith.constant 177 : i32
          %add3A_1413 = vector.broadcast %add3A_1412 : i32 to vector<16xi32>
          %add3A_1414 = arith.addi %add3A_1149, %add3A_1413 : vector<16xi32>
          %gather3A_1415 = tpu.vector_load_idx %arg7[%add3A_1414] : memref<1536xf32, #tpu.memory_space<vmem>>[vector<16xi32>], vector<16xf32>,
          %mul3A_1416 = arith.mulf %sub3A_1145, %gather3A_1403 : vector<16xf32>
          %mul3A_1417 = arith.mulf %sub3A_1142, %gather3A_1407 : vector<16xf32>
          %add3A_1418 = arith.addf %mul3A_1416, %mul3A_1417 : vector<16xf32>
          %mul3A_1419 = arith.mulf %sub3A_1145, %gather3A_1411 : vector<16xf32>
          %mul3A_1420 = arith.mulf %sub3A_1142, %gather3A_1415 : vector<16xf32>
          %add3A_1421 = arith.addf %mul3A_1419, %mul3A_1420 : vector<16xf32>
          %mul3A_1422 = arith.mulf %sub3A_1119, %add3A_1418 : vector<16xf32>
          %mul3A_1423 = arith.mulf %sub3A_1116, %add3A_1421 : vector<16xf32>
          %add3A_1424 = arith.addf %mul3A_1422, %mul3A_1423 : vector<16xf32>
          %add3A_1425 = arith.constant 88 : i32
          %add3A_1426 = vector.broadcast %add3A_1425 : i32 to vector<16xi32>
          %add3A_1427 = arith.addi %add3A_1149, %add3A_1426 : vector<16xi32>
          %gather3A_1428 = tpu.vector_load_idx %arg7[%add3A_1427] : memref<1536xf32, #tpu.memory_space<vmem>>[vector<16xi32>], vector<16xf32>,
          %add3A_1429 = arith.constant 89 : i32
          %add3A_1430 = vector.broadcast %add3A_1429 : i32 to vector<16xi32>
          %add3A_1431 = arith.addi %add3A_1149, %add3A_1430 : vector<16xi32>
          %gather3A_1432 = tpu.vector_load_idx %arg7[%add3A_1431] : memref<1536xf32, #tpu.memory_space<vmem>>[vector<16xi32>], vector<16xf32>,
          %add3A_1433 = arith.constant 184 : i32
          %add3A_1434 = vector.broadcast %add3A_1433 : i32 to vector<16xi32>
          %add3A_1435 = arith.addi %add3A_1149, %add3A_1434 : vector<16xi32>
          %gather3A_1436 = tpu.vector_load_idx %arg7[%add3A_1435] : memref<1536xf32, #tpu.memory_space<vmem>>[vector<16xi32>], vector<16xf32>,
          %add3A_1437 = arith.constant 185 : i32
          %add3A_1438 = vector.broadcast %add3A_1437 : i32 to vector<16xi32>
          %add3A_1439 = arith.addi %add3A_1149, %add3A_1438 : vector<16xi32>
          %gather3A_1440 = tpu.vector_load_idx %arg7[%add3A_1439] : memref<1536xf32, #tpu.memory_space<vmem>>[vector<16xi32>], vector<16xf32>,
          %mul3A_1441 = arith.mulf %sub3A_1145, %gather3A_1428 : vector<16xf32>
          %mul3A_1442 = arith.mulf %sub3A_1142, %gather3A_1432 : vector<16xf32>
          %add3A_1443 = arith.addf %mul3A_1441, %mul3A_1442 : vector<16xf32>
          %mul3A_1444 = arith.mulf %sub3A_1145, %gather3A_1436 : vector<16xf32>
          %mul3A_1445 = arith.mulf %sub3A_1142, %gather3A_1440 : vector<16xf32>
          %add3A_1446 = arith.addf %mul3A_1444, %mul3A_1445 : vector<16xf32>
          %mul3A_1447 = arith.mulf %sub3A_1119, %add3A_1443 : vector<16xf32>
          %mul3A_1448 = arith.mulf %sub3A_1116, %add3A_1446 : vector<16xf32>
          %add3A_1449 = arith.addf %mul3A_1447, %mul3A_1448 : vector<16xf32>
          %get3A_1450 = arith.constant 0 : i32
          %get3A_1451 = arith.index_cast %get3A_1450 : i32 to index
          %get3A_1452 = arith.index_cast %scan3A_102 : i32 to index
          %get3A_1453 = arith.index_cast %mul3A_1121 : i32 to index
          %get3A_1454 = tpu.vector_load %arg9[%get3A_1451, %get3A_1452, %get3A_1453] {strides = array<i32>} : memref<3x8x512xf32, #tpu.memory_space<vmem>>, vector<16xf32>,
          %get3A_1455 = arith.constant 1 : i32
          %get3A_1456 = arith.index_cast %get3A_1455 : i32 to index
          %get3A_1457 = arith.index_cast %scan3A_102 : i32 to index
          %get3A_1458 = arith.index_cast %mul3A_1121 : i32 to index
          %get3A_1459 = tpu.vector_load %arg9[%get3A_1456, %get3A_1457, %get3A_1458] {strides = array<i32>} : memref<3x8x512xf32, #tpu.memory_space<vmem>>, vector<16xf32>,
          %get3A_1460 = arith.constant 2 : i32
          %get3A_1461 = arith.index_cast %get3A_1460 : i32 to index
          %get3A_1462 = arith.index_cast %scan3A_102 : i32 to index
          %get3A_1463 = arith.index_cast %mul3A_1121 : i32 to index
          %get3A_1464 = tpu.vector_load %arg9[%get3A_1461, %get3A_1462, %get3A_1463] {strides = array<i32>} : memref<3x8x512xf32, #tpu.memory_space<vmem>>, vector<16xf32>,
          %mul3A_1465 = arith.mulf %add3A_1174, %get3A_1454 : vector<16xf32>
          %mul3A_1466 = arith.mulf %add3A_1199, %get3A_1459 : vector<16xf32>
          %add3A_1467 = arith.addf %mul3A_1465, %mul3A_1466 : vector<16xf32>
          %mul3A_1468 = arith.mulf %add3A_1224, %get3A_1464 : vector<16xf32>
          %add3A_1469 = arith.addf %add3A_1467, %mul3A_1468 : vector<16xf32>
          %add3A_1470 = arith.addf %add3A_1469, %add3A_1249 : vector<16xf32>
          %swap3A_1471 = arith.constant 0 : i32
          %swap3A_1472 = arith.index_cast %swap3A_1471 : i32 to index
          %swap3A_1473 = arith.index_cast %scan3A_102 : i32 to index
          %swap3A_1474 = arith.index_cast %mul3A_1121 : i32 to index
          %swap3A_1475 = tpu.vector_load %arg10[%swap3A_1472, %swap3A_1473, %swap3A_1474] {strides = array<i32>} : memref<3x8x512xf32, #tpu.memory_space<vmem>>, vector<16xf32>,
          tpu.vector_store %arg10[%swap3A_1472, %swap3A_1473, %swap3A_1474], %add3A_1470 {strides = array<i32>} : memref<3x8x512xf32, #tpu.memory_space<vmem>>, vector<16xf32>,
          %mul3A_1476 = arith.mulf %add3A_1274, %get3A_1454 : vector<16xf32>
          %mul3A_1477 = arith.mulf %add3A_1299, %get3A_1459 : vector<16xf32>
          %add3A_1478 = arith.addf %mul3A_1476, %mul3A_1477 : vector<16xf32>
          %mul3A_1479 = arith.mulf %add3A_1324, %get3A_1464 : vector<16xf32>
          %add3A_1480 = arith.addf %add3A_1478, %mul3A_1479 : vector<16xf32>
          %add3A_1481 = arith.addf %add3A_1480, %add3A_1349 : vector<16xf32>
          %swap3A_1482 = arith.constant 1 : i32
          %swap3A_1483 = arith.index_cast %swap3A_1482 : i32 to index
          %swap3A_1484 = arith.index_cast %scan3A_102 : i32 to index
          %swap3A_1485 = arith.index_cast %mul3A_1121 : i32 to index
          %swap3A_1486 = tpu.vector_load %arg10[%swap3A_1483, %swap3A_1484, %swap3A_1485] {strides = array<i32>} : memref<3x8x512xf32, #tpu.memory_space<vmem>>, vector<16xf32>,
          tpu.vector_store %arg10[%swap3A_1483, %swap3A_1484, %swap3A_1485], %add3A_1481 {strides = array<i32>} : memref<3x8x512xf32, #tpu.memory_space<vmem>>, vector<16xf32>,
          %mul3A_1487 = arith.mulf %add3A_1374, %get3A_1454 : vector<16xf32>
          %mul3A_1488 = arith.mulf %add3A_1399, %get3A_1459 : vector<16xf32>
          %add3A_1489 = arith.addf %mul3A_1487, %mul3A_1488 : vector<16xf32>
          %mul3A_1490 = arith.mulf %add3A_1424, %get3A_1464 : vector<16xf32>
          %add3A_1491 = arith.addf %add3A_1489, %mul3A_1490 : vector<16xf32>
          %add3A_1492 = arith.addf %add3A_1491, %add3A_1449 : vector<16xf32>
          %swap3A_1493 = arith.constant 2 : i32
          %swap3A_1494 = arith.index_cast %swap3A_1493 : i32 to index
          %swap3A_1495 = arith.index_cast %scan3A_102 : i32 to index
          %swap3A_1496 = arith.index_cast %mul3A_1121 : i32 to index
          %swap3A_1497 = tpu.vector_load %arg10[%swap3A_1494, %swap3A_1495, %swap3A_1496] {strides = array<i32>} : memref<3x8x512xf32, #tpu.memory_space<vmem>>, vector<16xf32>,
          tpu.vector_store %arg10[%swap3A_1494, %swap3A_1495, %swap3A_1496], %add3A_1492 {strides = array<i32>} : memref<3x8x512xf32, #tpu.memory_space<vmem>>, vector<16xf32>,
          %scan3A_1498 = arith.constant 3 : i32
          %scan3A_1499 = arith.addi %scan3A_185, %scan3A_1498 : i32
          %mul3A_1500 = arith.constant 16 : i32
          %mul3A_1501 = arith.muli %scan3A_1499, %mul3A_1500 : i32
          %add3A_1502 = arith.addi %mul3A_179, %mul3A_1501 : i32
          %sub3A_1503 = arith.constant 1 : i32
          %sub3A_1504 = arith.subi %scan3A_1499, %sub3A_1503 : i32
          %jit3A_1505 = arith.constant 2 : i32
          %div3A_1506 = arith.divsi %sub3A_1504, %jit3A_1505 : i32
          %sign3A_1507 = arith.constant 0 : i32
          %sign3A_1508 = arith.cmpi sgt, %sub3A_1504, %sign3A_1507 : i32
          %sign3A_1509 = arith.extui %sign3A_1508 : i1 to i32
          %sign3A_1510 = arith.constant 0 : i32
          %sign3A_1511 = arith.cmpi slt, %sub3A_1504, %sign3A_1510 : i32
          %sign3A_1512 = arith.extui %sign3A_1511 : i1 to i32
          %sign3A_1513 = arith.subi %sign3A_1509, %sign3A_1512 : i32
          %sign3A_1514 = arith.constant 0 : i32
          %sign3A_1515 = arith.cmpi sgt, %jit3A_1505, %sign3A_1514 : i32
          %sign3A_1516 = arith.extui %sign3A_1515 : i1 to i32
          %sign3A_1517 = arith.constant 0 : i32
          %sign3A_1518 = arith.cmpi slt, %jit3A_1505, %sign3A_1517 : i32
          %sign3A_1519 = arith.extui %sign3A_1518 : i1 to i32
          %sign3A_1520 = arith.subi %sign3A_1516, %sign3A_1519 : i32
          %ne3A_1521 = arith.cmpi ne, %sign3A_1513, %sign3A_1520 : i32
          %rem3A_1522 = arith.remsi %sub3A_1504, %jit3A_1505 : i32
          %ne3A_1523 = arith.constant 0 : i32
          %ne3A_1524 = arith.cmpi ne, %rem3A_1522, %ne3A_1523 : i32
          %and3A_1525 = arith.andi %ne3A_1521, %ne3A_1524 : i1
          %sub3A_1526 = arith.constant 1 : i32
          %sub3A_1527 = arith.subi %div3A_1506, %sub3A_1526 : i32
          %select_n3A_1528 = arith.select %and3A_1525, %sub3A_1527, %div3A_1506 : i32
          %jit3A_1529 = arith.constant 0 : i32
          %jit3A_1530 = arith.constant 14 : i32
          %max3A_1531 = arith.maxsi %jit3A_1529, %select_n3A_1528 : i32
          %min3A_1532 = arith.minsi %jit3A_1530, %max3A_1531 : i32
          %mul3A_1533 = arith.constant 16 : i32
          %mul3A_1534 = arith.muli %scan3A_1499, %mul3A_1533 : i32
          %add3A_1535 = vector.broadcast %mul3A_1534 : i32 to vector<16xi32>
          %add3A_1536 = arith.addi %add3A_1535, %iota3A : vector<16xi32>
          %convert_element_type3A_1537 = arith.sitofp %add3A_1536 : vector<16xi32> to vector<16xf32>
          %add3A_1538 = arith.constant 5.000000e-01 : f32
          %add3A_1539 = vector.broadcast %add3A_1538 : f32 to vector<16xf32>
          %add3A_1540 = arith.addf %convert_element_type3A_1537, %add3A_1539 : vector<16xf32>
          %mul3A_1541 = arith.constant 3.125000e-02 : f32
          %mul3A_1542 = vector.broadcast %mul3A_1541 : f32 to vector<16xf32>
          %mul3A_1543 = arith.mulf %add3A_1540, %mul3A_1542 : vector<16xf32>
          %jit3A_1544 = arith.constant 5.000000e-01 : f32
          %jit3A_1545 = arith.constant 1.550000e+01 : f32
          %max3A_1546 = vector.broadcast %jit3A_1544 : f32 to vector<16xf32>
          %max3A_1547 = arith.maximumf %max3A_1546, %mul3A_1543 : vector<16xf32>
          %min3A_1548 = vector.broadcast %jit3A_1545 : f32 to vector<16xf32>
          %min3A_1549 = arith.minimumf %min3A_1548, %max3A_1547 : vector<16xf32>
          %sub3A_1550 = arith.constant 5.000000e-01 : f32
          %sub3A_1551 = vector.broadcast %sub3A_1550 : f32 to vector<16xf32>
          %sub3A_1552 = arith.subf %min3A_1549, %sub3A_1551 : vector<16xf32>
          %convert_element_type3A_1553 = arith.sitofp %min3A_1532 : i32 to f32
          %sub3A_1554 = vector.broadcast %convert_element_type3A_1553 : f32 to vector<16xf32>
          %sub3A_1555 = arith.subf %sub3A_1552, %sub3A_1554 : vector<16xf32>
          %sub3A_1556 = arith.constant 1.000000e+00 : f32
          %sub3A_1557 = vector.broadcast %sub3A_1556 : f32 to vector<16xf32>
          %sub3A_1558 = arith.subf %sub3A_1557, %sub3A_1555 : vector<16xf32>
          %mul3A_1559 = arith.constant 16 : i32
          %mul3A_1560 = arith.muli %scan3A_1499, %mul3A_1559 : i32
          %get3A_1561 = arith.index_cast %scan3A_102 : i32 to index
          %get3A_1562 = arith.index_cast %mul3A_1560 : i32 to index
          %get3A_1563 = tpu.vector_load %arg8[%get3A_1561, %get3A_1562] {strides = array<i32>} : memref<8x512xf32, #tpu.memory_space<vmem>>, vector<16xf32>,
          %mul3A_1564 = arith.constant 8.000000e+00 : f32
          %mul3A_1565 = vector.broadcast %mul3A_1564 : f32 to vector<16xf32>
          %mul3A_1566 = arith.mulf %get3A_1563, %mul3A_1565 : vector<16xf32>
          %jit3A_1567 = arith.constant 5.000000e-01 : f32
          %jit3A_1568 = arith.constant 7.500000e+00 : f32
          %max3A_1569 = vector.broadcast %jit3A_1567 : f32 to vector<16xf32>
          %max3A_1570 = arith.maximumf %max3A_1569, %mul3A_1566 : vector<16xf32>
          %min3A_1571 = vector.broadcast %jit3A_1568 : f32 to vector<16xf32>
          %min3A_1572 = arith.minimumf %min3A_1571, %max3A_1570 : vector<16xf32>
          %sub3A_1573 = arith.constant 5.000000e-01 : f32
          %sub3A_1574 = vector.broadcast %sub3A_1573 : f32 to vector<16xf32>
          %sub3A_1575 = arith.subf %min3A_1572, %sub3A_1574 : vector<16xf32>
          %convert_element_type3A_1576 = arith.fptosi %sub3A_1575 : vector<16xf32> to vector<16xi32>
          %min3A_1577 = arith.constant 6 : i32
          %min3A_1578 = vector.broadcast %min3A_1577 : i32 to vector<16xi32>
          %min3A_1579 = arith.minsi %convert_element_type3A_1576, %min3A_1578 : vector<16xi32>
          %convert_element_type3A_1580 = arith.sitofp %min3A_1579 : vector<16xi32> to vector<16xf32>
          %sub3A_1581 = arith.subf %sub3A_1575, %convert_element_type3A_1580 : vector<16xf32>
          %sub3A_1582 = arith.constant 1.000000e+00 : f32
          %sub3A_1583 = vector.broadcast %sub3A_1582 : f32 to vector<16xf32>
          %sub3A_1584 = arith.subf %sub3A_1583, %sub3A_1581 : vector<16xf32>
          %mul3A_1585 = arith.constant 96 : i32
          %mul3A_1586 = arith.muli %min3A_1532, %mul3A_1585 : i32
          %add3A_1587 = vector.broadcast %mul3A_1586 : i32 to vector<16xi32>
          %add3A_1588 = arith.addi %min3A_1579, %add3A_1587 : vector<16xi32>
          %add3A_1589 = arith.constant 0 : i32
          %add3A_1590 = vector.broadcast %add3A_1589 : i32 to vector<16xi32>
          %add3A_1591 = arith.addi %add3A_1588, %add3A_1590 : vector<16xi32>
          %gather3A_1592 = tpu.vector_load_idx %arg7[%add3A_1591] : memref<1536xf32, #tpu.memory_space<vmem>>[vector<16xi32>], vector<16xf32>,
          %add3A_1593 = arith.constant 1 : i32
          %add3A_1594 = vector.broadcast %add3A_1593 : i32 to vector<16xi32>
          %add3A_1595 = arith.addi %add3A_1588, %add3A_1594 : vector<16xi32>
          %gather3A_1596 = tpu.vector_load_idx %arg7[%add3A_1595] : memref<1536xf32, #tpu.memory_space<vmem>>[vector<16xi32>], vector<16xf32>,
          %add3A_1597 = arith.constant 96 : i32
          %add3A_1598 = vector.broadcast %add3A_1597 : i32 to vector<16xi32>
          %add3A_1599 = arith.addi %add3A_1588, %add3A_1598 : vector<16xi32>
          %gather3A_1600 = tpu.vector_load_idx %arg7[%add3A_1599] : memref<1536xf32, #tpu.memory_space<vmem>>[vector<16xi32>], vector<16xf32>,
          %add3A_1601 = arith.constant 97 : i32
          %add3A_1602 = vector.broadcast %add3A_1601 : i32 to vector<16xi32>
          %add3A_1603 = arith.addi %add3A_1588, %add3A_1602 : vector<16xi32>
          %gather3A_1604 = tpu.vector_load_idx %arg7[%add3A_1603] : memref<1536xf32, #tpu.memory_space<vmem>>[vector<16xi32>], vector<16xf32>,
          %mul3A_1605 = arith.mulf %sub3A_1584, %gather3A_1592 : vector<16xf32>
          %mul3A_1606 = arith.mulf %sub3A_1581, %gather3A_1596 : vector<16xf32>
          %add3A_1607 = arith.addf %mul3A_1605, %mul3A_1606 : vector<16xf32>
          %mul3A_1608 = arith.mulf %sub3A_1584, %gather3A_1600 : vector<16xf32>
          %mul3A_1609 = arith.mulf %sub3A_1581, %gather3A_1604 : vector<16xf32>
          %add3A_1610 = arith.addf %mul3A_1608, %mul3A_1609 : vector<16xf32>
          %mul3A_1611 = arith.mulf %sub3A_1558, %add3A_1607 : vector<16xf32>
          %mul3A_1612 = arith.mulf %sub3A_1555, %add3A_1610 : vector<16xf32>
          %add3A_1613 = arith.addf %mul3A_1611, %mul3A_1612 : vector<16xf32>
          %add3A_1614 = arith.constant 8 : i32
          %add3A_1615 = vector.broadcast %add3A_1614 : i32 to vector<16xi32>
          %add3A_1616 = arith.addi %add3A_1588, %add3A_1615 : vector<16xi32>
          %gather3A_1617 = tpu.vector_load_idx %arg7[%add3A_1616] : memref<1536xf32, #tpu.memory_space<vmem>>[vector<16xi32>], vector<16xf32>,
          %add3A_1618 = arith.constant 9 : i32
          %add3A_1619 = vector.broadcast %add3A_1618 : i32 to vector<16xi32>
          %add3A_1620 = arith.addi %add3A_1588, %add3A_1619 : vector<16xi32>
          %gather3A_1621 = tpu.vector_load_idx %arg7[%add3A_1620] : memref<1536xf32, #tpu.memory_space<vmem>>[vector<16xi32>], vector<16xf32>,
          %add3A_1622 = arith.constant 104 : i32
          %add3A_1623 = vector.broadcast %add3A_1622 : i32 to vector<16xi32>
          %add3A_1624 = arith.addi %add3A_1588, %add3A_1623 : vector<16xi32>
          %gather3A_1625 = tpu.vector_load_idx %arg7[%add3A_1624] : memref<1536xf32, #tpu.memory_space<vmem>>[vector<16xi32>], vector<16xf32>,
          %add3A_1626 = arith.constant 105 : i32
          %add3A_1627 = vector.broadcast %add3A_1626 : i32 to vector<16xi32>
          %add3A_1628 = arith.addi %add3A_1588, %add3A_1627 : vector<16xi32>
          %gather3A_1629 = tpu.vector_load_idx %arg7[%add3A_1628] : memref<1536xf32, #tpu.memory_space<vmem>>[vector<16xi32>], vector<16xf32>,
          %mul3A_1630 = arith.mulf %sub3A_1584, %gather3A_1617 : vector<16xf32>
          %mul3A_1631 = arith.mulf %sub3A_1581, %gather3A_1621 : vector<16xf32>
          %add3A_1632 = arith.addf %mul3A_1630, %mul3A_1631 : vector<16xf32>
          %mul3A_1633 = arith.mulf %sub3A_1584, %gather3A_1625 : vector<16xf32>
          %mul3A_1634 = arith.mulf %sub3A_1581, %gather3A_1629 : vector<16xf32>
          %add3A_1635 = arith.addf %mul3A_1633, %mul3A_1634 : vector<16xf32>
          %mul3A_1636 = arith.mulf %sub3A_1558, %add3A_1632 : vector<16xf32>
          %mul3A_1637 = arith.mulf %sub3A_1555, %add3A_1635 : vector<16xf32>
          %add3A_1638 = arith.addf %mul3A_1636, %mul3A_1637 : vector<16xf32>
          %add3A_1639 = arith.constant 16 : i32
          %add3A_1640 = vector.broadcast %add3A_1639 : i32 to vector<16xi32>
          %add3A_1641 = arith.addi %add3A_1588, %add3A_1640 : vector<16xi32>
          %gather3A_1642 = tpu.vector_load_idx %arg7[%add3A_1641] : memref<1536xf32, #tpu.memory_space<vmem>>[vector<16xi32>], vector<16xf32>,
          %add3A_1643 = arith.constant 17 : i32
          %add3A_1644 = vector.broadcast %add3A_1643 : i32 to vector<16xi32>
          %add3A_1645 = arith.addi %add3A_1588, %add3A_1644 : vector<16xi32>
          %gather3A_1646 = tpu.vector_load_idx %arg7[%add3A_1645] : memref<1536xf32, #tpu.memory_space<vmem>>[vector<16xi32>], vector<16xf32>,
          %add3A_1647 = arith.constant 112 : i32
          %add3A_1648 = vector.broadcast %add3A_1647 : i32 to vector<16xi32>
          %add3A_1649 = arith.addi %add3A_1588, %add3A_1648 : vector<16xi32>
          %gather3A_1650 = tpu.vector_load_idx %arg7[%add3A_1649] : memref<1536xf32, #tpu.memory_space<vmem>>[vector<16xi32>], vector<16xf32>,
          %add3A_1651 = arith.constant 113 : i32
          %add3A_1652 = vector.broadcast %add3A_1651 : i32 to vector<16xi32>
          %add3A_1653 = arith.addi %add3A_1588, %add3A_1652 : vector<16xi32>
          %gather3A_1654 = tpu.vector_load_idx %arg7[%add3A_1653] : memref<1536xf32, #tpu.memory_space<vmem>>[vector<16xi32>], vector<16xf32>,
          %mul3A_1655 = arith.mulf %sub3A_1584, %gather3A_1642 : vector<16xf32>
          %mul3A_1656 = arith.mulf %sub3A_1581, %gather3A_1646 : vector<16xf32>
          %add3A_1657 = arith.addf %mul3A_1655, %mul3A_1656 : vector<16xf32>
          %mul3A_1658 = arith.mulf %sub3A_1584, %gather3A_1650 : vector<16xf32>
          %mul3A_1659 = arith.mulf %sub3A_1581, %gather3A_1654 : vector<16xf32>
          %add3A_1660 = arith.addf %mul3A_1658, %mul3A_1659 : vector<16xf32>
          %mul3A_1661 = arith.mulf %sub3A_1558, %add3A_1657 : vector<16xf32>
          %mul3A_1662 = arith.mulf %sub3A_1555, %add3A_1660 : vector<16xf32>
          %add3A_1663 = arith.addf %mul3A_1661, %mul3A_1662 : vector<16xf32>
          %add3A_1664 = arith.constant 24 : i32
          %add3A_1665 = vector.broadcast %add3A_1664 : i32 to vector<16xi32>
          %add3A_1666 = arith.addi %add3A_1588, %add3A_1665 : vector<16xi32>
          %gather3A_1667 = tpu.vector_load_idx %arg7[%add3A_1666] : memref<1536xf32, #tpu.memory_space<vmem>>[vector<16xi32>], vector<16xf32>,
          %add3A_1668 = arith.constant 25 : i32
          %add3A_1669 = vector.broadcast %add3A_1668 : i32 to vector<16xi32>
          %add3A_1670 = arith.addi %add3A_1588, %add3A_1669 : vector<16xi32>
          %gather3A_1671 = tpu.vector_load_idx %arg7[%add3A_1670] : memref<1536xf32, #tpu.memory_space<vmem>>[vector<16xi32>], vector<16xf32>,
          %add3A_1672 = arith.constant 120 : i32
          %add3A_1673 = vector.broadcast %add3A_1672 : i32 to vector<16xi32>
          %add3A_1674 = arith.addi %add3A_1588, %add3A_1673 : vector<16xi32>
          %gather3A_1675 = tpu.vector_load_idx %arg7[%add3A_1674] : memref<1536xf32, #tpu.memory_space<vmem>>[vector<16xi32>], vector<16xf32>,
          %add3A_1676 = arith.constant 121 : i32
          %add3A_1677 = vector.broadcast %add3A_1676 : i32 to vector<16xi32>
          %add3A_1678 = arith.addi %add3A_1588, %add3A_1677 : vector<16xi32>
          %gather3A_1679 = tpu.vector_load_idx %arg7[%add3A_1678] : memref<1536xf32, #tpu.memory_space<vmem>>[vector<16xi32>], vector<16xf32>,
          %mul3A_1680 = arith.mulf %sub3A_1584, %gather3A_1667 : vector<16xf32>
          %mul3A_1681 = arith.mulf %sub3A_1581, %gather3A_1671 : vector<16xf32>
          %add3A_1682 = arith.addf %mul3A_1680, %mul3A_1681 : vector<16xf32>
          %mul3A_1683 = arith.mulf %sub3A_1584, %gather3A_1675 : vector<16xf32>
          %mul3A_1684 = arith.mulf %sub3A_1581, %gather3A_1679 : vector<16xf32>
          %add3A_1685 = arith.addf %mul3A_1683, %mul3A_1684 : vector<16xf32>
          %mul3A_1686 = arith.mulf %sub3A_1558, %add3A_1682 : vector<16xf32>
          %mul3A_1687 = arith.mulf %sub3A_1555, %add3A_1685 : vector<16xf32>
          %add3A_1688 = arith.addf %mul3A_1686, %mul3A_1687 : vector<16xf32>
          %add3A_1689 = arith.constant 32 : i32
          %add3A_1690 = vector.broadcast %add3A_1689 : i32 to vector<16xi32>
          %add3A_1691 = arith.addi %add3A_1588, %add3A_1690 : vector<16xi32>
          %gather3A_1692 = tpu.vector_load_idx %arg7[%add3A_1691] : memref<1536xf32, #tpu.memory_space<vmem>>[vector<16xi32>], vector<16xf32>,
          %add3A_1693 = arith.constant 33 : i32
          %add3A_1694 = vector.broadcast %add3A_1693 : i32 to vector<16xi32>
          %add3A_1695 = arith.addi %add3A_1588, %add3A_1694 : vector<16xi32>
          %gather3A_1696 = tpu.vector_load_idx %arg7[%add3A_1695] : memref<1536xf32, #tpu.memory_space<vmem>>[vector<16xi32>], vector<16xf32>,
          %add3A_1697 = arith.constant 128 : i32
          %add3A_1698 = vector.broadcast %add3A_1697 : i32 to vector<16xi32>
          %add3A_1699 = arith.addi %add3A_1588, %add3A_1698 : vector<16xi32>
          %gather3A_1700 = tpu.vector_load_idx %arg7[%add3A_1699] : memref<1536xf32, #tpu.memory_space<vmem>>[vector<16xi32>], vector<16xf32>,
          %add3A_1701 = arith.constant 129 : i32
          %add3A_1702 = vector.broadcast %add3A_1701 : i32 to vector<16xi32>
          %add3A_1703 = arith.addi %add3A_1588, %add3A_1702 : vector<16xi32>
          %gather3A_1704 = tpu.vector_load_idx %arg7[%add3A_1703] : memref<1536xf32, #tpu.memory_space<vmem>>[vector<16xi32>], vector<16xf32>,
          %mul3A_1705 = arith.mulf %sub3A_1584, %gather3A_1692 : vector<16xf32>
          %mul3A_1706 = arith.mulf %sub3A_1581, %gather3A_1696 : vector<16xf32>
          %add3A_1707 = arith.addf %mul3A_1705, %mul3A_1706 : vector<16xf32>
          %mul3A_1708 = arith.mulf %sub3A_1584, %gather3A_1700 : vector<16xf32>
          %mul3A_1709 = arith.mulf %sub3A_1581, %gather3A_1704 : vector<16xf32>
          %add3A_1710 = arith.addf %mul3A_1708, %mul3A_1709 : vector<16xf32>
          %mul3A_1711 = arith.mulf %sub3A_1558, %add3A_1707 : vector<16xf32>
          %mul3A_1712 = arith.mulf %sub3A_1555, %add3A_1710 : vector<16xf32>
          %add3A_1713 = arith.addf %mul3A_1711, %mul3A_1712 : vector<16xf32>
          %add3A_1714 = arith.constant 40 : i32
          %add3A_1715 = vector.broadcast %add3A_1714 : i32 to vector<16xi32>
          %add3A_1716 = arith.addi %add3A_1588, %add3A_1715 : vector<16xi32>
          %gather3A_1717 = tpu.vector_load_idx %arg7[%add3A_1716] : memref<1536xf32, #tpu.memory_space<vmem>>[vector<16xi32>], vector<16xf32>,
          %add3A_1718 = arith.constant 41 : i32
          %add3A_1719 = vector.broadcast %add3A_1718 : i32 to vector<16xi32>
          %add3A_1720 = arith.addi %add3A_1588, %add3A_1719 : vector<16xi32>
          %gather3A_1721 = tpu.vector_load_idx %arg7[%add3A_1720] : memref<1536xf32, #tpu.memory_space<vmem>>[vector<16xi32>], vector<16xf32>,
          %add3A_1722 = arith.constant 136 : i32
          %add3A_1723 = vector.broadcast %add3A_1722 : i32 to vector<16xi32>
          %add3A_1724 = arith.addi %add3A_1588, %add3A_1723 : vector<16xi32>
          %gather3A_1725 = tpu.vector_load_idx %arg7[%add3A_1724] : memref<1536xf32, #tpu.memory_space<vmem>>[vector<16xi32>], vector<16xf32>,
          %add3A_1726 = arith.constant 137 : i32
          %add3A_1727 = vector.broadcast %add3A_1726 : i32 to vector<16xi32>
          %add3A_1728 = arith.addi %add3A_1588, %add3A_1727 : vector<16xi32>
          %gather3A_1729 = tpu.vector_load_idx %arg7[%add3A_1728] : memref<1536xf32, #tpu.memory_space<vmem>>[vector<16xi32>], vector<16xf32>,
          %mul3A_1730 = arith.mulf %sub3A_1584, %gather3A_1717 : vector<16xf32>
          %mul3A_1731 = arith.mulf %sub3A_1581, %gather3A_1721 : vector<16xf32>
          %add3A_1732 = arith.addf %mul3A_1730, %mul3A_1731 : vector<16xf32>
          %mul3A_1733 = arith.mulf %sub3A_1584, %gather3A_1725 : vector<16xf32>
          %mul3A_1734 = arith.mulf %sub3A_1581, %gather3A_1729 : vector<16xf32>
          %add3A_1735 = arith.addf %mul3A_1733, %mul3A_1734 : vector<16xf32>
          %mul3A_1736 = arith.mulf %sub3A_1558, %add3A_1732 : vector<16xf32>
          %mul3A_1737 = arith.mulf %sub3A_1555, %add3A_1735 : vector<16xf32>
          %add3A_1738 = arith.addf %mul3A_1736, %mul3A_1737 : vector<16xf32>
          %add3A_1739 = arith.constant 48 : i32
          %add3A_1740 = vector.broadcast %add3A_1739 : i32 to vector<16xi32>
          %add3A_1741 = arith.addi %add3A_1588, %add3A_1740 : vector<16xi32>
          %gather3A_1742 = tpu.vector_load_idx %arg7[%add3A_1741] : memref<1536xf32, #tpu.memory_space<vmem>>[vector<16xi32>], vector<16xf32>,
          %add3A_1743 = arith.constant 49 : i32
          %add3A_1744 = vector.broadcast %add3A_1743 : i32 to vector<16xi32>
          %add3A_1745 = arith.addi %add3A_1588, %add3A_1744 : vector<16xi32>
          %gather3A_1746 = tpu.vector_load_idx %arg7[%add3A_1745] : memref<1536xf32, #tpu.memory_space<vmem>>[vector<16xi32>], vector<16xf32>,
          %add3A_1747 = arith.constant 144 : i32
          %add3A_1748 = vector.broadcast %add3A_1747 : i32 to vector<16xi32>
          %add3A_1749 = arith.addi %add3A_1588, %add3A_1748 : vector<16xi32>
          %gather3A_1750 = tpu.vector_load_idx %arg7[%add3A_1749] : memref<1536xf32, #tpu.memory_space<vmem>>[vector<16xi32>], vector<16xf32>,
          %add3A_1751 = arith.constant 145 : i32
          %add3A_1752 = vector.broadcast %add3A_1751 : i32 to vector<16xi32>
          %add3A_1753 = arith.addi %add3A_1588, %add3A_1752 : vector<16xi32>
          %gather3A_1754 = tpu.vector_load_idx %arg7[%add3A_1753] : memref<1536xf32, #tpu.memory_space<vmem>>[vector<16xi32>], vector<16xf32>,
          %mul3A_1755 = arith.mulf %sub3A_1584, %gather3A_1742 : vector<16xf32>
          %mul3A_1756 = arith.mulf %sub3A_1581, %gather3A_1746 : vector<16xf32>
          %add3A_1757 = arith.addf %mul3A_1755, %mul3A_1756 : vector<16xf32>
          %mul3A_1758 = arith.mulf %sub3A_1584, %gather3A_1750 : vector<16xf32>
          %mul3A_1759 = arith.mulf %sub3A_1581, %gather3A_1754 : vector<16xf32>
          %add3A_1760 = arith.addf %mul3A_1758, %mul3A_1759 : vector<16xf32>
          %mul3A_1761 = arith.mulf %sub3A_1558, %add3A_1757 : vector<16xf32>
          %mul3A_1762 = arith.mulf %sub3A_1555, %add3A_1760 : vector<16xf32>
          %add3A_1763 = arith.addf %mul3A_1761, %mul3A_1762 : vector<16xf32>
          %add3A_1764 = arith.constant 56 : i32
          %add3A_1765 = vector.broadcast %add3A_1764 : i32 to vector<16xi32>
          %add3A_1766 = arith.addi %add3A_1588, %add3A_1765 : vector<16xi32>
          %gather3A_1767 = tpu.vector_load_idx %arg7[%add3A_1766] : memref<1536xf32, #tpu.memory_space<vmem>>[vector<16xi32>], vector<16xf32>,
          %add3A_1768 = arith.constant 57 : i32
          %add3A_1769 = vector.broadcast %add3A_1768 : i32 to vector<16xi32>
          %add3A_1770 = arith.addi %add3A_1588, %add3A_1769 : vector<16xi32>
          %gather3A_1771 = tpu.vector_load_idx %arg7[%add3A_1770] : memref<1536xf32, #tpu.memory_space<vmem>>[vector<16xi32>], vector<16xf32>,
          %add3A_1772 = arith.constant 152 : i32
          %add3A_1773 = vector.broadcast %add3A_1772 : i32 to vector<16xi32>
          %add3A_1774 = arith.addi %add3A_1588, %add3A_1773 : vector<16xi32>
          %gather3A_1775 = tpu.vector_load_idx %arg7[%add3A_1774] : memref<1536xf32, #tpu.memory_space<vmem>>[vector<16xi32>], vector<16xf32>,
          %add3A_1776 = arith.constant 153 : i32
          %add3A_1777 = vector.broadcast %add3A_1776 : i32 to vector<16xi32>
          %add3A_1778 = arith.addi %add3A_1588, %add3A_1777 : vector<16xi32>
          %gather3A_1779 = tpu.vector_load_idx %arg7[%add3A_1778] : memref<1536xf32, #tpu.memory_space<vmem>>[vector<16xi32>], vector<16xf32>,
          %mul3A_1780 = arith.mulf %sub3A_1584, %gather3A_1767 : vector<16xf32>
          %mul3A_1781 = arith.mulf %sub3A_1581, %gather3A_1771 : vector<16xf32>
          %add3A_1782 = arith.addf %mul3A_1780, %mul3A_1781 : vector<16xf32>
          %mul3A_1783 = arith.mulf %sub3A_1584, %gather3A_1775 : vector<16xf32>
          %mul3A_1784 = arith.mulf %sub3A_1581, %gather3A_1779 : vector<16xf32>
          %add3A_1785 = arith.addf %mul3A_1783, %mul3A_1784 : vector<16xf32>
          %mul3A_1786 = arith.mulf %sub3A_1558, %add3A_1782 : vector<16xf32>
          %mul3A_1787 = arith.mulf %sub3A_1555, %add3A_1785 : vector<16xf32>
          %add3A_1788 = arith.addf %mul3A_1786, %mul3A_1787 : vector<16xf32>
          %add3A_1789 = arith.constant 64 : i32
          %add3A_1790 = vector.broadcast %add3A_1789 : i32 to vector<16xi32>
          %add3A_1791 = arith.addi %add3A_1588, %add3A_1790 : vector<16xi32>
          %gather3A_1792 = tpu.vector_load_idx %arg7[%add3A_1791] : memref<1536xf32, #tpu.memory_space<vmem>>[vector<16xi32>], vector<16xf32>,
          %add3A_1793 = arith.constant 65 : i32
          %add3A_1794 = vector.broadcast %add3A_1793 : i32 to vector<16xi32>
          %add3A_1795 = arith.addi %add3A_1588, %add3A_1794 : vector<16xi32>
          %gather3A_1796 = tpu.vector_load_idx %arg7[%add3A_1795] : memref<1536xf32, #tpu.memory_space<vmem>>[vector<16xi32>], vector<16xf32>,
          %add3A_1797 = arith.constant 160 : i32
          %add3A_1798 = vector.broadcast %add3A_1797 : i32 to vector<16xi32>
          %add3A_1799 = arith.addi %add3A_1588, %add3A_1798 : vector<16xi32>
          %gather3A_1800 = tpu.vector_load_idx %arg7[%add3A_1799] : memref<1536xf32, #tpu.memory_space<vmem>>[vector<16xi32>], vector<16xf32>,
          %add3A_1801 = arith.constant 161 : i32
          %add3A_1802 = vector.broadcast %add3A_1801 : i32 to vector<16xi32>
          %add3A_1803 = arith.addi %add3A_1588, %add3A_1802 : vector<16xi32>
          %gather3A_1804 = tpu.vector_load_idx %arg7[%add3A_1803] : memref<1536xf32, #tpu.memory_space<vmem>>[vector<16xi32>], vector<16xf32>,
          %mul3A_1805 = arith.mulf %sub3A_1584, %gather3A_1792 : vector<16xf32>
          %mul3A_1806 = arith.mulf %sub3A_1581, %gather3A_1796 : vector<16xf32>
          %add3A_1807 = arith.addf %mul3A_1805, %mul3A_1806 : vector<16xf32>
          %mul3A_1808 = arith.mulf %sub3A_1584, %gather3A_1800 : vector<16xf32>
          %mul3A_1809 = arith.mulf %sub3A_1581, %gather3A_1804 : vector<16xf32>
          %add3A_1810 = arith.addf %mul3A_1808, %mul3A_1809 : vector<16xf32>
          %mul3A_1811 = arith.mulf %sub3A_1558, %add3A_1807 : vector<16xf32>
          %mul3A_1812 = arith.mulf %sub3A_1555, %add3A_1810 : vector<16xf32>
          %add3A_1813 = arith.addf %mul3A_1811, %mul3A_1812 : vector<16xf32>
          %add3A_1814 = arith.constant 72 : i32
          %add3A_1815 = vector.broadcast %add3A_1814 : i32 to vector<16xi32>
          %add3A_1816 = arith.addi %add3A_1588, %add3A_1815 : vector<16xi32>
          %gather3A_1817 = tpu.vector_load_idx %arg7[%add3A_1816] : memref<1536xf32, #tpu.memory_space<vmem>>[vector<16xi32>], vector<16xf32>,
          %add3A_1818 = arith.constant 73 : i32
          %add3A_1819 = vector.broadcast %add3A_1818 : i32 to vector<16xi32>
          %add3A_1820 = arith.addi %add3A_1588, %add3A_1819 : vector<16xi32>
          %gather3A_1821 = tpu.vector_load_idx %arg7[%add3A_1820] : memref<1536xf32, #tpu.memory_space<vmem>>[vector<16xi32>], vector<16xf32>,
          %add3A_1822 = arith.constant 168 : i32
          %add3A_1823 = vector.broadcast %add3A_1822 : i32 to vector<16xi32>
          %add3A_1824 = arith.addi %add3A_1588, %add3A_1823 : vector<16xi32>
          %gather3A_1825 = tpu.vector_load_idx %arg7[%add3A_1824] : memref<1536xf32, #tpu.memory_space<vmem>>[vector<16xi32>], vector<16xf32>,
          %add3A_1826 = arith.constant 169 : i32
          %add3A_1827 = vector.broadcast %add3A_1826 : i32 to vector<16xi32>
          %add3A_1828 = arith.addi %add3A_1588, %add3A_1827 : vector<16xi32>
          %gather3A_1829 = tpu.vector_load_idx %arg7[%add3A_1828] : memref<1536xf32, #tpu.memory_space<vmem>>[vector<16xi32>], vector<16xf32>,
          %mul3A_1830 = arith.mulf %sub3A_1584, %gather3A_1817 : vector<16xf32>
          %mul3A_1831 = arith.mulf %sub3A_1581, %gather3A_1821 : vector<16xf32>
          %add3A_1832 = arith.addf %mul3A_1830, %mul3A_1831 : vector<16xf32>
          %mul3A_1833 = arith.mulf %sub3A_1584, %gather3A_1825 : vector<16xf32>
          %mul3A_1834 = arith.mulf %sub3A_1581, %gather3A_1829 : vector<16xf32>
          %add3A_1835 = arith.addf %mul3A_1833, %mul3A_1834 : vector<16xf32>
          %mul3A_1836 = arith.mulf %sub3A_1558, %add3A_1832 : vector<16xf32>
          %mul3A_1837 = arith.mulf %sub3A_1555, %add3A_1835 : vector<16xf32>
          %add3A_1838 = arith.addf %mul3A_1836, %mul3A_1837 : vector<16xf32>
          %add3A_1839 = arith.constant 80 : i32
          %add3A_1840 = vector.broadcast %add3A_1839 : i32 to vector<16xi32>
          %add3A_1841 = arith.addi %add3A_1588, %add3A_1840 : vector<16xi32>
          %gather3A_1842 = tpu.vector_load_idx %arg7[%add3A_1841] : memref<1536xf32, #tpu.memory_space<vmem>>[vector<16xi32>], vector<16xf32>,
          %add3A_1843 = arith.constant 81 : i32
          %add3A_1844 = vector.broadcast %add3A_1843 : i32 to vector<16xi32>
          %add3A_1845 = arith.addi %add3A_1588, %add3A_1844 : vector<16xi32>
          %gather3A_1846 = tpu.vector_load_idx %arg7[%add3A_1845] : memref<1536xf32, #tpu.memory_space<vmem>>[vector<16xi32>], vector<16xf32>,
          %add3A_1847 = arith.constant 176 : i32
          %add3A_1848 = vector.broadcast %add3A_1847 : i32 to vector<16xi32>
          %add3A_1849 = arith.addi %add3A_1588, %add3A_1848 : vector<16xi32>
          %gather3A_1850 = tpu.vector_load_idx %arg7[%add3A_1849] : memref<1536xf32, #tpu.memory_space<vmem>>[vector<16xi32>], vector<16xf32>,
          %add3A_1851 = arith.constant 177 : i32
          %add3A_1852 = vector.broadcast %add3A_1851 : i32 to vector<16xi32>
          %add3A_1853 = arith.addi %add3A_1588, %add3A_1852 : vector<16xi32>
          %gather3A_1854 = tpu.vector_load_idx %arg7[%add3A_1853] : memref<1536xf32, #tpu.memory_space<vmem>>[vector<16xi32>], vector<16xf32>,
          %mul3A_1855 = arith.mulf %sub3A_1584, %gather3A_1842 : vector<16xf32>
          %mul3A_1856 = arith.mulf %sub3A_1581, %gather3A_1846 : vector<16xf32>
          %add3A_1857 = arith.addf %mul3A_1855, %mul3A_1856 : vector<16xf32>
          %mul3A_1858 = arith.mulf %sub3A_1584, %gather3A_1850 : vector<16xf32>
          %mul3A_1859 = arith.mulf %sub3A_1581, %gather3A_1854 : vector<16xf32>
          %add3A_1860 = arith.addf %mul3A_1858, %mul3A_1859 : vector<16xf32>
          %mul3A_1861 = arith.mulf %sub3A_1558, %add3A_1857 : vector<16xf32>
          %mul3A_1862 = arith.mulf %sub3A_1555, %add3A_1860 : vector<16xf32>
          %add3A_1863 = arith.addf %mul3A_1861, %mul3A_1862 : vector<16xf32>
          %add3A_1864 = arith.constant 88 : i32
          %add3A_1865 = vector.broadcast %add3A_1864 : i32 to vector<16xi32>
          %add3A_1866 = arith.addi %add3A_1588, %add3A_1865 : vector<16xi32>
          %gather3A_1867 = tpu.vector_load_idx %arg7[%add3A_1866] : memref<1536xf32, #tpu.memory_space<vmem>>[vector<16xi32>], vector<16xf32>,
          %add3A_1868 = arith.constant 89 : i32
          %add3A_1869 = vector.broadcast %add3A_1868 : i32 to vector<16xi32>
          %add3A_1870 = arith.addi %add3A_1588, %add3A_1869 : vector<16xi32>
          %gather3A_1871 = tpu.vector_load_idx %arg7[%add3A_1870] : memref<1536xf32, #tpu.memory_space<vmem>>[vector<16xi32>], vector<16xf32>,
          %add3A_1872 = arith.constant 184 : i32
          %add3A_1873 = vector.broadcast %add3A_1872 : i32 to vector<16xi32>
          %add3A_1874 = arith.addi %add3A_1588, %add3A_1873 : vector<16xi32>
          %gather3A_1875 = tpu.vector_load_idx %arg7[%add3A_1874] : memref<1536xf32, #tpu.memory_space<vmem>>[vector<16xi32>], vector<16xf32>,
          %add3A_1876 = arith.constant 185 : i32
          %add3A_1877 = vector.broadcast %add3A_1876 : i32 to vector<16xi32>
          %add3A_1878 = arith.addi %add3A_1588, %add3A_1877 : vector<16xi32>
          %gather3A_1879 = tpu.vector_load_idx %arg7[%add3A_1878] : memref<1536xf32, #tpu.memory_space<vmem>>[vector<16xi32>], vector<16xf32>,
          %mul3A_1880 = arith.mulf %sub3A_1584, %gather3A_1867 : vector<16xf32>
          %mul3A_1881 = arith.mulf %sub3A_1581, %gather3A_1871 : vector<16xf32>
          %add3A_1882 = arith.addf %mul3A_1880, %mul3A_1881 : vector<16xf32>
          %mul3A_1883 = arith.mulf %sub3A_1584, %gather3A_1875 : vector<16xf32>
          %mul3A_1884 = arith.mulf %sub3A_1581, %gather3A_1879 : vector<16xf32>
          %add3A_1885 = arith.addf %mul3A_1883, %mul3A_1884 : vector<16xf32>
          %mul3A_1886 = arith.mulf %sub3A_1558, %add3A_1882 : vector<16xf32>
          %mul3A_1887 = arith.mulf %sub3A_1555, %add3A_1885 : vector<16xf32>
          %add3A_1888 = arith.addf %mul3A_1886, %mul3A_1887 : vector<16xf32>
          %get3A_1889 = arith.constant 0 : i32
          %get3A_1890 = arith.index_cast %get3A_1889 : i32 to index
          %get3A_1891 = arith.index_cast %scan3A_102 : i32 to index
          %get3A_1892 = arith.index_cast %mul3A_1560 : i32 to index
          %get3A_1893 = tpu.vector_load %arg9[%get3A_1890, %get3A_1891, %get3A_1892] {strides = array<i32>} : memref<3x8x512xf32, #tpu.memory_space<vmem>>, vector<16xf32>,
          %get3A_1894 = arith.constant 1 : i32
          %get3A_1895 = arith.index_cast %get3A_1894 : i32 to index
          %get3A_1896 = arith.index_cast %scan3A_102 : i32 to index
          %get3A_1897 = arith.index_cast %mul3A_1560 : i32 to index
          %get3A_1898 = tpu.vector_load %arg9[%get3A_1895, %get3A_1896, %get3A_1897] {strides = array<i32>} : memref<3x8x512xf32, #tpu.memory_space<vmem>>, vector<16xf32>,
          %get3A_1899 = arith.constant 2 : i32
          %get3A_1900 = arith.index_cast %get3A_1899 : i32 to index
          %get3A_1901 = arith.index_cast %scan3A_102 : i32 to index
          %get3A_1902 = arith.index_cast %mul3A_1560 : i32 to index
          %get3A_1903 = tpu.vector_load %arg9[%get3A_1900, %get3A_1901, %get3A_1902] {strides = array<i32>} : memref<3x8x512xf32, #tpu.memory_space<vmem>>, vector<16xf32>,
          %mul3A_1904 = arith.mulf %add3A_1613, %get3A_1893 : vector<16xf32>
          %mul3A_1905 = arith.mulf %add3A_1638, %get3A_1898 : vector<16xf32>
          %add3A_1906 = arith.addf %mul3A_1904, %mul3A_1905 : vector<16xf32>
          %mul3A_1907 = arith.mulf %add3A_1663, %get3A_1903 : vector<16xf32>
          %add3A_1908 = arith.addf %add3A_1906, %mul3A_1907 : vector<16xf32>
          %add3A_1909 = arith.addf %add3A_1908, %add3A_1688 : vector<16xf32>
          %swap3A_1910 = arith.constant 0 : i32
          %swap3A_1911 = arith.index_cast %swap3A_1910 : i32 to index
          %swap3A_1912 = arith.index_cast %scan3A_102 : i32 to index
          %swap3A_1913 = arith.index_cast %mul3A_1560 : i32 to index
          %swap3A_1914 = tpu.vector_load %arg10[%swap3A_1911, %swap3A_1912, %swap3A_1913] {strides = array<i32>} : memref<3x8x512xf32, #tpu.memory_space<vmem>>, vector<16xf32>,
          tpu.vector_store %arg10[%swap3A_1911, %swap3A_1912, %swap3A_1913], %add3A_1909 {strides = array<i32>} : memref<3x8x512xf32, #tpu.memory_space<vmem>>, vector<16xf32>,
          %mul3A_1915 = arith.mulf %add3A_1713, %get3A_1893 : vector<16xf32>
          %mul3A_1916 = arith.mulf %add3A_1738, %get3A_1898 : vector<16xf32>
          %add3A_1917 = arith.addf %mul3A_1915, %mul3A_1916 : vector<16xf32>
          %mul3A_1918 = arith.mulf %add3A_1763, %get3A_1903 : vector<16xf32>
          %add3A_1919 = arith.addf %add3A_1917, %mul3A_1918 : vector<16xf32>
          %add3A_1920 = arith.addf %add3A_1919, %add3A_1788 : vector<16xf32>
          %swap3A_1921 = arith.constant 1 : i32
          %swap3A_1922 = arith.index_cast %swap3A_1921 : i32 to index
          %swap3A_1923 = arith.index_cast %scan3A_102 : i32 to index
          %swap3A_1924 = arith.index_cast %mul3A_1560 : i32 to index
          %swap3A_1925 = tpu.vector_load %arg10[%swap3A_1922, %swap3A_1923, %swap3A_1924] {strides = array<i32>} : memref<3x8x512xf32, #tpu.memory_space<vmem>>, vector<16xf32>,
          tpu.vector_store %arg10[%swap3A_1922, %swap3A_1923, %swap3A_1924], %add3A_1920 {strides = array<i32>} : memref<3x8x512xf32, #tpu.memory_space<vmem>>, vector<16xf32>,
          %mul3A_1926 = arith.mulf %add3A_1813, %get3A_1893 : vector<16xf32>
          %mul3A_1927 = arith.mulf %add3A_1838, %get3A_1898 : vector<16xf32>
          %add3A_1928 = arith.addf %mul3A_1926, %mul3A_1927 : vector<16xf32>
          %mul3A_1929 = arith.mulf %add3A_1863, %get3A_1903 : vector<16xf32>
          %add3A_1930 = arith.addf %add3A_1928, %mul3A_1929 : vector<16xf32>
          %add3A_1931 = arith.addf %add3A_1930, %add3A_1888 : vector<16xf32>
          %swap3A_1932 = arith.constant 2 : i32
          %swap3A_1933 = arith.index_cast %swap3A_1932 : i32 to index
          %swap3A_1934 = arith.index_cast %scan3A_102 : i32 to index
          %swap3A_1935 = arith.index_cast %mul3A_1560 : i32 to index
          %swap3A_1936 = tpu.vector_load %arg10[%swap3A_1933, %swap3A_1934, %swap3A_1935] {strides = array<i32>} : memref<3x8x512xf32, #tpu.memory_space<vmem>>, vector<16xf32>,
          tpu.vector_store %arg10[%swap3A_1933, %swap3A_1934, %swap3A_1935], %add3A_1931 {strides = array<i32>} : memref<3x8x512xf32, #tpu.memory_space<vmem>>, vector<16xf32>,
        }
        %scan3A_184 = arith.constant 32 : i32
      }
      %scan3A_77 = arith.constant 8 : i32
      %mul3A_78 = arith.constant 3 : i32
      %mul3A_79 = arith.muli %select_n3A, %mul3A_78 : i32
      %add3A_80 = arith.constant 0 : i32
      %add3A_81 = arith.addi %mul3A_79, %add3A_80 : i32
      %mul3A_82 = arith.constant 192 : i32
      %mul3A_83 = arith.muli %add3A_81, %mul3A_82 : i32
      %add3A_84 = arith.addi %mul3A_83, %add3A_44 : i32
      %run_scoped3A_85 = arith.constant 0 : i32
      "tpu.region"() ({
        %run_scoped3A_102 = tpu.sem_alloc : memref<!tpu.dma_semaphore, #tpu.memory_space<semaphore_mem>>
        %dma_start3A = arith.constant 0 : i32
        %dma_start3A_103 = arith.constant 0 : i32
        %dma_start3A_104 = tpu.memref_slice %arg10[%run_scoped3A_85, %dma_start3A, %dma_start3A_103] : memref<3x8x512xf32, #tpu.memory_space<vmem>> -> memref<1x8x512xf32, #tpu.memory_space<vmem>>
        %dma_start3A_105 = tpu.memref_squeeze %dma_start3A_104 : memref<1x8x512xf32, #tpu.memory_space<vmem>> -> memref<8x512xf32, #tpu.memory_space<vmem>>
        %dma_start3A_106 = arith.constant 0 : i32
        %dma_start3A_107 = tpu.memref_slice %arg5[%add3A_84, %dma_start3A_106] : memref<2304x512xf32, #tpu.memory_space<hbm>> -> memref<8x512xf32, #tpu.memory_space<hbm>>
        %dma_start3A_108 = arith.constant 0 : i32
        %dma_start3A_109 = tpu.memref_slice %arg5[%add3A_84, %dma_start3A_108] : memref<2304x512xf32, #tpu.memory_space<hbm>> -> memref<8x512xf32, #tpu.memory_space<hbm>>
        %dma_start3A_110 = arith.constant 0 : i32
        %dma_start3A_111 = arith.constant 0 : i32
        %dma_start3A_112 = tpu.memref_slice %arg10[%run_scoped3A_85, %dma_start3A_110, %dma_start3A_111] : memref<3x8x512xf32, #tpu.memory_space<vmem>> -> memref<1x8x512xf32, #tpu.memory_space<vmem>>
        %dma_start3A_113 = tpu.memref_squeeze %dma_start3A_112 : memref<1x8x512xf32, #tpu.memory_space<vmem>> -> memref<8x512xf32, #tpu.memory_space<vmem>>
        tpu.enqueue_dma source(%dma_start3A_113 : memref<8x512xf32, #tpu.memory_space<vmem>>) target(%dma_start3A_109 : memref<8x512xf32, #tpu.memory_space<hbm>>) target_semaphore(%run_scoped3A_102 : memref<!tpu.dma_semaphore, #tpu.memory_space<semaphore_mem>>)
        %dma_wait3A = arith.constant 0 : i32
        %dma_wait3A_114 = arith.constant 0 : i32
        %dma_wait3A_115 = tpu.memref_slice %arg10[%run_scoped3A_85, %dma_wait3A, %dma_wait3A_114] : memref<3x8x512xf32, #tpu.memory_space<vmem>> -> memref<1x8x512xf32, #tpu.memory_space<vmem>>
        %dma_wait3A_116 = tpu.memref_squeeze %dma_wait3A_115 : memref<1x8x512xf32, #tpu.memory_space<vmem>> -> memref<8x512xf32, #tpu.memory_space<vmem>>
        %dma_wait3A_117 = arith.constant 0 : i32
        %dma_wait3A_118 = tpu.memref_slice %arg5[%add3A_84, %dma_wait3A_117] : memref<2304x512xf32, #tpu.memory_space<hbm>> -> memref<8x512xf32, #tpu.memory_space<hbm>>
        %dma_wait3A_119 = arith.constant 0 : i32
        %dma_wait3A_120 = tpu.memref_slice %arg5[%add3A_84, %dma_wait3A_119] : memref<2304x512xf32, #tpu.memory_space<hbm>> -> memref<8x512xf32, #tpu.memory_space<hbm>>
        %dma_wait3A_121 = arith.constant 0 : i32
        %dma_wait3A_122 = arith.constant 0 : i32
        %dma_wait3A_123 = tpu.memref_slice %arg10[%run_scoped3A_85, %dma_wait3A_121, %dma_wait3A_122] : memref<3x8x512xf32, #tpu.memory_space<vmem>> -> memref<1x8x512xf32, #tpu.memory_space<vmem>>
        %dma_wait3A_124 = tpu.memref_squeeze %dma_wait3A_123 : memref<1x8x512xf32, #tpu.memory_space<vmem>> -> memref<8x512xf32, #tpu.memory_space<vmem>>
        tpu.wait_dma2 semaphore(%run_scoped3A_102 : memref<!tpu.dma_semaphore, #tpu.memory_space<semaphore_mem>>) src(%dma_wait3A_124 : memref<8x512xf32, #tpu.memory_space<vmem>>) dst(%dma_wait3A_120 : memref<8x512xf32, #tpu.memory_space<hbm>>)
        tpu.yield
      }) : () -> ()
      %mul3A_86 = arith.constant 3 : i32
      %mul3A_87 = arith.muli %select_n3A, %mul3A_86 : i32
      %add3A_88 = arith.constant 1 : i32
      %add3A_89 = arith.addi %mul3A_87, %add3A_88 : i32
      %mul3A_90 = arith.constant 192 : i32
      %mul3A_91 = arith.muli %add3A_89, %mul3A_90 : i32
      %add3A_92 = arith.addi %mul3A_91, %add3A_44 : i32
      %run_scoped3A_93 = arith.constant 1 : i32
      "tpu.region"() ({
        %run_scoped3A_102 = tpu.sem_alloc : memref<!tpu.dma_semaphore, #tpu.memory_space<semaphore_mem>>
        %dma_start3A = arith.constant 0 : i32
        %dma_start3A_103 = arith.constant 0 : i32
        %dma_start3A_104 = tpu.memref_slice %arg10[%run_scoped3A_93, %dma_start3A, %dma_start3A_103] : memref<3x8x512xf32, #tpu.memory_space<vmem>> -> memref<1x8x512xf32, #tpu.memory_space<vmem>>
        %dma_start3A_105 = tpu.memref_squeeze %dma_start3A_104 : memref<1x8x512xf32, #tpu.memory_space<vmem>> -> memref<8x512xf32, #tpu.memory_space<vmem>>
        %dma_start3A_106 = arith.constant 0 : i32
        %dma_start3A_107 = tpu.memref_slice %arg5[%add3A_92, %dma_start3A_106] : memref<2304x512xf32, #tpu.memory_space<hbm>> -> memref<8x512xf32, #tpu.memory_space<hbm>>
        %dma_start3A_108 = arith.constant 0 : i32
        %dma_start3A_109 = tpu.memref_slice %arg5[%add3A_92, %dma_start3A_108] : memref<2304x512xf32, #tpu.memory_space<hbm>> -> memref<8x512xf32, #tpu.memory_space<hbm>>
        %dma_start3A_110 = arith.constant 0 : i32
        %dma_start3A_111 = arith.constant 0 : i32
        %dma_start3A_112 = tpu.memref_slice %arg10[%run_scoped3A_93, %dma_start3A_110, %dma_start3A_111] : memref<3x8x512xf32, #tpu.memory_space<vmem>> -> memref<1x8x512xf32, #tpu.memory_space<vmem>>
        %dma_start3A_113 = tpu.memref_squeeze %dma_start3A_112 : memref<1x8x512xf32, #tpu.memory_space<vmem>> -> memref<8x512xf32, #tpu.memory_space<vmem>>
        tpu.enqueue_dma source(%dma_start3A_113 : memref<8x512xf32, #tpu.memory_space<vmem>>) target(%dma_start3A_109 : memref<8x512xf32, #tpu.memory_space<hbm>>) target_semaphore(%run_scoped3A_102 : memref<!tpu.dma_semaphore, #tpu.memory_space<semaphore_mem>>)
        %dma_wait3A = arith.constant 0 : i32
        %dma_wait3A_114 = arith.constant 0 : i32
        %dma_wait3A_115 = tpu.memref_slice %arg10[%run_scoped3A_93, %dma_wait3A, %dma_wait3A_114] : memref<3x8x512xf32, #tpu.memory_space<vmem>> -> memref<1x8x512xf32, #tpu.memory_space<vmem>>
        %dma_wait3A_116 = tpu.memref_squeeze %dma_wait3A_115 : memref<1x8x512xf32, #tpu.memory_space<vmem>> -> memref<8x512xf32, #tpu.memory_space<vmem>>
        %dma_wait3A_117 = arith.constant 0 : i32
        %dma_wait3A_118 = tpu.memref_slice %arg5[%add3A_92, %dma_wait3A_117] : memref<2304x512xf32, #tpu.memory_space<hbm>> -> memref<8x512xf32, #tpu.memory_space<hbm>>
        %dma_wait3A_119 = arith.constant 0 : i32
        %dma_wait3A_120 = tpu.memref_slice %arg5[%add3A_92, %dma_wait3A_119] : memref<2304x512xf32, #tpu.memory_space<hbm>> -> memref<8x512xf32, #tpu.memory_space<hbm>>
        %dma_wait3A_121 = arith.constant 0 : i32
        %dma_wait3A_122 = arith.constant 0 : i32
        %dma_wait3A_123 = tpu.memref_slice %arg10[%run_scoped3A_93, %dma_wait3A_121, %dma_wait3A_122] : memref<3x8x512xf32, #tpu.memory_space<vmem>> -> memref<1x8x512xf32, #tpu.memory_space<vmem>>
        %dma_wait3A_124 = tpu.memref_squeeze %dma_wait3A_123 : memref<1x8x512xf32, #tpu.memory_space<vmem>> -> memref<8x512xf32, #tpu.memory_space<vmem>>
        tpu.wait_dma2 semaphore(%run_scoped3A_102 : memref<!tpu.dma_semaphore, #tpu.memory_space<semaphore_mem>>) src(%dma_wait3A_124 : memref<8x512xf32, #tpu.memory_space<vmem>>) dst(%dma_wait3A_120 : memref<8x512xf32, #tpu.memory_space<hbm>>)
        tpu.yield
      }) : () -> ()
      %mul3A_94 = arith.constant 3 : i32
      %mul3A_95 = arith.muli %select_n3A, %mul3A_94 : i32
      %add3A_96 = arith.constant 2 : i32
      %add3A_97 = arith.addi %mul3A_95, %add3A_96 : i32
      %mul3A_98 = arith.constant 192 : i32
      %mul3A_99 = arith.muli %add3A_97, %mul3A_98 : i32
      %add3A_100 = arith.addi %mul3A_99, %add3A_44 : i32
      %run_scoped3A_101 = arith.constant 2 : i32
      "tpu.region"() ({
        %run_scoped3A_102 = tpu.sem_alloc : memref<!tpu.dma_semaphore, #tpu.memory_space<semaphore_mem>>
        %dma_start3A = arith.constant 0 : i32
        %dma_start3A_103 = arith.constant 0 : i32
        %dma_start3A_104 = tpu.memref_slice %arg10[%run_scoped3A_101, %dma_start3A, %dma_start3A_103] : memref<3x8x512xf32, #tpu.memory_space<vmem>> -> memref<1x8x512xf32, #tpu.memory_space<vmem>>
        %dma_start3A_105 = tpu.memref_squeeze %dma_start3A_104 : memref<1x8x512xf32, #tpu.memory_space<vmem>> -> memref<8x512xf32, #tpu.memory_space<vmem>>
        %dma_start3A_106 = arith.constant 0 : i32
        %dma_start3A_107 = tpu.memref_slice %arg5[%add3A_100, %dma_start3A_106] : memref<2304x512xf32, #tpu.memory_space<hbm>> -> memref<8x512xf32, #tpu.memory_space<hbm>>
        %dma_start3A_108 = arith.constant 0 : i32
        %dma_start3A_109 = tpu.memref_slice %arg5[%add3A_100, %dma_start3A_108] : memref<2304x512xf32, #tpu.memory_space<hbm>> -> memref<8x512xf32, #tpu.memory_space<hbm>>
        %dma_start3A_110 = arith.constant 0 : i32
        %dma_start3A_111 = arith.constant 0 : i32
        %dma_start3A_112 = tpu.memref_slice %arg10[%run_scoped3A_101, %dma_start3A_110, %dma_start3A_111] : memref<3x8x512xf32, #tpu.memory_space<vmem>> -> memref<1x8x512xf32, #tpu.memory_space<vmem>>
        %dma_start3A_113 = tpu.memref_squeeze %dma_start3A_112 : memref<1x8x512xf32, #tpu.memory_space<vmem>> -> memref<8x512xf32, #tpu.memory_space<vmem>>
        tpu.enqueue_dma source(%dma_start3A_113 : memref<8x512xf32, #tpu.memory_space<vmem>>) target(%dma_start3A_109 : memref<8x512xf32, #tpu.memory_space<hbm>>) target_semaphore(%run_scoped3A_102 : memref<!tpu.dma_semaphore, #tpu.memory_space<semaphore_mem>>)
        %dma_wait3A = arith.constant 0 : i32
        %dma_wait3A_114 = arith.constant 0 : i32
        %dma_wait3A_115 = tpu.memref_slice %arg10[%run_scoped3A_101, %dma_wait3A, %dma_wait3A_114] : memref<3x8x512xf32, #tpu.memory_space<vmem>> -> memref<1x8x512xf32, #tpu.memory_space<vmem>>
        %dma_wait3A_116 = tpu.memref_squeeze %dma_wait3A_115 : memref<1x8x512xf32, #tpu.memory_space<vmem>> -> memref<8x512xf32, #tpu.memory_space<vmem>>
        %dma_wait3A_117 = arith.constant 0 : i32
        %dma_wait3A_118 = tpu.memref_slice %arg5[%add3A_100, %dma_wait3A_117] : memref<2304x512xf32, #tpu.memory_space<hbm>> -> memref<8x512xf32, #tpu.memory_space<hbm>>
        %dma_wait3A_119 = arith.constant 0 : i32
        %dma_wait3A_120 = tpu.memref_slice %arg5[%add3A_100, %dma_wait3A_119] : memref<2304x512xf32, #tpu.memory_space<hbm>> -> memref<8x512xf32, #tpu.memory_space<hbm>>
        %dma_wait3A_121 = arith.constant 0 : i32
        %dma_wait3A_122 = arith.constant 0 : i32
        %dma_wait3A_123 = tpu.memref_slice %arg10[%run_scoped3A_101, %dma_wait3A_121, %dma_wait3A_122] : memref<3x8x512xf32, #tpu.memory_space<vmem>> -> memref<1x8x512xf32, #tpu.memory_space<vmem>>
        %dma_wait3A_124 = tpu.memref_squeeze %dma_wait3A_123 : memref<1x8x512xf32, #tpu.memory_space<vmem>> -> memref<8x512xf32, #tpu.memory_space<vmem>>
        tpu.wait_dma2 semaphore(%run_scoped3A_102 : memref<!tpu.dma_semaphore, #tpu.memory_space<semaphore_mem>>) src(%dma_wait3A_124 : memref<8x512xf32, #tpu.memory_space<vmem>>) dst(%dma_wait3A_120 : memref<8x512xf32, #tpu.memory_space<hbm>>)
        tpu.yield
      }) : () -> ()
    }
    %scan3A_26 = arith.constant 3 : i32
    return
  }
}

module attributes {stable_mosaic.version = 14 : i64} {
  func.func @_tc_kernel(%arg0: i32, %arg1: i32, %arg2: memref<1x1x96x16xf32, #tpu.memory_space<vmem>>, %arg3: memref<1x1x96x16xf32, #tpu.memory_space<vmem>>, %arg4: memref<1x16x512xf32, #tpu.memory_space<vmem>>, %arg5: memref<1x3x16x512xf32, #tpu.memory_space<vmem>>, %arg6: memref<1x3x16x512xf32, #tpu.memory_space<vmem>>) attributes {dimension_semantics = [#tpu.dimension_semantics<parallel>, #tpu.dimension_semantics<parallel>], iteration_bounds = array<i64: 4, 20>, scalar_prefetch = 0 : i64, scratch_operands = 0 : i64, tpu.core_type = #tpu.core_type<tc>, window_params = [{transform_indices = @transform_0, window_bounds = array<i64: 1, 1, 96, 16>}, {transform_indices = @transform_1, window_bounds = array<i64: 1, 1, 96, 16>}, {transform_indices = @transform_2, window_bounds = array<i64: 1, 16, 512>}, {transform_indices = @transform_3, window_bounds = array<i64: 1, 3, 16, 512>}, {transform_indices = @transform_4, window_bounds = array<i64: 1, 3, 16, 512>}]} {
    %iota3A = tpu.iota {dimensions = array<i32: 0>} : vector<16x512xi32>
    %convert_element_type3A = arith.sitofp %iota3A : vector<16x512xi32> to vector<16x512xf32>
    %iota3A_0 = tpu.iota {dimensions = array<i32: 1>} : vector<16x512xi32>
    %convert_element_type3A_1 = arith.sitofp %iota3A_0 : vector<16x512xi32> to vector<16x512xf32>
    %add3A = arith.constant 5.000000e-01 : f32
    %add3A_2 = vector.broadcast %add3A : f32 to vector<16x512xf32>
    %add3A_3 = arith.addf %convert_element_type3A_1, %add3A_2 : vector<16x512xf32>
    %mul3A = arith.constant 3.125000e-02 : f32
    %mul3A_4 = vector.broadcast %mul3A : f32 to vector<16x512xf32>
    %mul3A_5 = arith.mulf %add3A_3, %mul3A_4 : vector<16x512xf32>
    %jit3A = arith.constant 5.000000e-01 : f32
    %jit3A_6 = arith.constant 1.550000e+01 : f32
    %max3A = vector.broadcast %jit3A : f32 to vector<16x512xf32>
    %max3A_7 = arith.maximumf %max3A, %mul3A_5 : vector<16x512xf32>
    %min3A = vector.broadcast %jit3A_6 : f32 to vector<16x512xf32>
    %min3A_8 = arith.minimumf %min3A, %max3A_7 : vector<16x512xf32>
    %add3A_9 = arith.constant 5.000000e-01 : f32
    %add3A_10 = vector.broadcast %add3A_9 : f32 to vector<16x512xf32>
    %add3A_11 = arith.addf %convert_element_type3A, %add3A_10 : vector<16x512xf32>
    %sub3A = arith.subf %add3A_11, %min3A_8 : vector<16x512xf32>
    %abs3A = math.absf %sub3A : vector<16x512xf32>
    %sub3A_12 = arith.constant 1.000000e+00 : f32
    %sub3A_13 = vector.broadcast %sub3A_12 : f32 to vector<16x512xf32>
    %sub3A_14 = arith.subf %sub3A_13, %abs3A : vector<16x512xf32>
    %max3A_15 = arith.constant 0.000000e+00 : f32
    %max3A_16 = vector.broadcast %max3A_15 : f32 to vector<16x512xf32>
    %max3A_17 = arith.maximumf %sub3A_14, %max3A_16 : vector<16x512xf32>
    %get3A = arith.constant 0 : index
    %get3A_18 = arith.constant 0 : index
    %get3A_19 = arith.constant 0 : index
    %get3A_20 = arith.constant 0 : index
    %get3A_21 = vector.load %arg2[%get3A, %get3A_18, %get3A_19, %get3A_20] : memref<1x1x96x16xf32, #tpu.memory_space<vmem>>, vector<1x1x96x16xf32>
    %get3A_22 = vector.shape_cast %get3A_21 : vector<1x1x96x16xf32> to vector<96x16xf32>
    %dot_general3A = arith.constant dense<0.000000e+00> : vector<96x512xf32>
    %dot_general3A_23 = tpu.matmul %get3A_22, %max3A_17, %dot_general3A {dimension_numbers = #tpu.dot_dimension_numbers<[1], [0], [0], [1], [0, 0, 1, 1], [], []>, precision = #tpu.contract_precision<fp32>, transpose_lhs_hint = false} : vector<96x16xf32>, vector<16x512xf32>, vector<96x512xf32> -> vector<96x512xf32>
    %get3A_24 = arith.constant 0 : index
    %get3A_25 = arith.constant 0 : index
    %get3A_26 = arith.constant 0 : index
    %get3A_27 = arith.constant 0 : index
    %get3A_28 = vector.load %arg3[%get3A_24, %get3A_25, %get3A_26, %get3A_27] : memref<1x1x96x16xf32, #tpu.memory_space<vmem>>, vector<1x1x96x16xf32>
    %get3A_29 = vector.shape_cast %get3A_28 : vector<1x1x96x16xf32> to vector<96x16xf32>
    %dot_general3A_30 = arith.constant dense<0.000000e+00> : vector<96x512xf32>
    %dot_general3A_31 = tpu.matmul %get3A_29, %max3A_17, %dot_general3A_30 {dimension_numbers = #tpu.dot_dimension_numbers<[1], [0], [0], [1], [0, 0, 1, 1], [], []>, precision = #tpu.contract_precision<fp32>, transpose_lhs_hint = false} : vector<96x16xf32>, vector<16x512xf32>, vector<96x512xf32> -> vector<96x512xf32>
    %iota3A_32 = tpu.iota {dimensions = array<i32: 0>} : vector<16x1xi32>
    %convert_element_type3A_33 = arith.sitofp %iota3A_32 : vector<16x1xi32> to vector<16x1xf32>
    %convert_element_type3A_34 = arith.sitofp %arg1 : i32 to f32
    %mul3A_35 = arith.constant 1.600000e+01 : f32
    %mul3A_36 = arith.mulf %convert_element_type3A_34, %mul3A_35 : f32
    %add3A_37 = vector.broadcast %mul3A_36 : f32 to vector<16x1xf32>
    %add3A_38 = arith.addf %add3A_37, %convert_element_type3A_33 : vector<16x1xf32>
    %add3A_39 = arith.constant 5.000000e-01 : f32
    %add3A_40 = vector.broadcast %add3A_39 : f32 to vector<16x1xf32>
    %add3A_41 = arith.addf %add3A_38, %add3A_40 : vector<16x1xf32>
    %mul3A_42 = arith.constant 3.125000e-02 : f32
    %mul3A_43 = vector.broadcast %mul3A_42 : f32 to vector<16x1xf32>
    %mul3A_44 = arith.mulf %add3A_41, %mul3A_43 : vector<16x1xf32>
    %jit3A_45 = arith.constant 5.000000e-01 : f32
    %jit3A_46 = arith.constant 1.550000e+01 : f32
    %max3A_47 = vector.broadcast %jit3A_45 : f32 to vector<16x1xf32>
    %max3A_48 = arith.maximumf %max3A_47, %mul3A_44 : vector<16x1xf32>
    %min3A_49 = vector.broadcast %jit3A_46 : f32 to vector<16x1xf32>
    %min3A_50 = arith.minimumf %min3A_49, %max3A_48 : vector<16x1xf32>
    %sub3A_51 = arith.constant 5.000000e-01 : f32
    %sub3A_52 = vector.broadcast %sub3A_51 : f32 to vector<16x1xf32>
    %sub3A_53 = arith.subf %min3A_50, %sub3A_52 : vector<16x1xf32>
    %floor3A = math.floor %sub3A_53 : vector<16x1xf32>
    %jit3A_54 = arith.constant 0.000000e+00 : f32
    %jit3A_55 = arith.constant 1.400000e+01 : f32
    %max3A_56 = vector.broadcast %jit3A_54 : f32 to vector<16x1xf32>
    %max3A_57 = arith.maximumf %max3A_56, %floor3A : vector<16x1xf32>
    %min3A_58 = vector.broadcast %jit3A_55 : f32 to vector<16x1xf32>
    %min3A_59 = arith.minimumf %min3A_58, %max3A_57 : vector<16x1xf32>
    %sub3A_60 = arith.constant 5.000000e-01 : f32
    %sub3A_61 = vector.broadcast %sub3A_60 : f32 to vector<16x1xf32>
    %sub3A_62 = arith.subf %min3A_50, %sub3A_61 : vector<16x1xf32>
    %sub3A_63 = arith.subf %sub3A_62, %min3A_59 : vector<16x1xf32>
    %sub3A_64 = arith.constant 1.000000e+00 : f32
    %sub3A_65 = vector.broadcast %sub3A_64 : f32 to vector<16x1xf32>
    %sub3A_66 = arith.subf %sub3A_65, %sub3A_63 : vector<16x1xf32>
    %get3A_67 = arith.constant 0 : index
    %get3A_68 = arith.constant 0 : index
    %get3A_69 = arith.constant 0 : index
    %get3A_70 = vector.load %arg4[%get3A_67, %get3A_68, %get3A_69] : memref<1x16x512xf32, #tpu.memory_space<vmem>>, vector<1x16x512xf32>
    %get3A_71 = vector.shape_cast %get3A_70 : vector<1x16x512xf32> to vector<16x512xf32>
    %mul3A_72 = arith.constant 8.000000e+00 : f32
    %mul3A_73 = vector.broadcast %mul3A_72 : f32 to vector<16x512xf32>
    %mul3A_74 = arith.mulf %get3A_71, %mul3A_73 : vector<16x512xf32>
    %jit3A_75 = arith.constant 5.000000e-01 : f32
    %jit3A_76 = arith.constant 7.500000e+00 : f32
    %max3A_77 = vector.broadcast %jit3A_75 : f32 to vector<16x512xf32>
    %max3A_78 = arith.maximumf %max3A_77, %mul3A_74 : vector<16x512xf32>
    %min3A_79 = vector.broadcast %jit3A_76 : f32 to vector<16x512xf32>
    %min3A_80 = arith.minimumf %min3A_79, %max3A_78 : vector<16x512xf32>
    %sub3A_81 = arith.constant 5.000000e-01 : f32
    %sub3A_82 = vector.broadcast %sub3A_81 : f32 to vector<16x512xf32>
    %sub3A_83 = arith.subf %sub3A_82, %min3A_80 : vector<16x512xf32>
    %abs3A_84 = math.absf %sub3A_83 : vector<16x512xf32>
    %sub3A_85 = arith.constant 1.000000e+00 : f32
    %sub3A_86 = vector.broadcast %sub3A_85 : f32 to vector<16x512xf32>
    %sub3A_87 = arith.subf %sub3A_86, %abs3A_84 : vector<16x512xf32>
    %max3A_88 = arith.constant 0.000000e+00 : f32
    %max3A_89 = vector.broadcast %max3A_88 : f32 to vector<16x512xf32>
    %max3A_90 = arith.maximumf %sub3A_87, %max3A_89 : vector<16x512xf32>
    %mul3A_91 = vector.broadcast %sub3A_66 : vector<16x1xf32> to vector<16x512xf32>
    %mul3A_92 = arith.mulf %max3A_90, %mul3A_91 : vector<16x512xf32>
    %sub3A_93 = arith.subf %max3A_90, %mul3A_92 : vector<16x512xf32>
    %sub3A_94 = arith.constant 1.500000e+00 : f32
    %sub3A_95 = vector.broadcast %sub3A_94 : f32 to vector<16x512xf32>
    %sub3A_96 = arith.subf %sub3A_95, %min3A_80 : vector<16x512xf32>
    %abs3A_97 = math.absf %sub3A_96 : vector<16x512xf32>
    %sub3A_98 = arith.constant 1.000000e+00 : f32
    %sub3A_99 = vector.broadcast %sub3A_98 : f32 to vector<16x512xf32>
    %sub3A_100 = arith.subf %sub3A_99, %abs3A_97 : vector<16x512xf32>
    %max3A_101 = arith.constant 0.000000e+00 : f32
    %max3A_102 = vector.broadcast %max3A_101 : f32 to vector<16x512xf32>
    %max3A_103 = arith.maximumf %sub3A_100, %max3A_102 : vector<16x512xf32>
    %mul3A_104 = vector.broadcast %sub3A_66 : vector<16x1xf32> to vector<16x512xf32>
    %mul3A_105 = arith.mulf %max3A_103, %mul3A_104 : vector<16x512xf32>
    %sub3A_106 = arith.subf %max3A_103, %mul3A_105 : vector<16x512xf32>
    %sub3A_107 = arith.constant 2.500000e+00 : f32
    %sub3A_108 = vector.broadcast %sub3A_107 : f32 to vector<16x512xf32>
    %sub3A_109 = arith.subf %sub3A_108, %min3A_80 : vector<16x512xf32>
    %abs3A_110 = math.absf %sub3A_109 : vector<16x512xf32>
    %sub3A_111 = arith.constant 1.000000e+00 : f32
    %sub3A_112 = vector.broadcast %sub3A_111 : f32 to vector<16x512xf32>
    %sub3A_113 = arith.subf %sub3A_112, %abs3A_110 : vector<16x512xf32>
    %max3A_114 = arith.constant 0.000000e+00 : f32
    %max3A_115 = vector.broadcast %max3A_114 : f32 to vector<16x512xf32>
    %max3A_116 = arith.maximumf %sub3A_113, %max3A_115 : vector<16x512xf32>
    %mul3A_117 = vector.broadcast %sub3A_66 : vector<16x1xf32> to vector<16x512xf32>
    %mul3A_118 = arith.mulf %max3A_116, %mul3A_117 : vector<16x512xf32>
    %sub3A_119 = arith.subf %max3A_116, %mul3A_118 : vector<16x512xf32>
    %sub3A_120 = arith.constant 3.500000e+00 : f32
    %sub3A_121 = vector.broadcast %sub3A_120 : f32 to vector<16x512xf32>
    %sub3A_122 = arith.subf %sub3A_121, %min3A_80 : vector<16x512xf32>
    %abs3A_123 = math.absf %sub3A_122 : vector<16x512xf32>
    %sub3A_124 = arith.constant 1.000000e+00 : f32
    %sub3A_125 = vector.broadcast %sub3A_124 : f32 to vector<16x512xf32>
    %sub3A_126 = arith.subf %sub3A_125, %abs3A_123 : vector<16x512xf32>
    %max3A_127 = arith.constant 0.000000e+00 : f32
    %max3A_128 = vector.broadcast %max3A_127 : f32 to vector<16x512xf32>
    %max3A_129 = arith.maximumf %sub3A_126, %max3A_128 : vector<16x512xf32>
    %mul3A_130 = vector.broadcast %sub3A_66 : vector<16x1xf32> to vector<16x512xf32>
    %mul3A_131 = arith.mulf %max3A_129, %mul3A_130 : vector<16x512xf32>
    %sub3A_132 = arith.subf %max3A_129, %mul3A_131 : vector<16x512xf32>
    %sub3A_133 = arith.constant 4.500000e+00 : f32
    %sub3A_134 = vector.broadcast %sub3A_133 : f32 to vector<16x512xf32>
    %sub3A_135 = arith.subf %sub3A_134, %min3A_80 : vector<16x512xf32>
    %abs3A_136 = math.absf %sub3A_135 : vector<16x512xf32>
    %sub3A_137 = arith.constant 1.000000e+00 : f32
    %sub3A_138 = vector.broadcast %sub3A_137 : f32 to vector<16x512xf32>
    %sub3A_139 = arith.subf %sub3A_138, %abs3A_136 : vector<16x512xf32>
    %max3A_140 = arith.constant 0.000000e+00 : f32
    %max3A_141 = vector.broadcast %max3A_140 : f32 to vector<16x512xf32>
    %max3A_142 = arith.maximumf %sub3A_139, %max3A_141 : vector<16x512xf32>
    %mul3A_143 = vector.broadcast %sub3A_66 : vector<16x1xf32> to vector<16x512xf32>
    %mul3A_144 = arith.mulf %max3A_142, %mul3A_143 : vector<16x512xf32>
    %sub3A_145 = arith.subf %max3A_142, %mul3A_144 : vector<16x512xf32>
    %sub3A_146 = arith.constant 5.500000e+00 : f32
    %sub3A_147 = vector.broadcast %sub3A_146 : f32 to vector<16x512xf32>
    %sub3A_148 = arith.subf %sub3A_147, %min3A_80 : vector<16x512xf32>
    %abs3A_149 = math.absf %sub3A_148 : vector<16x512xf32>
    %sub3A_150 = arith.constant 1.000000e+00 : f32
    %sub3A_151 = vector.broadcast %sub3A_150 : f32 to vector<16x512xf32>
    %sub3A_152 = arith.subf %sub3A_151, %abs3A_149 : vector<16x512xf32>
    %max3A_153 = arith.constant 0.000000e+00 : f32
    %max3A_154 = vector.broadcast %max3A_153 : f32 to vector<16x512xf32>
    %max3A_155 = arith.maximumf %sub3A_152, %max3A_154 : vector<16x512xf32>
    %mul3A_156 = vector.broadcast %sub3A_66 : vector<16x1xf32> to vector<16x512xf32>
    %mul3A_157 = arith.mulf %max3A_155, %mul3A_156 : vector<16x512xf32>
    %sub3A_158 = arith.subf %max3A_155, %mul3A_157 : vector<16x512xf32>
    %sub3A_159 = arith.constant 6.500000e+00 : f32
    %sub3A_160 = vector.broadcast %sub3A_159 : f32 to vector<16x512xf32>
    %sub3A_161 = arith.subf %sub3A_160, %min3A_80 : vector<16x512xf32>
    %abs3A_162 = math.absf %sub3A_161 : vector<16x512xf32>
    %sub3A_163 = arith.constant 1.000000e+00 : f32
    %sub3A_164 = vector.broadcast %sub3A_163 : f32 to vector<16x512xf32>
    %sub3A_165 = arith.subf %sub3A_164, %abs3A_162 : vector<16x512xf32>
    %max3A_166 = arith.constant 0.000000e+00 : f32
    %max3A_167 = vector.broadcast %max3A_166 : f32 to vector<16x512xf32>
    %max3A_168 = arith.maximumf %sub3A_165, %max3A_167 : vector<16x512xf32>
    %mul3A_169 = vector.broadcast %sub3A_66 : vector<16x1xf32> to vector<16x512xf32>
    %mul3A_170 = arith.mulf %max3A_168, %mul3A_169 : vector<16x512xf32>
    %sub3A_171 = arith.subf %max3A_168, %mul3A_170 : vector<16x512xf32>
    %sub3A_172 = arith.constant 7.500000e+00 : f32
    %sub3A_173 = vector.broadcast %sub3A_172 : f32 to vector<16x512xf32>
    %sub3A_174 = arith.subf %sub3A_173, %min3A_80 : vector<16x512xf32>
    %abs3A_175 = math.absf %sub3A_174 : vector<16x512xf32>
    %sub3A_176 = arith.constant 1.000000e+00 : f32
    %sub3A_177 = vector.broadcast %sub3A_176 : f32 to vector<16x512xf32>
    %sub3A_178 = arith.subf %sub3A_177, %abs3A_175 : vector<16x512xf32>
    %max3A_179 = arith.constant 0.000000e+00 : f32
    %max3A_180 = vector.broadcast %max3A_179 : f32 to vector<16x512xf32>
    %max3A_181 = arith.maximumf %sub3A_178, %max3A_180 : vector<16x512xf32>
    %mul3A_182 = vector.broadcast %sub3A_66 : vector<16x1xf32> to vector<16x512xf32>
    %mul3A_183 = arith.mulf %max3A_181, %mul3A_182 : vector<16x512xf32>
    %sub3A_184 = arith.subf %max3A_181, %mul3A_183 : vector<16x512xf32>
    %get3A_185 = arith.constant 0 : index
    %get3A_186 = arith.constant 0 : index
    %get3A_187 = arith.constant 0 : index
    %get3A_188 = arith.constant 0 : index
    %get3A_189 = vector.load %arg5[%get3A_185, %get3A_186, %get3A_187, %get3A_188] : memref<1x3x16x512xf32, #tpu.memory_space<vmem>>, vector<1x3x16x512xf32>
    %get3A_190 = vector.shape_cast %get3A_189 : vector<1x3x16x512xf32> to vector<3x16x512xf32>
    %slice3A = vector.extract_strided_slice %dot_general3A_23 {offsets = [0, 0], sizes = [1, 512], strides = [1, 1]} : vector<96x512xf32> to vector<1x512xf32>
    %squeeze3A = vector.shape_cast %slice3A : vector<1x512xf32> to vector<512xf32>
    %broadcast_in_dim3A = vector.shape_cast %squeeze3A : vector<512xf32> to vector<1x512xf32>
    %mul3A_191 = vector.broadcast %broadcast_in_dim3A : vector<1x512xf32> to vector<16x512xf32>
    %mul3A_192 = arith.mulf %mul3A_92, %mul3A_191 : vector<16x512xf32>
    %slice3A_193 = vector.extract_strided_slice %dot_general3A_31 {offsets = [0, 0], sizes = [1, 512], strides = [1, 1]} : vector<96x512xf32> to vector<1x512xf32>
    %squeeze3A_194 = vector.shape_cast %slice3A_193 : vector<1x512xf32> to vector<512xf32>
    %broadcast_in_dim3A_195 = vector.shape_cast %squeeze3A_194 : vector<512xf32> to vector<1x512xf32>
    %mul3A_196 = vector.broadcast %broadcast_in_dim3A_195 : vector<1x512xf32> to vector<16x512xf32>
    %mul3A_197 = arith.mulf %sub3A_93, %mul3A_196 : vector<16x512xf32>
    %add3A_198 = arith.addf %mul3A_192, %mul3A_197 : vector<16x512xf32>
    %slice3A_199 = vector.extract_strided_slice %dot_general3A_23 {offsets = [12, 0], sizes = [1, 512], strides = [1, 1]} : vector<96x512xf32> to vector<1x512xf32>
    %squeeze3A_200 = vector.shape_cast %slice3A_199 : vector<1x512xf32> to vector<512xf32>
    %broadcast_in_dim3A_201 = vector.shape_cast %squeeze3A_200 : vector<512xf32> to vector<1x512xf32>
    %mul3A_202 = vector.broadcast %broadcast_in_dim3A_201 : vector<1x512xf32> to vector<16x512xf32>
    %mul3A_203 = arith.mulf %mul3A_105, %mul3A_202 : vector<16x512xf32>
    %slice3A_204 = vector.extract_strided_slice %dot_general3A_31 {offsets = [12, 0], sizes = [1, 512], strides = [1, 1]} : vector<96x512xf32> to vector<1x512xf32>
    %squeeze3A_205 = vector.shape_cast %slice3A_204 : vector<1x512xf32> to vector<512xf32>
    %broadcast_in_dim3A_206 = vector.shape_cast %squeeze3A_205 : vector<512xf32> to vector<1x512xf32>
    %mul3A_207 = vector.broadcast %broadcast_in_dim3A_206 : vector<1x512xf32> to vector<16x512xf32>
    %mul3A_208 = arith.mulf %sub3A_106, %mul3A_207 : vector<16x512xf32>
    %add3A_209 = arith.addf %mul3A_203, %mul3A_208 : vector<16x512xf32>
    %add3A_210 = arith.addf %add3A_198, %add3A_209 : vector<16x512xf32>
    %slice3A_211 = vector.extract_strided_slice %dot_general3A_23 {offsets = [24, 0], sizes = [1, 512], strides = [1, 1]} : vector<96x512xf32> to vector<1x512xf32>
    %squeeze3A_212 = vector.shape_cast %slice3A_211 : vector<1x512xf32> to vector<512xf32>
    %broadcast_in_dim3A_213 = vector.shape_cast %squeeze3A_212 : vector<512xf32> to vector<1x512xf32>
    %mul3A_214 = vector.broadcast %broadcast_in_dim3A_213 : vector<1x512xf32> to vector<16x512xf32>
    %mul3A_215 = arith.mulf %mul3A_118, %mul3A_214 : vector<16x512xf32>
    %slice3A_216 = vector.extract_strided_slice %dot_general3A_31 {offsets = [24, 0], sizes = [1, 512], strides = [1, 1]} : vector<96x512xf32> to vector<1x512xf32>
    %squeeze3A_217 = vector.shape_cast %slice3A_216 : vector<1x512xf32> to vector<512xf32>
    %broadcast_in_dim3A_218 = vector.shape_cast %squeeze3A_217 : vector<512xf32> to vector<1x512xf32>
    %mul3A_219 = vector.broadcast %broadcast_in_dim3A_218 : vector<1x512xf32> to vector<16x512xf32>
    %mul3A_220 = arith.mulf %sub3A_119, %mul3A_219 : vector<16x512xf32>
    %add3A_221 = arith.addf %mul3A_215, %mul3A_220 : vector<16x512xf32>
    %add3A_222 = arith.addf %add3A_210, %add3A_221 : vector<16x512xf32>
    %slice3A_223 = vector.extract_strided_slice %dot_general3A_23 {offsets = [36, 0], sizes = [1, 512], strides = [1, 1]} : vector<96x512xf32> to vector<1x512xf32>
    %squeeze3A_224 = vector.shape_cast %slice3A_223 : vector<1x512xf32> to vector<512xf32>
    %broadcast_in_dim3A_225 = vector.shape_cast %squeeze3A_224 : vector<512xf32> to vector<1x512xf32>
    %mul3A_226 = vector.broadcast %broadcast_in_dim3A_225 : vector<1x512xf32> to vector<16x512xf32>
    %mul3A_227 = arith.mulf %mul3A_131, %mul3A_226 : vector<16x512xf32>
    %slice3A_228 = vector.extract_strided_slice %dot_general3A_31 {offsets = [36, 0], sizes = [1, 512], strides = [1, 1]} : vector<96x512xf32> to vector<1x512xf32>
    %squeeze3A_229 = vector.shape_cast %slice3A_228 : vector<1x512xf32> to vector<512xf32>
    %broadcast_in_dim3A_230 = vector.shape_cast %squeeze3A_229 : vector<512xf32> to vector<1x512xf32>
    %mul3A_231 = vector.broadcast %broadcast_in_dim3A_230 : vector<1x512xf32> to vector<16x512xf32>
    %mul3A_232 = arith.mulf %sub3A_132, %mul3A_231 : vector<16x512xf32>
    %add3A_233 = arith.addf %mul3A_227, %mul3A_232 : vector<16x512xf32>
    %add3A_234 = arith.addf %add3A_222, %add3A_233 : vector<16x512xf32>
    %slice3A_235 = vector.extract_strided_slice %dot_general3A_23 {offsets = [48, 0], sizes = [1, 512], strides = [1, 1]} : vector<96x512xf32> to vector<1x512xf32>
    %squeeze3A_236 = vector.shape_cast %slice3A_235 : vector<1x512xf32> to vector<512xf32>
    %broadcast_in_dim3A_237 = vector.shape_cast %squeeze3A_236 : vector<512xf32> to vector<1x512xf32>
    %mul3A_238 = vector.broadcast %broadcast_in_dim3A_237 : vector<1x512xf32> to vector<16x512xf32>
    %mul3A_239 = arith.mulf %mul3A_144, %mul3A_238 : vector<16x512xf32>
    %slice3A_240 = vector.extract_strided_slice %dot_general3A_31 {offsets = [48, 0], sizes = [1, 512], strides = [1, 1]} : vector<96x512xf32> to vector<1x512xf32>
    %squeeze3A_241 = vector.shape_cast %slice3A_240 : vector<1x512xf32> to vector<512xf32>
    %broadcast_in_dim3A_242 = vector.shape_cast %squeeze3A_241 : vector<512xf32> to vector<1x512xf32>
    %mul3A_243 = vector.broadcast %broadcast_in_dim3A_242 : vector<1x512xf32> to vector<16x512xf32>
    %mul3A_244 = arith.mulf %sub3A_145, %mul3A_243 : vector<16x512xf32>
    %add3A_245 = arith.addf %mul3A_239, %mul3A_244 : vector<16x512xf32>
    %add3A_246 = arith.addf %add3A_234, %add3A_245 : vector<16x512xf32>
    %slice3A_247 = vector.extract_strided_slice %dot_general3A_23 {offsets = [60, 0], sizes = [1, 512], strides = [1, 1]} : vector<96x512xf32> to vector<1x512xf32>
    %squeeze3A_248 = vector.shape_cast %slice3A_247 : vector<1x512xf32> to vector<512xf32>
    %broadcast_in_dim3A_249 = vector.shape_cast %squeeze3A_248 : vector<512xf32> to vector<1x512xf32>
    %mul3A_250 = vector.broadcast %broadcast_in_dim3A_249 : vector<1x512xf32> to vector<16x512xf32>
    %mul3A_251 = arith.mulf %mul3A_157, %mul3A_250 : vector<16x512xf32>
    %slice3A_252 = vector.extract_strided_slice %dot_general3A_31 {offsets = [60, 0], sizes = [1, 512], strides = [1, 1]} : vector<96x512xf32> to vector<1x512xf32>
    %squeeze3A_253 = vector.shape_cast %slice3A_252 : vector<1x512xf32> to vector<512xf32>
    %broadcast_in_dim3A_254 = vector.shape_cast %squeeze3A_253 : vector<512xf32> to vector<1x512xf32>
    %mul3A_255 = vector.broadcast %broadcast_in_dim3A_254 : vector<1x512xf32> to vector<16x512xf32>
    %mul3A_256 = arith.mulf %sub3A_158, %mul3A_255 : vector<16x512xf32>
    %add3A_257 = arith.addf %mul3A_251, %mul3A_256 : vector<16x512xf32>
    %add3A_258 = arith.addf %add3A_246, %add3A_257 : vector<16x512xf32>
    %slice3A_259 = vector.extract_strided_slice %dot_general3A_23 {offsets = [72, 0], sizes = [1, 512], strides = [1, 1]} : vector<96x512xf32> to vector<1x512xf32>
    %squeeze3A_260 = vector.shape_cast %slice3A_259 : vector<1x512xf32> to vector<512xf32>
    %broadcast_in_dim3A_261 = vector.shape_cast %squeeze3A_260 : vector<512xf32> to vector<1x512xf32>
    %mul3A_262 = vector.broadcast %broadcast_in_dim3A_261 : vector<1x512xf32> to vector<16x512xf32>
    %mul3A_263 = arith.mulf %mul3A_170, %mul3A_262 : vector<16x512xf32>
    %slice3A_264 = vector.extract_strided_slice %dot_general3A_31 {offsets = [72, 0], sizes = [1, 512], strides = [1, 1]} : vector<96x512xf32> to vector<1x512xf32>
    %squeeze3A_265 = vector.shape_cast %slice3A_264 : vector<1x512xf32> to vector<512xf32>
    %broadcast_in_dim3A_266 = vector.shape_cast %squeeze3A_265 : vector<512xf32> to vector<1x512xf32>
    %mul3A_267 = vector.broadcast %broadcast_in_dim3A_266 : vector<1x512xf32> to vector<16x512xf32>
    %mul3A_268 = arith.mulf %sub3A_171, %mul3A_267 : vector<16x512xf32>
    %add3A_269 = arith.addf %mul3A_263, %mul3A_268 : vector<16x512xf32>
    %add3A_270 = arith.addf %add3A_258, %add3A_269 : vector<16x512xf32>
    %slice3A_271 = vector.extract_strided_slice %dot_general3A_23 {offsets = [84, 0], sizes = [1, 512], strides = [1, 1]} : vector<96x512xf32> to vector<1x512xf32>
    %squeeze3A_272 = vector.shape_cast %slice3A_271 : vector<1x512xf32> to vector<512xf32>
    %broadcast_in_dim3A_273 = vector.shape_cast %squeeze3A_272 : vector<512xf32> to vector<1x512xf32>
    %mul3A_274 = vector.broadcast %broadcast_in_dim3A_273 : vector<1x512xf32> to vector<16x512xf32>
    %mul3A_275 = arith.mulf %mul3A_183, %mul3A_274 : vector<16x512xf32>
    %slice3A_276 = vector.extract_strided_slice %dot_general3A_31 {offsets = [84, 0], sizes = [1, 512], strides = [1, 1]} : vector<96x512xf32> to vector<1x512xf32>
    %squeeze3A_277 = vector.shape_cast %slice3A_276 : vector<1x512xf32> to vector<512xf32>
    %broadcast_in_dim3A_278 = vector.shape_cast %squeeze3A_277 : vector<512xf32> to vector<1x512xf32>
    %mul3A_279 = vector.broadcast %broadcast_in_dim3A_278 : vector<1x512xf32> to vector<16x512xf32>
    %mul3A_280 = arith.mulf %sub3A_184, %mul3A_279 : vector<16x512xf32>
    %add3A_281 = arith.addf %mul3A_275, %mul3A_280 : vector<16x512xf32>
    %add3A_282 = arith.addf %add3A_270, %add3A_281 : vector<16x512xf32>
    %slice3A_283 = vector.extract_strided_slice %get3A_190 {offsets = [0, 0, 0], sizes = [1, 16, 512], strides = [1, 1, 1]} : vector<3x16x512xf32> to vector<1x16x512xf32>
    %squeeze3A_284 = vector.shape_cast %slice3A_283 : vector<1x16x512xf32> to vector<16x512xf32>
    %mul3A_285 = arith.mulf %add3A_282, %squeeze3A_284 : vector<16x512xf32>
    %slice3A_286 = vector.extract_strided_slice %dot_general3A_23 {offsets = [1, 0], sizes = [1, 512], strides = [1, 1]} : vector<96x512xf32> to vector<1x512xf32>
    %squeeze3A_287 = vector.shape_cast %slice3A_286 : vector<1x512xf32> to vector<512xf32>
    %broadcast_in_dim3A_288 = vector.shape_cast %squeeze3A_287 : vector<512xf32> to vector<1x512xf32>
    %mul3A_289 = vector.broadcast %broadcast_in_dim3A_288 : vector<1x512xf32> to vector<16x512xf32>
    %mul3A_290 = arith.mulf %mul3A_92, %mul3A_289 : vector<16x512xf32>
    %slice3A_291 = vector.extract_strided_slice %dot_general3A_31 {offsets = [1, 0], sizes = [1, 512], strides = [1, 1]} : vector<96x512xf32> to vector<1x512xf32>
    %squeeze3A_292 = vector.shape_cast %slice3A_291 : vector<1x512xf32> to vector<512xf32>
    %broadcast_in_dim3A_293 = vector.shape_cast %squeeze3A_292 : vector<512xf32> to vector<1x512xf32>
    %mul3A_294 = vector.broadcast %broadcast_in_dim3A_293 : vector<1x512xf32> to vector<16x512xf32>
    %mul3A_295 = arith.mulf %sub3A_93, %mul3A_294 : vector<16x512xf32>
    %add3A_296 = arith.addf %mul3A_290, %mul3A_295 : vector<16x512xf32>
    %slice3A_297 = vector.extract_strided_slice %dot_general3A_23 {offsets = [13, 0], sizes = [1, 512], strides = [1, 1]} : vector<96x512xf32> to vector<1x512xf32>
    %squeeze3A_298 = vector.shape_cast %slice3A_297 : vector<1x512xf32> to vector<512xf32>
    %broadcast_in_dim3A_299 = vector.shape_cast %squeeze3A_298 : vector<512xf32> to vector<1x512xf32>
    %mul3A_300 = vector.broadcast %broadcast_in_dim3A_299 : vector<1x512xf32> to vector<16x512xf32>
    %mul3A_301 = arith.mulf %mul3A_105, %mul3A_300 : vector<16x512xf32>
    %slice3A_302 = vector.extract_strided_slice %dot_general3A_31 {offsets = [13, 0], sizes = [1, 512], strides = [1, 1]} : vector<96x512xf32> to vector<1x512xf32>
    %squeeze3A_303 = vector.shape_cast %slice3A_302 : vector<1x512xf32> to vector<512xf32>
    %broadcast_in_dim3A_304 = vector.shape_cast %squeeze3A_303 : vector<512xf32> to vector<1x512xf32>
    %mul3A_305 = vector.broadcast %broadcast_in_dim3A_304 : vector<1x512xf32> to vector<16x512xf32>
    %mul3A_306 = arith.mulf %sub3A_106, %mul3A_305 : vector<16x512xf32>
    %add3A_307 = arith.addf %mul3A_301, %mul3A_306 : vector<16x512xf32>
    %add3A_308 = arith.addf %add3A_296, %add3A_307 : vector<16x512xf32>
    %slice3A_309 = vector.extract_strided_slice %dot_general3A_23 {offsets = [25, 0], sizes = [1, 512], strides = [1, 1]} : vector<96x512xf32> to vector<1x512xf32>
    %squeeze3A_310 = vector.shape_cast %slice3A_309 : vector<1x512xf32> to vector<512xf32>
    %broadcast_in_dim3A_311 = vector.shape_cast %squeeze3A_310 : vector<512xf32> to vector<1x512xf32>
    %mul3A_312 = vector.broadcast %broadcast_in_dim3A_311 : vector<1x512xf32> to vector<16x512xf32>
    %mul3A_313 = arith.mulf %mul3A_118, %mul3A_312 : vector<16x512xf32>
    %slice3A_314 = vector.extract_strided_slice %dot_general3A_31 {offsets = [25, 0], sizes = [1, 512], strides = [1, 1]} : vector<96x512xf32> to vector<1x512xf32>
    %squeeze3A_315 = vector.shape_cast %slice3A_314 : vector<1x512xf32> to vector<512xf32>
    %broadcast_in_dim3A_316 = vector.shape_cast %squeeze3A_315 : vector<512xf32> to vector<1x512xf32>
    %mul3A_317 = vector.broadcast %broadcast_in_dim3A_316 : vector<1x512xf32> to vector<16x512xf32>
    %mul3A_318 = arith.mulf %sub3A_119, %mul3A_317 : vector<16x512xf32>
    %add3A_319 = arith.addf %mul3A_313, %mul3A_318 : vector<16x512xf32>
    %add3A_320 = arith.addf %add3A_308, %add3A_319 : vector<16x512xf32>
    %slice3A_321 = vector.extract_strided_slice %dot_general3A_23 {offsets = [37, 0], sizes = [1, 512], strides = [1, 1]} : vector<96x512xf32> to vector<1x512xf32>
    %squeeze3A_322 = vector.shape_cast %slice3A_321 : vector<1x512xf32> to vector<512xf32>
    %broadcast_in_dim3A_323 = vector.shape_cast %squeeze3A_322 : vector<512xf32> to vector<1x512xf32>
    %mul3A_324 = vector.broadcast %broadcast_in_dim3A_323 : vector<1x512xf32> to vector<16x512xf32>
    %mul3A_325 = arith.mulf %mul3A_131, %mul3A_324 : vector<16x512xf32>
    %slice3A_326 = vector.extract_strided_slice %dot_general3A_31 {offsets = [37, 0], sizes = [1, 512], strides = [1, 1]} : vector<96x512xf32> to vector<1x512xf32>
    %squeeze3A_327 = vector.shape_cast %slice3A_326 : vector<1x512xf32> to vector<512xf32>
    %broadcast_in_dim3A_328 = vector.shape_cast %squeeze3A_327 : vector<512xf32> to vector<1x512xf32>
    %mul3A_329 = vector.broadcast %broadcast_in_dim3A_328 : vector<1x512xf32> to vector<16x512xf32>
    %mul3A_330 = arith.mulf %sub3A_132, %mul3A_329 : vector<16x512xf32>
    %add3A_331 = arith.addf %mul3A_325, %mul3A_330 : vector<16x512xf32>
    %add3A_332 = arith.addf %add3A_320, %add3A_331 : vector<16x512xf32>
    %slice3A_333 = vector.extract_strided_slice %dot_general3A_23 {offsets = [49, 0], sizes = [1, 512], strides = [1, 1]} : vector<96x512xf32> to vector<1x512xf32>
    %squeeze3A_334 = vector.shape_cast %slice3A_333 : vector<1x512xf32> to vector<512xf32>
    %broadcast_in_dim3A_335 = vector.shape_cast %squeeze3A_334 : vector<512xf32> to vector<1x512xf32>
    %mul3A_336 = vector.broadcast %broadcast_in_dim3A_335 : vector<1x512xf32> to vector<16x512xf32>
    %mul3A_337 = arith.mulf %mul3A_144, %mul3A_336 : vector<16x512xf32>
    %slice3A_338 = vector.extract_strided_slice %dot_general3A_31 {offsets = [49, 0], sizes = [1, 512], strides = [1, 1]} : vector<96x512xf32> to vector<1x512xf32>
    %squeeze3A_339 = vector.shape_cast %slice3A_338 : vector<1x512xf32> to vector<512xf32>
    %broadcast_in_dim3A_340 = vector.shape_cast %squeeze3A_339 : vector<512xf32> to vector<1x512xf32>
    %mul3A_341 = vector.broadcast %broadcast_in_dim3A_340 : vector<1x512xf32> to vector<16x512xf32>
    %mul3A_342 = arith.mulf %sub3A_145, %mul3A_341 : vector<16x512xf32>
    %add3A_343 = arith.addf %mul3A_337, %mul3A_342 : vector<16x512xf32>
    %add3A_344 = arith.addf %add3A_332, %add3A_343 : vector<16x512xf32>
    %slice3A_345 = vector.extract_strided_slice %dot_general3A_23 {offsets = [61, 0], sizes = [1, 512], strides = [1, 1]} : vector<96x512xf32> to vector<1x512xf32>
    %squeeze3A_346 = vector.shape_cast %slice3A_345 : vector<1x512xf32> to vector<512xf32>
    %broadcast_in_dim3A_347 = vector.shape_cast %squeeze3A_346 : vector<512xf32> to vector<1x512xf32>
    %mul3A_348 = vector.broadcast %broadcast_in_dim3A_347 : vector<1x512xf32> to vector<16x512xf32>
    %mul3A_349 = arith.mulf %mul3A_157, %mul3A_348 : vector<16x512xf32>
    %slice3A_350 = vector.extract_strided_slice %dot_general3A_31 {offsets = [61, 0], sizes = [1, 512], strides = [1, 1]} : vector<96x512xf32> to vector<1x512xf32>
    %squeeze3A_351 = vector.shape_cast %slice3A_350 : vector<1x512xf32> to vector<512xf32>
    %broadcast_in_dim3A_352 = vector.shape_cast %squeeze3A_351 : vector<512xf32> to vector<1x512xf32>
    %mul3A_353 = vector.broadcast %broadcast_in_dim3A_352 : vector<1x512xf32> to vector<16x512xf32>
    %mul3A_354 = arith.mulf %sub3A_158, %mul3A_353 : vector<16x512xf32>
    %add3A_355 = arith.addf %mul3A_349, %mul3A_354 : vector<16x512xf32>
    %add3A_356 = arith.addf %add3A_344, %add3A_355 : vector<16x512xf32>
    %slice3A_357 = vector.extract_strided_slice %dot_general3A_23 {offsets = [73, 0], sizes = [1, 512], strides = [1, 1]} : vector<96x512xf32> to vector<1x512xf32>
    %squeeze3A_358 = vector.shape_cast %slice3A_357 : vector<1x512xf32> to vector<512xf32>
    %broadcast_in_dim3A_359 = vector.shape_cast %squeeze3A_358 : vector<512xf32> to vector<1x512xf32>
    %mul3A_360 = vector.broadcast %broadcast_in_dim3A_359 : vector<1x512xf32> to vector<16x512xf32>
    %mul3A_361 = arith.mulf %mul3A_170, %mul3A_360 : vector<16x512xf32>
    %slice3A_362 = vector.extract_strided_slice %dot_general3A_31 {offsets = [73, 0], sizes = [1, 512], strides = [1, 1]} : vector<96x512xf32> to vector<1x512xf32>
    %squeeze3A_363 = vector.shape_cast %slice3A_362 : vector<1x512xf32> to vector<512xf32>
    %broadcast_in_dim3A_364 = vector.shape_cast %squeeze3A_363 : vector<512xf32> to vector<1x512xf32>
    %mul3A_365 = vector.broadcast %broadcast_in_dim3A_364 : vector<1x512xf32> to vector<16x512xf32>
    %mul3A_366 = arith.mulf %sub3A_171, %mul3A_365 : vector<16x512xf32>
    %add3A_367 = arith.addf %mul3A_361, %mul3A_366 : vector<16x512xf32>
    %add3A_368 = arith.addf %add3A_356, %add3A_367 : vector<16x512xf32>
    %slice3A_369 = vector.extract_strided_slice %dot_general3A_23 {offsets = [85, 0], sizes = [1, 512], strides = [1, 1]} : vector<96x512xf32> to vector<1x512xf32>
    %squeeze3A_370 = vector.shape_cast %slice3A_369 : vector<1x512xf32> to vector<512xf32>
    %broadcast_in_dim3A_371 = vector.shape_cast %squeeze3A_370 : vector<512xf32> to vector<1x512xf32>
    %mul3A_372 = vector.broadcast %broadcast_in_dim3A_371 : vector<1x512xf32> to vector<16x512xf32>
    %mul3A_373 = arith.mulf %mul3A_183, %mul3A_372 : vector<16x512xf32>
    %slice3A_374 = vector.extract_strided_slice %dot_general3A_31 {offsets = [85, 0], sizes = [1, 512], strides = [1, 1]} : vector<96x512xf32> to vector<1x512xf32>
    %squeeze3A_375 = vector.shape_cast %slice3A_374 : vector<1x512xf32> to vector<512xf32>
    %broadcast_in_dim3A_376 = vector.shape_cast %squeeze3A_375 : vector<512xf32> to vector<1x512xf32>
    %mul3A_377 = vector.broadcast %broadcast_in_dim3A_376 : vector<1x512xf32> to vector<16x512xf32>
    %mul3A_378 = arith.mulf %sub3A_184, %mul3A_377 : vector<16x512xf32>
    %add3A_379 = arith.addf %mul3A_373, %mul3A_378 : vector<16x512xf32>
    %add3A_380 = arith.addf %add3A_368, %add3A_379 : vector<16x512xf32>
    %slice3A_381 = vector.extract_strided_slice %get3A_190 {offsets = [1, 0, 0], sizes = [1, 16, 512], strides = [1, 1, 1]} : vector<3x16x512xf32> to vector<1x16x512xf32>
    %squeeze3A_382 = vector.shape_cast %slice3A_381 : vector<1x16x512xf32> to vector<16x512xf32>
    %mul3A_383 = arith.mulf %add3A_380, %squeeze3A_382 : vector<16x512xf32>
    %add3A_384 = arith.addf %mul3A_285, %mul3A_383 : vector<16x512xf32>
    %slice3A_385 = vector.extract_strided_slice %dot_general3A_23 {offsets = [2, 0], sizes = [1, 512], strides = [1, 1]} : vector<96x512xf32> to vector<1x512xf32>
    %squeeze3A_386 = vector.shape_cast %slice3A_385 : vector<1x512xf32> to vector<512xf32>
    %broadcast_in_dim3A_387 = vector.shape_cast %squeeze3A_386 : vector<512xf32> to vector<1x512xf32>
    %mul3A_388 = vector.broadcast %broadcast_in_dim3A_387 : vector<1x512xf32> to vector<16x512xf32>
    %mul3A_389 = arith.mulf %mul3A_92, %mul3A_388 : vector<16x512xf32>
    %slice3A_390 = vector.extract_strided_slice %dot_general3A_31 {offsets = [2, 0], sizes = [1, 512], strides = [1, 1]} : vector<96x512xf32> to vector<1x512xf32>
    %squeeze3A_391 = vector.shape_cast %slice3A_390 : vector<1x512xf32> to vector<512xf32>
    %broadcast_in_dim3A_392 = vector.shape_cast %squeeze3A_391 : vector<512xf32> to vector<1x512xf32>
    %mul3A_393 = vector.broadcast %broadcast_in_dim3A_392 : vector<1x512xf32> to vector<16x512xf32>
    %mul3A_394 = arith.mulf %sub3A_93, %mul3A_393 : vector<16x512xf32>
    %add3A_395 = arith.addf %mul3A_389, %mul3A_394 : vector<16x512xf32>
    %slice3A_396 = vector.extract_strided_slice %dot_general3A_23 {offsets = [14, 0], sizes = [1, 512], strides = [1, 1]} : vector<96x512xf32> to vector<1x512xf32>
    %squeeze3A_397 = vector.shape_cast %slice3A_396 : vector<1x512xf32> to vector<512xf32>
    %broadcast_in_dim3A_398 = vector.shape_cast %squeeze3A_397 : vector<512xf32> to vector<1x512xf32>
    %mul3A_399 = vector.broadcast %broadcast_in_dim3A_398 : vector<1x512xf32> to vector<16x512xf32>
    %mul3A_400 = arith.mulf %mul3A_105, %mul3A_399 : vector<16x512xf32>
    %slice3A_401 = vector.extract_strided_slice %dot_general3A_31 {offsets = [14, 0], sizes = [1, 512], strides = [1, 1]} : vector<96x512xf32> to vector<1x512xf32>
    %squeeze3A_402 = vector.shape_cast %slice3A_401 : vector<1x512xf32> to vector<512xf32>
    %broadcast_in_dim3A_403 = vector.shape_cast %squeeze3A_402 : vector<512xf32> to vector<1x512xf32>
    %mul3A_404 = vector.broadcast %broadcast_in_dim3A_403 : vector<1x512xf32> to vector<16x512xf32>
    %mul3A_405 = arith.mulf %sub3A_106, %mul3A_404 : vector<16x512xf32>
    %add3A_406 = arith.addf %mul3A_400, %mul3A_405 : vector<16x512xf32>
    %add3A_407 = arith.addf %add3A_395, %add3A_406 : vector<16x512xf32>
    %slice3A_408 = vector.extract_strided_slice %dot_general3A_23 {offsets = [26, 0], sizes = [1, 512], strides = [1, 1]} : vector<96x512xf32> to vector<1x512xf32>
    %squeeze3A_409 = vector.shape_cast %slice3A_408 : vector<1x512xf32> to vector<512xf32>
    %broadcast_in_dim3A_410 = vector.shape_cast %squeeze3A_409 : vector<512xf32> to vector<1x512xf32>
    %mul3A_411 = vector.broadcast %broadcast_in_dim3A_410 : vector<1x512xf32> to vector<16x512xf32>
    %mul3A_412 = arith.mulf %mul3A_118, %mul3A_411 : vector<16x512xf32>
    %slice3A_413 = vector.extract_strided_slice %dot_general3A_31 {offsets = [26, 0], sizes = [1, 512], strides = [1, 1]} : vector<96x512xf32> to vector<1x512xf32>
    %squeeze3A_414 = vector.shape_cast %slice3A_413 : vector<1x512xf32> to vector<512xf32>
    %broadcast_in_dim3A_415 = vector.shape_cast %squeeze3A_414 : vector<512xf32> to vector<1x512xf32>
    %mul3A_416 = vector.broadcast %broadcast_in_dim3A_415 : vector<1x512xf32> to vector<16x512xf32>
    %mul3A_417 = arith.mulf %sub3A_119, %mul3A_416 : vector<16x512xf32>
    %add3A_418 = arith.addf %mul3A_412, %mul3A_417 : vector<16x512xf32>
    %add3A_419 = arith.addf %add3A_407, %add3A_418 : vector<16x512xf32>
    %slice3A_420 = vector.extract_strided_slice %dot_general3A_23 {offsets = [38, 0], sizes = [1, 512], strides = [1, 1]} : vector<96x512xf32> to vector<1x512xf32>
    %squeeze3A_421 = vector.shape_cast %slice3A_420 : vector<1x512xf32> to vector<512xf32>
    %broadcast_in_dim3A_422 = vector.shape_cast %squeeze3A_421 : vector<512xf32> to vector<1x512xf32>
    %mul3A_423 = vector.broadcast %broadcast_in_dim3A_422 : vector<1x512xf32> to vector<16x512xf32>
    %mul3A_424 = arith.mulf %mul3A_131, %mul3A_423 : vector<16x512xf32>
    %slice3A_425 = vector.extract_strided_slice %dot_general3A_31 {offsets = [38, 0], sizes = [1, 512], strides = [1, 1]} : vector<96x512xf32> to vector<1x512xf32>
    %squeeze3A_426 = vector.shape_cast %slice3A_425 : vector<1x512xf32> to vector<512xf32>
    %broadcast_in_dim3A_427 = vector.shape_cast %squeeze3A_426 : vector<512xf32> to vector<1x512xf32>
    %mul3A_428 = vector.broadcast %broadcast_in_dim3A_427 : vector<1x512xf32> to vector<16x512xf32>
    %mul3A_429 = arith.mulf %sub3A_132, %mul3A_428 : vector<16x512xf32>
    %add3A_430 = arith.addf %mul3A_424, %mul3A_429 : vector<16x512xf32>
    %add3A_431 = arith.addf %add3A_419, %add3A_430 : vector<16x512xf32>
    %slice3A_432 = vector.extract_strided_slice %dot_general3A_23 {offsets = [50, 0], sizes = [1, 512], strides = [1, 1]} : vector<96x512xf32> to vector<1x512xf32>
    %squeeze3A_433 = vector.shape_cast %slice3A_432 : vector<1x512xf32> to vector<512xf32>
    %broadcast_in_dim3A_434 = vector.shape_cast %squeeze3A_433 : vector<512xf32> to vector<1x512xf32>
    %mul3A_435 = vector.broadcast %broadcast_in_dim3A_434 : vector<1x512xf32> to vector<16x512xf32>
    %mul3A_436 = arith.mulf %mul3A_144, %mul3A_435 : vector<16x512xf32>
    %slice3A_437 = vector.extract_strided_slice %dot_general3A_31 {offsets = [50, 0], sizes = [1, 512], strides = [1, 1]} : vector<96x512xf32> to vector<1x512xf32>
    %squeeze3A_438 = vector.shape_cast %slice3A_437 : vector<1x512xf32> to vector<512xf32>
    %broadcast_in_dim3A_439 = vector.shape_cast %squeeze3A_438 : vector<512xf32> to vector<1x512xf32>
    %mul3A_440 = vector.broadcast %broadcast_in_dim3A_439 : vector<1x512xf32> to vector<16x512xf32>
    %mul3A_441 = arith.mulf %sub3A_145, %mul3A_440 : vector<16x512xf32>
    %add3A_442 = arith.addf %mul3A_436, %mul3A_441 : vector<16x512xf32>
    %add3A_443 = arith.addf %add3A_431, %add3A_442 : vector<16x512xf32>
    %slice3A_444 = vector.extract_strided_slice %dot_general3A_23 {offsets = [62, 0], sizes = [1, 512], strides = [1, 1]} : vector<96x512xf32> to vector<1x512xf32>
    %squeeze3A_445 = vector.shape_cast %slice3A_444 : vector<1x512xf32> to vector<512xf32>
    %broadcast_in_dim3A_446 = vector.shape_cast %squeeze3A_445 : vector<512xf32> to vector<1x512xf32>
    %mul3A_447 = vector.broadcast %broadcast_in_dim3A_446 : vector<1x512xf32> to vector<16x512xf32>
    %mul3A_448 = arith.mulf %mul3A_157, %mul3A_447 : vector<16x512xf32>
    %slice3A_449 = vector.extract_strided_slice %dot_general3A_31 {offsets = [62, 0], sizes = [1, 512], strides = [1, 1]} : vector<96x512xf32> to vector<1x512xf32>
    %squeeze3A_450 = vector.shape_cast %slice3A_449 : vector<1x512xf32> to vector<512xf32>
    %broadcast_in_dim3A_451 = vector.shape_cast %squeeze3A_450 : vector<512xf32> to vector<1x512xf32>
    %mul3A_452 = vector.broadcast %broadcast_in_dim3A_451 : vector<1x512xf32> to vector<16x512xf32>
    %mul3A_453 = arith.mulf %sub3A_158, %mul3A_452 : vector<16x512xf32>
    %add3A_454 = arith.addf %mul3A_448, %mul3A_453 : vector<16x512xf32>
    %add3A_455 = arith.addf %add3A_443, %add3A_454 : vector<16x512xf32>
    %slice3A_456 = vector.extract_strided_slice %dot_general3A_23 {offsets = [74, 0], sizes = [1, 512], strides = [1, 1]} : vector<96x512xf32> to vector<1x512xf32>
    %squeeze3A_457 = vector.shape_cast %slice3A_456 : vector<1x512xf32> to vector<512xf32>
    %broadcast_in_dim3A_458 = vector.shape_cast %squeeze3A_457 : vector<512xf32> to vector<1x512xf32>
    %mul3A_459 = vector.broadcast %broadcast_in_dim3A_458 : vector<1x512xf32> to vector<16x512xf32>
    %mul3A_460 = arith.mulf %mul3A_170, %mul3A_459 : vector<16x512xf32>
    %slice3A_461 = vector.extract_strided_slice %dot_general3A_31 {offsets = [74, 0], sizes = [1, 512], strides = [1, 1]} : vector<96x512xf32> to vector<1x512xf32>
    %squeeze3A_462 = vector.shape_cast %slice3A_461 : vector<1x512xf32> to vector<512xf32>
    %broadcast_in_dim3A_463 = vector.shape_cast %squeeze3A_462 : vector<512xf32> to vector<1x512xf32>
    %mul3A_464 = vector.broadcast %broadcast_in_dim3A_463 : vector<1x512xf32> to vector<16x512xf32>
    %mul3A_465 = arith.mulf %sub3A_171, %mul3A_464 : vector<16x512xf32>
    %add3A_466 = arith.addf %mul3A_460, %mul3A_465 : vector<16x512xf32>
    %add3A_467 = arith.addf %add3A_455, %add3A_466 : vector<16x512xf32>
    %slice3A_468 = vector.extract_strided_slice %dot_general3A_23 {offsets = [86, 0], sizes = [1, 512], strides = [1, 1]} : vector<96x512xf32> to vector<1x512xf32>
    %squeeze3A_469 = vector.shape_cast %slice3A_468 : vector<1x512xf32> to vector<512xf32>
    %broadcast_in_dim3A_470 = vector.shape_cast %squeeze3A_469 : vector<512xf32> to vector<1x512xf32>
    %mul3A_471 = vector.broadcast %broadcast_in_dim3A_470 : vector<1x512xf32> to vector<16x512xf32>
    %mul3A_472 = arith.mulf %mul3A_183, %mul3A_471 : vector<16x512xf32>
    %slice3A_473 = vector.extract_strided_slice %dot_general3A_31 {offsets = [86, 0], sizes = [1, 512], strides = [1, 1]} : vector<96x512xf32> to vector<1x512xf32>
    %squeeze3A_474 = vector.shape_cast %slice3A_473 : vector<1x512xf32> to vector<512xf32>
    %broadcast_in_dim3A_475 = vector.shape_cast %squeeze3A_474 : vector<512xf32> to vector<1x512xf32>
    %mul3A_476 = vector.broadcast %broadcast_in_dim3A_475 : vector<1x512xf32> to vector<16x512xf32>
    %mul3A_477 = arith.mulf %sub3A_184, %mul3A_476 : vector<16x512xf32>
    %add3A_478 = arith.addf %mul3A_472, %mul3A_477 : vector<16x512xf32>
    %add3A_479 = arith.addf %add3A_467, %add3A_478 : vector<16x512xf32>
    %slice3A_480 = vector.extract_strided_slice %get3A_190 {offsets = [2, 0, 0], sizes = [1, 16, 512], strides = [1, 1, 1]} : vector<3x16x512xf32> to vector<1x16x512xf32>
    %squeeze3A_481 = vector.shape_cast %slice3A_480 : vector<1x16x512xf32> to vector<16x512xf32>
    %mul3A_482 = arith.mulf %add3A_479, %squeeze3A_481 : vector<16x512xf32>
    %add3A_483 = arith.addf %add3A_384, %mul3A_482 : vector<16x512xf32>
    %slice3A_484 = vector.extract_strided_slice %dot_general3A_23 {offsets = [3, 0], sizes = [1, 512], strides = [1, 1]} : vector<96x512xf32> to vector<1x512xf32>
    %squeeze3A_485 = vector.shape_cast %slice3A_484 : vector<1x512xf32> to vector<512xf32>
    %broadcast_in_dim3A_486 = vector.shape_cast %squeeze3A_485 : vector<512xf32> to vector<1x512xf32>
    %mul3A_487 = vector.broadcast %broadcast_in_dim3A_486 : vector<1x512xf32> to vector<16x512xf32>
    %mul3A_488 = arith.mulf %mul3A_92, %mul3A_487 : vector<16x512xf32>
    %slice3A_489 = vector.extract_strided_slice %dot_general3A_31 {offsets = [3, 0], sizes = [1, 512], strides = [1, 1]} : vector<96x512xf32> to vector<1x512xf32>
    %squeeze3A_490 = vector.shape_cast %slice3A_489 : vector<1x512xf32> to vector<512xf32>
    %broadcast_in_dim3A_491 = vector.shape_cast %squeeze3A_490 : vector<512xf32> to vector<1x512xf32>
    %mul3A_492 = vector.broadcast %broadcast_in_dim3A_491 : vector<1x512xf32> to vector<16x512xf32>
    %mul3A_493 = arith.mulf %sub3A_93, %mul3A_492 : vector<16x512xf32>
    %add3A_494 = arith.addf %mul3A_488, %mul3A_493 : vector<16x512xf32>
    %slice3A_495 = vector.extract_strided_slice %dot_general3A_23 {offsets = [15, 0], sizes = [1, 512], strides = [1, 1]} : vector<96x512xf32> to vector<1x512xf32>
    %squeeze3A_496 = vector.shape_cast %slice3A_495 : vector<1x512xf32> to vector<512xf32>
    %broadcast_in_dim3A_497 = vector.shape_cast %squeeze3A_496 : vector<512xf32> to vector<1x512xf32>
    %mul3A_498 = vector.broadcast %broadcast_in_dim3A_497 : vector<1x512xf32> to vector<16x512xf32>
    %mul3A_499 = arith.mulf %mul3A_105, %mul3A_498 : vector<16x512xf32>
    %slice3A_500 = vector.extract_strided_slice %dot_general3A_31 {offsets = [15, 0], sizes = [1, 512], strides = [1, 1]} : vector<96x512xf32> to vector<1x512xf32>
    %squeeze3A_501 = vector.shape_cast %slice3A_500 : vector<1x512xf32> to vector<512xf32>
    %broadcast_in_dim3A_502 = vector.shape_cast %squeeze3A_501 : vector<512xf32> to vector<1x512xf32>
    %mul3A_503 = vector.broadcast %broadcast_in_dim3A_502 : vector<1x512xf32> to vector<16x512xf32>
    %mul3A_504 = arith.mulf %sub3A_106, %mul3A_503 : vector<16x512xf32>
    %add3A_505 = arith.addf %mul3A_499, %mul3A_504 : vector<16x512xf32>
    %add3A_506 = arith.addf %add3A_494, %add3A_505 : vector<16x512xf32>
    %slice3A_507 = vector.extract_strided_slice %dot_general3A_23 {offsets = [27, 0], sizes = [1, 512], strides = [1, 1]} : vector<96x512xf32> to vector<1x512xf32>
    %squeeze3A_508 = vector.shape_cast %slice3A_507 : vector<1x512xf32> to vector<512xf32>
    %broadcast_in_dim3A_509 = vector.shape_cast %squeeze3A_508 : vector<512xf32> to vector<1x512xf32>
    %mul3A_510 = vector.broadcast %broadcast_in_dim3A_509 : vector<1x512xf32> to vector<16x512xf32>
    %mul3A_511 = arith.mulf %mul3A_118, %mul3A_510 : vector<16x512xf32>
    %slice3A_512 = vector.extract_strided_slice %dot_general3A_31 {offsets = [27, 0], sizes = [1, 512], strides = [1, 1]} : vector<96x512xf32> to vector<1x512xf32>
    %squeeze3A_513 = vector.shape_cast %slice3A_512 : vector<1x512xf32> to vector<512xf32>
    %broadcast_in_dim3A_514 = vector.shape_cast %squeeze3A_513 : vector<512xf32> to vector<1x512xf32>
    %mul3A_515 = vector.broadcast %broadcast_in_dim3A_514 : vector<1x512xf32> to vector<16x512xf32>
    %mul3A_516 = arith.mulf %sub3A_119, %mul3A_515 : vector<16x512xf32>
    %add3A_517 = arith.addf %mul3A_511, %mul3A_516 : vector<16x512xf32>
    %add3A_518 = arith.addf %add3A_506, %add3A_517 : vector<16x512xf32>
    %slice3A_519 = vector.extract_strided_slice %dot_general3A_23 {offsets = [39, 0], sizes = [1, 512], strides = [1, 1]} : vector<96x512xf32> to vector<1x512xf32>
    %squeeze3A_520 = vector.shape_cast %slice3A_519 : vector<1x512xf32> to vector<512xf32>
    %broadcast_in_dim3A_521 = vector.shape_cast %squeeze3A_520 : vector<512xf32> to vector<1x512xf32>
    %mul3A_522 = vector.broadcast %broadcast_in_dim3A_521 : vector<1x512xf32> to vector<16x512xf32>
    %mul3A_523 = arith.mulf %mul3A_131, %mul3A_522 : vector<16x512xf32>
    %slice3A_524 = vector.extract_strided_slice %dot_general3A_31 {offsets = [39, 0], sizes = [1, 512], strides = [1, 1]} : vector<96x512xf32> to vector<1x512xf32>
    %squeeze3A_525 = vector.shape_cast %slice3A_524 : vector<1x512xf32> to vector<512xf32>
    %broadcast_in_dim3A_526 = vector.shape_cast %squeeze3A_525 : vector<512xf32> to vector<1x512xf32>
    %mul3A_527 = vector.broadcast %broadcast_in_dim3A_526 : vector<1x512xf32> to vector<16x512xf32>
    %mul3A_528 = arith.mulf %sub3A_132, %mul3A_527 : vector<16x512xf32>
    %add3A_529 = arith.addf %mul3A_523, %mul3A_528 : vector<16x512xf32>
    %add3A_530 = arith.addf %add3A_518, %add3A_529 : vector<16x512xf32>
    %slice3A_531 = vector.extract_strided_slice %dot_general3A_23 {offsets = [51, 0], sizes = [1, 512], strides = [1, 1]} : vector<96x512xf32> to vector<1x512xf32>
    %squeeze3A_532 = vector.shape_cast %slice3A_531 : vector<1x512xf32> to vector<512xf32>
    %broadcast_in_dim3A_533 = vector.shape_cast %squeeze3A_532 : vector<512xf32> to vector<1x512xf32>
    %mul3A_534 = vector.broadcast %broadcast_in_dim3A_533 : vector<1x512xf32> to vector<16x512xf32>
    %mul3A_535 = arith.mulf %mul3A_144, %mul3A_534 : vector<16x512xf32>
    %slice3A_536 = vector.extract_strided_slice %dot_general3A_31 {offsets = [51, 0], sizes = [1, 512], strides = [1, 1]} : vector<96x512xf32> to vector<1x512xf32>
    %squeeze3A_537 = vector.shape_cast %slice3A_536 : vector<1x512xf32> to vector<512xf32>
    %broadcast_in_dim3A_538 = vector.shape_cast %squeeze3A_537 : vector<512xf32> to vector<1x512xf32>
    %mul3A_539 = vector.broadcast %broadcast_in_dim3A_538 : vector<1x512xf32> to vector<16x512xf32>
    %mul3A_540 = arith.mulf %sub3A_145, %mul3A_539 : vector<16x512xf32>
    %add3A_541 = arith.addf %mul3A_535, %mul3A_540 : vector<16x512xf32>
    %add3A_542 = arith.addf %add3A_530, %add3A_541 : vector<16x512xf32>
    %slice3A_543 = vector.extract_strided_slice %dot_general3A_23 {offsets = [63, 0], sizes = [1, 512], strides = [1, 1]} : vector<96x512xf32> to vector<1x512xf32>
    %squeeze3A_544 = vector.shape_cast %slice3A_543 : vector<1x512xf32> to vector<512xf32>
    %broadcast_in_dim3A_545 = vector.shape_cast %squeeze3A_544 : vector<512xf32> to vector<1x512xf32>
    %mul3A_546 = vector.broadcast %broadcast_in_dim3A_545 : vector<1x512xf32> to vector<16x512xf32>
    %mul3A_547 = arith.mulf %mul3A_157, %mul3A_546 : vector<16x512xf32>
    %slice3A_548 = vector.extract_strided_slice %dot_general3A_31 {offsets = [63, 0], sizes = [1, 512], strides = [1, 1]} : vector<96x512xf32> to vector<1x512xf32>
    %squeeze3A_549 = vector.shape_cast %slice3A_548 : vector<1x512xf32> to vector<512xf32>
    %broadcast_in_dim3A_550 = vector.shape_cast %squeeze3A_549 : vector<512xf32> to vector<1x512xf32>
    %mul3A_551 = vector.broadcast %broadcast_in_dim3A_550 : vector<1x512xf32> to vector<16x512xf32>
    %mul3A_552 = arith.mulf %sub3A_158, %mul3A_551 : vector<16x512xf32>
    %add3A_553 = arith.addf %mul3A_547, %mul3A_552 : vector<16x512xf32>
    %add3A_554 = arith.addf %add3A_542, %add3A_553 : vector<16x512xf32>
    %slice3A_555 = vector.extract_strided_slice %dot_general3A_23 {offsets = [75, 0], sizes = [1, 512], strides = [1, 1]} : vector<96x512xf32> to vector<1x512xf32>
    %squeeze3A_556 = vector.shape_cast %slice3A_555 : vector<1x512xf32> to vector<512xf32>
    %broadcast_in_dim3A_557 = vector.shape_cast %squeeze3A_556 : vector<512xf32> to vector<1x512xf32>
    %mul3A_558 = vector.broadcast %broadcast_in_dim3A_557 : vector<1x512xf32> to vector<16x512xf32>
    %mul3A_559 = arith.mulf %mul3A_170, %mul3A_558 : vector<16x512xf32>
    %slice3A_560 = vector.extract_strided_slice %dot_general3A_31 {offsets = [75, 0], sizes = [1, 512], strides = [1, 1]} : vector<96x512xf32> to vector<1x512xf32>
    %squeeze3A_561 = vector.shape_cast %slice3A_560 : vector<1x512xf32> to vector<512xf32>
    %broadcast_in_dim3A_562 = vector.shape_cast %squeeze3A_561 : vector<512xf32> to vector<1x512xf32>
    %mul3A_563 = vector.broadcast %broadcast_in_dim3A_562 : vector<1x512xf32> to vector<16x512xf32>
    %mul3A_564 = arith.mulf %sub3A_171, %mul3A_563 : vector<16x512xf32>
    %add3A_565 = arith.addf %mul3A_559, %mul3A_564 : vector<16x512xf32>
    %add3A_566 = arith.addf %add3A_554, %add3A_565 : vector<16x512xf32>
    %slice3A_567 = vector.extract_strided_slice %dot_general3A_23 {offsets = [87, 0], sizes = [1, 512], strides = [1, 1]} : vector<96x512xf32> to vector<1x512xf32>
    %squeeze3A_568 = vector.shape_cast %slice3A_567 : vector<1x512xf32> to vector<512xf32>
    %broadcast_in_dim3A_569 = vector.shape_cast %squeeze3A_568 : vector<512xf32> to vector<1x512xf32>
    %mul3A_570 = vector.broadcast %broadcast_in_dim3A_569 : vector<1x512xf32> to vector<16x512xf32>
    %mul3A_571 = arith.mulf %mul3A_183, %mul3A_570 : vector<16x512xf32>
    %slice3A_572 = vector.extract_strided_slice %dot_general3A_31 {offsets = [87, 0], sizes = [1, 512], strides = [1, 1]} : vector<96x512xf32> to vector<1x512xf32>
    %squeeze3A_573 = vector.shape_cast %slice3A_572 : vector<1x512xf32> to vector<512xf32>
    %broadcast_in_dim3A_574 = vector.shape_cast %squeeze3A_573 : vector<512xf32> to vector<1x512xf32>
    %mul3A_575 = vector.broadcast %broadcast_in_dim3A_574 : vector<1x512xf32> to vector<16x512xf32>
    %mul3A_576 = arith.mulf %sub3A_184, %mul3A_575 : vector<16x512xf32>
    %add3A_577 = arith.addf %mul3A_571, %mul3A_576 : vector<16x512xf32>
    %add3A_578 = arith.addf %add3A_566, %add3A_577 : vector<16x512xf32>
    %add3A_579 = arith.addf %add3A_483, %add3A_578 : vector<16x512xf32>
    %swap3A = arith.constant 0 : index
    %swap3A_580 = arith.constant 0 : index
    %swap3A_581 = arith.constant 0 : index
    %swap3A_582 = arith.constant 0 : index
    %swap3A_583 = vector.load %arg6[%swap3A, %swap3A_580, %swap3A_581, %swap3A_582] : memref<1x3x16x512xf32, #tpu.memory_space<vmem>>, vector<1x1x16x512xf32>
    %swap3A_584 = vector.shape_cast %swap3A_583 : vector<1x1x16x512xf32> to vector<16x512xf32>
    %swap3A_585 = vector.shape_cast %add3A_579 : vector<16x512xf32> to vector<1x1x16x512xf32>
    tpu.vector_store %arg6[%swap3A, %swap3A_580, %swap3A_581, %swap3A_582], %swap3A_585 {strides = array<i32>} : memref<1x3x16x512xf32, #tpu.memory_space<vmem>>, vector<1x1x16x512xf32>,
    %slice3A_586 = vector.extract_strided_slice %dot_general3A_23 {offsets = [4, 0], sizes = [1, 512], strides = [1, 1]} : vector<96x512xf32> to vector<1x512xf32>
    %squeeze3A_587 = vector.shape_cast %slice3A_586 : vector<1x512xf32> to vector<512xf32>
    %broadcast_in_dim3A_588 = vector.shape_cast %squeeze3A_587 : vector<512xf32> to vector<1x512xf32>
    %mul3A_589 = vector.broadcast %broadcast_in_dim3A_588 : vector<1x512xf32> to vector<16x512xf32>
    %mul3A_590 = arith.mulf %mul3A_92, %mul3A_589 : vector<16x512xf32>
    %slice3A_591 = vector.extract_strided_slice %dot_general3A_31 {offsets = [4, 0], sizes = [1, 512], strides = [1, 1]} : vector<96x512xf32> to vector<1x512xf32>
    %squeeze3A_592 = vector.shape_cast %slice3A_591 : vector<1x512xf32> to vector<512xf32>
    %broadcast_in_dim3A_593 = vector.shape_cast %squeeze3A_592 : vector<512xf32> to vector<1x512xf32>
    %mul3A_594 = vector.broadcast %broadcast_in_dim3A_593 : vector<1x512xf32> to vector<16x512xf32>
    %mul3A_595 = arith.mulf %sub3A_93, %mul3A_594 : vector<16x512xf32>
    %add3A_596 = arith.addf %mul3A_590, %mul3A_595 : vector<16x512xf32>
    %slice3A_597 = vector.extract_strided_slice %dot_general3A_23 {offsets = [16, 0], sizes = [1, 512], strides = [1, 1]} : vector<96x512xf32> to vector<1x512xf32>
    %squeeze3A_598 = vector.shape_cast %slice3A_597 : vector<1x512xf32> to vector<512xf32>
    %broadcast_in_dim3A_599 = vector.shape_cast %squeeze3A_598 : vector<512xf32> to vector<1x512xf32>
    %mul3A_600 = vector.broadcast %broadcast_in_dim3A_599 : vector<1x512xf32> to vector<16x512xf32>
    %mul3A_601 = arith.mulf %mul3A_105, %mul3A_600 : vector<16x512xf32>
    %slice3A_602 = vector.extract_strided_slice %dot_general3A_31 {offsets = [16, 0], sizes = [1, 512], strides = [1, 1]} : vector<96x512xf32> to vector<1x512xf32>
    %squeeze3A_603 = vector.shape_cast %slice3A_602 : vector<1x512xf32> to vector<512xf32>
    %broadcast_in_dim3A_604 = vector.shape_cast %squeeze3A_603 : vector<512xf32> to vector<1x512xf32>
    %mul3A_605 = vector.broadcast %broadcast_in_dim3A_604 : vector<1x512xf32> to vector<16x512xf32>
    %mul3A_606 = arith.mulf %sub3A_106, %mul3A_605 : vector<16x512xf32>
    %add3A_607 = arith.addf %mul3A_601, %mul3A_606 : vector<16x512xf32>
    %add3A_608 = arith.addf %add3A_596, %add3A_607 : vector<16x512xf32>
    %slice3A_609 = vector.extract_strided_slice %dot_general3A_23 {offsets = [28, 0], sizes = [1, 512], strides = [1, 1]} : vector<96x512xf32> to vector<1x512xf32>
    %squeeze3A_610 = vector.shape_cast %slice3A_609 : vector<1x512xf32> to vector<512xf32>
    %broadcast_in_dim3A_611 = vector.shape_cast %squeeze3A_610 : vector<512xf32> to vector<1x512xf32>
    %mul3A_612 = vector.broadcast %broadcast_in_dim3A_611 : vector<1x512xf32> to vector<16x512xf32>
    %mul3A_613 = arith.mulf %mul3A_118, %mul3A_612 : vector<16x512xf32>
    %slice3A_614 = vector.extract_strided_slice %dot_general3A_31 {offsets = [28, 0], sizes = [1, 512], strides = [1, 1]} : vector<96x512xf32> to vector<1x512xf32>
    %squeeze3A_615 = vector.shape_cast %slice3A_614 : vector<1x512xf32> to vector<512xf32>
    %broadcast_in_dim3A_616 = vector.shape_cast %squeeze3A_615 : vector<512xf32> to vector<1x512xf32>
    %mul3A_617 = vector.broadcast %broadcast_in_dim3A_616 : vector<1x512xf32> to vector<16x512xf32>
    %mul3A_618 = arith.mulf %sub3A_119, %mul3A_617 : vector<16x512xf32>
    %add3A_619 = arith.addf %mul3A_613, %mul3A_618 : vector<16x512xf32>
    %add3A_620 = arith.addf %add3A_608, %add3A_619 : vector<16x512xf32>
    %slice3A_621 = vector.extract_strided_slice %dot_general3A_23 {offsets = [40, 0], sizes = [1, 512], strides = [1, 1]} : vector<96x512xf32> to vector<1x512xf32>
    %squeeze3A_622 = vector.shape_cast %slice3A_621 : vector<1x512xf32> to vector<512xf32>
    %broadcast_in_dim3A_623 = vector.shape_cast %squeeze3A_622 : vector<512xf32> to vector<1x512xf32>
    %mul3A_624 = vector.broadcast %broadcast_in_dim3A_623 : vector<1x512xf32> to vector<16x512xf32>
    %mul3A_625 = arith.mulf %mul3A_131, %mul3A_624 : vector<16x512xf32>
    %slice3A_626 = vector.extract_strided_slice %dot_general3A_31 {offsets = [40, 0], sizes = [1, 512], strides = [1, 1]} : vector<96x512xf32> to vector<1x512xf32>
    %squeeze3A_627 = vector.shape_cast %slice3A_626 : vector<1x512xf32> to vector<512xf32>
    %broadcast_in_dim3A_628 = vector.shape_cast %squeeze3A_627 : vector<512xf32> to vector<1x512xf32>
    %mul3A_629 = vector.broadcast %broadcast_in_dim3A_628 : vector<1x512xf32> to vector<16x512xf32>
    %mul3A_630 = arith.mulf %sub3A_132, %mul3A_629 : vector<16x512xf32>
    %add3A_631 = arith.addf %mul3A_625, %mul3A_630 : vector<16x512xf32>
    %add3A_632 = arith.addf %add3A_620, %add3A_631 : vector<16x512xf32>
    %slice3A_633 = vector.extract_strided_slice %dot_general3A_23 {offsets = [52, 0], sizes = [1, 512], strides = [1, 1]} : vector<96x512xf32> to vector<1x512xf32>
    %squeeze3A_634 = vector.shape_cast %slice3A_633 : vector<1x512xf32> to vector<512xf32>
    %broadcast_in_dim3A_635 = vector.shape_cast %squeeze3A_634 : vector<512xf32> to vector<1x512xf32>
    %mul3A_636 = vector.broadcast %broadcast_in_dim3A_635 : vector<1x512xf32> to vector<16x512xf32>
    %mul3A_637 = arith.mulf %mul3A_144, %mul3A_636 : vector<16x512xf32>
    %slice3A_638 = vector.extract_strided_slice %dot_general3A_31 {offsets = [52, 0], sizes = [1, 512], strides = [1, 1]} : vector<96x512xf32> to vector<1x512xf32>
    %squeeze3A_639 = vector.shape_cast %slice3A_638 : vector<1x512xf32> to vector<512xf32>
    %broadcast_in_dim3A_640 = vector.shape_cast %squeeze3A_639 : vector<512xf32> to vector<1x512xf32>
    %mul3A_641 = vector.broadcast %broadcast_in_dim3A_640 : vector<1x512xf32> to vector<16x512xf32>
    %mul3A_642 = arith.mulf %sub3A_145, %mul3A_641 : vector<16x512xf32>
    %add3A_643 = arith.addf %mul3A_637, %mul3A_642 : vector<16x512xf32>
    %add3A_644 = arith.addf %add3A_632, %add3A_643 : vector<16x512xf32>
    %slice3A_645 = vector.extract_strided_slice %dot_general3A_23 {offsets = [64, 0], sizes = [1, 512], strides = [1, 1]} : vector<96x512xf32> to vector<1x512xf32>
    %squeeze3A_646 = vector.shape_cast %slice3A_645 : vector<1x512xf32> to vector<512xf32>
    %broadcast_in_dim3A_647 = vector.shape_cast %squeeze3A_646 : vector<512xf32> to vector<1x512xf32>
    %mul3A_648 = vector.broadcast %broadcast_in_dim3A_647 : vector<1x512xf32> to vector<16x512xf32>
    %mul3A_649 = arith.mulf %mul3A_157, %mul3A_648 : vector<16x512xf32>
    %slice3A_650 = vector.extract_strided_slice %dot_general3A_31 {offsets = [64, 0], sizes = [1, 512], strides = [1, 1]} : vector<96x512xf32> to vector<1x512xf32>
    %squeeze3A_651 = vector.shape_cast %slice3A_650 : vector<1x512xf32> to vector<512xf32>
    %broadcast_in_dim3A_652 = vector.shape_cast %squeeze3A_651 : vector<512xf32> to vector<1x512xf32>
    %mul3A_653 = vector.broadcast %broadcast_in_dim3A_652 : vector<1x512xf32> to vector<16x512xf32>
    %mul3A_654 = arith.mulf %sub3A_158, %mul3A_653 : vector<16x512xf32>
    %add3A_655 = arith.addf %mul3A_649, %mul3A_654 : vector<16x512xf32>
    %add3A_656 = arith.addf %add3A_644, %add3A_655 : vector<16x512xf32>
    %slice3A_657 = vector.extract_strided_slice %dot_general3A_23 {offsets = [76, 0], sizes = [1, 512], strides = [1, 1]} : vector<96x512xf32> to vector<1x512xf32>
    %squeeze3A_658 = vector.shape_cast %slice3A_657 : vector<1x512xf32> to vector<512xf32>
    %broadcast_in_dim3A_659 = vector.shape_cast %squeeze3A_658 : vector<512xf32> to vector<1x512xf32>
    %mul3A_660 = vector.broadcast %broadcast_in_dim3A_659 : vector<1x512xf32> to vector<16x512xf32>
    %mul3A_661 = arith.mulf %mul3A_170, %mul3A_660 : vector<16x512xf32>
    %slice3A_662 = vector.extract_strided_slice %dot_general3A_31 {offsets = [76, 0], sizes = [1, 512], strides = [1, 1]} : vector<96x512xf32> to vector<1x512xf32>
    %squeeze3A_663 = vector.shape_cast %slice3A_662 : vector<1x512xf32> to vector<512xf32>
    %broadcast_in_dim3A_664 = vector.shape_cast %squeeze3A_663 : vector<512xf32> to vector<1x512xf32>
    %mul3A_665 = vector.broadcast %broadcast_in_dim3A_664 : vector<1x512xf32> to vector<16x512xf32>
    %mul3A_666 = arith.mulf %sub3A_171, %mul3A_665 : vector<16x512xf32>
    %add3A_667 = arith.addf %mul3A_661, %mul3A_666 : vector<16x512xf32>
    %add3A_668 = arith.addf %add3A_656, %add3A_667 : vector<16x512xf32>
    %slice3A_669 = vector.extract_strided_slice %dot_general3A_23 {offsets = [88, 0], sizes = [1, 512], strides = [1, 1]} : vector<96x512xf32> to vector<1x512xf32>
    %squeeze3A_670 = vector.shape_cast %slice3A_669 : vector<1x512xf32> to vector<512xf32>
    %broadcast_in_dim3A_671 = vector.shape_cast %squeeze3A_670 : vector<512xf32> to vector<1x512xf32>
    %mul3A_672 = vector.broadcast %broadcast_in_dim3A_671 : vector<1x512xf32> to vector<16x512xf32>
    %mul3A_673 = arith.mulf %mul3A_183, %mul3A_672 : vector<16x512xf32>
    %slice3A_674 = vector.extract_strided_slice %dot_general3A_31 {offsets = [88, 0], sizes = [1, 512], strides = [1, 1]} : vector<96x512xf32> to vector<1x512xf32>
    %squeeze3A_675 = vector.shape_cast %slice3A_674 : vector<1x512xf32> to vector<512xf32>
    %broadcast_in_dim3A_676 = vector.shape_cast %squeeze3A_675 : vector<512xf32> to vector<1x512xf32>
    %mul3A_677 = vector.broadcast %broadcast_in_dim3A_676 : vector<1x512xf32> to vector<16x512xf32>
    %mul3A_678 = arith.mulf %sub3A_184, %mul3A_677 : vector<16x512xf32>
    %add3A_679 = arith.addf %mul3A_673, %mul3A_678 : vector<16x512xf32>
    %add3A_680 = arith.addf %add3A_668, %add3A_679 : vector<16x512xf32>
    %slice3A_681 = vector.extract_strided_slice %get3A_190 {offsets = [0, 0, 0], sizes = [1, 16, 512], strides = [1, 1, 1]} : vector<3x16x512xf32> to vector<1x16x512xf32>
    %squeeze3A_682 = vector.shape_cast %slice3A_681 : vector<1x16x512xf32> to vector<16x512xf32>
    %mul3A_683 = arith.mulf %add3A_680, %squeeze3A_682 : vector<16x512xf32>
    %slice3A_684 = vector.extract_strided_slice %dot_general3A_23 {offsets = [5, 0], sizes = [1, 512], strides = [1, 1]} : vector<96x512xf32> to vector<1x512xf32>
    %squeeze3A_685 = vector.shape_cast %slice3A_684 : vector<1x512xf32> to vector<512xf32>
    %broadcast_in_dim3A_686 = vector.shape_cast %squeeze3A_685 : vector<512xf32> to vector<1x512xf32>
    %mul3A_687 = vector.broadcast %broadcast_in_dim3A_686 : vector<1x512xf32> to vector<16x512xf32>
    %mul3A_688 = arith.mulf %mul3A_92, %mul3A_687 : vector<16x512xf32>
    %slice3A_689 = vector.extract_strided_slice %dot_general3A_31 {offsets = [5, 0], sizes = [1, 512], strides = [1, 1]} : vector<96x512xf32> to vector<1x512xf32>
    %squeeze3A_690 = vector.shape_cast %slice3A_689 : vector<1x512xf32> to vector<512xf32>
    %broadcast_in_dim3A_691 = vector.shape_cast %squeeze3A_690 : vector<512xf32> to vector<1x512xf32>
    %mul3A_692 = vector.broadcast %broadcast_in_dim3A_691 : vector<1x512xf32> to vector<16x512xf32>
    %mul3A_693 = arith.mulf %sub3A_93, %mul3A_692 : vector<16x512xf32>
    %add3A_694 = arith.addf %mul3A_688, %mul3A_693 : vector<16x512xf32>
    %slice3A_695 = vector.extract_strided_slice %dot_general3A_23 {offsets = [17, 0], sizes = [1, 512], strides = [1, 1]} : vector<96x512xf32> to vector<1x512xf32>
    %squeeze3A_696 = vector.shape_cast %slice3A_695 : vector<1x512xf32> to vector<512xf32>
    %broadcast_in_dim3A_697 = vector.shape_cast %squeeze3A_696 : vector<512xf32> to vector<1x512xf32>
    %mul3A_698 = vector.broadcast %broadcast_in_dim3A_697 : vector<1x512xf32> to vector<16x512xf32>
    %mul3A_699 = arith.mulf %mul3A_105, %mul3A_698 : vector<16x512xf32>
    %slice3A_700 = vector.extract_strided_slice %dot_general3A_31 {offsets = [17, 0], sizes = [1, 512], strides = [1, 1]} : vector<96x512xf32> to vector<1x512xf32>
    %squeeze3A_701 = vector.shape_cast %slice3A_700 : vector<1x512xf32> to vector<512xf32>
    %broadcast_in_dim3A_702 = vector.shape_cast %squeeze3A_701 : vector<512xf32> to vector<1x512xf32>
    %mul3A_703 = vector.broadcast %broadcast_in_dim3A_702 : vector<1x512xf32> to vector<16x512xf32>
    %mul3A_704 = arith.mulf %sub3A_106, %mul3A_703 : vector<16x512xf32>
    %add3A_705 = arith.addf %mul3A_699, %mul3A_704 : vector<16x512xf32>
    %add3A_706 = arith.addf %add3A_694, %add3A_705 : vector<16x512xf32>
    %slice3A_707 = vector.extract_strided_slice %dot_general3A_23 {offsets = [29, 0], sizes = [1, 512], strides = [1, 1]} : vector<96x512xf32> to vector<1x512xf32>
    %squeeze3A_708 = vector.shape_cast %slice3A_707 : vector<1x512xf32> to vector<512xf32>
    %broadcast_in_dim3A_709 = vector.shape_cast %squeeze3A_708 : vector<512xf32> to vector<1x512xf32>
    %mul3A_710 = vector.broadcast %broadcast_in_dim3A_709 : vector<1x512xf32> to vector<16x512xf32>
    %mul3A_711 = arith.mulf %mul3A_118, %mul3A_710 : vector<16x512xf32>
    %slice3A_712 = vector.extract_strided_slice %dot_general3A_31 {offsets = [29, 0], sizes = [1, 512], strides = [1, 1]} : vector<96x512xf32> to vector<1x512xf32>
    %squeeze3A_713 = vector.shape_cast %slice3A_712 : vector<1x512xf32> to vector<512xf32>
    %broadcast_in_dim3A_714 = vector.shape_cast %squeeze3A_713 : vector<512xf32> to vector<1x512xf32>
    %mul3A_715 = vector.broadcast %broadcast_in_dim3A_714 : vector<1x512xf32> to vector<16x512xf32>
    %mul3A_716 = arith.mulf %sub3A_119, %mul3A_715 : vector<16x512xf32>
    %add3A_717 = arith.addf %mul3A_711, %mul3A_716 : vector<16x512xf32>
    %add3A_718 = arith.addf %add3A_706, %add3A_717 : vector<16x512xf32>
    %slice3A_719 = vector.extract_strided_slice %dot_general3A_23 {offsets = [41, 0], sizes = [1, 512], strides = [1, 1]} : vector<96x512xf32> to vector<1x512xf32>
    %squeeze3A_720 = vector.shape_cast %slice3A_719 : vector<1x512xf32> to vector<512xf32>
    %broadcast_in_dim3A_721 = vector.shape_cast %squeeze3A_720 : vector<512xf32> to vector<1x512xf32>
    %mul3A_722 = vector.broadcast %broadcast_in_dim3A_721 : vector<1x512xf32> to vector<16x512xf32>
    %mul3A_723 = arith.mulf %mul3A_131, %mul3A_722 : vector<16x512xf32>
    %slice3A_724 = vector.extract_strided_slice %dot_general3A_31 {offsets = [41, 0], sizes = [1, 512], strides = [1, 1]} : vector<96x512xf32> to vector<1x512xf32>
    %squeeze3A_725 = vector.shape_cast %slice3A_724 : vector<1x512xf32> to vector<512xf32>
    %broadcast_in_dim3A_726 = vector.shape_cast %squeeze3A_725 : vector<512xf32> to vector<1x512xf32>
    %mul3A_727 = vector.broadcast %broadcast_in_dim3A_726 : vector<1x512xf32> to vector<16x512xf32>
    %mul3A_728 = arith.mulf %sub3A_132, %mul3A_727 : vector<16x512xf32>
    %add3A_729 = arith.addf %mul3A_723, %mul3A_728 : vector<16x512xf32>
    %add3A_730 = arith.addf %add3A_718, %add3A_729 : vector<16x512xf32>
    %slice3A_731 = vector.extract_strided_slice %dot_general3A_23 {offsets = [53, 0], sizes = [1, 512], strides = [1, 1]} : vector<96x512xf32> to vector<1x512xf32>
    %squeeze3A_732 = vector.shape_cast %slice3A_731 : vector<1x512xf32> to vector<512xf32>
    %broadcast_in_dim3A_733 = vector.shape_cast %squeeze3A_732 : vector<512xf32> to vector<1x512xf32>
    %mul3A_734 = vector.broadcast %broadcast_in_dim3A_733 : vector<1x512xf32> to vector<16x512xf32>
    %mul3A_735 = arith.mulf %mul3A_144, %mul3A_734 : vector<16x512xf32>
    %slice3A_736 = vector.extract_strided_slice %dot_general3A_31 {offsets = [53, 0], sizes = [1, 512], strides = [1, 1]} : vector<96x512xf32> to vector<1x512xf32>
    %squeeze3A_737 = vector.shape_cast %slice3A_736 : vector<1x512xf32> to vector<512xf32>
    %broadcast_in_dim3A_738 = vector.shape_cast %squeeze3A_737 : vector<512xf32> to vector<1x512xf32>
    %mul3A_739 = vector.broadcast %broadcast_in_dim3A_738 : vector<1x512xf32> to vector<16x512xf32>
    %mul3A_740 = arith.mulf %sub3A_145, %mul3A_739 : vector<16x512xf32>
    %add3A_741 = arith.addf %mul3A_735, %mul3A_740 : vector<16x512xf32>
    %add3A_742 = arith.addf %add3A_730, %add3A_741 : vector<16x512xf32>
    %slice3A_743 = vector.extract_strided_slice %dot_general3A_23 {offsets = [65, 0], sizes = [1, 512], strides = [1, 1]} : vector<96x512xf32> to vector<1x512xf32>
    %squeeze3A_744 = vector.shape_cast %slice3A_743 : vector<1x512xf32> to vector<512xf32>
    %broadcast_in_dim3A_745 = vector.shape_cast %squeeze3A_744 : vector<512xf32> to vector<1x512xf32>
    %mul3A_746 = vector.broadcast %broadcast_in_dim3A_745 : vector<1x512xf32> to vector<16x512xf32>
    %mul3A_747 = arith.mulf %mul3A_157, %mul3A_746 : vector<16x512xf32>
    %slice3A_748 = vector.extract_strided_slice %dot_general3A_31 {offsets = [65, 0], sizes = [1, 512], strides = [1, 1]} : vector<96x512xf32> to vector<1x512xf32>
    %squeeze3A_749 = vector.shape_cast %slice3A_748 : vector<1x512xf32> to vector<512xf32>
    %broadcast_in_dim3A_750 = vector.shape_cast %squeeze3A_749 : vector<512xf32> to vector<1x512xf32>
    %mul3A_751 = vector.broadcast %broadcast_in_dim3A_750 : vector<1x512xf32> to vector<16x512xf32>
    %mul3A_752 = arith.mulf %sub3A_158, %mul3A_751 : vector<16x512xf32>
    %add3A_753 = arith.addf %mul3A_747, %mul3A_752 : vector<16x512xf32>
    %add3A_754 = arith.addf %add3A_742, %add3A_753 : vector<16x512xf32>
    %slice3A_755 = vector.extract_strided_slice %dot_general3A_23 {offsets = [77, 0], sizes = [1, 512], strides = [1, 1]} : vector<96x512xf32> to vector<1x512xf32>
    %squeeze3A_756 = vector.shape_cast %slice3A_755 : vector<1x512xf32> to vector<512xf32>
    %broadcast_in_dim3A_757 = vector.shape_cast %squeeze3A_756 : vector<512xf32> to vector<1x512xf32>
    %mul3A_758 = vector.broadcast %broadcast_in_dim3A_757 : vector<1x512xf32> to vector<16x512xf32>
    %mul3A_759 = arith.mulf %mul3A_170, %mul3A_758 : vector<16x512xf32>
    %slice3A_760 = vector.extract_strided_slice %dot_general3A_31 {offsets = [77, 0], sizes = [1, 512], strides = [1, 1]} : vector<96x512xf32> to vector<1x512xf32>
    %squeeze3A_761 = vector.shape_cast %slice3A_760 : vector<1x512xf32> to vector<512xf32>
    %broadcast_in_dim3A_762 = vector.shape_cast %squeeze3A_761 : vector<512xf32> to vector<1x512xf32>
    %mul3A_763 = vector.broadcast %broadcast_in_dim3A_762 : vector<1x512xf32> to vector<16x512xf32>
    %mul3A_764 = arith.mulf %sub3A_171, %mul3A_763 : vector<16x512xf32>
    %add3A_765 = arith.addf %mul3A_759, %mul3A_764 : vector<16x512xf32>
    %add3A_766 = arith.addf %add3A_754, %add3A_765 : vector<16x512xf32>
    %slice3A_767 = vector.extract_strided_slice %dot_general3A_23 {offsets = [89, 0], sizes = [1, 512], strides = [1, 1]} : vector<96x512xf32> to vector<1x512xf32>
    %squeeze3A_768 = vector.shape_cast %slice3A_767 : vector<1x512xf32> to vector<512xf32>
    %broadcast_in_dim3A_769 = vector.shape_cast %squeeze3A_768 : vector<512xf32> to vector<1x512xf32>
    %mul3A_770 = vector.broadcast %broadcast_in_dim3A_769 : vector<1x512xf32> to vector<16x512xf32>
    %mul3A_771 = arith.mulf %mul3A_183, %mul3A_770 : vector<16x512xf32>
    %slice3A_772 = vector.extract_strided_slice %dot_general3A_31 {offsets = [89, 0], sizes = [1, 512], strides = [1, 1]} : vector<96x512xf32> to vector<1x512xf32>
    %squeeze3A_773 = vector.shape_cast %slice3A_772 : vector<1x512xf32> to vector<512xf32>
    %broadcast_in_dim3A_774 = vector.shape_cast %squeeze3A_773 : vector<512xf32> to vector<1x512xf32>
    %mul3A_775 = vector.broadcast %broadcast_in_dim3A_774 : vector<1x512xf32> to vector<16x512xf32>
    %mul3A_776 = arith.mulf %sub3A_184, %mul3A_775 : vector<16x512xf32>
    %add3A_777 = arith.addf %mul3A_771, %mul3A_776 : vector<16x512xf32>
    %add3A_778 = arith.addf %add3A_766, %add3A_777 : vector<16x512xf32>
    %slice3A_779 = vector.extract_strided_slice %get3A_190 {offsets = [1, 0, 0], sizes = [1, 16, 512], strides = [1, 1, 1]} : vector<3x16x512xf32> to vector<1x16x512xf32>
    %squeeze3A_780 = vector.shape_cast %slice3A_779 : vector<1x16x512xf32> to vector<16x512xf32>
    %mul3A_781 = arith.mulf %add3A_778, %squeeze3A_780 : vector<16x512xf32>
    %add3A_782 = arith.addf %mul3A_683, %mul3A_781 : vector<16x512xf32>
    %slice3A_783 = vector.extract_strided_slice %dot_general3A_23 {offsets = [6, 0], sizes = [1, 512], strides = [1, 1]} : vector<96x512xf32> to vector<1x512xf32>
    %squeeze3A_784 = vector.shape_cast %slice3A_783 : vector<1x512xf32> to vector<512xf32>
    %broadcast_in_dim3A_785 = vector.shape_cast %squeeze3A_784 : vector<512xf32> to vector<1x512xf32>
    %mul3A_786 = vector.broadcast %broadcast_in_dim3A_785 : vector<1x512xf32> to vector<16x512xf32>
    %mul3A_787 = arith.mulf %mul3A_92, %mul3A_786 : vector<16x512xf32>
    %slice3A_788 = vector.extract_strided_slice %dot_general3A_31 {offsets = [6, 0], sizes = [1, 512], strides = [1, 1]} : vector<96x512xf32> to vector<1x512xf32>
    %squeeze3A_789 = vector.shape_cast %slice3A_788 : vector<1x512xf32> to vector<512xf32>
    %broadcast_in_dim3A_790 = vector.shape_cast %squeeze3A_789 : vector<512xf32> to vector<1x512xf32>
    %mul3A_791 = vector.broadcast %broadcast_in_dim3A_790 : vector<1x512xf32> to vector<16x512xf32>
    %mul3A_792 = arith.mulf %sub3A_93, %mul3A_791 : vector<16x512xf32>
    %add3A_793 = arith.addf %mul3A_787, %mul3A_792 : vector<16x512xf32>
    %slice3A_794 = vector.extract_strided_slice %dot_general3A_23 {offsets = [18, 0], sizes = [1, 512], strides = [1, 1]} : vector<96x512xf32> to vector<1x512xf32>
    %squeeze3A_795 = vector.shape_cast %slice3A_794 : vector<1x512xf32> to vector<512xf32>
    %broadcast_in_dim3A_796 = vector.shape_cast %squeeze3A_795 : vector<512xf32> to vector<1x512xf32>
    %mul3A_797 = vector.broadcast %broadcast_in_dim3A_796 : vector<1x512xf32> to vector<16x512xf32>
    %mul3A_798 = arith.mulf %mul3A_105, %mul3A_797 : vector<16x512xf32>
    %slice3A_799 = vector.extract_strided_slice %dot_general3A_31 {offsets = [18, 0], sizes = [1, 512], strides = [1, 1]} : vector<96x512xf32> to vector<1x512xf32>
    %squeeze3A_800 = vector.shape_cast %slice3A_799 : vector<1x512xf32> to vector<512xf32>
    %broadcast_in_dim3A_801 = vector.shape_cast %squeeze3A_800 : vector<512xf32> to vector<1x512xf32>
    %mul3A_802 = vector.broadcast %broadcast_in_dim3A_801 : vector<1x512xf32> to vector<16x512xf32>
    %mul3A_803 = arith.mulf %sub3A_106, %mul3A_802 : vector<16x512xf32>
    %add3A_804 = arith.addf %mul3A_798, %mul3A_803 : vector<16x512xf32>
    %add3A_805 = arith.addf %add3A_793, %add3A_804 : vector<16x512xf32>
    %slice3A_806 = vector.extract_strided_slice %dot_general3A_23 {offsets = [30, 0], sizes = [1, 512], strides = [1, 1]} : vector<96x512xf32> to vector<1x512xf32>
    %squeeze3A_807 = vector.shape_cast %slice3A_806 : vector<1x512xf32> to vector<512xf32>
    %broadcast_in_dim3A_808 = vector.shape_cast %squeeze3A_807 : vector<512xf32> to vector<1x512xf32>
    %mul3A_809 = vector.broadcast %broadcast_in_dim3A_808 : vector<1x512xf32> to vector<16x512xf32>
    %mul3A_810 = arith.mulf %mul3A_118, %mul3A_809 : vector<16x512xf32>
    %slice3A_811 = vector.extract_strided_slice %dot_general3A_31 {offsets = [30, 0], sizes = [1, 512], strides = [1, 1]} : vector<96x512xf32> to vector<1x512xf32>
    %squeeze3A_812 = vector.shape_cast %slice3A_811 : vector<1x512xf32> to vector<512xf32>
    %broadcast_in_dim3A_813 = vector.shape_cast %squeeze3A_812 : vector<512xf32> to vector<1x512xf32>
    %mul3A_814 = vector.broadcast %broadcast_in_dim3A_813 : vector<1x512xf32> to vector<16x512xf32>
    %mul3A_815 = arith.mulf %sub3A_119, %mul3A_814 : vector<16x512xf32>
    %add3A_816 = arith.addf %mul3A_810, %mul3A_815 : vector<16x512xf32>
    %add3A_817 = arith.addf %add3A_805, %add3A_816 : vector<16x512xf32>
    %slice3A_818 = vector.extract_strided_slice %dot_general3A_23 {offsets = [42, 0], sizes = [1, 512], strides = [1, 1]} : vector<96x512xf32> to vector<1x512xf32>
    %squeeze3A_819 = vector.shape_cast %slice3A_818 : vector<1x512xf32> to vector<512xf32>
    %broadcast_in_dim3A_820 = vector.shape_cast %squeeze3A_819 : vector<512xf32> to vector<1x512xf32>
    %mul3A_821 = vector.broadcast %broadcast_in_dim3A_820 : vector<1x512xf32> to vector<16x512xf32>
    %mul3A_822 = arith.mulf %mul3A_131, %mul3A_821 : vector<16x512xf32>
    %slice3A_823 = vector.extract_strided_slice %dot_general3A_31 {offsets = [42, 0], sizes = [1, 512], strides = [1, 1]} : vector<96x512xf32> to vector<1x512xf32>
    %squeeze3A_824 = vector.shape_cast %slice3A_823 : vector<1x512xf32> to vector<512xf32>
    %broadcast_in_dim3A_825 = vector.shape_cast %squeeze3A_824 : vector<512xf32> to vector<1x512xf32>
    %mul3A_826 = vector.broadcast %broadcast_in_dim3A_825 : vector<1x512xf32> to vector<16x512xf32>
    %mul3A_827 = arith.mulf %sub3A_132, %mul3A_826 : vector<16x512xf32>
    %add3A_828 = arith.addf %mul3A_822, %mul3A_827 : vector<16x512xf32>
    %add3A_829 = arith.addf %add3A_817, %add3A_828 : vector<16x512xf32>
    %slice3A_830 = vector.extract_strided_slice %dot_general3A_23 {offsets = [54, 0], sizes = [1, 512], strides = [1, 1]} : vector<96x512xf32> to vector<1x512xf32>
    %squeeze3A_831 = vector.shape_cast %slice3A_830 : vector<1x512xf32> to vector<512xf32>
    %broadcast_in_dim3A_832 = vector.shape_cast %squeeze3A_831 : vector<512xf32> to vector<1x512xf32>
    %mul3A_833 = vector.broadcast %broadcast_in_dim3A_832 : vector<1x512xf32> to vector<16x512xf32>
    %mul3A_834 = arith.mulf %mul3A_144, %mul3A_833 : vector<16x512xf32>
    %slice3A_835 = vector.extract_strided_slice %dot_general3A_31 {offsets = [54, 0], sizes = [1, 512], strides = [1, 1]} : vector<96x512xf32> to vector<1x512xf32>
    %squeeze3A_836 = vector.shape_cast %slice3A_835 : vector<1x512xf32> to vector<512xf32>
    %broadcast_in_dim3A_837 = vector.shape_cast %squeeze3A_836 : vector<512xf32> to vector<1x512xf32>
    %mul3A_838 = vector.broadcast %broadcast_in_dim3A_837 : vector<1x512xf32> to vector<16x512xf32>
    %mul3A_839 = arith.mulf %sub3A_145, %mul3A_838 : vector<16x512xf32>
    %add3A_840 = arith.addf %mul3A_834, %mul3A_839 : vector<16x512xf32>
    %add3A_841 = arith.addf %add3A_829, %add3A_840 : vector<16x512xf32>
    %slice3A_842 = vector.extract_strided_slice %dot_general3A_23 {offsets = [66, 0], sizes = [1, 512], strides = [1, 1]} : vector<96x512xf32> to vector<1x512xf32>
    %squeeze3A_843 = vector.shape_cast %slice3A_842 : vector<1x512xf32> to vector<512xf32>
    %broadcast_in_dim3A_844 = vector.shape_cast %squeeze3A_843 : vector<512xf32> to vector<1x512xf32>
    %mul3A_845 = vector.broadcast %broadcast_in_dim3A_844 : vector<1x512xf32> to vector<16x512xf32>
    %mul3A_846 = arith.mulf %mul3A_157, %mul3A_845 : vector<16x512xf32>
    %slice3A_847 = vector.extract_strided_slice %dot_general3A_31 {offsets = [66, 0], sizes = [1, 512], strides = [1, 1]} : vector<96x512xf32> to vector<1x512xf32>
    %squeeze3A_848 = vector.shape_cast %slice3A_847 : vector<1x512xf32> to vector<512xf32>
    %broadcast_in_dim3A_849 = vector.shape_cast %squeeze3A_848 : vector<512xf32> to vector<1x512xf32>
    %mul3A_850 = vector.broadcast %broadcast_in_dim3A_849 : vector<1x512xf32> to vector<16x512xf32>
    %mul3A_851 = arith.mulf %sub3A_158, %mul3A_850 : vector<16x512xf32>
    %add3A_852 = arith.addf %mul3A_846, %mul3A_851 : vector<16x512xf32>
    %add3A_853 = arith.addf %add3A_841, %add3A_852 : vector<16x512xf32>
    %slice3A_854 = vector.extract_strided_slice %dot_general3A_23 {offsets = [78, 0], sizes = [1, 512], strides = [1, 1]} : vector<96x512xf32> to vector<1x512xf32>
    %squeeze3A_855 = vector.shape_cast %slice3A_854 : vector<1x512xf32> to vector<512xf32>
    %broadcast_in_dim3A_856 = vector.shape_cast %squeeze3A_855 : vector<512xf32> to vector<1x512xf32>
    %mul3A_857 = vector.broadcast %broadcast_in_dim3A_856 : vector<1x512xf32> to vector<16x512xf32>
    %mul3A_858 = arith.mulf %mul3A_170, %mul3A_857 : vector<16x512xf32>
    %slice3A_859 = vector.extract_strided_slice %dot_general3A_31 {offsets = [78, 0], sizes = [1, 512], strides = [1, 1]} : vector<96x512xf32> to vector<1x512xf32>
    %squeeze3A_860 = vector.shape_cast %slice3A_859 : vector<1x512xf32> to vector<512xf32>
    %broadcast_in_dim3A_861 = vector.shape_cast %squeeze3A_860 : vector<512xf32> to vector<1x512xf32>
    %mul3A_862 = vector.broadcast %broadcast_in_dim3A_861 : vector<1x512xf32> to vector<16x512xf32>
    %mul3A_863 = arith.mulf %sub3A_171, %mul3A_862 : vector<16x512xf32>
    %add3A_864 = arith.addf %mul3A_858, %mul3A_863 : vector<16x512xf32>
    %add3A_865 = arith.addf %add3A_853, %add3A_864 : vector<16x512xf32>
    %slice3A_866 = vector.extract_strided_slice %dot_general3A_23 {offsets = [90, 0], sizes = [1, 512], strides = [1, 1]} : vector<96x512xf32> to vector<1x512xf32>
    %squeeze3A_867 = vector.shape_cast %slice3A_866 : vector<1x512xf32> to vector<512xf32>
    %broadcast_in_dim3A_868 = vector.shape_cast %squeeze3A_867 : vector<512xf32> to vector<1x512xf32>
    %mul3A_869 = vector.broadcast %broadcast_in_dim3A_868 : vector<1x512xf32> to vector<16x512xf32>
    %mul3A_870 = arith.mulf %mul3A_183, %mul3A_869 : vector<16x512xf32>
    %slice3A_871 = vector.extract_strided_slice %dot_general3A_31 {offsets = [90, 0], sizes = [1, 512], strides = [1, 1]} : vector<96x512xf32> to vector<1x512xf32>
    %squeeze3A_872 = vector.shape_cast %slice3A_871 : vector<1x512xf32> to vector<512xf32>
    %broadcast_in_dim3A_873 = vector.shape_cast %squeeze3A_872 : vector<512xf32> to vector<1x512xf32>
    %mul3A_874 = vector.broadcast %broadcast_in_dim3A_873 : vector<1x512xf32> to vector<16x512xf32>
    %mul3A_875 = arith.mulf %sub3A_184, %mul3A_874 : vector<16x512xf32>
    %add3A_876 = arith.addf %mul3A_870, %mul3A_875 : vector<16x512xf32>
    %add3A_877 = arith.addf %add3A_865, %add3A_876 : vector<16x512xf32>
    %slice3A_878 = vector.extract_strided_slice %get3A_190 {offsets = [2, 0, 0], sizes = [1, 16, 512], strides = [1, 1, 1]} : vector<3x16x512xf32> to vector<1x16x512xf32>
    %squeeze3A_879 = vector.shape_cast %slice3A_878 : vector<1x16x512xf32> to vector<16x512xf32>
    %mul3A_880 = arith.mulf %add3A_877, %squeeze3A_879 : vector<16x512xf32>
    %add3A_881 = arith.addf %add3A_782, %mul3A_880 : vector<16x512xf32>
    %slice3A_882 = vector.extract_strided_slice %dot_general3A_23 {offsets = [7, 0], sizes = [1, 512], strides = [1, 1]} : vector<96x512xf32> to vector<1x512xf32>
    %squeeze3A_883 = vector.shape_cast %slice3A_882 : vector<1x512xf32> to vector<512xf32>
    %broadcast_in_dim3A_884 = vector.shape_cast %squeeze3A_883 : vector<512xf32> to vector<1x512xf32>
    %mul3A_885 = vector.broadcast %broadcast_in_dim3A_884 : vector<1x512xf32> to vector<16x512xf32>
    %mul3A_886 = arith.mulf %mul3A_92, %mul3A_885 : vector<16x512xf32>
    %slice3A_887 = vector.extract_strided_slice %dot_general3A_31 {offsets = [7, 0], sizes = [1, 512], strides = [1, 1]} : vector<96x512xf32> to vector<1x512xf32>
    %squeeze3A_888 = vector.shape_cast %slice3A_887 : vector<1x512xf32> to vector<512xf32>
    %broadcast_in_dim3A_889 = vector.shape_cast %squeeze3A_888 : vector<512xf32> to vector<1x512xf32>
    %mul3A_890 = vector.broadcast %broadcast_in_dim3A_889 : vector<1x512xf32> to vector<16x512xf32>
    %mul3A_891 = arith.mulf %sub3A_93, %mul3A_890 : vector<16x512xf32>
    %add3A_892 = arith.addf %mul3A_886, %mul3A_891 : vector<16x512xf32>
    %slice3A_893 = vector.extract_strided_slice %dot_general3A_23 {offsets = [19, 0], sizes = [1, 512], strides = [1, 1]} : vector<96x512xf32> to vector<1x512xf32>
    %squeeze3A_894 = vector.shape_cast %slice3A_893 : vector<1x512xf32> to vector<512xf32>
    %broadcast_in_dim3A_895 = vector.shape_cast %squeeze3A_894 : vector<512xf32> to vector<1x512xf32>
    %mul3A_896 = vector.broadcast %broadcast_in_dim3A_895 : vector<1x512xf32> to vector<16x512xf32>
    %mul3A_897 = arith.mulf %mul3A_105, %mul3A_896 : vector<16x512xf32>
    %slice3A_898 = vector.extract_strided_slice %dot_general3A_31 {offsets = [19, 0], sizes = [1, 512], strides = [1, 1]} : vector<96x512xf32> to vector<1x512xf32>
    %squeeze3A_899 = vector.shape_cast %slice3A_898 : vector<1x512xf32> to vector<512xf32>
    %broadcast_in_dim3A_900 = vector.shape_cast %squeeze3A_899 : vector<512xf32> to vector<1x512xf32>
    %mul3A_901 = vector.broadcast %broadcast_in_dim3A_900 : vector<1x512xf32> to vector<16x512xf32>
    %mul3A_902 = arith.mulf %sub3A_106, %mul3A_901 : vector<16x512xf32>
    %add3A_903 = arith.addf %mul3A_897, %mul3A_902 : vector<16x512xf32>
    %add3A_904 = arith.addf %add3A_892, %add3A_903 : vector<16x512xf32>
    %slice3A_905 = vector.extract_strided_slice %dot_general3A_23 {offsets = [31, 0], sizes = [1, 512], strides = [1, 1]} : vector<96x512xf32> to vector<1x512xf32>
    %squeeze3A_906 = vector.shape_cast %slice3A_905 : vector<1x512xf32> to vector<512xf32>
    %broadcast_in_dim3A_907 = vector.shape_cast %squeeze3A_906 : vector<512xf32> to vector<1x512xf32>
    %mul3A_908 = vector.broadcast %broadcast_in_dim3A_907 : vector<1x512xf32> to vector<16x512xf32>
    %mul3A_909 = arith.mulf %mul3A_118, %mul3A_908 : vector<16x512xf32>
    %slice3A_910 = vector.extract_strided_slice %dot_general3A_31 {offsets = [31, 0], sizes = [1, 512], strides = [1, 1]} : vector<96x512xf32> to vector<1x512xf32>
    %squeeze3A_911 = vector.shape_cast %slice3A_910 : vector<1x512xf32> to vector<512xf32>
    %broadcast_in_dim3A_912 = vector.shape_cast %squeeze3A_911 : vector<512xf32> to vector<1x512xf32>
    %mul3A_913 = vector.broadcast %broadcast_in_dim3A_912 : vector<1x512xf32> to vector<16x512xf32>
    %mul3A_914 = arith.mulf %sub3A_119, %mul3A_913 : vector<16x512xf32>
    %add3A_915 = arith.addf %mul3A_909, %mul3A_914 : vector<16x512xf32>
    %add3A_916 = arith.addf %add3A_904, %add3A_915 : vector<16x512xf32>
    %slice3A_917 = vector.extract_strided_slice %dot_general3A_23 {offsets = [43, 0], sizes = [1, 512], strides = [1, 1]} : vector<96x512xf32> to vector<1x512xf32>
    %squeeze3A_918 = vector.shape_cast %slice3A_917 : vector<1x512xf32> to vector<512xf32>
    %broadcast_in_dim3A_919 = vector.shape_cast %squeeze3A_918 : vector<512xf32> to vector<1x512xf32>
    %mul3A_920 = vector.broadcast %broadcast_in_dim3A_919 : vector<1x512xf32> to vector<16x512xf32>
    %mul3A_921 = arith.mulf %mul3A_131, %mul3A_920 : vector<16x512xf32>
    %slice3A_922 = vector.extract_strided_slice %dot_general3A_31 {offsets = [43, 0], sizes = [1, 512], strides = [1, 1]} : vector<96x512xf32> to vector<1x512xf32>
    %squeeze3A_923 = vector.shape_cast %slice3A_922 : vector<1x512xf32> to vector<512xf32>
    %broadcast_in_dim3A_924 = vector.shape_cast %squeeze3A_923 : vector<512xf32> to vector<1x512xf32>
    %mul3A_925 = vector.broadcast %broadcast_in_dim3A_924 : vector<1x512xf32> to vector<16x512xf32>
    %mul3A_926 = arith.mulf %sub3A_132, %mul3A_925 : vector<16x512xf32>
    %add3A_927 = arith.addf %mul3A_921, %mul3A_926 : vector<16x512xf32>
    %add3A_928 = arith.addf %add3A_916, %add3A_927 : vector<16x512xf32>
    %slice3A_929 = vector.extract_strided_slice %dot_general3A_23 {offsets = [55, 0], sizes = [1, 512], strides = [1, 1]} : vector<96x512xf32> to vector<1x512xf32>
    %squeeze3A_930 = vector.shape_cast %slice3A_929 : vector<1x512xf32> to vector<512xf32>
    %broadcast_in_dim3A_931 = vector.shape_cast %squeeze3A_930 : vector<512xf32> to vector<1x512xf32>
    %mul3A_932 = vector.broadcast %broadcast_in_dim3A_931 : vector<1x512xf32> to vector<16x512xf32>
    %mul3A_933 = arith.mulf %mul3A_144, %mul3A_932 : vector<16x512xf32>
    %slice3A_934 = vector.extract_strided_slice %dot_general3A_31 {offsets = [55, 0], sizes = [1, 512], strides = [1, 1]} : vector<96x512xf32> to vector<1x512xf32>
    %squeeze3A_935 = vector.shape_cast %slice3A_934 : vector<1x512xf32> to vector<512xf32>
    %broadcast_in_dim3A_936 = vector.shape_cast %squeeze3A_935 : vector<512xf32> to vector<1x512xf32>
    %mul3A_937 = vector.broadcast %broadcast_in_dim3A_936 : vector<1x512xf32> to vector<16x512xf32>
    %mul3A_938 = arith.mulf %sub3A_145, %mul3A_937 : vector<16x512xf32>
    %add3A_939 = arith.addf %mul3A_933, %mul3A_938 : vector<16x512xf32>
    %add3A_940 = arith.addf %add3A_928, %add3A_939 : vector<16x512xf32>
    %slice3A_941 = vector.extract_strided_slice %dot_general3A_23 {offsets = [67, 0], sizes = [1, 512], strides = [1, 1]} : vector<96x512xf32> to vector<1x512xf32>
    %squeeze3A_942 = vector.shape_cast %slice3A_941 : vector<1x512xf32> to vector<512xf32>
    %broadcast_in_dim3A_943 = vector.shape_cast %squeeze3A_942 : vector<512xf32> to vector<1x512xf32>
    %mul3A_944 = vector.broadcast %broadcast_in_dim3A_943 : vector<1x512xf32> to vector<16x512xf32>
    %mul3A_945 = arith.mulf %mul3A_157, %mul3A_944 : vector<16x512xf32>
    %slice3A_946 = vector.extract_strided_slice %dot_general3A_31 {offsets = [67, 0], sizes = [1, 512], strides = [1, 1]} : vector<96x512xf32> to vector<1x512xf32>
    %squeeze3A_947 = vector.shape_cast %slice3A_946 : vector<1x512xf32> to vector<512xf32>
    %broadcast_in_dim3A_948 = vector.shape_cast %squeeze3A_947 : vector<512xf32> to vector<1x512xf32>
    %mul3A_949 = vector.broadcast %broadcast_in_dim3A_948 : vector<1x512xf32> to vector<16x512xf32>
    %mul3A_950 = arith.mulf %sub3A_158, %mul3A_949 : vector<16x512xf32>
    %add3A_951 = arith.addf %mul3A_945, %mul3A_950 : vector<16x512xf32>
    %add3A_952 = arith.addf %add3A_940, %add3A_951 : vector<16x512xf32>
    %slice3A_953 = vector.extract_strided_slice %dot_general3A_23 {offsets = [79, 0], sizes = [1, 512], strides = [1, 1]} : vector<96x512xf32> to vector<1x512xf32>
    %squeeze3A_954 = vector.shape_cast %slice3A_953 : vector<1x512xf32> to vector<512xf32>
    %broadcast_in_dim3A_955 = vector.shape_cast %squeeze3A_954 : vector<512xf32> to vector<1x512xf32>
    %mul3A_956 = vector.broadcast %broadcast_in_dim3A_955 : vector<1x512xf32> to vector<16x512xf32>
    %mul3A_957 = arith.mulf %mul3A_170, %mul3A_956 : vector<16x512xf32>
    %slice3A_958 = vector.extract_strided_slice %dot_general3A_31 {offsets = [79, 0], sizes = [1, 512], strides = [1, 1]} : vector<96x512xf32> to vector<1x512xf32>
    %squeeze3A_959 = vector.shape_cast %slice3A_958 : vector<1x512xf32> to vector<512xf32>
    %broadcast_in_dim3A_960 = vector.shape_cast %squeeze3A_959 : vector<512xf32> to vector<1x512xf32>
    %mul3A_961 = vector.broadcast %broadcast_in_dim3A_960 : vector<1x512xf32> to vector<16x512xf32>
    %mul3A_962 = arith.mulf %sub3A_171, %mul3A_961 : vector<16x512xf32>
    %add3A_963 = arith.addf %mul3A_957, %mul3A_962 : vector<16x512xf32>
    %add3A_964 = arith.addf %add3A_952, %add3A_963 : vector<16x512xf32>
    %slice3A_965 = vector.extract_strided_slice %dot_general3A_23 {offsets = [91, 0], sizes = [1, 512], strides = [1, 1]} : vector<96x512xf32> to vector<1x512xf32>
    %squeeze3A_966 = vector.shape_cast %slice3A_965 : vector<1x512xf32> to vector<512xf32>
    %broadcast_in_dim3A_967 = vector.shape_cast %squeeze3A_966 : vector<512xf32> to vector<1x512xf32>
    %mul3A_968 = vector.broadcast %broadcast_in_dim3A_967 : vector<1x512xf32> to vector<16x512xf32>
    %mul3A_969 = arith.mulf %mul3A_183, %mul3A_968 : vector<16x512xf32>
    %slice3A_970 = vector.extract_strided_slice %dot_general3A_31 {offsets = [91, 0], sizes = [1, 512], strides = [1, 1]} : vector<96x512xf32> to vector<1x512xf32>
    %squeeze3A_971 = vector.shape_cast %slice3A_970 : vector<1x512xf32> to vector<512xf32>
    %broadcast_in_dim3A_972 = vector.shape_cast %squeeze3A_971 : vector<512xf32> to vector<1x512xf32>
    %mul3A_973 = vector.broadcast %broadcast_in_dim3A_972 : vector<1x512xf32> to vector<16x512xf32>
    %mul3A_974 = arith.mulf %sub3A_184, %mul3A_973 : vector<16x512xf32>
    %add3A_975 = arith.addf %mul3A_969, %mul3A_974 : vector<16x512xf32>
    %add3A_976 = arith.addf %add3A_964, %add3A_975 : vector<16x512xf32>
    %add3A_977 = arith.addf %add3A_881, %add3A_976 : vector<16x512xf32>
    %swap3A_978 = arith.constant 0 : index
    %swap3A_979 = arith.constant 1 : index
    %swap3A_980 = arith.constant 0 : index
    %swap3A_981 = arith.constant 0 : index
    %swap3A_982 = vector.load %arg6[%swap3A_978, %swap3A_979, %swap3A_980, %swap3A_981] : memref<1x3x16x512xf32, #tpu.memory_space<vmem>>, vector<1x1x16x512xf32>
    %swap3A_983 = vector.shape_cast %swap3A_982 : vector<1x1x16x512xf32> to vector<16x512xf32>
    %swap3A_984 = vector.shape_cast %add3A_977 : vector<16x512xf32> to vector<1x1x16x512xf32>
    tpu.vector_store %arg6[%swap3A_978, %swap3A_979, %swap3A_980, %swap3A_981], %swap3A_984 {strides = array<i32>} : memref<1x3x16x512xf32, #tpu.memory_space<vmem>>, vector<1x1x16x512xf32>,
    %slice3A_985 = vector.extract_strided_slice %dot_general3A_23 {offsets = [8, 0], sizes = [1, 512], strides = [1, 1]} : vector<96x512xf32> to vector<1x512xf32>
    %squeeze3A_986 = vector.shape_cast %slice3A_985 : vector<1x512xf32> to vector<512xf32>
    %broadcast_in_dim3A_987 = vector.shape_cast %squeeze3A_986 : vector<512xf32> to vector<1x512xf32>
    %mul3A_988 = vector.broadcast %broadcast_in_dim3A_987 : vector<1x512xf32> to vector<16x512xf32>
    %mul3A_989 = arith.mulf %mul3A_92, %mul3A_988 : vector<16x512xf32>
    %slice3A_990 = vector.extract_strided_slice %dot_general3A_31 {offsets = [8, 0], sizes = [1, 512], strides = [1, 1]} : vector<96x512xf32> to vector<1x512xf32>
    %squeeze3A_991 = vector.shape_cast %slice3A_990 : vector<1x512xf32> to vector<512xf32>
    %broadcast_in_dim3A_992 = vector.shape_cast %squeeze3A_991 : vector<512xf32> to vector<1x512xf32>
    %mul3A_993 = vector.broadcast %broadcast_in_dim3A_992 : vector<1x512xf32> to vector<16x512xf32>
    %mul3A_994 = arith.mulf %sub3A_93, %mul3A_993 : vector<16x512xf32>
    %add3A_995 = arith.addf %mul3A_989, %mul3A_994 : vector<16x512xf32>
    %slice3A_996 = vector.extract_strided_slice %dot_general3A_23 {offsets = [20, 0], sizes = [1, 512], strides = [1, 1]} : vector<96x512xf32> to vector<1x512xf32>
    %squeeze3A_997 = vector.shape_cast %slice3A_996 : vector<1x512xf32> to vector<512xf32>
    %broadcast_in_dim3A_998 = vector.shape_cast %squeeze3A_997 : vector<512xf32> to vector<1x512xf32>
    %mul3A_999 = vector.broadcast %broadcast_in_dim3A_998 : vector<1x512xf32> to vector<16x512xf32>
    %mul3A_1000 = arith.mulf %mul3A_105, %mul3A_999 : vector<16x512xf32>
    %slice3A_1001 = vector.extract_strided_slice %dot_general3A_31 {offsets = [20, 0], sizes = [1, 512], strides = [1, 1]} : vector<96x512xf32> to vector<1x512xf32>
    %squeeze3A_1002 = vector.shape_cast %slice3A_1001 : vector<1x512xf32> to vector<512xf32>
    %broadcast_in_dim3A_1003 = vector.shape_cast %squeeze3A_1002 : vector<512xf32> to vector<1x512xf32>
    %mul3A_1004 = vector.broadcast %broadcast_in_dim3A_1003 : vector<1x512xf32> to vector<16x512xf32>
    %mul3A_1005 = arith.mulf %sub3A_106, %mul3A_1004 : vector<16x512xf32>
    %add3A_1006 = arith.addf %mul3A_1000, %mul3A_1005 : vector<16x512xf32>
    %add3A_1007 = arith.addf %add3A_995, %add3A_1006 : vector<16x512xf32>
    %slice3A_1008 = vector.extract_strided_slice %dot_general3A_23 {offsets = [32, 0], sizes = [1, 512], strides = [1, 1]} : vector<96x512xf32> to vector<1x512xf32>
    %squeeze3A_1009 = vector.shape_cast %slice3A_1008 : vector<1x512xf32> to vector<512xf32>
    %broadcast_in_dim3A_1010 = vector.shape_cast %squeeze3A_1009 : vector<512xf32> to vector<1x512xf32>
    %mul3A_1011 = vector.broadcast %broadcast_in_dim3A_1010 : vector<1x512xf32> to vector<16x512xf32>
    %mul3A_1012 = arith.mulf %mul3A_118, %mul3A_1011 : vector<16x512xf32>
    %slice3A_1013 = vector.extract_strided_slice %dot_general3A_31 {offsets = [32, 0], sizes = [1, 512], strides = [1, 1]} : vector<96x512xf32> to vector<1x512xf32>
    %squeeze3A_1014 = vector.shape_cast %slice3A_1013 : vector<1x512xf32> to vector<512xf32>
    %broadcast_in_dim3A_1015 = vector.shape_cast %squeeze3A_1014 : vector<512xf32> to vector<1x512xf32>
    %mul3A_1016 = vector.broadcast %broadcast_in_dim3A_1015 : vector<1x512xf32> to vector<16x512xf32>
    %mul3A_1017 = arith.mulf %sub3A_119, %mul3A_1016 : vector<16x512xf32>
    %add3A_1018 = arith.addf %mul3A_1012, %mul3A_1017 : vector<16x512xf32>
    %add3A_1019 = arith.addf %add3A_1007, %add3A_1018 : vector<16x512xf32>
    %slice3A_1020 = vector.extract_strided_slice %dot_general3A_23 {offsets = [44, 0], sizes = [1, 512], strides = [1, 1]} : vector<96x512xf32> to vector<1x512xf32>
    %squeeze3A_1021 = vector.shape_cast %slice3A_1020 : vector<1x512xf32> to vector<512xf32>
    %broadcast_in_dim3A_1022 = vector.shape_cast %squeeze3A_1021 : vector<512xf32> to vector<1x512xf32>
    %mul3A_1023 = vector.broadcast %broadcast_in_dim3A_1022 : vector<1x512xf32> to vector<16x512xf32>
    %mul3A_1024 = arith.mulf %mul3A_131, %mul3A_1023 : vector<16x512xf32>
    %slice3A_1025 = vector.extract_strided_slice %dot_general3A_31 {offsets = [44, 0], sizes = [1, 512], strides = [1, 1]} : vector<96x512xf32> to vector<1x512xf32>
    %squeeze3A_1026 = vector.shape_cast %slice3A_1025 : vector<1x512xf32> to vector<512xf32>
    %broadcast_in_dim3A_1027 = vector.shape_cast %squeeze3A_1026 : vector<512xf32> to vector<1x512xf32>
    %mul3A_1028 = vector.broadcast %broadcast_in_dim3A_1027 : vector<1x512xf32> to vector<16x512xf32>
    %mul3A_1029 = arith.mulf %sub3A_132, %mul3A_1028 : vector<16x512xf32>
    %add3A_1030 = arith.addf %mul3A_1024, %mul3A_1029 : vector<16x512xf32>
    %add3A_1031 = arith.addf %add3A_1019, %add3A_1030 : vector<16x512xf32>
    %slice3A_1032 = vector.extract_strided_slice %dot_general3A_23 {offsets = [56, 0], sizes = [1, 512], strides = [1, 1]} : vector<96x512xf32> to vector<1x512xf32>
    %squeeze3A_1033 = vector.shape_cast %slice3A_1032 : vector<1x512xf32> to vector<512xf32>
    %broadcast_in_dim3A_1034 = vector.shape_cast %squeeze3A_1033 : vector<512xf32> to vector<1x512xf32>
    %mul3A_1035 = vector.broadcast %broadcast_in_dim3A_1034 : vector<1x512xf32> to vector<16x512xf32>
    %mul3A_1036 = arith.mulf %mul3A_144, %mul3A_1035 : vector<16x512xf32>
    %slice3A_1037 = vector.extract_strided_slice %dot_general3A_31 {offsets = [56, 0], sizes = [1, 512], strides = [1, 1]} : vector<96x512xf32> to vector<1x512xf32>
    %squeeze3A_1038 = vector.shape_cast %slice3A_1037 : vector<1x512xf32> to vector<512xf32>
    %broadcast_in_dim3A_1039 = vector.shape_cast %squeeze3A_1038 : vector<512xf32> to vector<1x512xf32>
    %mul3A_1040 = vector.broadcast %broadcast_in_dim3A_1039 : vector<1x512xf32> to vector<16x512xf32>
    %mul3A_1041 = arith.mulf %sub3A_145, %mul3A_1040 : vector<16x512xf32>
    %add3A_1042 = arith.addf %mul3A_1036, %mul3A_1041 : vector<16x512xf32>
    %add3A_1043 = arith.addf %add3A_1031, %add3A_1042 : vector<16x512xf32>
    %slice3A_1044 = vector.extract_strided_slice %dot_general3A_23 {offsets = [68, 0], sizes = [1, 512], strides = [1, 1]} : vector<96x512xf32> to vector<1x512xf32>
    %squeeze3A_1045 = vector.shape_cast %slice3A_1044 : vector<1x512xf32> to vector<512xf32>
    %broadcast_in_dim3A_1046 = vector.shape_cast %squeeze3A_1045 : vector<512xf32> to vector<1x512xf32>
    %mul3A_1047 = vector.broadcast %broadcast_in_dim3A_1046 : vector<1x512xf32> to vector<16x512xf32>
    %mul3A_1048 = arith.mulf %mul3A_157, %mul3A_1047 : vector<16x512xf32>
    %slice3A_1049 = vector.extract_strided_slice %dot_general3A_31 {offsets = [68, 0], sizes = [1, 512], strides = [1, 1]} : vector<96x512xf32> to vector<1x512xf32>
    %squeeze3A_1050 = vector.shape_cast %slice3A_1049 : vector<1x512xf32> to vector<512xf32>
    %broadcast_in_dim3A_1051 = vector.shape_cast %squeeze3A_1050 : vector<512xf32> to vector<1x512xf32>
    %mul3A_1052 = vector.broadcast %broadcast_in_dim3A_1051 : vector<1x512xf32> to vector<16x512xf32>
    %mul3A_1053 = arith.mulf %sub3A_158, %mul3A_1052 : vector<16x512xf32>
    %add3A_1054 = arith.addf %mul3A_1048, %mul3A_1053 : vector<16x512xf32>
    %add3A_1055 = arith.addf %add3A_1043, %add3A_1054 : vector<16x512xf32>
    %slice3A_1056 = vector.extract_strided_slice %dot_general3A_23 {offsets = [80, 0], sizes = [1, 512], strides = [1, 1]} : vector<96x512xf32> to vector<1x512xf32>
    %squeeze3A_1057 = vector.shape_cast %slice3A_1056 : vector<1x512xf32> to vector<512xf32>
    %broadcast_in_dim3A_1058 = vector.shape_cast %squeeze3A_1057 : vector<512xf32> to vector<1x512xf32>
    %mul3A_1059 = vector.broadcast %broadcast_in_dim3A_1058 : vector<1x512xf32> to vector<16x512xf32>
    %mul3A_1060 = arith.mulf %mul3A_170, %mul3A_1059 : vector<16x512xf32>
    %slice3A_1061 = vector.extract_strided_slice %dot_general3A_31 {offsets = [80, 0], sizes = [1, 512], strides = [1, 1]} : vector<96x512xf32> to vector<1x512xf32>
    %squeeze3A_1062 = vector.shape_cast %slice3A_1061 : vector<1x512xf32> to vector<512xf32>
    %broadcast_in_dim3A_1063 = vector.shape_cast %squeeze3A_1062 : vector<512xf32> to vector<1x512xf32>
    %mul3A_1064 = vector.broadcast %broadcast_in_dim3A_1063 : vector<1x512xf32> to vector<16x512xf32>
    %mul3A_1065 = arith.mulf %sub3A_171, %mul3A_1064 : vector<16x512xf32>
    %add3A_1066 = arith.addf %mul3A_1060, %mul3A_1065 : vector<16x512xf32>
    %add3A_1067 = arith.addf %add3A_1055, %add3A_1066 : vector<16x512xf32>
    %slice3A_1068 = vector.extract_strided_slice %dot_general3A_23 {offsets = [92, 0], sizes = [1, 512], strides = [1, 1]} : vector<96x512xf32> to vector<1x512xf32>
    %squeeze3A_1069 = vector.shape_cast %slice3A_1068 : vector<1x512xf32> to vector<512xf32>
    %broadcast_in_dim3A_1070 = vector.shape_cast %squeeze3A_1069 : vector<512xf32> to vector<1x512xf32>
    %mul3A_1071 = vector.broadcast %broadcast_in_dim3A_1070 : vector<1x512xf32> to vector<16x512xf32>
    %mul3A_1072 = arith.mulf %mul3A_183, %mul3A_1071 : vector<16x512xf32>
    %slice3A_1073 = vector.extract_strided_slice %dot_general3A_31 {offsets = [92, 0], sizes = [1, 512], strides = [1, 1]} : vector<96x512xf32> to vector<1x512xf32>
    %squeeze3A_1074 = vector.shape_cast %slice3A_1073 : vector<1x512xf32> to vector<512xf32>
    %broadcast_in_dim3A_1075 = vector.shape_cast %squeeze3A_1074 : vector<512xf32> to vector<1x512xf32>
    %mul3A_1076 = vector.broadcast %broadcast_in_dim3A_1075 : vector<1x512xf32> to vector<16x512xf32>
    %mul3A_1077 = arith.mulf %sub3A_184, %mul3A_1076 : vector<16x512xf32>
    %add3A_1078 = arith.addf %mul3A_1072, %mul3A_1077 : vector<16x512xf32>
    %add3A_1079 = arith.addf %add3A_1067, %add3A_1078 : vector<16x512xf32>
    %slice3A_1080 = vector.extract_strided_slice %get3A_190 {offsets = [0, 0, 0], sizes = [1, 16, 512], strides = [1, 1, 1]} : vector<3x16x512xf32> to vector<1x16x512xf32>
    %squeeze3A_1081 = vector.shape_cast %slice3A_1080 : vector<1x16x512xf32> to vector<16x512xf32>
    %mul3A_1082 = arith.mulf %add3A_1079, %squeeze3A_1081 : vector<16x512xf32>
    %slice3A_1083 = vector.extract_strided_slice %dot_general3A_23 {offsets = [9, 0], sizes = [1, 512], strides = [1, 1]} : vector<96x512xf32> to vector<1x512xf32>
    %squeeze3A_1084 = vector.shape_cast %slice3A_1083 : vector<1x512xf32> to vector<512xf32>
    %broadcast_in_dim3A_1085 = vector.shape_cast %squeeze3A_1084 : vector<512xf32> to vector<1x512xf32>
    %mul3A_1086 = vector.broadcast %broadcast_in_dim3A_1085 : vector<1x512xf32> to vector<16x512xf32>
    %mul3A_1087 = arith.mulf %mul3A_92, %mul3A_1086 : vector<16x512xf32>
    %slice3A_1088 = vector.extract_strided_slice %dot_general3A_31 {offsets = [9, 0], sizes = [1, 512], strides = [1, 1]} : vector<96x512xf32> to vector<1x512xf32>
    %squeeze3A_1089 = vector.shape_cast %slice3A_1088 : vector<1x512xf32> to vector<512xf32>
    %broadcast_in_dim3A_1090 = vector.shape_cast %squeeze3A_1089 : vector<512xf32> to vector<1x512xf32>
    %mul3A_1091 = vector.broadcast %broadcast_in_dim3A_1090 : vector<1x512xf32> to vector<16x512xf32>
    %mul3A_1092 = arith.mulf %sub3A_93, %mul3A_1091 : vector<16x512xf32>
    %add3A_1093 = arith.addf %mul3A_1087, %mul3A_1092 : vector<16x512xf32>
    %slice3A_1094 = vector.extract_strided_slice %dot_general3A_23 {offsets = [21, 0], sizes = [1, 512], strides = [1, 1]} : vector<96x512xf32> to vector<1x512xf32>
    %squeeze3A_1095 = vector.shape_cast %slice3A_1094 : vector<1x512xf32> to vector<512xf32>
    %broadcast_in_dim3A_1096 = vector.shape_cast %squeeze3A_1095 : vector<512xf32> to vector<1x512xf32>
    %mul3A_1097 = vector.broadcast %broadcast_in_dim3A_1096 : vector<1x512xf32> to vector<16x512xf32>
    %mul3A_1098 = arith.mulf %mul3A_105, %mul3A_1097 : vector<16x512xf32>
    %slice3A_1099 = vector.extract_strided_slice %dot_general3A_31 {offsets = [21, 0], sizes = [1, 512], strides = [1, 1]} : vector<96x512xf32> to vector<1x512xf32>
    %squeeze3A_1100 = vector.shape_cast %slice3A_1099 : vector<1x512xf32> to vector<512xf32>
    %broadcast_in_dim3A_1101 = vector.shape_cast %squeeze3A_1100 : vector<512xf32> to vector<1x512xf32>
    %mul3A_1102 = vector.broadcast %broadcast_in_dim3A_1101 : vector<1x512xf32> to vector<16x512xf32>
    %mul3A_1103 = arith.mulf %sub3A_106, %mul3A_1102 : vector<16x512xf32>
    %add3A_1104 = arith.addf %mul3A_1098, %mul3A_1103 : vector<16x512xf32>
    %add3A_1105 = arith.addf %add3A_1093, %add3A_1104 : vector<16x512xf32>
    %slice3A_1106 = vector.extract_strided_slice %dot_general3A_23 {offsets = [33, 0], sizes = [1, 512], strides = [1, 1]} : vector<96x512xf32> to vector<1x512xf32>
    %squeeze3A_1107 = vector.shape_cast %slice3A_1106 : vector<1x512xf32> to vector<512xf32>
    %broadcast_in_dim3A_1108 = vector.shape_cast %squeeze3A_1107 : vector<512xf32> to vector<1x512xf32>
    %mul3A_1109 = vector.broadcast %broadcast_in_dim3A_1108 : vector<1x512xf32> to vector<16x512xf32>
    %mul3A_1110 = arith.mulf %mul3A_118, %mul3A_1109 : vector<16x512xf32>
    %slice3A_1111 = vector.extract_strided_slice %dot_general3A_31 {offsets = [33, 0], sizes = [1, 512], strides = [1, 1]} : vector<96x512xf32> to vector<1x512xf32>
    %squeeze3A_1112 = vector.shape_cast %slice3A_1111 : vector<1x512xf32> to vector<512xf32>
    %broadcast_in_dim3A_1113 = vector.shape_cast %squeeze3A_1112 : vector<512xf32> to vector<1x512xf32>
    %mul3A_1114 = vector.broadcast %broadcast_in_dim3A_1113 : vector<1x512xf32> to vector<16x512xf32>
    %mul3A_1115 = arith.mulf %sub3A_119, %mul3A_1114 : vector<16x512xf32>
    %add3A_1116 = arith.addf %mul3A_1110, %mul3A_1115 : vector<16x512xf32>
    %add3A_1117 = arith.addf %add3A_1105, %add3A_1116 : vector<16x512xf32>
    %slice3A_1118 = vector.extract_strided_slice %dot_general3A_23 {offsets = [45, 0], sizes = [1, 512], strides = [1, 1]} : vector<96x512xf32> to vector<1x512xf32>
    %squeeze3A_1119 = vector.shape_cast %slice3A_1118 : vector<1x512xf32> to vector<512xf32>
    %broadcast_in_dim3A_1120 = vector.shape_cast %squeeze3A_1119 : vector<512xf32> to vector<1x512xf32>
    %mul3A_1121 = vector.broadcast %broadcast_in_dim3A_1120 : vector<1x512xf32> to vector<16x512xf32>
    %mul3A_1122 = arith.mulf %mul3A_131, %mul3A_1121 : vector<16x512xf32>
    %slice3A_1123 = vector.extract_strided_slice %dot_general3A_31 {offsets = [45, 0], sizes = [1, 512], strides = [1, 1]} : vector<96x512xf32> to vector<1x512xf32>
    %squeeze3A_1124 = vector.shape_cast %slice3A_1123 : vector<1x512xf32> to vector<512xf32>
    %broadcast_in_dim3A_1125 = vector.shape_cast %squeeze3A_1124 : vector<512xf32> to vector<1x512xf32>
    %mul3A_1126 = vector.broadcast %broadcast_in_dim3A_1125 : vector<1x512xf32> to vector<16x512xf32>
    %mul3A_1127 = arith.mulf %sub3A_132, %mul3A_1126 : vector<16x512xf32>
    %add3A_1128 = arith.addf %mul3A_1122, %mul3A_1127 : vector<16x512xf32>
    %add3A_1129 = arith.addf %add3A_1117, %add3A_1128 : vector<16x512xf32>
    %slice3A_1130 = vector.extract_strided_slice %dot_general3A_23 {offsets = [57, 0], sizes = [1, 512], strides = [1, 1]} : vector<96x512xf32> to vector<1x512xf32>
    %squeeze3A_1131 = vector.shape_cast %slice3A_1130 : vector<1x512xf32> to vector<512xf32>
    %broadcast_in_dim3A_1132 = vector.shape_cast %squeeze3A_1131 : vector<512xf32> to vector<1x512xf32>
    %mul3A_1133 = vector.broadcast %broadcast_in_dim3A_1132 : vector<1x512xf32> to vector<16x512xf32>
    %mul3A_1134 = arith.mulf %mul3A_144, %mul3A_1133 : vector<16x512xf32>
    %slice3A_1135 = vector.extract_strided_slice %dot_general3A_31 {offsets = [57, 0], sizes = [1, 512], strides = [1, 1]} : vector<96x512xf32> to vector<1x512xf32>
    %squeeze3A_1136 = vector.shape_cast %slice3A_1135 : vector<1x512xf32> to vector<512xf32>
    %broadcast_in_dim3A_1137 = vector.shape_cast %squeeze3A_1136 : vector<512xf32> to vector<1x512xf32>
    %mul3A_1138 = vector.broadcast %broadcast_in_dim3A_1137 : vector<1x512xf32> to vector<16x512xf32>
    %mul3A_1139 = arith.mulf %sub3A_145, %mul3A_1138 : vector<16x512xf32>
    %add3A_1140 = arith.addf %mul3A_1134, %mul3A_1139 : vector<16x512xf32>
    %add3A_1141 = arith.addf %add3A_1129, %add3A_1140 : vector<16x512xf32>
    %slice3A_1142 = vector.extract_strided_slice %dot_general3A_23 {offsets = [69, 0], sizes = [1, 512], strides = [1, 1]} : vector<96x512xf32> to vector<1x512xf32>
    %squeeze3A_1143 = vector.shape_cast %slice3A_1142 : vector<1x512xf32> to vector<512xf32>
    %broadcast_in_dim3A_1144 = vector.shape_cast %squeeze3A_1143 : vector<512xf32> to vector<1x512xf32>
    %mul3A_1145 = vector.broadcast %broadcast_in_dim3A_1144 : vector<1x512xf32> to vector<16x512xf32>
    %mul3A_1146 = arith.mulf %mul3A_157, %mul3A_1145 : vector<16x512xf32>
    %slice3A_1147 = vector.extract_strided_slice %dot_general3A_31 {offsets = [69, 0], sizes = [1, 512], strides = [1, 1]} : vector<96x512xf32> to vector<1x512xf32>
    %squeeze3A_1148 = vector.shape_cast %slice3A_1147 : vector<1x512xf32> to vector<512xf32>
    %broadcast_in_dim3A_1149 = vector.shape_cast %squeeze3A_1148 : vector<512xf32> to vector<1x512xf32>
    %mul3A_1150 = vector.broadcast %broadcast_in_dim3A_1149 : vector<1x512xf32> to vector<16x512xf32>
    %mul3A_1151 = arith.mulf %sub3A_158, %mul3A_1150 : vector<16x512xf32>
    %add3A_1152 = arith.addf %mul3A_1146, %mul3A_1151 : vector<16x512xf32>
    %add3A_1153 = arith.addf %add3A_1141, %add3A_1152 : vector<16x512xf32>
    %slice3A_1154 = vector.extract_strided_slice %dot_general3A_23 {offsets = [81, 0], sizes = [1, 512], strides = [1, 1]} : vector<96x512xf32> to vector<1x512xf32>
    %squeeze3A_1155 = vector.shape_cast %slice3A_1154 : vector<1x512xf32> to vector<512xf32>
    %broadcast_in_dim3A_1156 = vector.shape_cast %squeeze3A_1155 : vector<512xf32> to vector<1x512xf32>
    %mul3A_1157 = vector.broadcast %broadcast_in_dim3A_1156 : vector<1x512xf32> to vector<16x512xf32>
    %mul3A_1158 = arith.mulf %mul3A_170, %mul3A_1157 : vector<16x512xf32>
    %slice3A_1159 = vector.extract_strided_slice %dot_general3A_31 {offsets = [81, 0], sizes = [1, 512], strides = [1, 1]} : vector<96x512xf32> to vector<1x512xf32>
    %squeeze3A_1160 = vector.shape_cast %slice3A_1159 : vector<1x512xf32> to vector<512xf32>
    %broadcast_in_dim3A_1161 = vector.shape_cast %squeeze3A_1160 : vector<512xf32> to vector<1x512xf32>
    %mul3A_1162 = vector.broadcast %broadcast_in_dim3A_1161 : vector<1x512xf32> to vector<16x512xf32>
    %mul3A_1163 = arith.mulf %sub3A_171, %mul3A_1162 : vector<16x512xf32>
    %add3A_1164 = arith.addf %mul3A_1158, %mul3A_1163 : vector<16x512xf32>
    %add3A_1165 = arith.addf %add3A_1153, %add3A_1164 : vector<16x512xf32>
    %slice3A_1166 = vector.extract_strided_slice %dot_general3A_23 {offsets = [93, 0], sizes = [1, 512], strides = [1, 1]} : vector<96x512xf32> to vector<1x512xf32>
    %squeeze3A_1167 = vector.shape_cast %slice3A_1166 : vector<1x512xf32> to vector<512xf32>
    %broadcast_in_dim3A_1168 = vector.shape_cast %squeeze3A_1167 : vector<512xf32> to vector<1x512xf32>
    %mul3A_1169 = vector.broadcast %broadcast_in_dim3A_1168 : vector<1x512xf32> to vector<16x512xf32>
    %mul3A_1170 = arith.mulf %mul3A_183, %mul3A_1169 : vector<16x512xf32>
    %slice3A_1171 = vector.extract_strided_slice %dot_general3A_31 {offsets = [93, 0], sizes = [1, 512], strides = [1, 1]} : vector<96x512xf32> to vector<1x512xf32>
    %squeeze3A_1172 = vector.shape_cast %slice3A_1171 : vector<1x512xf32> to vector<512xf32>
    %broadcast_in_dim3A_1173 = vector.shape_cast %squeeze3A_1172 : vector<512xf32> to vector<1x512xf32>
    %mul3A_1174 = vector.broadcast %broadcast_in_dim3A_1173 : vector<1x512xf32> to vector<16x512xf32>
    %mul3A_1175 = arith.mulf %sub3A_184, %mul3A_1174 : vector<16x512xf32>
    %add3A_1176 = arith.addf %mul3A_1170, %mul3A_1175 : vector<16x512xf32>
    %add3A_1177 = arith.addf %add3A_1165, %add3A_1176 : vector<16x512xf32>
    %slice3A_1178 = vector.extract_strided_slice %get3A_190 {offsets = [1, 0, 0], sizes = [1, 16, 512], strides = [1, 1, 1]} : vector<3x16x512xf32> to vector<1x16x512xf32>
    %squeeze3A_1179 = vector.shape_cast %slice3A_1178 : vector<1x16x512xf32> to vector<16x512xf32>
    %mul3A_1180 = arith.mulf %add3A_1177, %squeeze3A_1179 : vector<16x512xf32>
    %add3A_1181 = arith.addf %mul3A_1082, %mul3A_1180 : vector<16x512xf32>
    %slice3A_1182 = vector.extract_strided_slice %dot_general3A_23 {offsets = [10, 0], sizes = [1, 512], strides = [1, 1]} : vector<96x512xf32> to vector<1x512xf32>
    %squeeze3A_1183 = vector.shape_cast %slice3A_1182 : vector<1x512xf32> to vector<512xf32>
    %broadcast_in_dim3A_1184 = vector.shape_cast %squeeze3A_1183 : vector<512xf32> to vector<1x512xf32>
    %mul3A_1185 = vector.broadcast %broadcast_in_dim3A_1184 : vector<1x512xf32> to vector<16x512xf32>
    %mul3A_1186 = arith.mulf %mul3A_92, %mul3A_1185 : vector<16x512xf32>
    %slice3A_1187 = vector.extract_strided_slice %dot_general3A_31 {offsets = [10, 0], sizes = [1, 512], strides = [1, 1]} : vector<96x512xf32> to vector<1x512xf32>
    %squeeze3A_1188 = vector.shape_cast %slice3A_1187 : vector<1x512xf32> to vector<512xf32>
    %broadcast_in_dim3A_1189 = vector.shape_cast %squeeze3A_1188 : vector<512xf32> to vector<1x512xf32>
    %mul3A_1190 = vector.broadcast %broadcast_in_dim3A_1189 : vector<1x512xf32> to vector<16x512xf32>
    %mul3A_1191 = arith.mulf %sub3A_93, %mul3A_1190 : vector<16x512xf32>
    %add3A_1192 = arith.addf %mul3A_1186, %mul3A_1191 : vector<16x512xf32>
    %slice3A_1193 = vector.extract_strided_slice %dot_general3A_23 {offsets = [22, 0], sizes = [1, 512], strides = [1, 1]} : vector<96x512xf32> to vector<1x512xf32>
    %squeeze3A_1194 = vector.shape_cast %slice3A_1193 : vector<1x512xf32> to vector<512xf32>
    %broadcast_in_dim3A_1195 = vector.shape_cast %squeeze3A_1194 : vector<512xf32> to vector<1x512xf32>
    %mul3A_1196 = vector.broadcast %broadcast_in_dim3A_1195 : vector<1x512xf32> to vector<16x512xf32>
    %mul3A_1197 = arith.mulf %mul3A_105, %mul3A_1196 : vector<16x512xf32>
    %slice3A_1198 = vector.extract_strided_slice %dot_general3A_31 {offsets = [22, 0], sizes = [1, 512], strides = [1, 1]} : vector<96x512xf32> to vector<1x512xf32>
    %squeeze3A_1199 = vector.shape_cast %slice3A_1198 : vector<1x512xf32> to vector<512xf32>
    %broadcast_in_dim3A_1200 = vector.shape_cast %squeeze3A_1199 : vector<512xf32> to vector<1x512xf32>
    %mul3A_1201 = vector.broadcast %broadcast_in_dim3A_1200 : vector<1x512xf32> to vector<16x512xf32>
    %mul3A_1202 = arith.mulf %sub3A_106, %mul3A_1201 : vector<16x512xf32>
    %add3A_1203 = arith.addf %mul3A_1197, %mul3A_1202 : vector<16x512xf32>
    %add3A_1204 = arith.addf %add3A_1192, %add3A_1203 : vector<16x512xf32>
    %slice3A_1205 = vector.extract_strided_slice %dot_general3A_23 {offsets = [34, 0], sizes = [1, 512], strides = [1, 1]} : vector<96x512xf32> to vector<1x512xf32>
    %squeeze3A_1206 = vector.shape_cast %slice3A_1205 : vector<1x512xf32> to vector<512xf32>
    %broadcast_in_dim3A_1207 = vector.shape_cast %squeeze3A_1206 : vector<512xf32> to vector<1x512xf32>
    %mul3A_1208 = vector.broadcast %broadcast_in_dim3A_1207 : vector<1x512xf32> to vector<16x512xf32>
    %mul3A_1209 = arith.mulf %mul3A_118, %mul3A_1208 : vector<16x512xf32>
    %slice3A_1210 = vector.extract_strided_slice %dot_general3A_31 {offsets = [34, 0], sizes = [1, 512], strides = [1, 1]} : vector<96x512xf32> to vector<1x512xf32>
    %squeeze3A_1211 = vector.shape_cast %slice3A_1210 : vector<1x512xf32> to vector<512xf32>
    %broadcast_in_dim3A_1212 = vector.shape_cast %squeeze3A_1211 : vector<512xf32> to vector<1x512xf32>
    %mul3A_1213 = vector.broadcast %broadcast_in_dim3A_1212 : vector<1x512xf32> to vector<16x512xf32>
    %mul3A_1214 = arith.mulf %sub3A_119, %mul3A_1213 : vector<16x512xf32>
    %add3A_1215 = arith.addf %mul3A_1209, %mul3A_1214 : vector<16x512xf32>
    %add3A_1216 = arith.addf %add3A_1204, %add3A_1215 : vector<16x512xf32>
    %slice3A_1217 = vector.extract_strided_slice %dot_general3A_23 {offsets = [46, 0], sizes = [1, 512], strides = [1, 1]} : vector<96x512xf32> to vector<1x512xf32>
    %squeeze3A_1218 = vector.shape_cast %slice3A_1217 : vector<1x512xf32> to vector<512xf32>
    %broadcast_in_dim3A_1219 = vector.shape_cast %squeeze3A_1218 : vector<512xf32> to vector<1x512xf32>
    %mul3A_1220 = vector.broadcast %broadcast_in_dim3A_1219 : vector<1x512xf32> to vector<16x512xf32>
    %mul3A_1221 = arith.mulf %mul3A_131, %mul3A_1220 : vector<16x512xf32>
    %slice3A_1222 = vector.extract_strided_slice %dot_general3A_31 {offsets = [46, 0], sizes = [1, 512], strides = [1, 1]} : vector<96x512xf32> to vector<1x512xf32>
    %squeeze3A_1223 = vector.shape_cast %slice3A_1222 : vector<1x512xf32> to vector<512xf32>
    %broadcast_in_dim3A_1224 = vector.shape_cast %squeeze3A_1223 : vector<512xf32> to vector<1x512xf32>
    %mul3A_1225 = vector.broadcast %broadcast_in_dim3A_1224 : vector<1x512xf32> to vector<16x512xf32>
    %mul3A_1226 = arith.mulf %sub3A_132, %mul3A_1225 : vector<16x512xf32>
    %add3A_1227 = arith.addf %mul3A_1221, %mul3A_1226 : vector<16x512xf32>
    %add3A_1228 = arith.addf %add3A_1216, %add3A_1227 : vector<16x512xf32>
    %slice3A_1229 = vector.extract_strided_slice %dot_general3A_23 {offsets = [58, 0], sizes = [1, 512], strides = [1, 1]} : vector<96x512xf32> to vector<1x512xf32>
    %squeeze3A_1230 = vector.shape_cast %slice3A_1229 : vector<1x512xf32> to vector<512xf32>
    %broadcast_in_dim3A_1231 = vector.shape_cast %squeeze3A_1230 : vector<512xf32> to vector<1x512xf32>
    %mul3A_1232 = vector.broadcast %broadcast_in_dim3A_1231 : vector<1x512xf32> to vector<16x512xf32>
    %mul3A_1233 = arith.mulf %mul3A_144, %mul3A_1232 : vector<16x512xf32>
    %slice3A_1234 = vector.extract_strided_slice %dot_general3A_31 {offsets = [58, 0], sizes = [1, 512], strides = [1, 1]} : vector<96x512xf32> to vector<1x512xf32>
    %squeeze3A_1235 = vector.shape_cast %slice3A_1234 : vector<1x512xf32> to vector<512xf32>
    %broadcast_in_dim3A_1236 = vector.shape_cast %squeeze3A_1235 : vector<512xf32> to vector<1x512xf32>
    %mul3A_1237 = vector.broadcast %broadcast_in_dim3A_1236 : vector<1x512xf32> to vector<16x512xf32>
    %mul3A_1238 = arith.mulf %sub3A_145, %mul3A_1237 : vector<16x512xf32>
    %add3A_1239 = arith.addf %mul3A_1233, %mul3A_1238 : vector<16x512xf32>
    %add3A_1240 = arith.addf %add3A_1228, %add3A_1239 : vector<16x512xf32>
    %slice3A_1241 = vector.extract_strided_slice %dot_general3A_23 {offsets = [70, 0], sizes = [1, 512], strides = [1, 1]} : vector<96x512xf32> to vector<1x512xf32>
    %squeeze3A_1242 = vector.shape_cast %slice3A_1241 : vector<1x512xf32> to vector<512xf32>
    %broadcast_in_dim3A_1243 = vector.shape_cast %squeeze3A_1242 : vector<512xf32> to vector<1x512xf32>
    %mul3A_1244 = vector.broadcast %broadcast_in_dim3A_1243 : vector<1x512xf32> to vector<16x512xf32>
    %mul3A_1245 = arith.mulf %mul3A_157, %mul3A_1244 : vector<16x512xf32>
    %slice3A_1246 = vector.extract_strided_slice %dot_general3A_31 {offsets = [70, 0], sizes = [1, 512], strides = [1, 1]} : vector<96x512xf32> to vector<1x512xf32>
    %squeeze3A_1247 = vector.shape_cast %slice3A_1246 : vector<1x512xf32> to vector<512xf32>
    %broadcast_in_dim3A_1248 = vector.shape_cast %squeeze3A_1247 : vector<512xf32> to vector<1x512xf32>
    %mul3A_1249 = vector.broadcast %broadcast_in_dim3A_1248 : vector<1x512xf32> to vector<16x512xf32>
    %mul3A_1250 = arith.mulf %sub3A_158, %mul3A_1249 : vector<16x512xf32>
    %add3A_1251 = arith.addf %mul3A_1245, %mul3A_1250 : vector<16x512xf32>
    %add3A_1252 = arith.addf %add3A_1240, %add3A_1251 : vector<16x512xf32>
    %slice3A_1253 = vector.extract_strided_slice %dot_general3A_23 {offsets = [82, 0], sizes = [1, 512], strides = [1, 1]} : vector<96x512xf32> to vector<1x512xf32>
    %squeeze3A_1254 = vector.shape_cast %slice3A_1253 : vector<1x512xf32> to vector<512xf32>
    %broadcast_in_dim3A_1255 = vector.shape_cast %squeeze3A_1254 : vector<512xf32> to vector<1x512xf32>
    %mul3A_1256 = vector.broadcast %broadcast_in_dim3A_1255 : vector<1x512xf32> to vector<16x512xf32>
    %mul3A_1257 = arith.mulf %mul3A_170, %mul3A_1256 : vector<16x512xf32>
    %slice3A_1258 = vector.extract_strided_slice %dot_general3A_31 {offsets = [82, 0], sizes = [1, 512], strides = [1, 1]} : vector<96x512xf32> to vector<1x512xf32>
    %squeeze3A_1259 = vector.shape_cast %slice3A_1258 : vector<1x512xf32> to vector<512xf32>
    %broadcast_in_dim3A_1260 = vector.shape_cast %squeeze3A_1259 : vector<512xf32> to vector<1x512xf32>
    %mul3A_1261 = vector.broadcast %broadcast_in_dim3A_1260 : vector<1x512xf32> to vector<16x512xf32>
    %mul3A_1262 = arith.mulf %sub3A_171, %mul3A_1261 : vector<16x512xf32>
    %add3A_1263 = arith.addf %mul3A_1257, %mul3A_1262 : vector<16x512xf32>
    %add3A_1264 = arith.addf %add3A_1252, %add3A_1263 : vector<16x512xf32>
    %slice3A_1265 = vector.extract_strided_slice %dot_general3A_23 {offsets = [94, 0], sizes = [1, 512], strides = [1, 1]} : vector<96x512xf32> to vector<1x512xf32>
    %squeeze3A_1266 = vector.shape_cast %slice3A_1265 : vector<1x512xf32> to vector<512xf32>
    %broadcast_in_dim3A_1267 = vector.shape_cast %squeeze3A_1266 : vector<512xf32> to vector<1x512xf32>
    %mul3A_1268 = vector.broadcast %broadcast_in_dim3A_1267 : vector<1x512xf32> to vector<16x512xf32>
    %mul3A_1269 = arith.mulf %mul3A_183, %mul3A_1268 : vector<16x512xf32>
    %slice3A_1270 = vector.extract_strided_slice %dot_general3A_31 {offsets = [94, 0], sizes = [1, 512], strides = [1, 1]} : vector<96x512xf32> to vector<1x512xf32>
    %squeeze3A_1271 = vector.shape_cast %slice3A_1270 : vector<1x512xf32> to vector<512xf32>
    %broadcast_in_dim3A_1272 = vector.shape_cast %squeeze3A_1271 : vector<512xf32> to vector<1x512xf32>
    %mul3A_1273 = vector.broadcast %broadcast_in_dim3A_1272 : vector<1x512xf32> to vector<16x512xf32>
    %mul3A_1274 = arith.mulf %sub3A_184, %mul3A_1273 : vector<16x512xf32>
    %add3A_1275 = arith.addf %mul3A_1269, %mul3A_1274 : vector<16x512xf32>
    %add3A_1276 = arith.addf %add3A_1264, %add3A_1275 : vector<16x512xf32>
    %slice3A_1277 = vector.extract_strided_slice %get3A_190 {offsets = [2, 0, 0], sizes = [1, 16, 512], strides = [1, 1, 1]} : vector<3x16x512xf32> to vector<1x16x512xf32>
    %squeeze3A_1278 = vector.shape_cast %slice3A_1277 : vector<1x16x512xf32> to vector<16x512xf32>
    %mul3A_1279 = arith.mulf %add3A_1276, %squeeze3A_1278 : vector<16x512xf32>
    %add3A_1280 = arith.addf %add3A_1181, %mul3A_1279 : vector<16x512xf32>
    %slice3A_1281 = vector.extract_strided_slice %dot_general3A_23 {offsets = [11, 0], sizes = [1, 512], strides = [1, 1]} : vector<96x512xf32> to vector<1x512xf32>
    %squeeze3A_1282 = vector.shape_cast %slice3A_1281 : vector<1x512xf32> to vector<512xf32>
    %broadcast_in_dim3A_1283 = vector.shape_cast %squeeze3A_1282 : vector<512xf32> to vector<1x512xf32>
    %mul3A_1284 = vector.broadcast %broadcast_in_dim3A_1283 : vector<1x512xf32> to vector<16x512xf32>
    %mul3A_1285 = arith.mulf %mul3A_92, %mul3A_1284 : vector<16x512xf32>
    %slice3A_1286 = vector.extract_strided_slice %dot_general3A_31 {offsets = [11, 0], sizes = [1, 512], strides = [1, 1]} : vector<96x512xf32> to vector<1x512xf32>
    %squeeze3A_1287 = vector.shape_cast %slice3A_1286 : vector<1x512xf32> to vector<512xf32>
    %broadcast_in_dim3A_1288 = vector.shape_cast %squeeze3A_1287 : vector<512xf32> to vector<1x512xf32>
    %mul3A_1289 = vector.broadcast %broadcast_in_dim3A_1288 : vector<1x512xf32> to vector<16x512xf32>
    %mul3A_1290 = arith.mulf %sub3A_93, %mul3A_1289 : vector<16x512xf32>
    %add3A_1291 = arith.addf %mul3A_1285, %mul3A_1290 : vector<16x512xf32>
    %slice3A_1292 = vector.extract_strided_slice %dot_general3A_23 {offsets = [23, 0], sizes = [1, 512], strides = [1, 1]} : vector<96x512xf32> to vector<1x512xf32>
    %squeeze3A_1293 = vector.shape_cast %slice3A_1292 : vector<1x512xf32> to vector<512xf32>
    %broadcast_in_dim3A_1294 = vector.shape_cast %squeeze3A_1293 : vector<512xf32> to vector<1x512xf32>
    %mul3A_1295 = vector.broadcast %broadcast_in_dim3A_1294 : vector<1x512xf32> to vector<16x512xf32>
    %mul3A_1296 = arith.mulf %mul3A_105, %mul3A_1295 : vector<16x512xf32>
    %slice3A_1297 = vector.extract_strided_slice %dot_general3A_31 {offsets = [23, 0], sizes = [1, 512], strides = [1, 1]} : vector<96x512xf32> to vector<1x512xf32>
    %squeeze3A_1298 = vector.shape_cast %slice3A_1297 : vector<1x512xf32> to vector<512xf32>
    %broadcast_in_dim3A_1299 = vector.shape_cast %squeeze3A_1298 : vector<512xf32> to vector<1x512xf32>
    %mul3A_1300 = vector.broadcast %broadcast_in_dim3A_1299 : vector<1x512xf32> to vector<16x512xf32>
    %mul3A_1301 = arith.mulf %sub3A_106, %mul3A_1300 : vector<16x512xf32>
    %add3A_1302 = arith.addf %mul3A_1296, %mul3A_1301 : vector<16x512xf32>
    %add3A_1303 = arith.addf %add3A_1291, %add3A_1302 : vector<16x512xf32>
    %slice3A_1304 = vector.extract_strided_slice %dot_general3A_23 {offsets = [35, 0], sizes = [1, 512], strides = [1, 1]} : vector<96x512xf32> to vector<1x512xf32>
    %squeeze3A_1305 = vector.shape_cast %slice3A_1304 : vector<1x512xf32> to vector<512xf32>
    %broadcast_in_dim3A_1306 = vector.shape_cast %squeeze3A_1305 : vector<512xf32> to vector<1x512xf32>
    %mul3A_1307 = vector.broadcast %broadcast_in_dim3A_1306 : vector<1x512xf32> to vector<16x512xf32>
    %mul3A_1308 = arith.mulf %mul3A_118, %mul3A_1307 : vector<16x512xf32>
    %slice3A_1309 = vector.extract_strided_slice %dot_general3A_31 {offsets = [35, 0], sizes = [1, 512], strides = [1, 1]} : vector<96x512xf32> to vector<1x512xf32>
    %squeeze3A_1310 = vector.shape_cast %slice3A_1309 : vector<1x512xf32> to vector<512xf32>
    %broadcast_in_dim3A_1311 = vector.shape_cast %squeeze3A_1310 : vector<512xf32> to vector<1x512xf32>
    %mul3A_1312 = vector.broadcast %broadcast_in_dim3A_1311 : vector<1x512xf32> to vector<16x512xf32>
    %mul3A_1313 = arith.mulf %sub3A_119, %mul3A_1312 : vector<16x512xf32>
    %add3A_1314 = arith.addf %mul3A_1308, %mul3A_1313 : vector<16x512xf32>
    %add3A_1315 = arith.addf %add3A_1303, %add3A_1314 : vector<16x512xf32>
    %slice3A_1316 = vector.extract_strided_slice %dot_general3A_23 {offsets = [47, 0], sizes = [1, 512], strides = [1, 1]} : vector<96x512xf32> to vector<1x512xf32>
    %squeeze3A_1317 = vector.shape_cast %slice3A_1316 : vector<1x512xf32> to vector<512xf32>
    %broadcast_in_dim3A_1318 = vector.shape_cast %squeeze3A_1317 : vector<512xf32> to vector<1x512xf32>
    %mul3A_1319 = vector.broadcast %broadcast_in_dim3A_1318 : vector<1x512xf32> to vector<16x512xf32>
    %mul3A_1320 = arith.mulf %mul3A_131, %mul3A_1319 : vector<16x512xf32>
    %slice3A_1321 = vector.extract_strided_slice %dot_general3A_31 {offsets = [47, 0], sizes = [1, 512], strides = [1, 1]} : vector<96x512xf32> to vector<1x512xf32>
    %squeeze3A_1322 = vector.shape_cast %slice3A_1321 : vector<1x512xf32> to vector<512xf32>
    %broadcast_in_dim3A_1323 = vector.shape_cast %squeeze3A_1322 : vector<512xf32> to vector<1x512xf32>
    %mul3A_1324 = vector.broadcast %broadcast_in_dim3A_1323 : vector<1x512xf32> to vector<16x512xf32>
    %mul3A_1325 = arith.mulf %sub3A_132, %mul3A_1324 : vector<16x512xf32>
    %add3A_1326 = arith.addf %mul3A_1320, %mul3A_1325 : vector<16x512xf32>
    %add3A_1327 = arith.addf %add3A_1315, %add3A_1326 : vector<16x512xf32>
    %slice3A_1328 = vector.extract_strided_slice %dot_general3A_23 {offsets = [59, 0], sizes = [1, 512], strides = [1, 1]} : vector<96x512xf32> to vector<1x512xf32>
    %squeeze3A_1329 = vector.shape_cast %slice3A_1328 : vector<1x512xf32> to vector<512xf32>
    %broadcast_in_dim3A_1330 = vector.shape_cast %squeeze3A_1329 : vector<512xf32> to vector<1x512xf32>
    %mul3A_1331 = vector.broadcast %broadcast_in_dim3A_1330 : vector<1x512xf32> to vector<16x512xf32>
    %mul3A_1332 = arith.mulf %mul3A_144, %mul3A_1331 : vector<16x512xf32>
    %slice3A_1333 = vector.extract_strided_slice %dot_general3A_31 {offsets = [59, 0], sizes = [1, 512], strides = [1, 1]} : vector<96x512xf32> to vector<1x512xf32>
    %squeeze3A_1334 = vector.shape_cast %slice3A_1333 : vector<1x512xf32> to vector<512xf32>
    %broadcast_in_dim3A_1335 = vector.shape_cast %squeeze3A_1334 : vector<512xf32> to vector<1x512xf32>
    %mul3A_1336 = vector.broadcast %broadcast_in_dim3A_1335 : vector<1x512xf32> to vector<16x512xf32>
    %mul3A_1337 = arith.mulf %sub3A_145, %mul3A_1336 : vector<16x512xf32>
    %add3A_1338 = arith.addf %mul3A_1332, %mul3A_1337 : vector<16x512xf32>
    %add3A_1339 = arith.addf %add3A_1327, %add3A_1338 : vector<16x512xf32>
    %slice3A_1340 = vector.extract_strided_slice %dot_general3A_23 {offsets = [71, 0], sizes = [1, 512], strides = [1, 1]} : vector<96x512xf32> to vector<1x512xf32>
    %squeeze3A_1341 = vector.shape_cast %slice3A_1340 : vector<1x512xf32> to vector<512xf32>
    %broadcast_in_dim3A_1342 = vector.shape_cast %squeeze3A_1341 : vector<512xf32> to vector<1x512xf32>
    %mul3A_1343 = vector.broadcast %broadcast_in_dim3A_1342 : vector<1x512xf32> to vector<16x512xf32>
    %mul3A_1344 = arith.mulf %mul3A_157, %mul3A_1343 : vector<16x512xf32>
    %slice3A_1345 = vector.extract_strided_slice %dot_general3A_31 {offsets = [71, 0], sizes = [1, 512], strides = [1, 1]} : vector<96x512xf32> to vector<1x512xf32>
    %squeeze3A_1346 = vector.shape_cast %slice3A_1345 : vector<1x512xf32> to vector<512xf32>
    %broadcast_in_dim3A_1347 = vector.shape_cast %squeeze3A_1346 : vector<512xf32> to vector<1x512xf32>
    %mul3A_1348 = vector.broadcast %broadcast_in_dim3A_1347 : vector<1x512xf32> to vector<16x512xf32>
    %mul3A_1349 = arith.mulf %sub3A_158, %mul3A_1348 : vector<16x512xf32>
    %add3A_1350 = arith.addf %mul3A_1344, %mul3A_1349 : vector<16x512xf32>
    %add3A_1351 = arith.addf %add3A_1339, %add3A_1350 : vector<16x512xf32>
    %slice3A_1352 = vector.extract_strided_slice %dot_general3A_23 {offsets = [83, 0], sizes = [1, 512], strides = [1, 1]} : vector<96x512xf32> to vector<1x512xf32>
    %squeeze3A_1353 = vector.shape_cast %slice3A_1352 : vector<1x512xf32> to vector<512xf32>
    %broadcast_in_dim3A_1354 = vector.shape_cast %squeeze3A_1353 : vector<512xf32> to vector<1x512xf32>
    %mul3A_1355 = vector.broadcast %broadcast_in_dim3A_1354 : vector<1x512xf32> to vector<16x512xf32>
    %mul3A_1356 = arith.mulf %mul3A_170, %mul3A_1355 : vector<16x512xf32>
    %slice3A_1357 = vector.extract_strided_slice %dot_general3A_31 {offsets = [83, 0], sizes = [1, 512], strides = [1, 1]} : vector<96x512xf32> to vector<1x512xf32>
    %squeeze3A_1358 = vector.shape_cast %slice3A_1357 : vector<1x512xf32> to vector<512xf32>
    %broadcast_in_dim3A_1359 = vector.shape_cast %squeeze3A_1358 : vector<512xf32> to vector<1x512xf32>
    %mul3A_1360 = vector.broadcast %broadcast_in_dim3A_1359 : vector<1x512xf32> to vector<16x512xf32>
    %mul3A_1361 = arith.mulf %sub3A_171, %mul3A_1360 : vector<16x512xf32>
    %add3A_1362 = arith.addf %mul3A_1356, %mul3A_1361 : vector<16x512xf32>
    %add3A_1363 = arith.addf %add3A_1351, %add3A_1362 : vector<16x512xf32>
    %slice3A_1364 = vector.extract_strided_slice %dot_general3A_23 {offsets = [95, 0], sizes = [1, 512], strides = [1, 1]} : vector<96x512xf32> to vector<1x512xf32>
    %squeeze3A_1365 = vector.shape_cast %slice3A_1364 : vector<1x512xf32> to vector<512xf32>
    %broadcast_in_dim3A_1366 = vector.shape_cast %squeeze3A_1365 : vector<512xf32> to vector<1x512xf32>
    %mul3A_1367 = vector.broadcast %broadcast_in_dim3A_1366 : vector<1x512xf32> to vector<16x512xf32>
    %mul3A_1368 = arith.mulf %mul3A_183, %mul3A_1367 : vector<16x512xf32>
    %slice3A_1369 = vector.extract_strided_slice %dot_general3A_31 {offsets = [95, 0], sizes = [1, 512], strides = [1, 1]} : vector<96x512xf32> to vector<1x512xf32>
    %squeeze3A_1370 = vector.shape_cast %slice3A_1369 : vector<1x512xf32> to vector<512xf32>
    %broadcast_in_dim3A_1371 = vector.shape_cast %squeeze3A_1370 : vector<512xf32> to vector<1x512xf32>
    %mul3A_1372 = vector.broadcast %broadcast_in_dim3A_1371 : vector<1x512xf32> to vector<16x512xf32>
    %mul3A_1373 = arith.mulf %sub3A_184, %mul3A_1372 : vector<16x512xf32>
    %add3A_1374 = arith.addf %mul3A_1368, %mul3A_1373 : vector<16x512xf32>
    %add3A_1375 = arith.addf %add3A_1363, %add3A_1374 : vector<16x512xf32>
    %add3A_1376 = arith.addf %add3A_1280, %add3A_1375 : vector<16x512xf32>
    %swap3A_1377 = arith.constant 0 : index
    %swap3A_1378 = arith.constant 2 : index
    %swap3A_1379 = arith.constant 0 : index
    %swap3A_1380 = arith.constant 0 : index
    %swap3A_1381 = vector.load %arg6[%swap3A_1377, %swap3A_1378, %swap3A_1379, %swap3A_1380] : memref<1x3x16x512xf32, #tpu.memory_space<vmem>>, vector<1x1x16x512xf32>
    %swap3A_1382 = vector.shape_cast %swap3A_1381 : vector<1x1x16x512xf32> to vector<16x512xf32>
    %swap3A_1383 = vector.shape_cast %add3A_1376 : vector<16x512xf32> to vector<1x1x16x512xf32>
    tpu.vector_store %arg6[%swap3A_1377, %swap3A_1378, %swap3A_1379, %swap3A_1380], %swap3A_1383 {strides = array<i32>} : memref<1x3x16x512xf32, #tpu.memory_space<vmem>>, vector<1x1x16x512xf32>,
    return
  }
  func.func @transform_0(%arg0: i32, %arg1: i32) -> (i32, i32, i32, i32) {
    %sub3A = arith.constant 1 : i32
    %sub3A_0 = arith.subi %arg1, %sub3A : i32
    %jit3A = arith.constant 2 : i32
    %div3A = arith.divsi %sub3A_0, %jit3A : i32
    %sign3A = arith.constant 0 : i32
    %sign3A_1 = arith.cmpi sgt, %sub3A_0, %sign3A : i32
    %sign3A_2 = arith.extui %sign3A_1 : i1 to i32
    %sign3A_3 = arith.constant 0 : i32
    %sign3A_4 = arith.cmpi slt, %sub3A_0, %sign3A_3 : i32
    %sign3A_5 = arith.extui %sign3A_4 : i1 to i32
    %sign3A_6 = arith.subi %sign3A_2, %sign3A_5 : i32
    %sign3A_7 = arith.constant 0 : i32
    %sign3A_8 = arith.cmpi sgt, %jit3A, %sign3A_7 : i32
    %sign3A_9 = arith.extui %sign3A_8 : i1 to i32
    %sign3A_10 = arith.constant 0 : i32
    %sign3A_11 = arith.cmpi slt, %jit3A, %sign3A_10 : i32
    %sign3A_12 = arith.extui %sign3A_11 : i1 to i32
    %sign3A_13 = arith.subi %sign3A_9, %sign3A_12 : i32
    %ne3A = arith.cmpi ne, %sign3A_6, %sign3A_13 : i32
    %rem3A = arith.remsi %sub3A_0, %jit3A : i32
    %ne3A_14 = arith.constant 0 : i32
    %ne3A_15 = arith.cmpi ne, %rem3A, %ne3A_14 : i32
    %and3A = arith.andi %ne3A, %ne3A_15 : i1
    %sub3A_16 = arith.constant 1 : i32
    %sub3A_17 = arith.subi %div3A, %sub3A_16 : i32
    %select_n3A = arith.select %and3A, %sub3A_17, %div3A : i32
    %jit3A_18 = arith.constant 0 : i32
    %jit3A_19 = arith.constant 14 : i32
    %max3A = arith.maxsi %jit3A_18, %select_n3A : i32
    %min3A = arith.minsi %jit3A_19, %max3A : i32
    %c0_i32 = arith.constant 0 : i32
    %c0_i32_20 = arith.constant 0 : i32
    %c0_i32_21 = arith.constant 0 : i32
    return %arg0, %min3A, %c0_i32, %c0_i32_20 : i32, i32, i32, i32
  }
  func.func @transform_1(%arg0: i32, %arg1: i32) -> (i32, i32, i32, i32) {
    %sub3A = arith.constant 1 : i32
    %sub3A_0 = arith.subi %arg1, %sub3A : i32
    %jit3A = arith.constant 2 : i32
    %div3A = arith.divsi %sub3A_0, %jit3A : i32
    %sign3A = arith.constant 0 : i32
    %sign3A_1 = arith.cmpi sgt, %sub3A_0, %sign3A : i32
    %sign3A_2 = arith.extui %sign3A_1 : i1 to i32
    %sign3A_3 = arith.constant 0 : i32
    %sign3A_4 = arith.cmpi slt, %sub3A_0, %sign3A_3 : i32
    %sign3A_5 = arith.extui %sign3A_4 : i1 to i32
    %sign3A_6 = arith.subi %sign3A_2, %sign3A_5 : i32
    %sign3A_7 = arith.constant 0 : i32
    %sign3A_8 = arith.cmpi sgt, %jit3A, %sign3A_7 : i32
    %sign3A_9 = arith.extui %sign3A_8 : i1 to i32
    %sign3A_10 = arith.constant 0 : i32
    %sign3A_11 = arith.cmpi slt, %jit3A, %sign3A_10 : i32
    %sign3A_12 = arith.extui %sign3A_11 : i1 to i32
    %sign3A_13 = arith.subi %sign3A_9, %sign3A_12 : i32
    %ne3A = arith.cmpi ne, %sign3A_6, %sign3A_13 : i32
    %rem3A = arith.remsi %sub3A_0, %jit3A : i32
    %ne3A_14 = arith.constant 0 : i32
    %ne3A_15 = arith.cmpi ne, %rem3A, %ne3A_14 : i32
    %and3A = arith.andi %ne3A, %ne3A_15 : i1
    %sub3A_16 = arith.constant 1 : i32
    %sub3A_17 = arith.subi %div3A, %sub3A_16 : i32
    %select_n3A = arith.select %and3A, %sub3A_17, %div3A : i32
    %jit3A_18 = arith.constant 0 : i32
    %jit3A_19 = arith.constant 14 : i32
    %max3A = arith.maxsi %jit3A_18, %select_n3A : i32
    %min3A = arith.minsi %jit3A_19, %max3A : i32
    %add3A = arith.constant 1 : i32
    %add3A_20 = arith.addi %min3A, %add3A : i32
    %c0_i32 = arith.constant 0 : i32
    %c0_i32_21 = arith.constant 0 : i32
    %c0_i32_22 = arith.constant 0 : i32
    return %arg0, %add3A_20, %c0_i32, %c0_i32_21 : i32, i32, i32, i32
  }
  func.func @transform_2(%arg0: i32, %arg1: i32) -> (i32, i32, i32) {
    %c0_i32 = arith.constant 0 : i32
    %c0_i32_0 = arith.constant 0 : i32
    return %arg0, %arg1, %c0_i32 : i32, i32, i32
  }
  func.func @transform_3(%arg0: i32, %arg1: i32) -> (i32, i32, i32, i32) {
    %c0_i32 = arith.constant 0 : i32
    %c0_i32_0 = arith.constant 0 : i32
    %c0_i32_1 = arith.constant 0 : i32
    return %arg0, %c0_i32, %arg1, %c0_i32_0 : i32, i32, i32, i32
  }
  func.func @transform_4(%arg0: i32, %arg1: i32) -> (i32, i32, i32, i32) {
    %c0_i32 = arith.constant 0 : i32
    %c0_i32_0 = arith.constant 0 : i32
    %c0_i32_1 = arith.constant 0 : i32
    return %arg0, %c0_i32, %arg1, %c0_i32_0 : i32, i32, i32, i32
  }
}

</mosaic_0001>

<sc_bundles>
// kernel: kernel.4.cloned.1.call-start
scs
__scs_entry_jumppad:
0x0: {  	(pc) =	sbr.rel $0x88, $3  }
0x1: {  	(tag) =	ssettag $0x0;
	lr =	simm.s32 $0x1  }
0x2: {  	[smem:$0x3F9E] =	sst lr;
	_ =	strace $0xD0000000  }
0x3: {  	_ = 	snop  }
0x4: {  	_ = 	snop  }
0x5: {  	_ = 	snop  }
0x6: {  	_ = 	snop  }
0x7: {  	_ = 	snop  }
__scs_overlays_trampoline_lowered:
0x8: {  	[smem:$0x3FAD] =	sst s0  }
0x9: {  	[smem:$0x3FAE] =	sst s1  }
0xa: {  	[smem:$0x3FAF] =	sst s2  }
0xb: {  	[smem:$0x3FB0] =	sst s3  }
0xc: {  	[smem:$0x3FB1] =	sst s4  }
0xd: {  	[smem:$0x3FB2] =	sst s5  }
0xe: {  	[smem:$0x3FB3] =	sst s6  }
0xf: {  	[smem:$0x3FB4] =	sst s7  }
0x10: {  	[smem:$0x3FB5] =	sst s8  }
0x11: {  	[smem:$0x3FB6] =	sst s9;
	s0 =	simm.s32 @!p0 $0x0  }
0x12: {  	s1 =	sld [smem:$0x3F9C];
	s0 =	simm.s32 @p0 $0x1  }
0x13: {  	[smem:$0x3FB7] =	sst s0;
	s0 =	simm.s32 @!p1 $0x0  }
0x14: {  	s2 =	sld [smem:$0x3F9B];
	s0 =	simm.s32 @p1 $0x1  }
0x15: {  	[smem:$0x3FB8] =	sst s0;
	s0 =	simm.s32 @!p2 $0x0  }
0x16: {  	s3 =	sld [smem:$0x3FDB];
	s0 =	simm.s32 @p2 $0x1  }
0x17: {  	s4 =	simm.s32 $0x1BF5;
	[smem:$0x3FBA] =	sst s0  }
0x18: {  	s0 =	sld [smem:$0x3F9D];
	_ =	swait.ge [sflag:s4], $0x0  }
0x19: {  	s7 =	sld [smem:$0x3F9E]  }
0x1a: {  	s8 =	sadd.s32 $0xFFFFE003, lr  }
0x1b: {  	s9 =	sadd.s32 $0xFFFFFEF7, lr;
	s5 =	simm.s32 $0xFFFFFFFF;
	p2 =	slt.u32 s8, $0xFFFFF086  }
0x1c: {  	p1 =	slt.u32 s9, $0xF7A;
	s5 =	simm.s32 @!p2 $0x0  }
0x1d: {  	s5 =	simm.s32 @p1 $0x1;
	p0 =	seq.s32 s7, s2  }
0x1e: {  	s7 =	smul.u32 @!p0 $0xF7A, s2;
	p2 =	seq.s32 @!p0 s5, $0x0  }
0x1f: {  	s9 =	smul.u32 $0xF7A, s1;
	s8 =	simm.s32 @!p0 $0x1BF5;
	p2 =	por !p2, p0  }
0x20: {  	[sflag:s8] =	ssyncset.s32 @!p0 $0xFFFFF086;
	s6 =	sadd.s32 @!p0 s3, s7;
	s7 =	simm.s32 @!p0 $0x108  }
0x21: {  	s3 =	sadd.s32 s3, s9;
	s6 =	sadd.s32 @!p0 $0x88, s6;
	s7 =	simm.s32 @p2 $0x1082  }
0x22: {  	[simem:s7], [sflag:s8] =	dma.local @!p0 [hbm:s6], $0xF7A  }
0x23: {  	s9 =	sor.u32 $0xD0000000, s2;
	s6 =	simm.s32 $0x108;
	_ =	swait.ge @!p0 [sflag:s8], $0x0  }
0x24: {  	s3 =	sadd.s32 $0x88, s3;
	s6 =	simm.s32 @!p1 $0x1082;
	[sflag:s4] =	ssyncset.s32 $0xFFFFF086  }
0x25: {  	[simem:s6], [sflag:s4] =	dma.local [hbm:s3], $0xF7A  }
0x26: {  	[smem:$0x3F9E] =	sst s1;
	(tag) =	ssettag s2;
	_ =	strace s9  }
0x27: {  	s1 =	sld [smem:$0x3FAE]  }
0x28: {  	s2 =	sld [smem:$0x3FAF]  }
0x29: {  	s4 =	sld [smem:$0x3FB1]  }
0x2a: {  	p0 =	seq.s32 s5, $0x0;
	s5 =	sld [smem:$0x3FB2]  }
0x2b: {  	s6 =	sld [smem:$0x3FB3]  }
0x2c: {  	s7 =	sld [smem:$0x3FB4]  }
0x2d: {  	s3 =	simm.s32 $0x108;
	s8 =	sld [smem:$0x3FB5]  }
0x2e: {  	s3 =	simm.s32 @!p0 $0x1082;
	s9 =	sld [smem:$0x3FB6]  }
0x2f: {  	lr =	sadd.s32 s0, s3;
	s0 =	sld [smem:$0x3FAD]  }
0x30: {  	s3 =	sld [smem:$0x3FB0]  }
0x31: {  	[smem:$0x3FB9] =	sst s10  }
0x32: {  	s10 =	sld [smem:$0x3FB7];
	_ =	sdelay $0x3  }
0x33: {  	p0 =	seq.s32 s10, $0x1;
	s10 =	sld [smem:$0x3FB9];
	_ =	sdelay $0x3  }
0x34: {  	[smem:$0x3FB9] =	sst s10  }
0x35: {  	s10 =	sld [smem:$0x3FB8];
	_ =	sdelay $0x3  }
0x36: {  	p1 =	seq.s32 s10, $0x1;
	s10 =	sld [smem:$0x3FB9];
	_ =	sdelay $0x3  }
0x37: {  	[smem:$0x3FB9] =	sst s10  }
0x38: {  	s10 =	sld [smem:$0x3FBA]  }
0x39: {  	_ = 	snop;
	(pc) =	sbr.ind lr, $3  }
0x3a: {  	_ = 	snop  }
0x3b: {  	_ = 	snop  }
0x3c: {  	p2 =	seq.s32 s10, $0x1;
	s10 =	sld [smem:$0x3FB9]  }
0x3d: {  	_ =	shalt  }
0x3e: {  	_ =	shalt  }
0x3f: {  	_ =	shalt  }
0x40: {  	_ =	shalt  }
0x41: {  	_ =	shalt  }
0x42: {  	_ =	shalt  }
0x43: {  	_ =	shalt  }
0x44: {  	_ =	shalt  }
0x45: {  	_ =	shalt  }
0x46: {  	_ =	shalt  }
0x47: {  	_ =	shalt  }
0x48: {  	_ =	shalt  }
0x49: {  	_ =	shalt  }
0x4a: {  	_ =	shalt  }
0x4b: {  	_ =	shalt  }
0x4c: {  	_ =	shalt  }
0x4d: {  	_ =	shalt  }
0x4e: {  	_ =	shalt  }
0x4f: {  	_ =	shalt  }
0x50: {  	_ =	shalt  }
0x51: {  	_ =	shalt  }
0x52: {  	_ =	shalt  }
0x53: {  	_ =	shalt  }
0x54: {  	_ =	shalt  }
0x55: {  	_ =	shalt  }
0x56: {  	_ =	shalt  }
0x57: {  	_ =	shalt  }
0x58: {  	_ =	shalt  }
0x59: {  	_ =	shalt  }
0x5a: {  	_ =	shalt  }
0x5b: {  	_ =	shalt  }
0x5c: {  	_ =	shalt  }
0x5d: {  	_ =	shalt  }
0x5e: {  	_ =	shalt  }
0x5f: {  	_ =	shalt  }
0x60: {  	_ =	shalt  }
0x61: {  	_ =	shalt  }
0x62: {  	_ =	shalt  }
0x63: {  	_ =	shalt  }
0x64: {  	_ =	shalt  }
0x65: {  	_ =	shalt  }
0x66: {  	_ =	shalt  }
0x67: {  	_ =	shalt  }
0x68: {  	_ =	shalt  }
0x69: {  	_ =	shalt  }
0x6a: {  	_ =	shalt  }
0x6b: {  	_ =	shalt  }
0x6c: {  	_ =	shalt  }
0x6d: {  	_ =	shalt  }
0x6e: {  	_ =	shalt  }
0x6f: {  	_ =	shalt  }
0x70: {  	_ =	shalt  }
0x71: {  	_ =	shalt  }
0x72: {  	_ =	shalt  }
0x73: {  	_ =	shalt  }
0x74: {  	_ =	shalt  }
0x75: {  	_ =	shalt  }
0x76: {  	_ =	shalt  }
0x77: {  	_ =	shalt  }
0x78: {  	_ =	shalt  }
0x79: {  	_ =	shalt  }
0x7a: {  	_ =	shalt  }
0x7b: {  	_ =	shalt  }
0x7c: {  	_ =	shalt  }
0x7d: {  	_ =	shalt  }
0x7e: {  	_ =	shalt  }
0x7f: {  	_ =	shalt  }
0x80: {  	_ =	shalt  }
0x81: {  	_ =	shalt  }
0x82: {  	_ =	shalt  }
0x83: {  	_ =	shalt  }
0x84: {  	_ =	shalt  }
0x85: {  	_ =	shalt  }
0x86: {  	_ =	shalt  }
0x87: {  	_ =	shalt  }
.Lfunc_end0:
.L_simem_size_0:
called_computation_lowered:
.L_overlay_start_0:
0x88: {  	s2 =	sld [smem:$0x3FD9]  }
0x89: {  	s3 =	sld [smem:$0x3FFE];
	_ =	sdelay $0x1  }
0x8a: {  	s1 =	srdreg.scid  }
0x8b: {  	s0 =	sand.u32 $0x1, s1  }
0x8c: {  	s17 =	sshll.u32 s0, $0xA;
	s2 =	sadd.s32 s3, s2  }
0x8d: {  	s2 =	sadd.s32 s2, s17  }
0x8e: {  	[smem:$0x3FC5] =	sst s2  }
0x8f: {  	_ = 	snop  }
0x90: {  	s2 =	sld [smem:$0x3FC8]  }
0x91: {  	s18 =	sld [smem:$0x3FC7];
	(tm) =	ssettm $0x1  }
0x92: {  	s4 =	sld [smem:$0x3FFB];
	_ =	sdelay $0x3  }
0x93: {  	_ =	strace s4  }
0x94: {  	s4 =	sld [smem:$0x3FFC];
	_ =	sdelay $0x3  }
0x95: {  	_ =	strace s4  }
0x96: {  	s4 =	sld [smem:$0x3FFD];
	_ =	sdelay $0x3  }
0x97: {  	_ =	strace s4  }
0x98: {  	_ =	strace $0x8FFFFFFF  }
0x99: {  	s19 =	sld [smem:$0x3FDB];
	_ =	sdelay $0x1  }
0x9a: {  	s5 =	simm.s32 $_scs_section_size  }
0x9b: {  	s6 =	simm.s32 $_size__tile_overlayer_lowered;
	s7 =	simm.s32 $_tile_overlayer_lowered  }
0x9c: {  	s22 =	simm.s32 $0x1BFF;
	s21 =	sshll.u32 s7, $0x1;
	s4 =	sadd.s32 s5, s19  }
0x9d: {  	s8 =	simm.s32 $0x0;
	s20 =	sshll.u32 s6, $0x1;
	s6 =	sadd.s32 s21, s4  }
0x9e: {  	[timem:s8], [sflag:s22] =	dma.local [hbm:s6], s20  }
0x9f: {  	_ =	swait.ge [sflag:s22], s20  }
0xa0: {  	s5 =	ssub.s32 $0x0, s20;
	[sflag:s22] =	ssyncset.done $0x0  }
0xa1: {  	[sflag:s22] =	ssyncadd.s32 s5;
	_ =	sdelay $0x1  }
0xa2: {  	s23 =	simm.s32 $0x1B8B  }
0xa3: {  	_ =	swait.ge [sflag:s23], $0x1  }
0xa4: {  	[sflag:s23] =	ssyncset.done $0x0  }
0xa5: {  	s25 =	simm.s32 $0x1B8E;
	s24 =	sld [smem:$0x3FFE];
	[sflag:s23] =	ssyncadd.s32 $0xFFFFFFFF  }
0xa6: {  	s26 =	simm.s32 $execute0_lowered;
	[smem:$0x3FD2] =	sst s25  }
0xa7: {  	s6 =	sshll.u32 s26, $0x1;
	_ =	strace $0x80000046;
	[dreg:$0x1] =	wrdreg $0xFFFFFFFF  }
0xa8: {  	s28 =	simm.s32 $_size_execute0_lowered;
	s4 =	sadd.s32 s4, s6;
	[dreg:$0x0] =	wrdreg $0x0  }
0xa9: {  	s6 =	sshll.u32 s28, $0x1;
	[dreg:$0x2] =	wrdreg s4  }
0xaa: {  	[dreg:$0x3] =	wrdreg s6  }
0xab: {  	[dreg:$0x4] =	wrdreg $0xC0  }
0xac: {  	_ =	task [dreg:s8], $0x5FFFF  }
0xad: {  	[dreg:$0x1] =	wrdreg $0xFFFFFFFF  }
0xae: {  	[dreg:$0x0] =	wrdreg $0x60  }
0xaf: {  	[dreg:$0x2] =	wrdreg s24  }
0xb0: {  	[dreg:$0x3] =	wrdreg s2  }
0xb1: {  	[dreg:$0x4] =	wrdreg s18  }
0xb2: {  	[dreg:$0x5] =	wrdreg $0x9  }
0xb3: {  	_ =	task.clear_ibuf [dreg:s8], $0x6FFFF;
	_ =	strace $0x90000046  }
0xb4: {  	s29 =	simm.s32 $0x9;
	_ =	strace $0x80000048  }
0xb5: {  	_ =	swait.ge [sflag:s29], $0x1  }
0xb6: {  	[sflag:s29] =	ssyncadd.s32 $0xFFFFFFFF  }
0xb7: {  	_ =	strace $0x90000048  }
0xb8: {  	_ =	sfence  }
0xb9: {  	s30 =	sld [smem:$0x0];
	_ =	sdelay $0x2  }
0xba: {  	s31 =	sshll.u32 s1, $0xD;
	s1 =	sshrl.u32 s1, $0x2  }
0xbb: {  	s3 =	sand.u32 $0x4000, s31;
	s1 =	sadd.s32 s1, s30  }
0xbc: {  	s0 =	sor.u32 s3, s0;
	s1 =	sshll.u32 s1, $0x11  }
0xbd: {  	s0 =	sor.u32 s1, s0  }
0xbe: {  	s0 =	sadd.s32 $0x8F2B, s0  }
0xbf: {  	[sflag:s0] =	ssyncadd.remote.s32 $0x1  }
0xc0: {  	_ =	sfence.sel $0xFFFF  }
0xc1: {  	[dreg:$0x0] =	wrdreg $0xFFFFFFFF;
	(pc) =	sbr.abs _section_cstart, $3  }
0xc2: {  	[dreg:$0x1] =	wrdreg $0xFFFFFFFF  }
0xc3: {  	_ =	task.clear_ibuf [dreg:s8], $0x2FFFF;
	_ =	strace $0x9FFFFFFF  }
0xc4: {  	(tm) =	ssettm $0x7FFFFFFF  }
0xc5: {  	_ =	shalt  }
tec
execute0_lowered:
.L_overlay_start_1:
0x0: {  	(tag) =	ssettag $0x1  }
0x1: {  	s8 =	stileid.u32;
	s1 =	srdreg.scid  }
0x2: {  	s2 =	sshrl.u32 s8, $0x2;
	s4 =	sshll.u32 s8, $0x1;
	s8 =	smul.u32 $0x30, s8  }
0x3: {  	s0 =	rddreg [dreg:$0x0];
	s1 =	sand.u32 $0x1, s1;
	s5 =	smul.u32 $0xC00, s2  }
0x4: {  	s3 =	rddreg [dreg:$0x2];
	s9 =	smul.u32 $0x18, s1  }
0x5: {  	s17 =	simm.s32 $0x1;
	s6 =	sor.u32 s1, s4;
	s28 =	smul.u32 $0x3, s2  }
0x6: {  	s22 =	simm.s32 $0x6000;
	s4 =	simm.s32 $0x0;
	s7 =	smul.u32 $0x4008, s6  }
0x7: {  	s1 =	ssub.s32 $0x2, s1;
	[smem:$0x7FF] =	sst s4;
	s6 =	smul.u32 $0x18, s6  }
0x8: {  	s25 =	sshrl.u32 s1, $0x1;
	_ =	strace $0x80000047;
	s10 =	sadd.s32 s5, s0  }
0x9: {  	s8 =	sadd.s32 s9, s8;
	s5 =	sadd.s32 $0x4400, s0;
	s0 =	ssub.s32 s1, s25  }
0xa: {  	s14 =	sadd.s32 $0x1, s28;
	s1 =	sshll.u32 s28, $0xF;
	s9 =	smul.u32 $0x2AB, s8  }
0xb: {  	s24 =	sshrl.u32 s7, $0x11;
	s29 =	sadd.s32 $0x1400, s10;
	s10 =	smul.u32 $0x240, s2  }
0xc: {  	s25 =	simm.s32 $0xC600;
	s7 =	smul.u32 $0xC0, s24;
	s11 =	sshrl.u32 s9, $0x11  }
0xd: {  	s0 =	smax.u32 s0, $0x1;
	[dreg:$0x4] =	wrdreg s29;
	s13 =	smul.u32 $0xC0, s11  }
0xe: {  	s12 =	sadd.s32 $0x10000, s1;
	[dreg:$0x5] =	wrdreg s0;
	s24 =	simm.s32 $0xB600  }
0xf: {  	s9 =	sshll.u32 s2, $0xF;
	s26 =	ssub.s32 s6, s7;
	s30 =	ssub.s32 s8, s13  }
0x10: {  	s6 =	smul.u32 $0x600, s2;
	s11 =	sshll.u32 s14, $0xF;
	s1 =	sand.u32 $0xFFF8, s30  }
0x11: {  	s7 =	sand.u32 $0xFFF8, s26;
	s13 =	smul.u32 $0xC0, s14;
	s31 =	sadd.s32 $0x140, s1  }
0x12: {  	v0 =	vlaneseq.u32;
	s14 =	sadd.s32 $0x180, s10;
	s1 =	simm.s32 $0x0;
	[dreg:$0x6] =	wrdreg s31  }
.LBB2_1:
0x13: {  	[dreg:$0x7] =	wrdreg s1  }
0x14: {  	s0 =	rddreg [dreg:$0x4]  }
0x15: {  	[tilespmem:s4], [sflag:$0x1] =	stream.linear.gather [hbm4b:s0+s4], $0x6000, $0x38;
	[tilespmem:$0xD600] =	vst v63  }
0x16: {  	_ =	swait.ge [sflag:s17], $0x6000  }
0x17: {  	[sflag:s17] =	ssyncset.done $0x0  }
0x18: {  	s29 =	simm.s32 $0x0;
	s28 =	rddreg [dreg:$0x6];
	[sflag:s17] =	ssyncadd.s32 $0xFFFFA000  }
.LBB2_2:
0x19: {  	s0 =	sshll.u32 s29, $0x3  }
0x1a: {  	s30 =	sadd.s32 s7, s0  }
0x1b: {  	s31 =	sadd.s32 $0x140, s30  }
0x1c: {  	s26 =	sshll.u32 s31, $0x6  }
0x1d: {  	s1 =	sadd.s32 s9, s26  }
0x1e: {  	s2 =	rddreg [dreg:$0x1];
	s8 =	simm.s32 $0x6600;
	s1 =	sand.u32 $0x1FFFFE00, s1  }
0x1f: {  	s15 =	sadd.s32 s6, s31;
	s1 =	sadd.s32 s2, s1;
	s2 =	simm.s32 $0x0  }
0x20: {  	[tilespmem:s8], [sflag:$0x1] =	stream.linear.gather [hbm4b:s1+s2], $0x1000, $0x38;
	[tilespmem:$0xD600] =	vst v63  }
0x21: {  	s1 =	sshll.u32 s15, $0x6;
	_ =	swait.ge [sflag:s17], $0x1000  }
0x22: {  	s16 =	simm.s32 $0x7600;
	s1 =	sand.u32 $0xFFFFE00, s1;
	[sflag:s17] =	ssyncset.done $0x0  }
0x23: {  	s19 =	simm.s32 $0x8600;
	s1 =	sadd.s32 s3, s1;
	[sflag:s17] =	ssyncadd.s32 $0xFFFFF000  }
0x24: {  	[tilespmem:s16], [sflag:$0x1] =	stream.linear.gather [hbm4b:s1+s2], $0x1000, $0x38;
	[tilespmem:$0xD600] =	vst v63  }
0x25: {  	s20 =	sshrl.u32 s28, $0x4;
	s18 =	sadd.s32 s11, s26;
	_ =	swait.ge [sflag:s17], $0x1000  }
0x26: {  	s21 =	simm.s32 $0x9600;
	s1 =	sand.u32 $0x1FFFFE00, s18;
	[sflag:s17] =	ssyncset.done $0x0  }
0x27: {  	s0 =	sadd.s32 s12, s26;
	s1 =	sadd.s32 s3, s1;
	[sflag:s17] =	ssyncadd.s32 $0xFFFFF000  }
0x28: {  	[tilespmem:s19], [sflag:$0x1] =	stream.linear.gather [hbm4b:s1+s2], $0x1000, $0x38;
	[tilespmem:$0xD600] =	vst v63  }
0x29: {  	s26 =	sshrl.u32 s31, $0x4;
	s1 =	sadd.s32 $0xFFFFFFFF, s20;
	_ =	swait.ge [sflag:s17], $0x1000  }
0x2a: {  	s0 =	sand.u32 $0x1FFFFE00, s0;
	s1 =	sshrl.u32 s1, $0x1;
	[sflag:s17] =	ssyncset.done $0x0  }
0x2b: {  	s0 =	sadd.s32 s3, s0;
	s23 =	smin.u32 s1, $0xE;
	[sflag:s17] =	ssyncadd.s32 $0xFFFFF000  }
0x2c: {  	[tilespmem:s21], [sflag:$0x1] =	stream.linear.gather [hbm4b:s0+s2], $0x1000, $0x38;
	[tilespmem:$0xD600] =	vst v63  }
0x2d: {  	s1 =	sadd.s32 $0xFFFFFFFF, s26;
	s0 =	smul.u32 $0x1800, s23  }
0x2e: {  	s1 =	sshrl.u32 s1, $0x1;
	_ =	swait.ge [sflag:s17], $0x1000  }
0x2f: {  	s1 =	smin.u32 s1, $0xE;
	s0 =	sshrl.u32 s0, $0x2;
	[sflag:s17] =	ssyncset.done $0x0  }
0x30: {  	s8 =	scvt.s32.f32 s1;
	s21 =	sadd.s32 $0x670, s0;
	[sflag:s17] =	ssyncadd.s32 $0xFFFFF000  }
.LBB2_3:
0x31: {  	s0 =	sor.u32 s31, s2  }
0x32: {  	s0 =	scvt.s32.f32 s0;
	_ =	sdelay $0x1  }
0x33: {  	s0 =	sadd.f32 $5.000000000e-01, s0;
	_ =	sdelay $0x1  }
0x34: {  	s0 =	smul.f32 $3.125000000e-02, s0;
	_ =	sdelay $0x1  }
0x35: {  	s0 =	smax.f32 s0, $5.000000000e-01  }
0x36: {  	s0 =	smin.f32 s0, $1.550000000e+01  }
0x37: {  	s0 =	sadd.f32 $-5.000000000e-01, s0  }
0x38: {  	v3 =	vld [tilespmem:s21+$0xFFFFF990]  }
0x39: {  	v4 =	vld [tilespmem:s21+$0xFFFFFF90];
	s0 =	ssub.f32 s0, s8;
	_ =	sdelay $0x1  }
0x3a: {  	v1 =	vmov s0  }
0x3b: {  	v2 =	vsub.f32 $1.000000000e+00, v1;
	_ =	sdelay $0x1  }
0x3c: {  	v4 =	vmul.f32 v4, v1;
	v3 =	vmul.f32 v3, v2;
	_ =	sdelay $0x1  }
0x3d: {  	v3 =	vadd.f32 v4, v3  }
0x3e: {  	s1 =	simm.s32 $0x6040  }
0x3f: {  	[tilespmem:s1+$0xFFFFFFC0] =	vst v3  }
0x40: {  	v3 =	vld [tilespmem:s21+$0xFFFFF9A0]  }
0x41: {  	v4 =	vld [tilespmem:s21+$0xFFFFFFA0];
	_ =	sdelay $0x4  }
0x42: {  	v3 =	vmul.f32 v3, v2;
	v4 =	vmul.f32 v4, v1;
	_ =	sdelay $0x1  }
0x43: {  	v3 =	vadd.f32 v4, v3;
	_ =	sdelay $0x1  }
0x44: {  	[tilespmem:s1+$0xFFFFFFD0] =	vst v3  }
0x45: {  	v3 =	vld [tilespmem:s21+$0xFFFFF9B0]  }
0x46: {  	v4 =	vld [tilespmem:s21+$0xFFFFFFB0];
	_ =	sdelay $0x4  }
0x47: {  	v3 =	vmul.f32 v3, v2;
	v4 =	vmul.f32 v4, v1;
	_ =	sdelay $0x1  }
0x48: {  	v3 =	vadd.f32 v4, v3;
	_ =	sdelay $0x1  }
0x49: {  	[tilespmem:s1+$0xFFFFFFE0] =	vst v3  }
0x4a: {  	v3 =	vld [tilespmem:s21+$0xFFFFF9C0]  }
0x4b: {  	v4 =	vld [tilespmem:s21+$0xFFFFFFC0];
	_ =	sdelay $0x4  }
0x4c: {  	v3 =	vmul.f32 v3, v2;
	v4 =	vmul.f32 v4, v1;
	_ =	sdelay $0x1  }
0x4d: {  	v3 =	vadd.f32 v4, v3;
	_ =	sdelay $0x1  }
0x4e: {  	[tilespmem:s1+$0xFFFFFFF0] =	vst v3  }
0x4f: {  	v3 =	vld [tilespmem:s21+$0xFFFFF9D0]  }
0x50: {  	v4 =	vld [tilespmem:s21+$0xFFFFFFD0];
	_ =	sdelay $0x4  }
0x51: {  	v3 =	vmul.f32 v3, v2;
	v4 =	vmul.f32 v4, v1;
	_ =	sdelay $0x1  }
0x52: {  	v3 =	vadd.f32 v4, v3;
	_ =	sdelay $0x1  }
0x53: {  	[tilespmem:s1+$0x0] =	vst v3  }
0x54: {  	v3 =	vld [tilespmem:s21+$0xFFFFF9E0]  }
0x55: {  	v4 =	vld [tilespmem:s21+$0xFFFFFFE0];
	_ =	sdelay $0x4  }
0x56: {  	v3 =	vmul.f32 v3, v2;
	v4 =	vmul.f32 v4, v1;
	_ =	sdelay $0x1  }
0x57: {  	v3 =	vadd.f32 v4, v3;
	_ =	sdelay $0x1  }
0x58: {  	[tilespmem:s1+$0x10] =	vst v3  }
0x59: {  	v3 =	vld [tilespmem:s21+$0xFFFFF9F0]  }
0x5a: {  	v4 =	vld [tilespmem:s21+$0xFFFFFFF0];
	_ =	sdelay $0x4  }
0x5b: {  	v3 =	vmul.f32 v3, v2;
	v4 =	vmul.f32 v4, v1;
	_ =	sdelay $0x1  }
0x5c: {  	v3 =	vadd.f32 v4, v3;
	_ =	sdelay $0x1  }
0x5d: {  	[tilespmem:s1+$0x20] =	vst v3  }
0x5e: {  	v3 =	vld [tilespmem:s21+$0xFFFFFA00]  }
0x5f: {  	s18 =	simm.s32 $0x0;
	s20 =	simm.s32 $0xFFFFFFFC;
	v4 =	vld [tilespmem:s21+$0x0]  }
0x60: {  	s15 =	simm.s32 $0x20;
	s19 =	simm.s32 $0x6040;
	s0 =	smov.u32 s21  }
.LBB2_4:
0x61: {  	s18 =	sadd.s32 $0x8, s18;
	s0 =	sadd.s32 $0x80, s0;
	s1 =	sadd.s32 $0x80, s1  }
0x62: {  	p0 =	slt.u32 s18, $0x58  }
0x63: {  	v3 =	vmul.f32 v3, v2  }
0x64: {  	v4 =	vmul.f32 v4, v1;
	_ =	sdelay $0x1  }
0x65: {  	v3 =	vadd.f32 v4, v3;
	_ =	sdelay $0x1  }
0x66: {  	[tilespmem:s19+$0x30] =	vst v3;
	s19 =	smov.u32 s1  }
0x67: {  	v3 =	vld [tilespmem:s0+$0xFFFFF990]  }
0x68: {  	v4 =	vld [tilespmem:s0+$0xFFFFFF90];
	_ =	sdelay $0x4  }
0x69: {  	v3 =	vmul.f32 v3, v2;
	v4 =	vmul.f32 v4, v1;
	_ =	sdelay $0x1  }
0x6a: {  	v3 =	vadd.f32 v4, v3;
	_ =	sdelay $0x1  }
0x6b: {  	[tilespmem:s1+$0xFFFFFFC0] =	vst v3  }
0x6c: {  	v3 =	vld [tilespmem:s0+$0xFFFFF9A0]  }
0x6d: {  	v4 =	vld [tilespmem:s0+$0xFFFFFFA0];
	_ =	sdelay $0x3  }
0x6e: {  	v3 =	vmul.f32 v3, v2  }
0x6f: {  	v4 =	vmul.f32 v4, v1;
	_ =	sdelay $0x1  }
0x70: {  	v3 =	vadd.f32 v4, v3;
	_ =	sdelay $0x1  }
0x71: {  	[tilespmem:s1+$0xFFFFFFD0] =	vst v3  }
0x72: {  	v3 =	vld [tilespmem:s0+$0xFFFFF9B0]  }
0x73: {  	v4 =	vld [tilespmem:s0+$0xFFFFFFB0];
	_ =	sdelay $0x3  }
0x74: {  	v3 =	vmul.f32 v3, v2  }
0x75: {  	v4 =	vmul.f32 v4, v1;
	_ =	sdelay $0x1  }
0x76: {  	v3 =	vadd.f32 v4, v3;
	_ =	sdelay $0x1  }
0x77: {  	[tilespmem:s1+$0xFFFFFFE0] =	vst v3  }
0x78: {  	v3 =	vld [tilespmem:s0+$0xFFFFF9C0]  }
0x79: {  	v4 =	vld [tilespmem:s0+$0xFFFFFFC0];
	_ =	sdelay $0x3  }
0x7a: {  	v3 =	vmul.f32 v3, v2  }
0x7b: {  	v4 =	vmul.f32 v4, v1;
	_ =	sdelay $0x1  }
0x7c: {  	v3 =	vadd.f32 v4, v3;
	_ =	sdelay $0x1  }
0x7d: {  	[tilespmem:s1+$0xFFFFFFF0] =	vst v3  }
0x7e: {  	v3 =	vld [tilespmem:s0+$0xFFFFF9D0]  }
0x7f: {  	v4 =	vld [tilespmem:s0+$0xFFFFFFD0];
	_ =	sdelay $0x3  }
0x80: {  	v3 =	vmul.f32 v3, v2  }
0x81: {  	v4 =	vmul.f32 v4, v1;
	_ =	sdelay $0x1  }
0x82: {  	v3 =	vadd.f32 v4, v3;
	_ =	sdelay $0x1  }
0x83: {  	[tilespmem:s1+$0x0] =	vst v3  }
0x84: {  	v3 =	vld [tilespmem:s0+$0xFFFFF9E0]  }
0x85: {  	v4 =	vld [tilespmem:s0+$0xFFFFFFE0];
	_ =	sdelay $0x3  }
0x86: {  	v3 =	vmul.f32 v3, v2  }
0x87: {  	v4 =	vmul.f32 v4, v1;
	_ =	sdelay $0x1  }
0x88: {  	v3 =	vadd.f32 v4, v3;
	_ =	sdelay $0x1  }
0x89: {  	[tilespmem:s1+$0x10] =	vst v3  }
0x8a: {  	v3 =	vld [tilespmem:s0+$0xFFFFF9F0]  }
0x8b: {  	v4 =	vld [tilespmem:s0+$0xFFFFFFF0];
	_ =	sdelay $0x3  }
0x8c: {  	v3 =	vmul.f32 v3, v2  }
0x8d: {  	v4 =	vmul.f32 v4, v1;
	_ =	sdelay $0x1  }
0x8e: {  	v3 =	vadd.f32 v4, v3  }
.Ltmp0:
0x8f: {  	(pc) =	sbr.rel @p0 .LBB2_4-.Ltmp0, $4  }
0x90: {  	[tilespmem:s1+$0x20] =	vst v3  }
0x91: {  	v3 =	vld [tilespmem:s0+$0xFFFFFA00]  }
0x92: {  	s16 =	simm.s32 $0x0;
	v4 =	vld [tilespmem:s0+$0x0]  }
0x93: {  	s26 =	simm.s32 $0x1  }
0x94: {  	_ =	sdelay $0x2  }
0x95: {  	v2 =	vmul.f32 v3, v2;
	v1 =	vmul.f32 v4, v1;
	_ =	sdelay $0x1  }
0x96: {  	v1 =	vadd.f32 v1, v2;
	_ =	sdelay $0x1  }
0x97: {  	[tilespmem:s19+$0x30] =	vst v1  }
.LBB2_6:
0x98: {  	s1 =	sadd.s32 $0x4, s20  }
0x99: {  	s0 =	sand.u32 $0x18, s1  }
0x9a: {  	s23 =	sadd.s32 $0xFFFFFFE0, s15;
	s0 =	sor.u32 s2, s0  }
0x9b: {  	s19 =	sand.u32 $0x40, s23;
	s18 =	sshll.u32 s0, $0x7  }
0x9c: {  	s19 =	sor.u32 s19, s18  }
0x9d: {  	v1 =	vld [tilespmem:s19+$0x6600];
	_ =	sdelay $0x2  }
0x9e: {  	s0 =	sadd.s32 $0x3, s20  }
0x9f: {  	s20 =	sand.u32 $0x80, s0  }
0xa0: {  	s20 =	sshrl.u32 s20, $0x7;
	v1 =	vmul.f32 $8.000000000e+00, v1  }
0xa1: {  	s20 =	sadd.s32 s20, s0  }
0xa2: {  	s20 =	sshll.u32 s20, $0x18;
	v1 =	vmax.f32 v1, $5.000000000e-01  }
0xa3: {  	s20 =	sshra.s32 s20, $0x19;
	v1 =	vmin.f32 v1, $7.500000000e+00  }
0xa4: {  	s0 =	sshra.s32 s0, $0x1F;
	s20 =	sand.u32 $0xFF, s20;
	v1 =	vadd.f32 $-5.000000000e-01, v1  }
0xa5: {  	s0 =	sadd.s32 s20, s0  }
0xa6: {  	p0 =	sgt.s32 s0, $0x0;
	v2 =	vtrunc.f32 v1  }
0xa7: {  	s0 =	simm.s32 @!p0 $0x0;
	v2 =	vcvt.f32.s32 v2  }
0xa8: {  	s0 =	smin.u32 s0, $0xE  }
0xa9: {  	s20 =	smul.u32 $0x60, s0;
	vm0 =	vlt.s32 v2, $0x6  }
0xaa: {  	v2 =	vnsel vm0, $0x6, v2  }
0xab: {  	v5 =	vadd.s32 s20, v2  }
0xac: {  	v4 =	vadd.s32 $0x1, v5  }
0xad: {  	v6 =	vadd.s32 $0x60, v5  }
0xae: {  	v7 =	vadd.s32 $0x61, v5  }
0xaf: {  	v3 =	vor.u32 s23, v0;
	v9 =	vadd.s32 $0x8, v5  }
0xb0: {  	v3 =	vcvt.s32.f32 v3;
	v10 =	vadd.s32 $0x9, v5;
	v8 =	vld.idx.msk [tilespmem:v5+s22+$0x0], $0xffff  }
0xb1: {  	v11 =	vadd.s32 $0x68, v5;
	v4 =	vld.idx.msk [tilespmem:v4+s22+$0x0], $0xffff  }
0xb2: {  	v3 =	vadd.f32 $5.000000000e-01, v3;
	v12 =	vadd.s32 $0x69, v5;
	v6 =	vld.idx.msk [tilespmem:v6+s22+$0x0], $0xffff  }
0xb3: {  	v13 =	vadd.s32 $0x10, v5;
	v7 =	vld.idx.msk [tilespmem:v7+s22+$0x0], $0xffff  }
0xb4: {  	v3 =	vmul.f32 $3.125000000e-02, v3;
	v15 =	vadd.s32 $0x11, v5;
	v9 =	vld.idx.msk [tilespmem:v9+s22+$0x0], $0xffff  }
0xb5: {  	v40 =	vadd.s32 $0x70, v5;
	v10 =	vld.idx.msk [tilespmem:v10+s22+$0x0], $0xffff  }
0xb6: {  	v3 =	vmax.f32 v3, $5.000000000e-01;
	v2 =	vcvt.s32.f32 v2;
	v17 =	vadd.s32 $0x71, v5;
	v11 =	vld.idx.msk [tilespmem:v11+s22+$0x0], $0xffff  }
0xb7: {  	v3 =	vmin.f32 v3, $1.550000000e+01;
	s0 =	scvt.s32.f32 s0;
	v18 =	vadd.s32 $0x18, v5;
	v12 =	vld.idx.msk [tilespmem:v12+s22+$0x0], $0xffff  }
0xb8: {  	v19 =	vadd.s32 $0x19, v5;
	v2 =	vsub.f32 v1, v2;
	v1 =	vadd.f32 $-5.000000000e-01, v3;
	v13 =	vld.idx.msk [tilespmem:v13+s22+$0x0], $0xffff  }
0xb9: {  	v14 =	vmov s0;
	v42 =	vadd.s32 $0x78, v5;
	v41 =	vld.idx.msk [tilespmem:v15+s22+$0x0], $0xffff  }
0xba: {  	v43 =	vadd.s32 $0x79, v5;
	v1 =	vsub.f32 v1, v14;
	v14 =	vld.idx.msk [tilespmem:v40+s22+$0x0], $0xffff  }
0xbb: {  	v20 =	vadd.s32 $0x20, v5;
	v17 =	vld.idx.msk [tilespmem:v17+s22+$0x0], $0xffff  }
0xbc: {  	v21 =	vadd.s32 $0x21, v5;
	v18 =	vld.idx.msk [tilespmem:v18+s22+$0x0], $0xffff  }
0xbd: {  	v22 =	vadd.s32 $0x80, v5;
	v19 =	vld.idx.msk [tilespmem:v19+s22+$0x0], $0xffff  }
0xbe: {  	v45 =	vadd.s32 $0x81, v5;
	v44 =	vld.idx.msk [tilespmem:v42+s22+$0x0], $0xffff  }
0xbf: {  	v48 =	vadd.s32 $0x28, v5;
	v50 =	vadd.s32 $0x29, v5;
	v23 =	vadd.s32 $0x88, v5;
	v47 =	vld.idx.msk [tilespmem:v43+s22+$0x0], $0xffff  }
0xc0: {  	v24 =	vadd.s32 $0x89, v5;
	v51 =	vadd.s32 $0x30, v5;
	v25 =	vadd.s32 $0x31, v5;
	v49 =	vld.idx.msk [tilespmem:v20+s22+$0x0], $0xffff  }
0xc1: {  	v54 =	vadd.s32 $0x90, v5;
	v56 =	vadd.s32 $0x91, v5;
	v58 =	vadd.s32 $0x38, v5;
	v21 =	vld.idx.msk [tilespmem:v21+s22+$0x0], $0xffff  }
0xc2: {  	v26 =	vadd.s32 $0x39, v5;
	v60 =	vadd.s32 $0x98, v5;
	v61 =	vadd.s32 $0x99, v5;
	v22 =	vld.idx.msk [tilespmem:v22+s22+$0x0], $0xffff  }
0xc3: {  	v62 =	vadd.s32 $0x40, v5;
	v27 =	vadd.s32 $0x41, v5;
	v3 =	vsub.f32 $1.000000000e+00, v2;
	v15 =	vld.idx.msk [tilespmem:v45+s22+$0x0], $0xffff  }
0xc4: {  	v33 =	vadd.s32 $0xA0, v5;
	v35 =	vadd.s32 $0xA1, v5;
	v28 =	vadd.s32 $0x48, v5;
	v55 =	vld.idx.msk [tilespmem:v23+s22+$0x0], $0xffff  }
0xc5: {  	v29 =	vadd.s32 $0x49, v5;
	v57 =	vld.idx.msk [tilespmem:v24+s22+$0x0], $0xffff;
	v8 =	vmul.f32 v3, v8;
	v16 =	vmul.f32 v2, v4  }
0xc6: {  	v37 =	vadd.s32 $0xA8, v5;
	v59 =	vld.idx.msk [tilespmem:v25+s22+$0x0], $0xffff;
	v6 =	vmul.f32 v3, v6;
	v7 =	vmul.f32 v2, v7  }
0xc7: {  	v39 =	vadd.s32 $0xA9, v5;
	v20 =	vld.idx.msk [tilespmem:v56+s22+$0x0], $0xffff;
	v9 =	vmul.f32 v3, v9;
	v10 =	vmul.f32 v2, v10  }
0xc8: {  	v30 =	vadd.s32 $0x50, v5;
	v24 =	vld.idx.msk [tilespmem:v58+s22+$0x0], $0xffff;
	v11 =	vmul.f32 v3, v11;
	v12 =	vmul.f32 v12, v2  }
0xc9: {  	v31 =	vadd.s32 $0x51, v5;
	v25 =	vld.idx.msk [tilespmem:v62+s22+$0x0], $0xffff;
	v13 =	vmul.f32 v13, v3;
	v14 =	vmul.f32 v14, v3  }
0xca: {  	v32 =	vadd.s32 $0x58, v5;
	v28 =	vld.idx.msk [tilespmem:v28+s22+$0x0], $0xffff;
	v17 =	vmul.f32 v17, v2;
	v18 =	vmul.f32 v18, v3  }
0xcb: {  	v63 =	vld.idx.msk [tilespmem:v26+s22+$0x0], $0xffff;
	v43 =	vadd.s32 $0xB1, v5;
	v19 =	vmul.f32 v19, v2;
	v21 =	vmul.f32 v21, v2  }
0xcc: {  	v38 =	vld.idx.msk [tilespmem:v33+s22+$0x0], $0xffff;
	v33 =	vadd.s32 $0x59, v5;
	v22 =	vmul.f32 v22, v3;
	v15 =	vmul.f32 v15, v2  }
0xcd: {  	v30 =	vld.idx.msk [tilespmem:v30+s22+$0x0], $0xffff;
	v4 =	vsub.f32 $1.000000000e+00, v1;
	v23 =	vmul.f32 v57, v2;
	v20 =	vmul.f32 v20, v2  }
0xce: {  	v53 =	vld.idx.msk [tilespmem:v50+s22+$0x0], $0xffff;
	v24 =	vmul.f32 v24, v3;
	v25 =	vmul.f32 v25, v3;
	v8 =	vadd.f32 v8, v16  }
0xcf: {  	v34 =	vld.idx.msk [tilespmem:v60+s22+$0x0], $0xffff;
	v50 =	vmul.f32 v28, v3;
	v6 =	vadd.f32 v6, v7;
	v9 =	vadd.f32 v9, v10  }
0xd0: {  	v36 =	vld.idx.msk [tilespmem:v27+s22+$0x0], $0xffff;
	v46 =	vadd.f32 v11, v12;
	v7 =	vmul.f32 v41, v2;
	v11 =	vmul.f32 v47, v2  }
0xd1: {  	v40 =	vld.idx.msk [tilespmem:v29+s22+$0x0], $0xffff;
	v18 =	vadd.f32 v19, v18;
	v16 =	vmul.f32 v49, v3;
	v19 =	vmul.f32 v55, v3  }
0xd2: {  	v42 =	vld.idx.msk [tilespmem:v37+s22+$0x0], $0xffff;
	v15 =	vadd.f32 v15, v22;
	v22 =	vmul.f32 v63, v2;
	v55 =	vmul.f32 v30, v3  }
0xd3: {  	v26 =	vld.idx.msk [tilespmem:v39+s22+$0x0], $0xffff;
	v14 =	vadd.f32 v17, v14;
	v8 =	vmul.f32 v8, v4;
	v6 =	vmul.f32 v6, v1  }
0xd4: {  	v58 =	vld [tilespmem:s19+$0x8600];
	v9 =	vmul.f32 v9, v4;
	v10 =	vmul.f32 v46, v1;
	v13 =	vadd.f32 v7, v13  }
0xd5: {  	v12 =	vld.idx.msk [tilespmem:v48+s22+$0x0], $0xffff;
	v14 =	vmul.f32 v14, v1;
	v18 =	vmul.f32 v18, v4;
	v16 =	vadd.f32 v21, v16  }
0xd6: {  	v17 =	vld.idx.msk [tilespmem:v51+s22+$0x0], $0xffff;
	v15 =	vmul.f32 v15, v1;
	v19 =	vadd.f32 v23, v19;
	v22 =	vadd.f32 v22, v24  }
0xd7: {  	v51 =	vld.idx.msk [tilespmem:v33+s22+$0x0], $0xffff;
	v23 =	vmul.f32 v36, v2;
	v6 =	vadd.f32 v6, v8;
	v52 =	vmul.f32 v13, v4  }
0xd8: {  	v57 =	vld [tilespmem:s19+$0x7600];
	v7 =	vadd.f32 v10, v9;
	v8 =	vmul.f32 v44, v3;
	v10 =	vmul.f32 v53, v2  }
0xd9: {  	v45 =	vadd.s32 $0xB8, v5;
	v49 =	vld.idx.msk [tilespmem:v32+s22+$0x0], $0xffff;
	v16 =	vmul.f32 v16, v4;
	v19 =	vmul.f32 v19, v1  }
0xda: {  	v41 =	vadd.s32 $0xB0, v5;
	v47 =	vld.idx.msk [tilespmem:v43+s22+$0x0], $0xffff;
	v22 =	vmul.f32 v22, v4;
	v53 =	vmul.f32 v26, v2  }
0xdb: {  	v21 =	vld.idx.msk [tilespmem:v61+s22+$0x0], $0xffff;
	v23 =	vadd.f32 v23, v25;
	v12 =	vmul.f32 v12, v3;
	v17 =	vmul.f32 v17, v3  }
0xdc: {  	v61 =	vld [tilespmem:s19+$0x9600];
	v60 =	vmul.f32 v51, v2;
	v8 =	vadd.f32 v11, v8;
	v11 =	vmul.f32 v59, v2  }
0xdd: {  	v13 =	vld.idx.msk [tilespmem:v54+s22+$0x0], $0xffff;
	v9 =	vadd.f32 v14, v52;
	v48 =	vmul.f32 v23, v4;
	v52 =	vmul.f32 v42, v3  }
0xde: {  	v5 =	vadd.s32 $0xB9, v5;
	v44 =	vld.idx.msk [tilespmem:v31+s22+$0x0], $0xffff;
	v59 =	vmul.f32 v49, v3;
	v6 =	vmul.f32 v57, v6  }
0xdf: {  	v46 =	vld.idx.msk [tilespmem:v41+s22+$0x0], $0xffff;
	v7 =	vmul.f32 v58, v7;
	v10 =	vadd.f32 v10, v12;
	v12 =	vmul.f32 v34, v3  }
0xe0: {  	v14 =	vld.idx.msk [tilespmem:v35+s22+$0x0], $0xffff;
	v15 =	vadd.f32 v15, v16;
	v21 =	vmul.f32 v21, v2;
	v8 =	vmul.f32 v8, v1  }
0xe1: {  	v54 =	vld.idx.msk [tilespmem:v45+s22+$0x0], $0xffff;
	v11 =	vadd.f32 v11, v17;
	v17 =	vmul.f32 v38, v3;
	v9 =	vmul.f32 v61, v9  }
0xe2: {  	v10 =	vmul.f32 v10, v4;
	v13 =	vmul.f32 v13, v3;
	v12 =	vadd.f32 v21, v12  }
0xe3: {  	v5 =	vld.idx.msk [tilespmem:v5+s22+$0x0], $0xffff;
	v21 =	vmul.f32 v44, v2;
	v11 =	vmul.f32 v11, v4;
	v8 =	vadd.f32 v8, v18  }
0xe4: {  	v56 =	vmul.f32 v46, v3;
	v18 =	vmul.f32 v47, v2;
	v13 =	vadd.f32 v20, v13  }
0xe5: {  	v6 =	vadd.f32 v7, v6;
	v14 =	vmul.f32 v14, v2;
	v20 =	vmul.f32 v40, v2  }
0xe6: {  	v3 =	vmul.f32 v54, v3;
	v10 =	vadd.f32 v19, v10;
	v13 =	vmul.f32 v13, v1  }
0xe7: {  	v12 =	vmul.f32 v12, v1;
	v14 =	vadd.f32 v14, v17;
	v19 =	vadd.f32 v20, v50  }
0xe8: {  	v2 =	vmul.f32 v5, v2;
	v11 =	vadd.f32 v13, v11;
	v13 =	vadd.f32 v53, v52  }
0xe9: {  	v18 =	vadd.f32 v18, v56;
	v17 =	vadd.f32 v21, v55;
	v14 =	vmul.f32 v14, v1  }
0xea: {  	v20 =	vadd.f32 v60, v59;
	v19 =	vmul.f32 v19, v4;
	v13 =	vmul.f32 v13, v1  }
0xeb: {  	v2 =	vadd.f32 v2, v3;
	v3 =	vmul.f32 v57, v15;
	v18 =	vmul.f32 v18, v1  }
0xec: {  	v17 =	vmul.f32 v17, v4;
	v14 =	vadd.f32 v14, v48;
	v62 =	vadd.f32 v13, v19  }
0xed: {  	v6 =	vadd.f32 v9, v6;
	v10 =	vmul.f32 v58, v10;
	v4 =	vmul.f32 v20, v4  }
0xee: {  	v63 =	vadd.f32 v18, v17;
	v15 =	vmul.f32 v57, v14;
	v5 =	vmul.f32 v58, v62  }
0xef: {  	v1 =	vmul.f32 v2, v1;
	v2 =	vadd.f32 v10, v3;
	v3 =	vmul.f32 v61, v11  }
0xf0: {  	v12 =	vadd.f32 v12, v22;
	v16 =	vmul.f32 v61, v63;
	v5 =	vadd.f32 v5, v15  }
0xf1: {  	v1 =	vadd.f32 v1, v4;
	v2 =	vadd.f32 v3, v2  }
0xf2: {  	v3 =	vadd.f32 v6, v8;
	v17 =	vadd.f32 v16, v5  }
0xf3: {  	v2 =	vadd.f32 v2, v12  }
0xf4: {  	s0 =	sadd.s32 $0xFFFFFFF0, s15;
	[tilespmem:s19+$0xA600] =	vst v3;
	v1 =	vadd.f32 v17, v1  }
0xf5: {  	s23 =	sand.u32 $0x50, s0;
	[tilespmem:s19+$0xB600] =	vst v2  }
0xf6: {  	[tilespmem:s19+$0xC600] =	vst v1;
	s19 =	sor.u32 s23, s18  }
0xf7: {  	v1 =	vld [tilespmem:s19+$0x6600];
	_ =	sdelay $0x4  }
0xf8: {  	v1 =	vmul.f32 $8.000000000e+00, v1;
	_ =	sdelay $0x1  }
0xf9: {  	v1 =	vmax.f32 v1, $5.000000000e-01  }
0xfa: {  	v1 =	vmin.f32 v1, $7.500000000e+00  }
0xfb: {  	v1 =	vadd.f32 $-5.000000000e-01, v1;
	_ =	sdelay $0x1  }
0xfc: {  	v2 =	vtrunc.f32 v1  }
0xfd: {  	v2 =	vcvt.f32.s32 v2;
	_ =	sdelay $0x1  }
0xfe: {  	vm13 =	vlt.s32 v2, $0x6  }
0xff: {  	v2 =	vnsel vm13, $0x6, v2  }
0x100: {  	v6 =	vadd.s32 s16, v2  }
0x101: {  	v18 =	vadd.s32 $0x1, v6  }
0x102: {  	v19 =	vadd.s32 $0x60, v6  }
0x103: {  	v20 =	vadd.s32 $0x61, v6  }
0x104: {  	v23 =	vadd.s32 $0x8, v6  }
0x105: {  	v24 =	vadd.s32 $0x9, v6;
	v21 =	vld.idx.msk [tilespmem:v6+s22+$0x0], $0xffff  }
0x106: {  	v26 =	vadd.s32 $0x68, v6;
	v22 =	vld.idx.msk [tilespmem:v18+s22+$0x0], $0xffff  }
0x107: {  	v3 =	vor.u32 s0, v0;
	v27 =	vadd.s32 $0x69, v6;
	v5 =	vld.idx.msk [tilespmem:v19+s22+$0x0], $0xffff  }
0x108: {  	v3 =	vcvt.s32.f32 v3;
	v28 =	vadd.s32 $0x10, v6;
	v7 =	vld.idx.msk [tilespmem:v20+s22+$0x0], $0xffff  }
0x109: {  	v29 =	vadd.s32 $0x11, v6;
	v10 =	vld.idx.msk [tilespmem:v23+s22+$0x0], $0xffff  }
0x10a: {  	v3 =	vadd.f32 $5.000000000e-01, v3;
	v30 =	vadd.s32 $0x70, v6;
	v11 =	vld.idx.msk [tilespmem:v24+s22+$0x0], $0xffff  }
0x10b: {  	v32 =	vadd.s32 $0x71, v6;
	v12 =	vld.idx.msk [tilespmem:v26+s22+$0x0], $0xffff  }
0x10c: {  	v3 =	vmul.f32 $3.125000000e-02, v3;
	v33 =	vadd.s32 $0x18, v6;
	v13 =	vld.idx.msk [tilespmem:v27+s22+$0x0], $0xffff  }
0x10d: {  	v35 =	vadd.s32 $0x19, v6;
	v34 =	vld.idx.msk [tilespmem:v28+s22+$0x0], $0xffff  }
0x10e: {  	v3 =	vmax.f32 v3, $5.000000000e-01;
	v36 =	vadd.s32 $0x78, v6;
	v15 =	vld.idx.msk [tilespmem:v29+s22+$0x0], $0xffff  }
0x10f: {  	v25 =	vmin.f32 v3, $1.550000000e+01;
	v37 =	vadd.s32 $0x79, v6;
	v16 =	vld.idx.msk [tilespmem:v30+s22+$0x0], $0xffff  }
0x110: {  	v2 =	vcvt.s32.f32 v2;
	v38 =	vadd.s32 $0x20, v6;
	v40 =	vadd.s32 $0x21, v6;
	v18 =	vld.idx.msk [tilespmem:v32+s22+$0x0], $0xffff  }
0x111: {  	v41 =	vadd.s32 $0x80, v6;
	v42 =	vadd.s32 $0x81, v6;
	v43 =	vadd.s32 $0x28, v6;
	v39 =	vld.idx.msk [tilespmem:v33+s22+$0x0], $0xffff  }
0x112: {  	s20 =	sadd.s32 $0xFFFFFFFF, s26;
	v44 =	vadd.s32 $0x29, v6;
	v47 =	vadd.s32 $0x88, v6;
	v50 =	vadd.s32 $0x89, v6;
	v14 =	vld.idx.msk [tilespmem:v35+s22+$0x0], $0xffff  }
0x113: {  	s0 =	scvt.s32.f32 s20;
	v52 =	vadd.s32 $0x30, v6;
	v54 =	vadd.s32 $0x31, v6;
	v3 =	vsub.f32 v1, v2;
	v17 =	vld.idx.msk [tilespmem:v36+s22+$0x0], $0xffff  }
0x114: {  	v55 =	vadd.s32 $0x90, v6;
	v56 =	vadd.s32 $0x91, v6;
	v2 =	vadd.f32 $-5.000000000e-01, v25;
	v20 =	vld.idx.msk [tilespmem:v37+s22+$0x0], $0xffff  }
0x115: {  	v58 =	vadd.s32 $0x38, v6;
	v1 =	vmov s0;
	v4 =	vsub.f32 $1.000000000e+00, v3;
	v46 =	vld.idx.msk [tilespmem:v40+s22+$0x0], $0xffff  }
0x116: {  	v61 =	vadd.s32 $0x39, v6;
	v2 =	vsub.f32 v2, v1;
	v49 =	vld.idx.msk [tilespmem:v41+s22+$0x0], $0xffff;
	v32 =	vadd.s32 $0x98, v6  }
0x117: {  	v51 =	vld.idx.msk [tilespmem:v42+s22+$0x0], $0xffff;
	v35 =	vadd.s32 $0x40, v6;
	v36 =	vadd.s32 $0x41, v6;
	v8 =	vmul.f32 v4, v21  }
0x118: {  	v53 =	vld.idx.msk [tilespmem:v43+s22+$0x0], $0xffff;
	v40 =	vadd.s32 $0xA1, v6;
	v9 =	vmul.f32 v3, v22;
	v31 =	vmul.f32 v4, v5  }
0x119: {  	v25 =	vld.idx.msk [tilespmem:v44+s22+$0x0], $0xffff;
	v41 =	vadd.s32 $0x48, v6;
	v7 =	vmul.f32 v3, v7;
	v10 =	vmul.f32 v4, v10  }
0x11a: {  	v33 =	vld.idx.msk [tilespmem:v55+s22+$0x0], $0xffff;
	v43 =	vadd.s32 $0x49, v6;
	v11 =	vmul.f32 v3, v11;
	v12 =	vmul.f32 v4, v12  }
0x11b: {  	v27 =	vld.idx.msk [tilespmem:v56+s22+$0x0], $0xffff;
	v44 =	vadd.s32 $0xA8, v6;
	v13 =	vmul.f32 v13, v3;
	v15 =	vmul.f32 v15, v3  }
0x11c: {  	v57 =	vld.idx.msk [tilespmem:v50+s22+$0x0], $0xffff;
	v50 =	vadd.s32 $0xB0, v6;
	v16 =	vmul.f32 v16, v4;
	v18 =	vmul.f32 v18, v3  }
0x11d: {  	v60 =	vld.idx.msk [tilespmem:v52+s22+$0x0], $0xffff;
	v52 =	vadd.s32 $0xB1, v6;
	v14 =	vmul.f32 v14, v3;
	v17 =	vmul.f32 v17, v4  }
0x11e: {  	v55 =	vadd.s32 $0x59, v6;
	v20 =	vmul.f32 v20, v3;
	v19 =	vmul.f32 v51, v3  }
0x11f: {  	v21 =	vld.idx.msk [tilespmem:v38+s22+$0x0], $0xffff;
	v5 =	vsub.f32 $1.000000000e+00, v2;
	v37 =	vmul.f32 v53, v4;
	v38 =	vmul.f32 v25, v3  }
0x120: {  	v63 =	vld.idx.msk [tilespmem:v54+s22+$0x0], $0xffff;
	v24 =	vmul.f32 v33, v4;
	v27 =	vmul.f32 v27, v3;
	v8 =	vadd.f32 v8, v9  }
0x121: {  	v22 =	vld.idx.msk [tilespmem:v32+s22+$0x0], $0xffff;
	v53 =	vadd.s32 $0x58, v6;
	v7 =	vadd.f32 v31, v7;
	v10 =	vadd.f32 v10, v11  }
0x122: {  	v42 =	vld.idx.msk [tilespmem:v35+s22+$0x0], $0xffff;
	v9 =	vmul.f32 v34, v4;
	v45 =	vadd.f32 v12, v13;
	v48 =	vadd.f32 v18, v16  }
0x123: {  	v29 =	vld.idx.msk [tilespmem:v40+s22+$0x0], $0xffff;
	v59 =	vadd.f32 v20, v17;
	v12 =	vmul.f32 v46, v3;
	v16 =	vmul.f32 v49, v4  }
0x124: {  	v51 =	vld.idx.msk [tilespmem:v44+s22+$0x0], $0xffff;
	v34 =	vadd.s32 $0x99, v6;
	v20 =	vadd.f32 v38, v37;
	v17 =	vmul.f32 v60, v4  }
0x125: {  	v23 =	vld.idx.msk [tilespmem:v50+s22+$0x0], $0xffff;
	v46 =	vadd.s32 $0x50, v6;
	v8 =	vmul.f32 v8, v5;
	v7 =	vmul.f32 v7, v2  }
0x126: {  	v33 =	vld.idx.msk [tilespmem:v55+s22+$0x0], $0xffff;
	v24 =	vadd.f32 v27, v24;
	v10 =	vmul.f32 v10, v5;
	v11 =	vmul.f32 v45, v2  }
0x127: {  	v40 =	vld [tilespmem:s19+$0x7600];
	v9 =	vadd.f32 v15, v9;
	v15 =	vmul.f32 v48, v2;
	v62 =	vmul.f32 v21, v4  }
0x128: {  	v13 =	vld.idx.msk [tilespmem:v47+s22+$0x0], $0xffff;
	v16 =	vadd.f32 v19, v16;
	v21 =	vmul.f32 v63, v3;
	v20 =	vmul.f32 v20, v5  }
0x129: {  	v18 =	vld.idx.msk [tilespmem:v61+s22+$0x0], $0xffff;
	v45 =	vadd.s32 $0xA9, v6;
	v24 =	vmul.f32 v24, v2;
	v22 =	vmul.f32 v22, v4  }
0x12a: {  	v47 =	vld.idx.msk [tilespmem:v41+s22+$0x0], $0xffff;
	v48 =	vadd.s32 $0x51, v6;
	v61 =	vmul.f32 v29, v3;
	v38 =	vmul.f32 v23, v4  }
0x12b: {  	v49 =	vld.idx.msk [tilespmem:v43+s22+$0x0], $0xffff;
	v7 =	vadd.f32 v7, v8;
	v9 =	vmul.f32 v9, v5;
	v8 =	vmul.f32 v39, v4  }
0x12c: {  	v41 =	vld [tilespmem:s19+$0x8600];
	v10 =	vadd.f32 v11, v10;
	v12 =	vadd.f32 v12, v62;
	v11 =	vmul.f32 v57, v3  }
0x12d: {  	v43 =	vld [tilespmem:s19+$0x9600];
	v16 =	vmul.f32 v16, v2;
	v17 =	vadd.f32 v21, v17;
	v21 =	vmul.f32 v33, v3  }
0x12e: {  	v19 =	vld.idx.msk [tilespmem:v36+s22+$0x0], $0xffff;
	v39 =	vadd.s32 $0xA0, v6;
	v13 =	vmul.f32 v13, v4;
	v18 =	vmul.f32 v18, v3  }
0x12f: {  	v57 =	vadd.s32 $0xB8, v6;
	v26 =	vld.idx.msk [tilespmem:v34+s22+$0x0], $0xffff;
	v63 =	vmul.f32 v47, v4;
	v34 =	vmul.f32 v51, v4  }
0x130: {  	v60 =	vld.idx.msk [tilespmem:v52+s22+$0x0], $0xffff;
	v8 =	vadd.f32 v14, v8;
	v14 =	vmul.f32 v59, v2;
	v12 =	vmul.f32 v12, v5  }
0x131: {  	v62 =	vld.idx.msk [tilespmem:v53+s22+$0x0], $0xffff;
	v9 =	vadd.f32 v15, v9;
	v17 =	vmul.f32 v17, v5;
	v7 =	vmul.f32 v40, v7  }
0x132: {  	v54 =	vld.idx.msk [tilespmem:v46+s22+$0x0], $0xffff;
	v10 =	vmul.f32 v41, v10;
	v11 =	vadd.f32 v11, v13;
	v13 =	vmul.f32 v42, v4  }
0x133: {  	v6 =	vadd.s32 $0xB9, v6;
	v15 =	vld.idx.msk [tilespmem:v58+s22+$0x0], $0xffff;
	v19 =	vmul.f32 v19, v3;
	v8 =	vmul.f32 v8, v5  }
0x134: {  	v31 =	vld.idx.msk [tilespmem:v45+s22+$0x0], $0xffff;
	v12 =	vadd.f32 v16, v12;
	v17 =	vadd.f32 v24, v17;
	v9 =	vmul.f32 v43, v9  }
0x135: {  	v7 =	vadd.f32 v10, v7;
	v25 =	vld.idx.msk [tilespmem:v39+s22+$0x0], $0xffff;
	v11 =	vmul.f32 v11, v2;
	v39 =	vmul.f32 v60, v3  }
0x136: {  	v13 =	vadd.f32 v19, v13;
	v42 =	vmul.f32 v62, v4;
	v26 =	vmul.f32 v26, v3  }
0x137: {  	v56 =	vld.idx.msk [tilespmem:v48+s22+$0x0], $0xffff;
	v8 =	vadd.f32 v14, v8;
	v37 =	vmul.f32 v54, v4;
	v48 =	vmul.f32 v40, v12  }
0x138: {  	v50 =	vmul.f32 v43, v17;
	v7 =	vadd.f32 v9, v7;
	v15 =	vmul.f32 v15, v4  }
0x139: {  	v36 =	vld.idx.msk [tilespmem:v57+s22+$0x0], $0xffff;
	v11 =	vadd.f32 v11, v20;
	v20 =	vadd.f32 v39, v38;
	v35 =	vmul.f32 v31, v3  }
0x13a: {  	v6 =	vld.idx.msk [tilespmem:v6+s22+$0x0], $0xffff;
	v15 =	vadd.f32 v18, v15;
	v18 =	vmul.f32 v49, v3;
	v59 =	vmul.f32 v25, v4  }
0x13b: {  	v13 =	vmul.f32 v13, v5;
	v21 =	vadd.f32 v21, v42;
	v24 =	vadd.f32 v35, v34  }
0x13c: {  	v19 =	vmul.f32 v56, v3;
	v18 =	vadd.f32 v18, v63;
	v16 =	vadd.f32 v61, v59  }
0x13d: {  	v22 =	vadd.f32 v26, v22;
	v20 =	vmul.f32 v20, v2;
	v45 =	vmul.f32 v24, v2  }
0x13e: {  	v19 =	vadd.f32 v19, v37;
	v44 =	vmul.f32 v18, v5;
	v16 =	vmul.f32 v16, v2  }
0x13f: {  	v52 =	vadd.f32 v7, v8;
	v4 =	vmul.f32 v36, v4;
	v3 =	vmul.f32 v6, v3  }
0x140: {  	v19 =	vmul.f32 v19, v5;
	v46 =	vadd.f32 v45, v44;
	v13 =	vadd.f32 v16, v13  }
0x141: {  	v11 =	vmul.f32 v41, v11;
	v58 =	vmul.f32 v22, v2;
	v3 =	vadd.f32 v3, v4  }
0x142: {  	v47 =	vadd.f32 v20, v19;
	v6 =	vmul.f32 v41, v46;
	v49 =	vmul.f32 v40, v13  }
0x143: {  	v15 =	vmul.f32 v15, v5;
	v2 =	vmul.f32 v3, v2;
	v3 =	vadd.f32 v11, v48  }
0x144: {  	v5 =	vmul.f32 v21, v5;
	v51 =	vmul.f32 v43, v47;
	v6 =	vadd.f32 v6, v49  }
0x145: {  	v14 =	vadd.f32 v58, v15;
	v3 =	vadd.f32 v50, v3  }
0x146: {  	v2 =	vadd.f32 v2, v5;
	v53 =	vadd.f32 v51, v6  }
0x147: {  	v3 =	vadd.f32 v3, v14  }
0x148: {  	[tilespmem:s19+$0xA600] =	vst v52;
	v2 =	vadd.f32 v53, v2  }
0x149: {  	s23 =	sand.u32 $0x60, s15;
	[tilespmem:s19+$0xB600] =	vst v3  }
0x14a: {  	s20 =	sor.u32 s23, s18;
	[tilespmem:s19+$0xC600] =	vst v2  }
0x14b: {  	v2 =	vld [tilespmem:s20+$0x6600];
	_ =	sdelay $0x4  }
0x14c: {  	v2 =	vmul.f32 $8.000000000e+00, v2;
	_ =	sdelay $0x1  }
0x14d: {  	v2 =	vmax.f32 v2, $5.000000000e-01  }
0x14e: {  	v2 =	vmin.f32 v2, $7.500000000e+00  }
0x14f: {  	v2 =	vadd.f32 $-5.000000000e-01, v2;
	_ =	sdelay $0x1  }
0x150: {  	v3 =	vtrunc.f32 v2  }
0x151: {  	v3 =	vcvt.f32.s32 v3;
	_ =	sdelay $0x1  }
0x152: {  	vm14 =	vlt.s32 v3, $0x6  }
0x153: {  	v3 =	vnsel vm14, $0x6, v3  }
0x154: {  	v5 =	vadd.s32 s16, v3  }
0x155: {  	v55 =	vadd.s32 $0x1, v5  }
0x156: {  	v56 =	vadd.s32 $0x60, v5  }
0x157: {  	v57 =	vadd.s32 $0x61, v5  }
0x158: {  	v54 =	vor.u32 s15, v0;
	v59 =	vadd.s32 $0x8, v5  }
0x159: {  	v4 =	vcvt.s32.f32 v54;
	v60 =	vadd.s32 $0x9, v5;
	v58 =	vld.idx.msk [tilespmem:v5+s22+$0x0], $0xffff  }
0x15a: {  	v61 =	vadd.s32 $0x68, v5;
	v6 =	vld.idx.msk [tilespmem:v55+s22+$0x0], $0xffff  }
0x15b: {  	v4 =	vadd.f32 $5.000000000e-01, v4;
	v62 =	vadd.s32 $0x69, v5;
	v7 =	vld.idx.msk [tilespmem:v56+s22+$0x0], $0xffff  }
0x15c: {  	v63 =	vadd.s32 $0x10, v5;
	v8 =	vld.idx.msk [tilespmem:v57+s22+$0x0], $0xffff  }
0x15d: {  	v4 =	vmul.f32 $3.125000000e-02, v4;
	v21 =	vadd.s32 $0x11, v5;
	v10 =	vld.idx.msk [tilespmem:v59+s22+$0x0], $0xffff  }
0x15e: {  	v22 =	vadd.s32 $0x70, v5;
	v11 =	vld.idx.msk [tilespmem:v60+s22+$0x0], $0xffff  }
0x15f: {  	v4 =	vmax.f32 v4, $5.000000000e-01;
	v23 =	vadd.s32 $0x71, v5;
	v12 =	vld.idx.msk [tilespmem:v61+s22+$0x0], $0xffff  }
0x160: {  	v4 =	vmin.f32 v4, $1.550000000e+01;
	v24 =	vadd.s32 $0x18, v5;
	v13 =	vld.idx.msk [tilespmem:v62+s22+$0x0], $0xffff  }
0x161: {  	v4 =	vadd.f32 $-5.000000000e-01, v4;
	v25 =	vadd.s32 $0x19, v5;
	v14 =	vld.idx.msk [tilespmem:v63+s22+$0x0], $0xffff  }
0x162: {  	v29 =	vadd.s32 $0x79, v5;
	v26 =	vld.idx.msk [tilespmem:v21+s22+$0x0], $0xffff  }
0x163: {  	v1 =	vsub.f32 v4, v1;
	v30 =	vadd.s32 $0x20, v5;
	v28 =	vld.idx.msk [tilespmem:v22+s22+$0x0], $0xffff  }
0x164: {  	v31 =	vadd.s32 $0x21, v5;
	v17 =	vld.idx.msk [tilespmem:v23+s22+$0x0], $0xffff  }
0x165: {  	v4 =	vsub.f32 $1.000000000e+00, v1;
	v3 =	vcvt.s32.f32 v3;
	v32 =	vadd.s32 $0x80, v5;
	v18 =	vld.idx.msk [tilespmem:v24+s22+$0x0], $0xffff  }
0x166: {  	v27 =	vadd.s32 $0x78, v5;
	v33 =	vadd.s32 $0x81, v5;
	v36 =	vadd.s32 $0x28, v5;
	v19 =	vld.idx.msk [tilespmem:v25+s22+$0x0], $0xffff  }
0x167: {  	v38 =	vadd.s32 $0x29, v5;
	v39 =	vadd.s32 $0x88, v5;
	v2 =	vsub.f32 v2, v3;
	v35 =	vld.idx.msk [tilespmem:v29+s22+$0x0], $0xffff  }
0x168: {  	v40 =	vadd.s32 $0x89, v5;
	v43 =	vadd.s32 $0x30, v5;
	v44 =	vadd.s32 $0x31, v5;
	v37 =	vld.idx.msk [tilespmem:v30+s22+$0x0], $0xffff  }
0x169: {  	v46 =	vadd.s32 $0x90, v5;
	v48 =	vadd.s32 $0x91, v5;
	v3 =	vsub.f32 $1.000000000e+00, v2;
	v21 =	vld.idx.msk [tilespmem:v31+s22+$0x0], $0xffff  }
0x16a: {  	v50 =	vadd.s32 $0x38, v5;
	v51 =	vadd.s32 $0x39, v5;
	v53 =	vadd.s32 $0x98, v5;
	v22 =	vld.idx.msk [tilespmem:v32+s22+$0x0], $0xffff  }
0x16b: {  	v54 =	vadd.s32 $0x99, v5;
	v42 =	vld.idx.msk [tilespmem:v33+s22+$0x0], $0xffff;
	v55 =	vadd.s32 $0x40, v5;
	v9 =	vmul.f32 v3, v58  }
0x16c: {  	v45 =	vld.idx.msk [tilespmem:v38+s22+$0x0], $0xffff;
	v56 =	vadd.s32 $0x41, v5;
	v6 =	vmul.f32 v2, v6;
	v7 =	vmul.f32 v3, v7  }
0x16d: {  	v47 =	vld.idx.msk [tilespmem:v39+s22+$0x0], $0xffff;
	v60 =	vadd.s32 $0xA1, v5;
	v8 =	vmul.f32 v2, v8;
	v10 =	vmul.f32 v3, v10  }
0x16e: {  	v49 =	vld.idx.msk [tilespmem:v40+s22+$0x0], $0xffff;
	v61 =	vadd.s32 $0x48, v5;
	v11 =	vmul.f32 v2, v11;
	v12 =	vmul.f32 v3, v12  }
0x16f: {  	v20 =	vld.idx.msk [tilespmem:v48+s22+$0x0], $0xffff;
	v62 =	vadd.s32 $0x49, v5;
	v13 =	vmul.f32 v13, v2;
	v14 =	vmul.f32 v14, v3  }
0x170: {  	v24 =	vld.idx.msk [tilespmem:v50+s22+$0x0], $0xffff;
	v38 =	vadd.s32 $0x50, v5;
	v15 =	vmul.f32 v28, v3;
	v17 =	vmul.f32 v17, v2  }
0x171: {  	v52 =	vld.idx.msk [tilespmem:v44+s22+$0x0], $0xffff;
	v39 =	vadd.s32 $0x51, v5;
	v18 =	vmul.f32 v18, v3;
	v19 =	vmul.f32 v19, v2  }
0x172: {  	v57 =	vld.idx.msk [tilespmem:v51+s22+$0x0], $0xffff;
	v44 =	vadd.s32 $0x58, v5;
	v16 =	vmul.f32 v37, v3;
	v21 =	vmul.f32 v21, v2  }
0x173: {  	v59 =	vld.idx.msk [tilespmem:v53+s22+$0x0], $0xffff;
	v58 =	vadd.s32 $0xA0, v5;
	v22 =	vmul.f32 v22, v3;
	v23 =	vmul.f32 v49, v2  }
0x174: {  	v25 =	vld.idx.msk [tilespmem:v55+s22+$0x0], $0xffff;
	v37 =	vadd.s32 $0xA9, v5;
	v20 =	vmul.f32 v20, v2;
	v6 =	vadd.f32 v9, v6  }
0x175: {  	v63 =	vld.idx.msk [tilespmem:v56+s22+$0x0], $0xffff;
	v24 =	vmul.f32 v24, v3;
	v7 =	vadd.f32 v7, v8;
	v10 =	vadd.f32 v10, v11  }
0x176: {  	v28 =	vld.idx.msk [tilespmem:v61+s22+$0x0], $0xffff;
	v34 =	vadd.f32 v12, v13;
	v8 =	vmul.f32 v26, v2;
	v41 =	vadd.f32 v17, v15  }
0x177: {  	v30 =	vld.idx.msk [tilespmem:v38+s22+$0x0], $0xffff;
	v18 =	vadd.f32 v19, v18;
	v12 =	vmul.f32 v35, v2;
	v16 =	vadd.f32 v21, v16  }
0x178: {  	v51 =	vld.idx.msk [tilespmem:v44+s22+$0x0], $0xffff;
	v15 =	vmul.f32 v42, v2;
	v19 =	vmul.f32 v47, v3;
	v35 =	vadd.s32 $0xA8, v5  }
0x179: {  	v17 =	vld.idx.msk [tilespmem:v43+s22+$0x0], $0xffff;
	v43 =	vadd.s32 $0xB1, v5;
	v6 =	vmul.f32 v6, v4;
	v7 =	vmul.f32 v7, v1  }
0x17a: {  	v40 =	vld.idx.msk [tilespmem:v62+s22+$0x0], $0xffff;
	v47 =	vadd.s32 $0xB8, v5;
	v10 =	vmul.f32 v10, v4;
	v11 =	vmul.f32 v34, v1  }
0x17b: {  	v9 =	vld.idx.msk [tilespmem:v27+s22+$0x0], $0xffff;
	v8 =	vadd.f32 v8, v14;
	v14 =	vmul.f32 v41, v1;
	v18 =	vmul.f32 v18, v4  }
0x17c: {  	v13 =	vld.idx.msk [tilespmem:v36+s22+$0x0], $0xffff;
	v15 =	vadd.f32 v15, v22;
	v16 =	vmul.f32 v16, v4;
	v22 =	vmul.f32 v57, v2  }
0x17d: {  	v21 =	vld.idx.msk [tilespmem:v54+s22+$0x0], $0xffff;
	v19 =	vadd.f32 v23, v19;
	v25 =	vmul.f32 v25, v3;
	v23 =	vmul.f32 v63, v2  }
0x17e: {  	v36 =	vld.idx.msk [tilespmem:v58+s22+$0x0], $0xffff;
	v57 =	vmul.f32 v30, v3;
	v61 =	vmul.f32 v51, v3;
	v6 =	vadd.f32 v7, v6  }
0x17f: {  	v26 =	vld.idx.msk [tilespmem:v37+s22+$0x0], $0xffff;
	v7 =	vadd.f32 v11, v10;
	v8 =	vmul.f32 v8, v4;
	v10 =	vmul.f32 v45, v2  }
0x180: {  	v41 =	vadd.s32 $0xB0, v5;
	v63 =	vld [tilespmem:s20+$0x9600];
	v15 =	vmul.f32 v15, v1;
	v19 =	vmul.f32 v19, v1  }
0x181: {  	v11 =	vld.idx.msk [tilespmem:v46+s22+$0x0], $0xffff;
	v22 =	vadd.f32 v22, v24;
	v9 =	vmul.f32 v9, v3;
	v13 =	vmul.f32 v13, v3  }
0x182: {  	v46 =	vld.idx.msk [tilespmem:v39+s22+$0x0], $0xffff;
	v17 =	vmul.f32 v17, v3;
	v21 =	vmul.f32 v21, v2;
	v23 =	vadd.f32 v23, v25  }
0x183: {  	v42 =	vld.idx.msk [tilespmem:v35+s22+$0x0], $0xffff;
	v8 =	vadd.f32 v14, v8;
	v22 =	vmul.f32 v22, v4;
	v9 =	vadd.f32 v12, v9  }
0x184: {  	v49 =	vld.idx.msk [tilespmem:v43+s22+$0x0], $0xffff;
	v10 =	vadd.f32 v10, v13;
	v12 =	vmul.f32 v52, v2;
	v13 =	vmul.f32 v59, v3  }
0x185: {  	v45 =	vadd.s32 $0x59, v5;
	v56 =	vld.idx.msk [tilespmem:v47+s22+$0x0], $0xffff;
	v50 =	vmul.f32 v23, v4;
	v52 =	vmul.f32 v28, v3  }
0x186: {  	v5 =	vadd.s32 $0xB9, v5;
	v14 =	vld.idx.msk [tilespmem:v60+s22+$0x0], $0xffff;
	v55 =	vmul.f32 v26, v2;
	v8 =	vmul.f32 v63, v8  }
0x187: {  	v60 =	vld [tilespmem:s20+$0x8600];
	v9 =	vmul.f32 v9, v1;
	v10 =	vmul.f32 v10, v4;
	v12 =	vadd.f32 v12, v17  }
0x188: {  	v48 =	vld.idx.msk [tilespmem:v41+s22+$0x0], $0xffff;
	v11 =	vmul.f32 v11, v3;
	v13 =	vadd.f32 v21, v13;
	v17 =	vmul.f32 v36, v3  }
0x189: {  	v59 =	vld [tilespmem:s20+$0x7600];
	v21 =	vmul.f32 v46, v2;
	v54 =	vmul.f32 v42, v3  }
0x18a: {  	v15 =	vadd.f32 v15, v16;
	v12 =	vmul.f32 v12, v4;
	v13 =	vmul.f32 v13, v1  }
0x18b: {  	v53 =	vld.idx.msk [tilespmem:v45+s22+$0x0], $0xffff;
	v11 =	vadd.f32 v20, v11;
	v14 =	vmul.f32 v14, v2;
	v20 =	vmul.f32 v40, v2  }
0x18c: {  	v5 =	vld.idx.msk [tilespmem:v5+s22+$0x0], $0xffff;
	v9 =	vadd.f32 v9, v18;
	v18 =	vmul.f32 v49, v2;
	v7 =	vmul.f32 v60, v7  }
0x18d: {  	v10 =	vadd.f32 v19, v10;
	v58 =	vmul.f32 v48, v3;
	v3 =	vmul.f32 v56, v3  }
0x18e: {  	v6 =	vmul.f32 v59, v6;
	v11 =	vmul.f32 v11, v1;
	v14 =	vadd.f32 v14, v17  }
0x18f: {  	v19 =	vadd.f32 v20, v52;
	v17 =	vadd.f32 v21, v57;
	v10 =	vmul.f32 v60, v10  }
0x190: {  	v62 =	vmul.f32 v53, v2;
	v11 =	vadd.f32 v11, v12;
	v12 =	vadd.f32 v55, v54  }
0x191: {  	v13 =	vadd.f32 v13, v22;
	v2 =	vmul.f32 v5, v2;
	v14 =	vmul.f32 v14, v1  }
0x192: {  	v18 =	vadd.f32 v18, v58;
	v19 =	vmul.f32 v19, v4;
	v12 =	vmul.f32 v12, v1  }
0x193: {  	v6 =	vadd.f32 v7, v6;
	v17 =	vmul.f32 v17, v4;
	v20 =	vadd.f32 v62, v61  }
0x194: {  	v18 =	vmul.f32 v18, v1;
	v14 =	vadd.f32 v14, v50;
	v22 =	vadd.f32 v12, v19  }
0x195: {  	v2 =	vadd.f32 v2, v3;
	v3 =	vmul.f32 v59, v15;
	v4 =	vmul.f32 v20, v4  }
0x196: {  	v23 =	vadd.f32 v18, v17;
	v26 =	vmul.f32 v59, v14;
	v5 =	vmul.f32 v60, v22  }
0x197: {  	v1 =	vmul.f32 v2, v1;
	v2 =	vadd.f32 v10, v3;
	v3 =	vmul.f32 v63, v11  }
0x198: {  	v6 =	vadd.f32 v8, v6;
	v27 =	vmul.f32 v63, v23;
	v5 =	vadd.f32 v5, v26  }
0x199: {  	v1 =	vadd.f32 v1, v4;
	v2 =	vadd.f32 v3, v2  }
0x19a: {  	v3 =	vadd.f32 v6, v9;
	v28 =	vadd.f32 v27, v5  }
0x19b: {  	v2 =	vadd.f32 v2, v13  }
0x19c: {  	s0 =	sadd.s32 $0x10, s15;
	[tilespmem:s20+$0xA600] =	vst v3;
	v1 =	vadd.f32 v28, v1  }
0x19d: {  	s23 =	sand.u32 $0x70, s0;
	[tilespmem:s20+$0xB600] =	vst v2  }
0x19e: {  	s18 =	sor.u32 s23, s18;
	[tilespmem:s20+$0xC600] =	vst v1  }
0x19f: {  	v1 =	vld [tilespmem:s18+$0x6600];
	_ =	sdelay $0x4  }
0x1a0: {  	v1 =	vmul.f32 $8.000000000e+00, v1;
	_ =	sdelay $0x1  }
0x1a1: {  	v1 =	vmax.f32 v1, $5.000000000e-01  }
0x1a2: {  	v1 =	vmin.f32 v1, $7.500000000e+00  }
0x1a3: {  	v1 =	vadd.f32 $-5.000000000e-01, v1;
	_ =	sdelay $0x1  }
0x1a4: {  	v2 =	vtrunc.f32 v1  }
0x1a5: {  	v2 =	vcvt.f32.s32 v2  }
0x1a6: {  	s19 =	smin.u32 s26, $0xE  }
0x1a7: {  	s23 =	smul.u32 $0x60, s19;
	vm15 =	vlt.s32 v2, $0x6  }
0x1a8: {  	v2 =	vnsel vm15, $0x6, v2  }
0x1a9: {  	v5 =	vadd.s32 s23, v2  }
0x1aa: {  	v29 =	vadd.s32 $0x1, v5  }
0x1ab: {  	v30 =	vadd.s32 $0x60, v5  }
0x1ac: {  	v31 =	vadd.s32 $0x61, v5  }
0x1ad: {  	v32 =	vadd.s32 $0x8, v5  }
0x1ae: {  	v3 =	vor.u32 s0, v0;
	v34 =	vadd.s32 $0x9, v5;
	v33 =	vld.idx.msk [tilespmem:v5+s22+$0x0], $0xffff  }
0x1af: {  	v3 =	vcvt.s32.f32 v3;
	v36 =	vadd.s32 $0x68, v5;
	v35 =	vld.idx.msk [tilespmem:v29+s22+$0x0], $0xffff  }
0x1b0: {  	v37 =	vadd.s32 $0x69, v5;
	v6 =	vld.idx.msk [tilespmem:v30+s22+$0x0], $0xffff  }
0x1b1: {  	v3 =	vadd.f32 $5.000000000e-01, v3;
	v38 =	vadd.s32 $0x10, v5;
	v7 =	vld.idx.msk [tilespmem:v31+s22+$0x0], $0xffff  }
0x1b2: {  	v39 =	vadd.s32 $0x11, v5;
	v8 =	vld.idx.msk [tilespmem:v32+s22+$0x0], $0xffff  }
0x1b3: {  	v3 =	vmul.f32 $3.125000000e-02, v3;
	v40 =	vadd.s32 $0x70, v5;
	v10 =	vld.idx.msk [tilespmem:v34+s22+$0x0], $0xffff  }
0x1b4: {  	v41 =	vadd.s32 $0x71, v5;
	v12 =	vld.idx.msk [tilespmem:v36+s22+$0x0], $0xffff  }
0x1b5: {  	v3 =	vmax.f32 v3, $5.000000000e-01;
	v42 =	vadd.s32 $0x18, v5;
	v13 =	vld.idx.msk [tilespmem:v37+s22+$0x0], $0xffff  }
0x1b6: {  	v3 =	vmin.f32 v3, $1.550000000e+01;
	v43 =	vadd.s32 $0x19, v5;
	v14 =	vld.idx.msk [tilespmem:v38+s22+$0x0], $0xffff  }
0x1b7: {  	v2 =	vcvt.s32.f32 v2;
	v44 =	vadd.s32 $0x78, v5;
	v45 =	vadd.s32 $0x79, v5;
	v15 =	vld.idx.msk [tilespmem:v39+s22+$0x0], $0xffff  }
0x1b8: {  	s23 =	scvt.s32.f32 s19;
	v47 =	vadd.s32 $0x20, v5;
	v49 =	vadd.s32 $0x21, v5;
	v50 =	vadd.s32 $0x80, v5;
	v16 =	vld.idx.msk [tilespmem:v40+s22+$0x0], $0xffff  }
0x1b9: {  	v51 =	vadd.s32 $0x81, v5;
	v2 =	vsub.f32 v1, v2;
	v1 =	vadd.f32 $-5.000000000e-01, v3;
	v46 =	vld.idx.msk [tilespmem:v41+s22+$0x0], $0xffff  }
0x1ba: {  	v53 =	vadd.s32 $0x28, v5;
	v54 =	vadd.s32 $0x29, v5;
	v3 =	vmov s23;
	v48 =	vld.idx.msk [tilespmem:v42+s22+$0x0], $0xffff  }
0x1bb: {  	v55 =	vadd.s32 $0x88, v5;
	v56 =	vadd.s32 $0x89, v5;
	v1 =	vsub.f32 v1, v3;
	v19 =	vld.idx.msk [tilespmem:v43+s22+$0x0], $0xffff  }
0x1bc: {  	v57 =	vadd.s32 $0x30, v5;
	v60 =	vadd.s32 $0x31, v5;
	v4 =	vsub.f32 $1.000000000e+00, v2;
	v20 =	vld.idx.msk [tilespmem:v44+s22+$0x0], $0xffff  }
0x1bd: {  	v62 =	vadd.s32 $0x90, v5;
	v3 =	vsub.f32 $1.000000000e+00, v1;
	v52 =	vld.idx.msk [tilespmem:v45+s22+$0x0], $0xffff;
	v36 =	vadd.s32 $0x39, v5  }
0x1be: {  	v18 =	vld.idx.msk [tilespmem:v49+s22+$0x0], $0xffff;
	v37 =	vadd.s32 $0x98, v5;
	v39 =	vadd.s32 $0x99, v5;
	v9 =	vmul.f32 v4, v33  }
0x1bf: {  	v22 =	vld.idx.msk [tilespmem:v50+s22+$0x0], $0xffff;
	v42 =	vadd.s32 $0x40, v5;
	v11 =	vmul.f32 v2, v35;
	v6 =	vmul.f32 v4, v6  }
0x1c0: {  	v23 =	vld.idx.msk [tilespmem:v51+s22+$0x0], $0xffff;
	v44 =	vadd.s32 $0x41, v5;
	v7 =	vmul.f32 v2, v7;
	v8 =	vmul.f32 v4, v8  }
0x1c1: {  	v63 =	vld.idx.msk [tilespmem:v55+s22+$0x0], $0xffff;
	v49 =	vadd.s32 $0x48, v5;
	v10 =	vmul.f32 v2, v10;
	v12 =	vmul.f32 v4, v12  }
0x1c2: {  	v34 =	vld.idx.msk [tilespmem:v56+s22+$0x0], $0xffff;
	v50 =	vadd.s32 $0x49, v5;
	v13 =	vmul.f32 v13, v2;
	v14 =	vmul.f32 v14, v4  }
0x1c3: {  	v27 =	vld.idx.msk [tilespmem:v57+s22+$0x0], $0xffff;
	v51 =	vadd.s32 $0xA8, v5;
	v15 =	vmul.f32 v15, v2;
	v16 =	vmul.f32 v16, v4  }
0x1c4: {  	v59 =	vld.idx.msk [tilespmem:v53+s22+$0x0], $0xffff;
	v53 =	vadd.s32 $0x50, v5;
	v17 =	vmul.f32 v48, v4;
	v19 =	vmul.f32 v19, v2  }
0x1c5: {  	v61 =	vld.idx.msk [tilespmem:v54+s22+$0x0], $0xffff;
	v56 =	vadd.s32 $0x51, v5;
	v20 =	vmul.f32 v20, v4;
	v18 =	vmul.f32 v18, v2  }
0x1c6: {  	v38 =	vld.idx.msk [tilespmem:v62+s22+$0x0], $0xffff;
	v33 =	vadd.s32 $0x91, v5;
	v22 =	vmul.f32 v22, v4;
	v23 =	vmul.f32 v23, v2  }
0x1c7: {  	v35 =	vadd.s32 $0x38, v5;
	v45 =	vld.idx.msk [tilespmem:v36+s22+$0x0], $0xffff;
	v21 =	vmul.f32 v63, v4;
	v25 =	vmul.f32 v34, v2  }
0x1c8: {  	v29 =	vld.idx.msk [tilespmem:v37+s22+$0x0], $0xffff;
	v27 =	vmul.f32 v27, v4;
	v63 =	vadd.s32 $0x58, v5;
	v9 =	vadd.f32 v9, v11  }
0x1c9: {  	v24 =	vld.idx.msk [tilespmem:v44+s22+$0x0], $0xffff;
	v37 =	vadd.s32 $0x59, v5;
	v6 =	vadd.f32 v6, v7;
	v8 =	vadd.f32 v8, v10  }
0x1ca: {  	v55 =	vld.idx.msk [tilespmem:v49+s22+$0x0], $0xffff;
	v7 =	vmul.f32 v46, v2;
	v58 =	vadd.f32 v12, v13;
	v14 =	vadd.f32 v15, v14  }
0x1cb: {  	v11 =	vld.idx.msk [tilespmem:v47+s22+$0x0], $0xffff;
	v40 =	vadd.f32 v19, v17;
	v46 =	vadd.s32 $0xA0, v5;
	v47 =	vadd.s32 $0xA1, v5  }
0x1cc: {  	v36 =	vld.idx.msk [tilespmem:v53+s22+$0x0], $0xffff;
	v48 =	vadd.f32 v23, v22;
	v12 =	vmul.f32 v59, v4;
	v15 =	vmul.f32 v61, v2  }
0x1cd: {  	v53 =	vld [tilespmem:s18+$0x8600];
	v54 =	vadd.f32 v25, v21;
	v9 =	vmul.f32 v9, v3;
	v6 =	vmul.f32 v6, v1  }
0x1ce: {  	v13 =	vld.idx.msk [tilespmem:v60+s22+$0x0], $0xffff;
	v61 =	vadd.s32 $0xB1, v5;
	v8 =	vmul.f32 v8, v3;
	v10 =	vmul.f32 v58, v1  }
0x1cf: {  	v19 =	vld.idx.msk [tilespmem:v42+s22+$0x0], $0xffff;
	v7 =	vadd.f32 v7, v16;
	v14 =	vmul.f32 v14, v3;
	v16 =	vmul.f32 v40, v3  }
0x1d0: {  	v60 =	vld.idx.msk [tilespmem:v51+s22+$0x0], $0xffff;
	v12 =	vadd.f32 v15, v12;
	v15 =	vmul.f32 v54, v1;
	v59 =	vmul.f32 v45, v2  }
0x1d1: {  	v22 =	vld.idx.msk [tilespmem:v56+s22+$0x0], $0xffff;
	v58 =	vadd.s32 $0xB0, v5;
	v29 =	vmul.f32 v29, v4;
	v25 =	vmul.f32 v36, v4  }
0x1d2: {  	v41 =	vld.idx.msk [tilespmem:v33+s22+$0x0], $0xffff;
	v6 =	vadd.f32 v6, v9;
	v7 =	vmul.f32 v7, v1;
	v9 =	vmul.f32 v52, v2  }
0x1d3: {  	v57 =	vld.idx.msk [tilespmem:v50+s22+$0x0], $0xffff;
	v8 =	vadd.f32 v10, v8;
	v52 =	vadd.s32 $0xA9, v5;
	v10 =	vmul.f32 v38, v4  }
0x1d4: {  	v43 =	vld.idx.msk [tilespmem:v35+s22+$0x0], $0xffff;
	v38 =	vadd.s32 $0xB8, v5;
	v12 =	vmul.f32 v12, v3;
	v11 =	vmul.f32 v11, v4  }
0x1d5: {  	v44 =	vld.idx.msk [tilespmem:v37+s22+$0x0], $0xffff;
	v5 =	vadd.s32 $0xB9, v5;
	v13 =	vmul.f32 v13, v2;
	v42 =	vmul.f32 v19, v4  }
0x1d6: {  	v54 =	vld [tilespmem:s18+$0x9600];
	v49 =	vmul.f32 v60, v4;
	v22 =	vmul.f32 v22, v2;
	v7 =	vadd.f32 v7, v14  }
0x1d7: {  	v28 =	vld.idx.msk [tilespmem:v46+s22+$0x0], $0xffff;
	v9 =	vadd.f32 v9, v20;
	v8 =	vmul.f32 v53, v8;
	v17 =	vmul.f32 v41, v2  }
0x1d8: {  	v30 =	vld.idx.msk [tilespmem:v47+s22+$0x0], $0xffff;
	v11 =	vadd.f32 v18, v11;
	v18 =	vmul.f32 v48, v1;
	v48 =	vmul.f32 v55, v4  }
0x1d9: {  	v14 =	vld.idx.msk [tilespmem:v39+s22+$0x0], $0xffff;
	v12 =	vadd.f32 v15, v12;
	v9 =	vmul.f32 v9, v1;
	v20 =	vmul.f32 v43, v4  }
0x1da: {  	v39 =	vld.idx.msk [tilespmem:v61+s22+$0x0], $0xffff;
	v13 =	vadd.f32 v13, v27;
	v43 =	vmul.f32 v24, v2;
	v24 =	vmul.f32 v44, v2  }
0x1db: {  	v23 =	vld.idx.msk [tilespmem:v58+s22+$0x0], $0xffff;
	v22 =	vadd.f32 v22, v25;
	v7 =	vmul.f32 v54, v7;
	v58 =	vmul.f32 v53, v12  }
0x1dc: {  	v41 =	vld.idx.msk [tilespmem:v63+s22+$0x0], $0xffff;
	v11 =	vmul.f32 v11, v3;
	v13 =	vmul.f32 v13, v3  }
0x1dd: {  	v10 =	vadd.f32 v17, v10;
	v62 =	vld.idx.msk [tilespmem:v52+s22+$0x0], $0xffff;
	v17 =	vmul.f32 v57, v2;
	v56 =	vmul.f32 v22, v3  }
0x1de: {  	v47 =	vld.idx.msk [tilespmem:v38+s22+$0x0], $0xffff;
	v20 =	vadd.f32 v59, v20;
	v45 =	vmul.f32 v28, v4;
	v46 =	vmul.f32 v30, v2  }
0x1df: {  	v5 =	vld.idx.msk [tilespmem:v5+s22+$0x0], $0xffff;
	v9 =	vadd.f32 v9, v16;
	v14 =	vmul.f32 v14, v2;
	v10 =	vmul.f32 v10, v1  }
0x1e0: {  	v52 =	vld [tilespmem:s18+$0x7600];
	v15 =	vadd.f32 v43, v42;
	v16 =	vmul.f32 v39, v2;
	v40 =	vmul.f32 v20, v3  }
0x1e1: {  	v17 =	vadd.f32 v17, v48;
	v51 =	vmul.f32 v23, v4;
	v20 =	vmul.f32 v41, v4  }
0x1e2: {  	v11 =	vadd.f32 v18, v11;
	v15 =	vmul.f32 v15, v3;
	v50 =	vmul.f32 v62, v2  }
0x1e3: {  	v10 =	vadd.f32 v10, v13;
	v13 =	vadd.f32 v46, v45;
	v17 =	vmul.f32 v17, v3  }
0x1e4: {  	v4 =	vmul.f32 v47, v4;
	v2 =	vmul.f32 v5, v2;
	v19 =	vadd.f32 v50, v49  }
0x1e5: {  	v14 =	vadd.f32 v14, v29;
	v6 =	vmul.f32 v52, v6;
	v57 =	vmul.f32 v52, v11  }
0x1e6: {  	v16 =	vadd.f32 v16, v51;
	v13 =	vmul.f32 v13, v1;
	v19 =	vmul.f32 v19, v1  }
0x1e7: {  	v55 =	vadd.f32 v24, v20;
	v14 =	vmul.f32 v14, v1;
	v61 =	vmul.f32 v54, v10  }
0x1e8: {  	v16 =	vmul.f32 v16, v1;
	v13 =	vadd.f32 v13, v15;
	v17 =	vadd.f32 v19, v17  }
0x1e9: {  	v3 =	vmul.f32 v55, v3;
	v2 =	vadd.f32 v2, v4;
	v6 =	vadd.f32 v8, v6  }
0x1ea: {  	v15 =	vadd.f32 v16, v56;
	v59 =	vmul.f32 v52, v13;
	v60 =	vmul.f32 v53, v17  }
0x1eb: {  	v14 =	vadd.f32 v14, v40;
	v1 =	vmul.f32 v2, v1;
	v2 =	vadd.f32 v58, v57  }
0x1ec: {  	v6 =	vadd.f32 v7, v6;
	v5 =	vmul.f32 v54, v15;
	v62 =	vadd.f32 v60, v59  }
0x1ed: {  	p0 =	slt.u32 s1, $0x1C;
	v1 =	vadd.f32 v1, v3;
	v2 =	vadd.f32 v61, v2  }
.Ltmp1:
0x1ee: {  	v3 =	vadd.f32 v6, v9;
	v63 =	vadd.f32 v5, v62;
	(pc) =	sbr.rel @p0 .LBB2_6-.Ltmp1, $4  }
0x1ef: {  	v2 =	vadd.f32 v2, v14  }
0x1f0: {  	[tilespmem:s18+$0xA600] =	vst v3;
	v1 =	vadd.f32 v63, v1  }
0x1f1: {  	s15 =	sadd.s32 $0x40, s15;
	[tilespmem:s18+$0xB600] =	vst v2  }
0x1f2: {  	s26 =	sadd.s32 $0x2, s26;
	s16 =	sadd.s32 $0xC0, s16;
	s20 =	smov.u32 s1;
	[tilespmem:s18+$0xC600] =	vst v1  }
0x1f3: {  	s2 =	sadd.s32 $0x1, s2  }
0x1f4: {  	p0 =	sne.s32 s2, $0x8  }
.Ltmp2:
0x1f5: {  	_ = 	snop;
	(pc) =	sbr.rel @p0 .LBB2_3-.Ltmp2, $1  }
0x1f6: {  	_ =	sdelay $0x3  }
0x1f7: {  	s0 =	sadd.s32 s10, s30  }
0x1f8: {  	s0 =	sshll.u32 s0, $0x6  }
0x1f9: {  	s1 =	simm.s32 $0xA600;
	s0 =	sadd.s32 s5, s0  }
0x1fa: {  	[hbm4b:s0+s4] =	stream.linear.scatter [tilespmem:s1], [sflag:$0x1], $0x1000, $0x38;
	[tilespmem:$0xD600] =	vst v63  }
0x1fb: {  	s26 =	sadd.s32 s13, s30;
	_ =	swait.ge [sflag:s17], $0x1000  }
0x1fc: {  	s0 =	sshll.u32 s26, $0x6;
	[sflag:s17] =	ssyncset.done $0x0  }
0x1fd: {  	s0 =	sadd.s32 s5, s0;
	[sflag:s17] =	ssyncadd.s32 $0xFFFFF000  }
0x1fe: {  	[hbm4b:s0+s4] =	stream.linear.scatter [tilespmem:s24], [sflag:$0x1], $0x1000, $0x38;
	[tilespmem:$0xD600] =	vst v63  }
0x1ff: {  	s31 =	sadd.s32 s14, s30;
	s29 =	sadd.s32 $0x1, s29;
	_ =	swait.ge [sflag:s17], $0x1000  }
0x200: {  	p0 =	sne.s32 s29, $0x3;
	s0 =	sshll.u32 s31, $0x6;
	[sflag:s17] =	ssyncset.done $0x0  }
.Ltmp3:
0x201: {  	s0 =	sadd.s32 s5, s0;
	[sflag:s17] =	ssyncadd.s32 $0xFFFFF000;
	(pc) =	sbr.rel @p0 .LBB2_2-.Ltmp3, $4  }
0x202: {  	[hbm4b:s0+s4] =	stream.linear.scatter [tilespmem:s25], [sflag:$0x1], $0x1000, $0x38;
	[tilespmem:$0xD600] =	vst v63  }
0x203: {  	_ =	swait.ge [sflag:s17], $0x1000  }
0x204: {  	[sflag:s17] =	ssyncset.done $0x0  }
0x205: {  	s28 =	sadd.s32 $0x8, s28;
	[sflag:s17] =	ssyncadd.s32 $0xFFFFF000  }
0x206: {  	s1 =	rddreg [dreg:$0x7]  }
0x207: {  	s0 =	rddreg [dreg:$0x5];
	s1 =	sadd.s32 $0x1, s1  }
0x208: {  	p0 =	sne.s32 s1, s0  }
.Ltmp4:
0x209: {  	_ = 	snop;
	(pc) =	sbr.rel @p0 .LBB2_1-.Ltmp4, $1  }
0x20a: {  	_ =	sdelay $0x3  }
0x20b: {  	_ =	sfence.sel $0x180000  }
0x20c: {  	[bflag:$0x0] =	sbarrier.arrive $0xFFFF  }
0x20d: {  	_ =	strace $0x90000047  }
0x20e: {  	s0 =	stileid.u32;
	[bflag:$0x2] =	sbarrier.arrive $0xFFFF  }
0x20f: {  	p0 =	sne.s32 s0, $0x0;
	s0 =	rddreg [dreg:$0x3]  }
0x210: {  	s0 =	sadd.s32 @!p0 $0x100000, s0  }
0x211: {  	[sflag:s0] =	ssyncadd.tile.s32 @!p0 $0x1;
	_ =	shalt  }
.Lfunc_end2:
_tile_overlayer_lowered:
.L_overlay_start_2:
0x212: {  	(tag) =	ssettag $0x2  }
0x213: {  	s0 =	rddreg [dreg:$0x0];
	s2 =	stileid.u32  }
0x214: {  	s1 =	rddreg [dreg:$0x1];
	p0 =	sne.s32 s2, $0x0  }
0x215: {  	s3 =	rddreg [dreg:$0x2];
	[bflag:$0x3] =	sbarrier.arrive $0xFFFF;
	s2 =	simm.s32 @!p0 $0x1C01  }
0x216: {  	[timem:s3], [sflag:s2] =	dma.local @!p0 [hbm:s0], s1  }
0x217: {  	s0 =	simm.s32 @!p0 $0x1  }
0x218: {  	_ =	swait.ge @!p0 [sflag:s0], s1  }
0x219: {  	s1 =	ssub.s32 @!p0 $0x0, s1;
	[sflag:s0] =	ssyncset.done @!p0 $0x0  }
0x21a: {  	[sflag:s0] =	ssyncadd.s32 @!p0 s1  }
0x21b: {  	[bflag:$0x3] =	sbarrier.arrive $0xFFFF  }
0x21c: {  	_ =	shalt  }

</sc_bundles>
